<compile_context>
chip_gen: v7x
topology: tpu7x:2x2x1
jax: 0.10.2.dev20260603
libtpu: 0.0.44.dev20260713+nightly
codegen_flags: <defaults>
</compile_context>

<pallas_src>
import jax
import jax.numpy as jnp
from jax import lax
from jax.experimental import pallas as pl
from jax.experimental.pallas import tpu as pltpu
from jax.experimental.pallas import tpu_sc as plsc

B, S, V, H, P, T = 4096, 200, 100000, 128, 512, 2

NC, NS, L = 2, 16, 16
NW = NC * NS
ROWS_PER_W = B // NW
NH = H // L
TOK_W = ROWS_PER_W * S

C0, C1 = 104, 96
NCHUNK = 2 * ROWS_PER_W
NBUF = 4
INNER = 4
UNROLL = 8


def _lane_sum(x):
    lanes = jnp.arange(L, dtype=jnp.int32)
    dnums = lax.GatherDimensionNumbers(
        offset_dims=(), collapsed_slice_dims=(0,), start_index_map=(0,))
    for d in (8, 4, 2, 1):
        x = x + lax.gather(x, (lanes ^ d)[:, None], dnums, slice_sizes=(1,),
                           mode=lax.GatherScatterMode.PROMISE_IN_BOUNDS)
    return x


def _perm(x, d):
    lanes = jnp.arange(L, dtype=jnp.int32)
    dnums = lax.GatherDimensionNumbers(
        offset_dims=(), collapsed_slice_dims=(0,), start_index_map=(0,))
    return lax.gather(x, (lanes ^ d)[:, None], dnums, slice_sizes=(1,),
                      mode=lax.GatherScatterMode.PROMISE_IN_BOUNDS)


def _bcast(x, lane):
    dnums = lax.GatherDimensionNumbers(
        offset_dims=(), collapsed_slice_dims=(0,), start_index_map=(0,))
    return lax.gather(x, jnp.full((L, 1), lane, jnp.int32), dnums,
                      slice_sizes=(1,), mode=lax.GatherScatterMode.PROMISE_IN_BOUNDS)


def _rsqrt(x):
    i = lax.bitcast_convert_type(x, jnp.int32)
    i = jnp.int32(0x5F3759DF) - (i >> 1)
    y = lax.bitcast_convert_type(i, jnp.float32)
    for _ in range(1):
        y = y * (1.5 - 0.5 * x * y * y)
    return y


def _sc_body(ids_hbm, tt_hbm, word_hbm, pos_hbm, typ_hbm, g_hbm, b_hbm,
             out_hbm, buf0, buf1, buf2, buf3, ids_cb, tt_cb, pt_v, typ_v,
             g_v, b_v, g_sems, o_sems, i_sems, t_sems):
    wid = lax.axis_index("s") * NC + lax.axis_index("c")
    b0 = wid * ROWS_PER_W
    tok0 = b0 * S
    bufs = (buf0, buf1, buf2, buf3)

    pltpu.sync_copy(pos_hbm.at[pl.ds(0, S)], pt_v.at[pl.ds(0, S)])
    pltpu.sync_copy(typ_hbm, typ_v)
    pltpu.sync_copy(g_hbm, g_v)
    pltpu.sync_copy(b_hbm, b_v)

    @plsc.parallel_loop(0, S, unroll=4)
    def build_pt(s):
        for j in range(NH):
            sl = pl.ds(j * L, L)
            p = pt_v[s, sl]
            pt_v[S + s, sl] = p + typ_v[1, sl]
            pt_v[s, sl] = p + typ_v[0, sl]

    def chunk_geom(m):
        off = 0 if m % 2 == 0 else C0
        ln = C0 if m % 2 == 0 else C1
        return off, ln

    def tok_start(c_outer, m):
        off, _ = chunk_geom(m)
        row = c_outer * (INNER // 2) + m // 2
        return row * S + off

    def issue_ids(c_outer, m, k):
        _, ln = chunk_geom(m)
        p = tok_start(c_outer, m)
        pltpu.async_copy(ids_hbm.at[pl.ds(tok0 + p, ln)],
                         ids_cb.at[k, pl.ds(0, ln)], i_sems.at[k])
        pltpu.async_copy(tt_hbm.at[pl.ds(tok0 + p, ln)],
                         tt_cb.at[k, pl.ds(0, ln)], t_sems.at[k])

    def wait_ids(m, k):
        _, ln = chunk_geom(m)
        pltpu.make_async_copy(ids_hbm.at[pl.ds(tok0, ln)],
                              ids_cb.at[k, pl.ds(0, ln)], i_sems.at[k]).wait()

    def issue_gather(m, k):
        _, ln = chunk_geom(m)
        pltpu.async_copy(word_hbm.at[ids_cb.at[k, pl.ds(0, ln)]],
                         bufs[k].at[pl.ds(0, ln)], g_sems.at[k])

    for m in range(NBUF):
        issue_ids(0, m, m)
    for m in range(2):
        wait_ids(m, m)
        issue_gather(m, m)

    def outer_body(t, carry):
        for m in range(INNER):
            off, ln = chunk_geom(m)
            k = m % NBUF
            k2 = (m + 2) % NBUF
            _, ln2 = chunk_geom(m + 2)
            c = t * INNER + m
            row = t * (INNER // 2) + m // 2
            b = b0 + row
            p0 = row * S + off

            pltpu.make_async_copy(
                word_hbm.at[ids_cb.at[k, pl.ds(0, ln)]],
                bufs[k].at[pl.ds(0, ln)], g_sems.at[k]).wait()
            pltpu.make_async_copy(
                tt_hbm.at[pl.ds(tok0, ln)],
                tt_cb.at[k, pl.ds(0, ln)], t_sems.at[k]).wait()

            @pl.when(c >= 2)
            def _():
                pltpu.make_async_copy(
                    bufs[k2].at[pl.ds(0, ln2)],
                    out_hbm.at[b, pl.ds(0, ln2)], o_sems.at[k2]).wait()

            @pl.when(c + 2 < NCHUNK)
            def _():
                wait_ids(m + 2, k2)
                issue_gather(m + 2, k2)

            buf = bufs[k]

            g_regs = [g_v[pl.ds(j * L, L)] for j in range(NH)]
            b_regs = [b_v[pl.ds(j * L, L)] for j in range(NH)]

            @plsc.parallel_loop(0, ln, unroll=UNROLL)
            def tok_body(s):
                tt = tt_cb[k, pl.ds(s, L)][0]
                ptrow = tt * S + (off + s)
                xs = []
                qs = []
                for j in range(NH):
                    sl = pl.ds(j * L, L)
                    x = buf[s, sl] + pt_v[ptrow, sl]
                    xs.append(x)
                    qs.append(x * x)
                def tree(vs):
                    while len(vs) > 1:
                        vs = [a + b for a, b in zip(vs[::2], vs[1::2])]
                    return vs[0]
                acc_s = tree(xs)
                acc_q = tree(qs)
                acc_s = acc_s + _perm(acc_s, 8)
                acc_q = acc_q + _perm(acc_q, 8)
                z = jnp.where(jnp.arange(L) < 8, acc_s, acc_q)
                for d in (4, 2, 1):
                    z = z + _perm(z, d)
                mean = _bcast(z, 0) * (1.0 / H)
                ex2 = _bcast(z, 8) * (1.0 / H)
                inv = _rsqrt(ex2 - mean * mean + 1e-12)
                for j in range(NH):
                    sl = pl.ds(j * L, L)
                    buf[s, sl] = (xs[j] - mean) * inv * g_regs[j] + b_regs[j]

            pltpu.async_copy(
                buf.at[pl.ds(0, ln)],
                out_hbm.at[b, pl.ds(off, ln)], o_sems.at[k])

            @pl.when(c + NBUF < NCHUNK)
            def _():
                row4 = (c + NBUF) // 2
                off4, ln4 = chunk_geom(m)
                p4 = row4 * S + off4
                pltpu.async_copy(ids_hbm.at[pl.ds(tok0 + p4, ln4)],
                                 ids_cb.at[k, pl.ds(0, ln4)], i_sems.at[k])
                pltpu.async_copy(tt_hbm.at[pl.ds(tok0 + p4, ln4)],
                                 tt_cb.at[k, pl.ds(0, ln4)], t_sems.at[k])
        return carry

    lax.fori_loop(0, NCHUNK // INNER, outer_body, 0)

    for m in (INNER - 2, INNER - 1):
        off, ln = chunk_geom(m)
        k = m % NBUF
        pltpu.make_async_copy(
            bufs[k].at[pl.ds(0, ln)],
            out_hbm.at[b0, pl.ds(off, ln)], o_sems.at[k]).wait()


def kernel(input_ids, token_type_ids, word_embeddings, position_embeddings,
           token_type_embeddings, ln_gamma, ln_beta):
    mesh = plsc.VectorSubcoreMesh(core_axis_name="c", subcore_axis_name="s")
    f = pl.kernel(
        _sc_body,
        out_type=jax.ShapeDtypeStruct((B, S, H), jnp.float32),
        mesh=mesh,
        scratch_types=[
            pltpu.VMEM((C0, H), jnp.float32),
            pltpu.VMEM((C0, H), jnp.float32),
            pltpu.VMEM((C0, H), jnp.float32),
            pltpu.VMEM((C0, H), jnp.float32),
            pltpu.VMEM((NBUF, C0 + 8), jnp.int32),
            pltpu.VMEM((NBUF, C0 + L), jnp.int32),
            pltpu.VMEM((2 * S, H), jnp.float32),
            pltpu.VMEM((T, H), jnp.float32),
            pltpu.VMEM((H,), jnp.float32),
            pltpu.VMEM((H,), jnp.float32),
            pltpu.SemaphoreType.DMA((NBUF,)),
            pltpu.SemaphoreType.DMA((NBUF,)),
            pltpu.SemaphoreType.DMA((NBUF,)),
            pltpu.SemaphoreType.DMA((NBUF,)),
        ],
    )
    return f(input_ids.astype(jnp.int32).reshape(-1),
             token_type_ids.astype(jnp.int32).reshape(-1),
             word_embeddings, position_embeddings, token_type_embeddings,
             ln_gamma, ln_beta)

# --- scband reference (transcript-rebuilt; emitter-appended) ---
"""Pipeline reference for scband-bert-embeddings-111669150218 (READ-ONLY COPY).

The authoritative reference and input builder live on the scoring server;
editing this copy changes nothing except your own understanding.
"""

import jax, jax.numpy as jnp
import numpy as np

B, S, V, H, P, T = 4096, 200, 100000, 128, 512, 2

def setup_inputs(seed: int = 0) -> dict:
    key = jax.random.key(seed)
    k1, k2, k3, k4, k5 = jax.random.split(key, 5)
    input_ids = jax.random.randint(k1, (B, S), 0, V)
    token_type_ids = jax.random.randint(k2, (B, S), 0, T)
    word_embeddings = jax.random.normal(k3, (V, H), dtype=jnp.float32) * 0.02
    # padding_idx=0 rows are zeroed like torch nn.Embedding(padding_idx=0)
    word_embeddings = word_embeddings.at[0].set(0.0)
    position_embeddings = jax.random.normal(k4, (P, H), dtype=jnp.float32) * 0.02
    position_embeddings = position_embeddings.at[0].set(0.0)
    token_type_embeddings = jax.random.normal(k5, (T, H), dtype=jnp.float32) * 0.02
    token_type_embeddings = token_type_embeddings.at[0].set(0.0)
    ln_gamma = jnp.ones((H,), dtype=jnp.float32)
    ln_beta = jnp.zeros((H,), dtype=jnp.float32)
    return {
        "input_ids": input_ids,
        "token_type_ids": token_type_ids,
        "word_embeddings": word_embeddings,
        "position_embeddings": position_embeddings,
        "token_type_embeddings": token_type_embeddings,
        "ln_gamma": ln_gamma,
        "ln_beta": ln_beta,
    }

def reference(input_ids, token_type_ids, word_embeddings, position_embeddings, token_type_embeddings, ln_gamma, ln_beta):
    seq_length = input_ids.shape[1]
    position_ids = jnp.broadcast_to(jnp.arange(seq_length, dtype=jnp.int64 if input_ids.dtype == jnp.int64 else jnp.int32), input_ids.shape)
    words = jnp.take(word_embeddings, input_ids, axis=0)
    positions = jnp.take(position_embeddings, position_ids, axis=0)
    types = jnp.take(token_type_embeddings, token_type_ids, axis=0)
    embeddings = words + positions + types
    mean = jnp.mean(embeddings, axis=-1, keepdims=True)
    var = jnp.mean(jnp.square(embeddings - mean), axis=-1, keepdims=True)
    normed = (embeddings - mean) / jnp.sqrt(var + 1e-12)
    out = normed * ln_gamma + ln_beta
    # dropout is identity in eval mode
    return out

if __name__ == "__main__":
    import jax
    _d = setup_inputs()
    print(jax.jit(kernel)(*tuple(_d.values())))

</pallas_src>

<mosaic_0001>
#map = affine_map<(d0, d1) -> (0)>
#map1 = affine_map<(d0, d1) -> (0, 0)>
#map2 = affine_map<(d0, d1) -> (0, 0, 0)>
module attributes {stable_mosaic.version = 14 : i64} {
  func.func @_sc_body(%arg0: i32, %arg1: i32, %arg2: memref<819200xi32, #tpu.memory_space<hbm>>, %arg3: memref<819200xi32, #tpu.memory_space<hbm>>, %arg4: memref<100000x128xf32, #tpu.memory_space<hbm>>, %arg5: memref<512x128xf32, #tpu.memory_space<hbm>>, %arg6: memref<2x128xf32, #tpu.memory_space<hbm>>, %arg7: memref<128xf32, #tpu.memory_space<hbm>>, %arg8: memref<128xf32, #tpu.memory_space<hbm>>, %arg9: memref<4096x200x128xf32, #tpu.memory_space<hbm>>, %arg10: memref<104x128xf32, #tpu.memory_space<vmem>>, %arg11: memref<104x128xf32, #tpu.memory_space<vmem>>, %arg12: memref<104x128xf32, #tpu.memory_space<vmem>>, %arg13: memref<104x128xf32, #tpu.memory_space<vmem>>, %arg14: memref<4x112xi32, #tpu.memory_space<vmem>>, %arg15: memref<4x120xi32, #tpu.memory_space<vmem>>, %arg16: memref<400x128xf32, #tpu.memory_space<vmem>>, %arg17: memref<2x128xf32, #tpu.memory_space<vmem>>, %arg18: memref<128xf32, #tpu.memory_space<vmem>>, %arg19: memref<128xf32, #tpu.memory_space<vmem>>, %arg20: memref<4x!tpu.dma_semaphore, #tpu.memory_space<semaphore_mem>>, %arg21: memref<4x!tpu.dma_semaphore, #tpu.memory_space<semaphore_mem>>, %arg22: memref<4x!tpu.dma_semaphore, #tpu.memory_space<semaphore_mem>>, %arg23: memref<4x!tpu.dma_semaphore, #tpu.memory_space<semaphore_mem>>) attributes {dimension_semantics = [#tpu.dimension_semantics<core_parallel>, #tpu.dimension_semantics<subcore_parallel>], iteration_bounds = array<i64: 2, 16>, scalar_prefetch = 0 : i64, scratch_operands = 14 : i64, tpu.core_type = #tpu.core_type<sc_vector_subcore>, window_params = [{transform_indices = #map}, {transform_indices = #map}, {transform_indices = #map1}, {transform_indices = #map1}, {transform_indices = #map1}, {transform_indices = #map}, {transform_indices = #map}, {transform_indices = #map2}]} {
    %mul3A = arith.constant 2 : i32
    %mul3A_0 = arith.muli %arg1, %mul3A : i32
    %add3A = arith.addi %mul3A_0, %arg0 : i32
    %mul3A_1 = arith.constant 128 : i32
    %mul3A_2 = arith.muli %add3A, %mul3A_1 : i32
    %mul3A_3 = arith.constant 200 : i32
    %mul3A_4 = arith.muli %mul3A_2, %mul3A_3 : i32
    "tpu.region"() ({
      %run_scoped3A = tpu.sem_alloc : memref<!tpu.dma_semaphore, #tpu.memory_space<semaphore_mem>>
      %dma_start3A_206 = arith.constant 0 : i32
      %dma_start3A_207 = arith.constant 0 : i32
      %dma_start3A_208 = tpu.memref_slice %arg16[%dma_start3A_206, %dma_start3A_207] : memref<400x128xf32, #tpu.memory_space<vmem>> -> memref<200x128xf32, #tpu.memory_space<vmem>>
      %dma_start3A_209 = arith.constant 0 : i32
      %dma_start3A_210 = arith.constant 0 : i32
      %dma_start3A_211 = tpu.memref_slice %arg5[%dma_start3A_209, %dma_start3A_210] : memref<512x128xf32, #tpu.memory_space<hbm>> -> memref<200x128xf32, #tpu.memory_space<hbm>>
      %dma_start3A_212 = arith.constant 0 : i32
      %dma_start3A_213 = arith.constant 0 : i32
      %dma_start3A_214 = tpu.memref_slice %arg16[%dma_start3A_212, %dma_start3A_213] : memref<400x128xf32, #tpu.memory_space<vmem>> -> memref<200x128xf32, #tpu.memory_space<vmem>>
      %dma_start3A_215 = arith.constant 0 : i32
      %dma_start3A_216 = arith.constant 0 : i32
      %dma_start3A_217 = tpu.memref_slice %arg5[%dma_start3A_215, %dma_start3A_216] : memref<512x128xf32, #tpu.memory_space<hbm>> -> memref<200x128xf32, #tpu.memory_space<hbm>>
      tpu.enqueue_dma source(%dma_start3A_217 : memref<200x128xf32, #tpu.memory_space<hbm>>) target(%dma_start3A_214 : memref<200x128xf32, #tpu.memory_space<vmem>>) target_semaphore(%run_scoped3A : memref<!tpu.dma_semaphore, #tpu.memory_space<semaphore_mem>>)
      %dma_wait3A_218 = arith.constant 0 : i32
      %dma_wait3A_219 = arith.constant 0 : i32
      %dma_wait3A_220 = tpu.memref_slice %arg16[%dma_wait3A_218, %dma_wait3A_219] : memref<400x128xf32, #tpu.memory_space<vmem>> -> memref<200x128xf32, #tpu.memory_space<vmem>>
      %dma_wait3A_221 = arith.constant 0 : i32
      %dma_wait3A_222 = arith.constant 0 : i32
      %dma_wait3A_223 = tpu.memref_slice %arg5[%dma_wait3A_221, %dma_wait3A_222] : memref<512x128xf32, #tpu.memory_space<hbm>> -> memref<200x128xf32, #tpu.memory_space<hbm>>
      %dma_wait3A_224 = arith.constant 0 : i32
      %dma_wait3A_225 = arith.constant 0 : i32
      %dma_wait3A_226 = tpu.memref_slice %arg16[%dma_wait3A_224, %dma_wait3A_225] : memref<400x128xf32, #tpu.memory_space<vmem>> -> memref<200x128xf32, #tpu.memory_space<vmem>>
      %dma_wait3A_227 = arith.constant 0 : i32
      %dma_wait3A_228 = arith.constant 0 : i32
      %dma_wait3A_229 = tpu.memref_slice %arg5[%dma_wait3A_227, %dma_wait3A_228] : memref<512x128xf32, #tpu.memory_space<hbm>> -> memref<200x128xf32, #tpu.memory_space<hbm>>
      tpu.wait_dma2 semaphore(%run_scoped3A : memref<!tpu.dma_semaphore, #tpu.memory_space<semaphore_mem>>) src(%dma_wait3A_229 : memref<200x128xf32, #tpu.memory_space<hbm>>) dst(%dma_wait3A_226 : memref<200x128xf32, #tpu.memory_space<vmem>>)
      tpu.yield
    }) : () -> ()
    "tpu.region"() ({
      %run_scoped3A = tpu.sem_alloc : memref<!tpu.dma_semaphore, #tpu.memory_space<semaphore_mem>>
      tpu.enqueue_dma source(%arg6 : memref<2x128xf32, #tpu.memory_space<hbm>>) target(%arg17 : memref<2x128xf32, #tpu.memory_space<vmem>>) target_semaphore(%run_scoped3A : memref<!tpu.dma_semaphore, #tpu.memory_space<semaphore_mem>>)
      tpu.wait_dma2 semaphore(%run_scoped3A : memref<!tpu.dma_semaphore, #tpu.memory_space<semaphore_mem>>) src(%arg6 : memref<2x128xf32, #tpu.memory_space<hbm>>) dst(%arg17 : memref<2x128xf32, #tpu.memory_space<vmem>>)
      tpu.yield
    }) : () -> ()
    "tpu.region"() ({
      %run_scoped3A = tpu.sem_alloc : memref<!tpu.dma_semaphore, #tpu.memory_space<semaphore_mem>>
      tpu.enqueue_dma source(%arg7 : memref<128xf32, #tpu.memory_space<hbm>>) target(%arg18 : memref<128xf32, #tpu.memory_space<vmem>>) target_semaphore(%run_scoped3A : memref<!tpu.dma_semaphore, #tpu.memory_space<semaphore_mem>>)
      tpu.wait_dma2 semaphore(%run_scoped3A : memref<!tpu.dma_semaphore, #tpu.memory_space<semaphore_mem>>) src(%arg7 : memref<128xf32, #tpu.memory_space<hbm>>) dst(%arg18 : memref<128xf32, #tpu.memory_space<vmem>>)
      tpu.yield
    }) : () -> ()
    "tpu.region"() ({
      %run_scoped3A = tpu.sem_alloc : memref<!tpu.dma_semaphore, #tpu.memory_space<semaphore_mem>>
      tpu.enqueue_dma source(%arg8 : memref<128xf32, #tpu.memory_space<hbm>>) target(%arg19 : memref<128xf32, #tpu.memory_space<vmem>>) target_semaphore(%run_scoped3A : memref<!tpu.dma_semaphore, #tpu.memory_space<semaphore_mem>>)
      tpu.wait_dma2 semaphore(%run_scoped3A : memref<!tpu.dma_semaphore, #tpu.memory_space<semaphore_mem>>) src(%arg8 : memref<128xf32, #tpu.memory_space<hbm>>) dst(%arg19 : memref<128xf32, #tpu.memory_space<vmem>>)
      tpu.yield
    }) : () -> ()
    %parallel_loop3A = arith.constant 0 : i32
    %parallel_loop3A_5 = arith.constant 200 : i32
    %parallel_loop3A_6 = arith.constant 1 : i32
    scf.for %parallel_loop3A_206 = %parallel_loop3A to %parallel_loop3A_5 step %parallel_loop3A_6  : i32 {
      %parallel_loop3A_207 = arith.index_cast %parallel_loop3A_206 : i32 to index
      %parallel_loop3A_208 = arith.constant 0 : index
      %parallel_loop3A_209 = tpu.vector_load %arg16[%parallel_loop3A_207, %parallel_loop3A_208] {strides = array<i32>} : memref<400x128xf32, #tpu.memory_space<vmem>>, vector<1x16xf32>,
      %parallel_loop3A_210 = vector.shape_cast %parallel_loop3A_209 : vector<1x16xf32> to vector<16xf32>
      %parallel_loop3A_211 = arith.constant 1 : i32
      %parallel_loop3A_212 = arith.index_cast %parallel_loop3A_211 : i32 to index
      %parallel_loop3A_213 = arith.constant 0 : index
      %parallel_loop3A_214 = tpu.vector_load %arg17[%parallel_loop3A_212, %parallel_loop3A_213] {strides = array<i32>} : memref<2x128xf32, #tpu.memory_space<vmem>>, vector<1x16xf32>,
      %parallel_loop3A_215 = vector.shape_cast %parallel_loop3A_214 : vector<1x16xf32> to vector<16xf32>
      %parallel_loop3A_216 = arith.addf %parallel_loop3A_210, %parallel_loop3A_215 : vector<16xf32>
      %parallel_loop3A_217 = arith.constant 200 : i32
      %parallel_loop3A_218 = arith.addi %parallel_loop3A_217, %parallel_loop3A_206 : i32
      %parallel_loop3A_219 = arith.index_cast %parallel_loop3A_218 : i32 to index
      %parallel_loop3A_220 = arith.constant 0 : index
      %parallel_loop3A_221 = tpu.vector_load %arg16[%parallel_loop3A_219, %parallel_loop3A_220] {strides = array<i32>} : memref<400x128xf32, #tpu.memory_space<vmem>>, vector<1x16xf32>,
      %parallel_loop3A_222 = vector.shape_cast %parallel_loop3A_221 : vector<1x16xf32> to vector<16xf32>
      %parallel_loop3A_223 = vector.shape_cast %parallel_loop3A_216 : vector<16xf32> to vector<1x16xf32>
      tpu.vector_store %arg16[%parallel_loop3A_219, %parallel_loop3A_220], %parallel_loop3A_223 {strides = array<i32>} : memref<400x128xf32, #tpu.memory_space<vmem>>, vector<1x16xf32>,
      %parallel_loop3A_224 = arith.constant 0 : i32
      %parallel_loop3A_225 = arith.index_cast %parallel_loop3A_224 : i32 to index
      %parallel_loop3A_226 = arith.constant 0 : index
      %parallel_loop3A_227 = tpu.vector_load %arg17[%parallel_loop3A_225, %parallel_loop3A_226] {strides = array<i32>} : memref<2x128xf32, #tpu.memory_space<vmem>>, vector<1x16xf32>,
      %parallel_loop3A_228 = vector.shape_cast %parallel_loop3A_227 : vector<1x16xf32> to vector<16xf32>
      %parallel_loop3A_229 = arith.addf %parallel_loop3A_210, %parallel_loop3A_228 : vector<16xf32>
      %parallel_loop3A_230 = arith.index_cast %parallel_loop3A_206 : i32 to index
      %parallel_loop3A_231 = arith.constant 0 : index
      %parallel_loop3A_232 = tpu.vector_load %arg16[%parallel_loop3A_230, %parallel_loop3A_231] {strides = array<i32>} : memref<400x128xf32, #tpu.memory_space<vmem>>, vector<1x16xf32>,
      %parallel_loop3A_233 = vector.shape_cast %parallel_loop3A_232 : vector<1x16xf32> to vector<16xf32>
      %parallel_loop3A_234 = vector.shape_cast %parallel_loop3A_229 : vector<16xf32> to vector<1x16xf32>
      tpu.vector_store %arg16[%parallel_loop3A_230, %parallel_loop3A_231], %parallel_loop3A_234 {strides = array<i32>} : memref<400x128xf32, #tpu.memory_space<vmem>>, vector<1x16xf32>,
      %parallel_loop3A_235 = arith.index_cast %parallel_loop3A_206 : i32 to index
      %parallel_loop3A_236 = arith.constant 16 : index
      %parallel_loop3A_237 = tpu.vector_load %arg16[%parallel_loop3A_235, %parallel_loop3A_236] {strides = array<i32>} : memref<400x128xf32, #tpu.memory_space<vmem>>, vector<1x16xf32>,
      %parallel_loop3A_238 = vector.shape_cast %parallel_loop3A_237 : vector<1x16xf32> to vector<16xf32>
      %parallel_loop3A_239 = arith.constant 1 : i32
      %parallel_loop3A_240 = arith.index_cast %parallel_loop3A_239 : i32 to index
      %parallel_loop3A_241 = arith.constant 16 : index
      %parallel_loop3A_242 = tpu.vector_load %arg17[%parallel_loop3A_240, %parallel_loop3A_241] {strides = array<i32>} : memref<2x128xf32, #tpu.memory_space<vmem>>, vector<1x16xf32>,
      %parallel_loop3A_243 = vector.shape_cast %parallel_loop3A_242 : vector<1x16xf32> to vector<16xf32>
      %parallel_loop3A_244 = arith.addf %parallel_loop3A_238, %parallel_loop3A_243 : vector<16xf32>
      %parallel_loop3A_245 = arith.constant 200 : i32
      %parallel_loop3A_246 = arith.addi %parallel_loop3A_245, %parallel_loop3A_206 : i32
      %parallel_loop3A_247 = arith.index_cast %parallel_loop3A_246 : i32 to index
      %parallel_loop3A_248 = arith.constant 16 : index
      %parallel_loop3A_249 = tpu.vector_load %arg16[%parallel_loop3A_247, %parallel_loop3A_248] {strides = array<i32>} : memref<400x128xf32, #tpu.memory_space<vmem>>, vector<1x16xf32>,
      %parallel_loop3A_250 = vector.shape_cast %parallel_loop3A_249 : vector<1x16xf32> to vector<16xf32>
      %parallel_loop3A_251 = vector.shape_cast %parallel_loop3A_244 : vector<16xf32> to vector<1x16xf32>
      tpu.vector_store %arg16[%parallel_loop3A_247, %parallel_loop3A_248], %parallel_loop3A_251 {strides = array<i32>} : memref<400x128xf32, #tpu.memory_space<vmem>>, vector<1x16xf32>,
      %parallel_loop3A_252 = arith.constant 0 : i32
      %parallel_loop3A_253 = arith.index_cast %parallel_loop3A_252 : i32 to index
      %parallel_loop3A_254 = arith.constant 16 : index
      %parallel_loop3A_255 = tpu.vector_load %arg17[%parallel_loop3A_253, %parallel_loop3A_254] {strides = array<i32>} : memref<2x128xf32, #tpu.memory_space<vmem>>, vector<1x16xf32>,
      %parallel_loop3A_256 = vector.shape_cast %parallel_loop3A_255 : vector<1x16xf32> to vector<16xf32>
      %parallel_loop3A_257 = arith.addf %parallel_loop3A_238, %parallel_loop3A_256 : vector<16xf32>
      %parallel_loop3A_258 = arith.index_cast %parallel_loop3A_206 : i32 to index
      %parallel_loop3A_259 = arith.constant 16 : index
      %parallel_loop3A_260 = tpu.vector_load %arg16[%parallel_loop3A_258, %parallel_loop3A_259] {strides = array<i32>} : memref<400x128xf32, #tpu.memory_space<vmem>>, vector<1x16xf32>,
      %parallel_loop3A_261 = vector.shape_cast %parallel_loop3A_260 : vector<1x16xf32> to vector<16xf32>
      %parallel_loop3A_262 = vector.shape_cast %parallel_loop3A_257 : vector<16xf32> to vector<1x16xf32>
      tpu.vector_store %arg16[%parallel_loop3A_258, %parallel_loop3A_259], %parallel_loop3A_262 {strides = array<i32>} : memref<400x128xf32, #tpu.memory_space<vmem>>, vector<1x16xf32>,
      %parallel_loop3A_263 = arith.index_cast %parallel_loop3A_206 : i32 to index
      %parallel_loop3A_264 = arith.constant 32 : index
      %parallel_loop3A_265 = tpu.vector_load %arg16[%parallel_loop3A_263, %parallel_loop3A_264] {strides = array<i32>} : memref<400x128xf32, #tpu.memory_space<vmem>>, vector<1x16xf32>,
      %parallel_loop3A_266 = vector.shape_cast %parallel_loop3A_265 : vector<1x16xf32> to vector<16xf32>
      %parallel_loop3A_267 = arith.constant 1 : i32
      %parallel_loop3A_268 = arith.index_cast %parallel_loop3A_267 : i32 to index
      %parallel_loop3A_269 = arith.constant 32 : index
      %parallel_loop3A_270 = tpu.vector_load %arg17[%parallel_loop3A_268, %parallel_loop3A_269] {strides = array<i32>} : memref<2x128xf32, #tpu.memory_space<vmem>>, vector<1x16xf32>,
      %parallel_loop3A_271 = vector.shape_cast %parallel_loop3A_270 : vector<1x16xf32> to vector<16xf32>
      %parallel_loop3A_272 = arith.addf %parallel_loop3A_266, %parallel_loop3A_271 : vector<16xf32>
      %parallel_loop3A_273 = arith.constant 200 : i32
      %parallel_loop3A_274 = arith.addi %parallel_loop3A_273, %parallel_loop3A_206 : i32
      %parallel_loop3A_275 = arith.index_cast %parallel_loop3A_274 : i32 to index
      %parallel_loop3A_276 = arith.constant 32 : index
      %parallel_loop3A_277 = tpu.vector_load %arg16[%parallel_loop3A_275, %parallel_loop3A_276] {strides = array<i32>} : memref<400x128xf32, #tpu.memory_space<vmem>>, vector<1x16xf32>,
      %parallel_loop3A_278 = vector.shape_cast %parallel_loop3A_277 : vector<1x16xf32> to vector<16xf32>
      %parallel_loop3A_279 = vector.shape_cast %parallel_loop3A_272 : vector<16xf32> to vector<1x16xf32>
      tpu.vector_store %arg16[%parallel_loop3A_275, %parallel_loop3A_276], %parallel_loop3A_279 {strides = array<i32>} : memref<400x128xf32, #tpu.memory_space<vmem>>, vector<1x16xf32>,
      %parallel_loop3A_280 = arith.constant 0 : i32
      %parallel_loop3A_281 = arith.index_cast %parallel_loop3A_280 : i32 to index
      %parallel_loop3A_282 = arith.constant 32 : index
      %parallel_loop3A_283 = tpu.vector_load %arg17[%parallel_loop3A_281, %parallel_loop3A_282] {strides = array<i32>} : memref<2x128xf32, #tpu.memory_space<vmem>>, vector<1x16xf32>,
      %parallel_loop3A_284 = vector.shape_cast %parallel_loop3A_283 : vector<1x16xf32> to vector<16xf32>
      %parallel_loop3A_285 = arith.addf %parallel_loop3A_266, %parallel_loop3A_284 : vector<16xf32>
      %parallel_loop3A_286 = arith.index_cast %parallel_loop3A_206 : i32 to index
      %parallel_loop3A_287 = arith.constant 32 : index
      %parallel_loop3A_288 = tpu.vector_load %arg16[%parallel_loop3A_286, %parallel_loop3A_287] {strides = array<i32>} : memref<400x128xf32, #tpu.memory_space<vmem>>, vector<1x16xf32>,
      %parallel_loop3A_289 = vector.shape_cast %parallel_loop3A_288 : vector<1x16xf32> to vector<16xf32>
      %parallel_loop3A_290 = vector.shape_cast %parallel_loop3A_285 : vector<16xf32> to vector<1x16xf32>
      tpu.vector_store %arg16[%parallel_loop3A_286, %parallel_loop3A_287], %parallel_loop3A_290 {strides = array<i32>} : memref<400x128xf32, #tpu.memory_space<vmem>>, vector<1x16xf32>,
      %parallel_loop3A_291 = arith.index_cast %parallel_loop3A_206 : i32 to index
      %parallel_loop3A_292 = arith.constant 48 : index
      %parallel_loop3A_293 = tpu.vector_load %arg16[%parallel_loop3A_291, %parallel_loop3A_292] {strides = array<i32>} : memref<400x128xf32, #tpu.memory_space<vmem>>, vector<1x16xf32>,
      %parallel_loop3A_294 = vector.shape_cast %parallel_loop3A_293 : vector<1x16xf32> to vector<16xf32>
      %parallel_loop3A_295 = arith.constant 1 : i32
      %parallel_loop3A_296 = arith.index_cast %parallel_loop3A_295 : i32 to index
      %parallel_loop3A_297 = arith.constant 48 : index
      %parallel_loop3A_298 = tpu.vector_load %arg17[%parallel_loop3A_296, %parallel_loop3A_297] {strides = array<i32>} : memref<2x128xf32, #tpu.memory_space<vmem>>, vector<1x16xf32>,
      %parallel_loop3A_299 = vector.shape_cast %parallel_loop3A_298 : vector<1x16xf32> to vector<16xf32>
      %parallel_loop3A_300 = arith.addf %parallel_loop3A_294, %parallel_loop3A_299 : vector<16xf32>
      %parallel_loop3A_301 = arith.constant 200 : i32
      %parallel_loop3A_302 = arith.addi %parallel_loop3A_301, %parallel_loop3A_206 : i32
      %parallel_loop3A_303 = arith.index_cast %parallel_loop3A_302 : i32 to index
      %parallel_loop3A_304 = arith.constant 48 : index
      %parallel_loop3A_305 = tpu.vector_load %arg16[%parallel_loop3A_303, %parallel_loop3A_304] {strides = array<i32>} : memref<400x128xf32, #tpu.memory_space<vmem>>, vector<1x16xf32>,
      %parallel_loop3A_306 = vector.shape_cast %parallel_loop3A_305 : vector<1x16xf32> to vector<16xf32>
      %parallel_loop3A_307 = vector.shape_cast %parallel_loop3A_300 : vector<16xf32> to vector<1x16xf32>
      tpu.vector_store %arg16[%parallel_loop3A_303, %parallel_loop3A_304], %parallel_loop3A_307 {strides = array<i32>} : memref<400x128xf32, #tpu.memory_space<vmem>>, vector<1x16xf32>,
      %parallel_loop3A_308 = arith.constant 0 : i32
      %parallel_loop3A_309 = arith.index_cast %parallel_loop3A_308 : i32 to index
      %parallel_loop3A_310 = arith.constant 48 : index
      %parallel_loop3A_311 = tpu.vector_load %arg17[%parallel_loop3A_309, %parallel_loop3A_310] {strides = array<i32>} : memref<2x128xf32, #tpu.memory_space<vmem>>, vector<1x16xf32>,
      %parallel_loop3A_312 = vector.shape_cast %parallel_loop3A_311 : vector<1x16xf32> to vector<16xf32>
      %parallel_loop3A_313 = arith.addf %parallel_loop3A_294, %parallel_loop3A_312 : vector<16xf32>
      %parallel_loop3A_314 = arith.index_cast %parallel_loop3A_206 : i32 to index
      %parallel_loop3A_315 = arith.constant 48 : index
      %parallel_loop3A_316 = tpu.vector_load %arg16[%parallel_loop3A_314, %parallel_loop3A_315] {strides = array<i32>} : memref<400x128xf32, #tpu.memory_space<vmem>>, vector<1x16xf32>,
      %parallel_loop3A_317 = vector.shape_cast %parallel_loop3A_316 : vector<1x16xf32> to vector<16xf32>
      %parallel_loop3A_318 = vector.shape_cast %parallel_loop3A_313 : vector<16xf32> to vector<1x16xf32>
      tpu.vector_store %arg16[%parallel_loop3A_314, %parallel_loop3A_315], %parallel_loop3A_318 {strides = array<i32>} : memref<400x128xf32, #tpu.memory_space<vmem>>, vector<1x16xf32>,
      %parallel_loop3A_319 = arith.index_cast %parallel_loop3A_206 : i32 to index
      %parallel_loop3A_320 = arith.constant 64 : index
      %parallel_loop3A_321 = tpu.vector_load %arg16[%parallel_loop3A_319, %parallel_loop3A_320] {strides = array<i32>} : memref<400x128xf32, #tpu.memory_space<vmem>>, vector<1x16xf32>,
      %parallel_loop3A_322 = vector.shape_cast %parallel_loop3A_321 : vector<1x16xf32> to vector<16xf32>
      %parallel_loop3A_323 = arith.constant 1 : i32
      %parallel_loop3A_324 = arith.index_cast %parallel_loop3A_323 : i32 to index
      %parallel_loop3A_325 = arith.constant 64 : index
      %parallel_loop3A_326 = tpu.vector_load %arg17[%parallel_loop3A_324, %parallel_loop3A_325] {strides = array<i32>} : memref<2x128xf32, #tpu.memory_space<vmem>>, vector<1x16xf32>,
      %parallel_loop3A_327 = vector.shape_cast %parallel_loop3A_326 : vector<1x16xf32> to vector<16xf32>
      %parallel_loop3A_328 = arith.addf %parallel_loop3A_322, %parallel_loop3A_327 : vector<16xf32>
      %parallel_loop3A_329 = arith.constant 200 : i32
      %parallel_loop3A_330 = arith.addi %parallel_loop3A_329, %parallel_loop3A_206 : i32
      %parallel_loop3A_331 = arith.index_cast %parallel_loop3A_330 : i32 to index
      %parallel_loop3A_332 = arith.constant 64 : index
      %parallel_loop3A_333 = tpu.vector_load %arg16[%parallel_loop3A_331, %parallel_loop3A_332] {strides = array<i32>} : memref<400x128xf32, #tpu.memory_space<vmem>>, vector<1x16xf32>,
      %parallel_loop3A_334 = vector.shape_cast %parallel_loop3A_333 : vector<1x16xf32> to vector<16xf32>
      %parallel_loop3A_335 = vector.shape_cast %parallel_loop3A_328 : vector<16xf32> to vector<1x16xf32>
      tpu.vector_store %arg16[%parallel_loop3A_331, %parallel_loop3A_332], %parallel_loop3A_335 {strides = array<i32>} : memref<400x128xf32, #tpu.memory_space<vmem>>, vector<1x16xf32>,
      %parallel_loop3A_336 = arith.constant 0 : i32
      %parallel_loop3A_337 = arith.index_cast %parallel_loop3A_336 : i32 to index
      %parallel_loop3A_338 = arith.constant 64 : index
      %parallel_loop3A_339 = tpu.vector_load %arg17[%parallel_loop3A_337, %parallel_loop3A_338] {strides = array<i32>} : memref<2x128xf32, #tpu.memory_space<vmem>>, vector<1x16xf32>,
      %parallel_loop3A_340 = vector.shape_cast %parallel_loop3A_339 : vector<1x16xf32> to vector<16xf32>
      %parallel_loop3A_341 = arith.addf %parallel_loop3A_322, %parallel_loop3A_340 : vector<16xf32>
      %parallel_loop3A_342 = arith.index_cast %parallel_loop3A_206 : i32 to index
      %parallel_loop3A_343 = arith.constant 64 : index
      %parallel_loop3A_344 = tpu.vector_load %arg16[%parallel_loop3A_342, %parallel_loop3A_343] {strides = array<i32>} : memref<400x128xf32, #tpu.memory_space<vmem>>, vector<1x16xf32>,
      %parallel_loop3A_345 = vector.shape_cast %parallel_loop3A_344 : vector<1x16xf32> to vector<16xf32>
      %parallel_loop3A_346 = vector.shape_cast %parallel_loop3A_341 : vector<16xf32> to vector<1x16xf32>
      tpu.vector_store %arg16[%parallel_loop3A_342, %parallel_loop3A_343], %parallel_loop3A_346 {strides = array<i32>} : memref<400x128xf32, #tpu.memory_space<vmem>>, vector<1x16xf32>,
      %parallel_loop3A_347 = arith.index_cast %parallel_loop3A_206 : i32 to index
      %parallel_loop3A_348 = arith.constant 80 : index
      %parallel_loop3A_349 = tpu.vector_load %arg16[%parallel_loop3A_347, %parallel_loop3A_348] {strides = array<i32>} : memref<400x128xf32, #tpu.memory_space<vmem>>, vector<1x16xf32>,
      %parallel_loop3A_350 = vector.shape_cast %parallel_loop3A_349 : vector<1x16xf32> to vector<16xf32>
      %parallel_loop3A_351 = arith.constant 1 : i32
      %parallel_loop3A_352 = arith.index_cast %parallel_loop3A_351 : i32 to index
      %parallel_loop3A_353 = arith.constant 80 : index
      %parallel_loop3A_354 = tpu.vector_load %arg17[%parallel_loop3A_352, %parallel_loop3A_353] {strides = array<i32>} : memref<2x128xf32, #tpu.memory_space<vmem>>, vector<1x16xf32>,
      %parallel_loop3A_355 = vector.shape_cast %parallel_loop3A_354 : vector<1x16xf32> to vector<16xf32>
      %parallel_loop3A_356 = arith.addf %parallel_loop3A_350, %parallel_loop3A_355 : vector<16xf32>
      %parallel_loop3A_357 = arith.constant 200 : i32
      %parallel_loop3A_358 = arith.addi %parallel_loop3A_357, %parallel_loop3A_206 : i32
      %parallel_loop3A_359 = arith.index_cast %parallel_loop3A_358 : i32 to index
      %parallel_loop3A_360 = arith.constant 80 : index
      %parallel_loop3A_361 = tpu.vector_load %arg16[%parallel_loop3A_359, %parallel_loop3A_360] {strides = array<i32>} : memref<400x128xf32, #tpu.memory_space<vmem>>, vector<1x16xf32>,
      %parallel_loop3A_362 = vector.shape_cast %parallel_loop3A_361 : vector<1x16xf32> to vector<16xf32>
      %parallel_loop3A_363 = vector.shape_cast %parallel_loop3A_356 : vector<16xf32> to vector<1x16xf32>
      tpu.vector_store %arg16[%parallel_loop3A_359, %parallel_loop3A_360], %parallel_loop3A_363 {strides = array<i32>} : memref<400x128xf32, #tpu.memory_space<vmem>>, vector<1x16xf32>,
      %parallel_loop3A_364 = arith.constant 0 : i32
      %parallel_loop3A_365 = arith.index_cast %parallel_loop3A_364 : i32 to index
      %parallel_loop3A_366 = arith.constant 80 : index
      %parallel_loop3A_367 = tpu.vector_load %arg17[%parallel_loop3A_365, %parallel_loop3A_366] {strides = array<i32>} : memref<2x128xf32, #tpu.memory_space<vmem>>, vector<1x16xf32>,
      %parallel_loop3A_368 = vector.shape_cast %parallel_loop3A_367 : vector<1x16xf32> to vector<16xf32>
      %parallel_loop3A_369 = arith.addf %parallel_loop3A_350, %parallel_loop3A_368 : vector<16xf32>
      %parallel_loop3A_370 = arith.index_cast %parallel_loop3A_206 : i32 to index
      %parallel_loop3A_371 = arith.constant 80 : index
      %parallel_loop3A_372 = tpu.vector_load %arg16[%parallel_loop3A_370, %parallel_loop3A_371] {strides = array<i32>} : memref<400x128xf32, #tpu.memory_space<vmem>>, vector<1x16xf32>,
      %parallel_loop3A_373 = vector.shape_cast %parallel_loop3A_372 : vector<1x16xf32> to vector<16xf32>
      %parallel_loop3A_374 = vector.shape_cast %parallel_loop3A_369 : vector<16xf32> to vector<1x16xf32>
      tpu.vector_store %arg16[%parallel_loop3A_370, %parallel_loop3A_371], %parallel_loop3A_374 {strides = array<i32>} : memref<400x128xf32, #tpu.memory_space<vmem>>, vector<1x16xf32>,
      %parallel_loop3A_375 = arith.index_cast %parallel_loop3A_206 : i32 to index
      %parallel_loop3A_376 = arith.constant 96 : index
      %parallel_loop3A_377 = tpu.vector_load %arg16[%parallel_loop3A_375, %parallel_loop3A_376] {strides = array<i32>} : memref<400x128xf32, #tpu.memory_space<vmem>>, vector<1x16xf32>,
      %parallel_loop3A_378 = vector.shape_cast %parallel_loop3A_377 : vector<1x16xf32> to vector<16xf32>
      %parallel_loop3A_379 = arith.constant 1 : i32
      %parallel_loop3A_380 = arith.index_cast %parallel_loop3A_379 : i32 to index
      %parallel_loop3A_381 = arith.constant 96 : index
      %parallel_loop3A_382 = tpu.vector_load %arg17[%parallel_loop3A_380, %parallel_loop3A_381] {strides = array<i32>} : memref<2x128xf32, #tpu.memory_space<vmem>>, vector<1x16xf32>,
      %parallel_loop3A_383 = vector.shape_cast %parallel_loop3A_382 : vector<1x16xf32> to vector<16xf32>
      %parallel_loop3A_384 = arith.addf %parallel_loop3A_378, %parallel_loop3A_383 : vector<16xf32>
      %parallel_loop3A_385 = arith.constant 200 : i32
      %parallel_loop3A_386 = arith.addi %parallel_loop3A_385, %parallel_loop3A_206 : i32
      %parallel_loop3A_387 = arith.index_cast %parallel_loop3A_386 : i32 to index
      %parallel_loop3A_388 = arith.constant 96 : index
      %parallel_loop3A_389 = tpu.vector_load %arg16[%parallel_loop3A_387, %parallel_loop3A_388] {strides = array<i32>} : memref<400x128xf32, #tpu.memory_space<vmem>>, vector<1x16xf32>,
      %parallel_loop3A_390 = vector.shape_cast %parallel_loop3A_389 : vector<1x16xf32> to vector<16xf32>
      %parallel_loop3A_391 = vector.shape_cast %parallel_loop3A_384 : vector<16xf32> to vector<1x16xf32>
      tpu.vector_store %arg16[%parallel_loop3A_387, %parallel_loop3A_388], %parallel_loop3A_391 {strides = array<i32>} : memref<400x128xf32, #tpu.memory_space<vmem>>, vector<1x16xf32>,
      %parallel_loop3A_392 = arith.constant 0 : i32
      %parallel_loop3A_393 = arith.index_cast %parallel_loop3A_392 : i32 to index
      %parallel_loop3A_394 = arith.constant 96 : index
      %parallel_loop3A_395 = tpu.vector_load %arg17[%parallel_loop3A_393, %parallel_loop3A_394] {strides = array<i32>} : memref<2x128xf32, #tpu.memory_space<vmem>>, vector<1x16xf32>,
      %parallel_loop3A_396 = vector.shape_cast %parallel_loop3A_395 : vector<1x16xf32> to vector<16xf32>
      %parallel_loop3A_397 = arith.addf %parallel_loop3A_378, %parallel_loop3A_396 : vector<16xf32>
      %parallel_loop3A_398 = arith.index_cast %parallel_loop3A_206 : i32 to index
      %parallel_loop3A_399 = arith.constant 96 : index
      %parallel_loop3A_400 = tpu.vector_load %arg16[%parallel_loop3A_398, %parallel_loop3A_399] {strides = array<i32>} : memref<400x128xf32, #tpu.memory_space<vmem>>, vector<1x16xf32>,
      %parallel_loop3A_401 = vector.shape_cast %parallel_loop3A_400 : vector<1x16xf32> to vector<16xf32>
      %parallel_loop3A_402 = vector.shape_cast %parallel_loop3A_397 : vector<16xf32> to vector<1x16xf32>
      tpu.vector_store %arg16[%parallel_loop3A_398, %parallel_loop3A_399], %parallel_loop3A_402 {strides = array<i32>} : memref<400x128xf32, #tpu.memory_space<vmem>>, vector<1x16xf32>,
      %parallel_loop3A_403 = arith.index_cast %parallel_loop3A_206 : i32 to index
      %parallel_loop3A_404 = arith.constant 112 : index
      %parallel_loop3A_405 = tpu.vector_load %arg16[%parallel_loop3A_403, %parallel_loop3A_404] {strides = array<i32>} : memref<400x128xf32, #tpu.memory_space<vmem>>, vector<1x16xf32>,
      %parallel_loop3A_406 = vector.shape_cast %parallel_loop3A_405 : vector<1x16xf32> to vector<16xf32>
      %parallel_loop3A_407 = arith.constant 1 : i32
      %parallel_loop3A_408 = arith.index_cast %parallel_loop3A_407 : i32 to index
      %parallel_loop3A_409 = arith.constant 112 : index
      %parallel_loop3A_410 = tpu.vector_load %arg17[%parallel_loop3A_408, %parallel_loop3A_409] {strides = array<i32>} : memref<2x128xf32, #tpu.memory_space<vmem>>, vector<1x16xf32>,
      %parallel_loop3A_411 = vector.shape_cast %parallel_loop3A_410 : vector<1x16xf32> to vector<16xf32>
      %parallel_loop3A_412 = arith.addf %parallel_loop3A_406, %parallel_loop3A_411 : vector<16xf32>
      %parallel_loop3A_413 = arith.constant 200 : i32
      %parallel_loop3A_414 = arith.addi %parallel_loop3A_413, %parallel_loop3A_206 : i32
      %parallel_loop3A_415 = arith.index_cast %parallel_loop3A_414 : i32 to index
      %parallel_loop3A_416 = arith.constant 112 : index
      %parallel_loop3A_417 = tpu.vector_load %arg16[%parallel_loop3A_415, %parallel_loop3A_416] {strides = array<i32>} : memref<400x128xf32, #tpu.memory_space<vmem>>, vector<1x16xf32>,
      %parallel_loop3A_418 = vector.shape_cast %parallel_loop3A_417 : vector<1x16xf32> to vector<16xf32>
      %parallel_loop3A_419 = vector.shape_cast %parallel_loop3A_412 : vector<16xf32> to vector<1x16xf32>
      tpu.vector_store %arg16[%parallel_loop3A_415, %parallel_loop3A_416], %parallel_loop3A_419 {strides = array<i32>} : memref<400x128xf32, #tpu.memory_space<vmem>>, vector<1x16xf32>,
      %parallel_loop3A_420 = arith.constant 0 : i32
      %parallel_loop3A_421 = arith.index_cast %parallel_loop3A_420 : i32 to index
      %parallel_loop3A_422 = arith.constant 112 : index
      %parallel_loop3A_423 = tpu.vector_load %arg17[%parallel_loop3A_421, %parallel_loop3A_422] {strides = array<i32>} : memref<2x128xf32, #tpu.memory_space<vmem>>, vector<1x16xf32>,
      %parallel_loop3A_424 = vector.shape_cast %parallel_loop3A_423 : vector<1x16xf32> to vector<16xf32>
      %parallel_loop3A_425 = arith.addf %parallel_loop3A_406, %parallel_loop3A_424 : vector<16xf32>
      %parallel_loop3A_426 = arith.index_cast %parallel_loop3A_206 : i32 to index
      %parallel_loop3A_427 = arith.constant 112 : index
      %parallel_loop3A_428 = tpu.vector_load %arg16[%parallel_loop3A_426, %parallel_loop3A_427] {strides = array<i32>} : memref<400x128xf32, #tpu.memory_space<vmem>>, vector<1x16xf32>,
      %parallel_loop3A_429 = vector.shape_cast %parallel_loop3A_428 : vector<1x16xf32> to vector<16xf32>
      %parallel_loop3A_430 = vector.shape_cast %parallel_loop3A_425 : vector<16xf32> to vector<1x16xf32>
      tpu.vector_store %arg16[%parallel_loop3A_426, %parallel_loop3A_427], %parallel_loop3A_430 {strides = array<i32>} : memref<400x128xf32, #tpu.memory_space<vmem>>, vector<1x16xf32>,
    } {sc.loop_unroll_factor = 4 : i64, sc.parallel_access}
    %add3A_7 = arith.constant 0 : i32
    %add3A_8 = arith.addi %mul3A_4, %add3A_7 : i32
    %dma_start3A = arith.constant 0 : i32
    %dma_start3A_9 = arith.constant 0 : i32
    %dma_start3A_10 = arith.constant 0 : i32
    %dma_start3A_11 = tpu.memref_slice %arg14[%dma_start3A, %dma_start3A_10] : memref<4x112xi32, #tpu.memory_space<vmem>> -> memref<1x104xi32, #tpu.memory_space<vmem>>
    %dma_start3A_12 = tpu.memref_squeeze %dma_start3A_11 : memref<1x104xi32, #tpu.memory_space<vmem>> -> memref<104xi32, #tpu.memory_space<vmem>>
    %dma_start3A_13 = tpu.memref_slice %arg2[%add3A_8] : memref<819200xi32, #tpu.memory_space<hbm>> -> memref<104xi32, #tpu.memory_space<hbm>>
    %dma_start3A_14 = tpu.memref_slice %arg22[%dma_start3A_9] : memref<4x!tpu.dma_semaphore, #tpu.memory_space<semaphore_mem>> -> memref<1x!tpu.dma_semaphore, #tpu.memory_space<semaphore_mem>>
    %dma_start3A_15 = tpu.memref_squeeze %dma_start3A_14 : memref<1x!tpu.dma_semaphore, #tpu.memory_space<semaphore_mem>> -> memref<!tpu.dma_semaphore, #tpu.memory_space<semaphore_mem>>
    %dma_start3A_16 = arith.constant 0 : i32
    %dma_start3A_17 = tpu.memref_slice %arg14[%dma_start3A, %dma_start3A_16] : memref<4x112xi32, #tpu.memory_space<vmem>> -> memref<1x104xi32, #tpu.memory_space<vmem>>
    %dma_start3A_18 = tpu.memref_squeeze %dma_start3A_17 : memref<1x104xi32, #tpu.memory_space<vmem>> -> memref<104xi32, #tpu.memory_space<vmem>>
    %dma_start3A_19 = tpu.memref_slice %arg2[%add3A_8] : memref<819200xi32, #tpu.memory_space<hbm>> -> memref<104xi32, #tpu.memory_space<hbm>>
    tpu.enqueue_dma source(%dma_start3A_19 : memref<104xi32, #tpu.memory_space<hbm>>) target(%dma_start3A_18 : memref<104xi32, #tpu.memory_space<vmem>>) target_semaphore(%dma_start3A_15 : memref<!tpu.dma_semaphore, #tpu.memory_space<semaphore_mem>>)
    %add3A_20 = arith.constant 0 : i32
    %add3A_21 = arith.addi %mul3A_4, %add3A_20 : i32
    %dma_start3A_22 = arith.constant 0 : i32
    %dma_start3A_23 = arith.constant 0 : i32
    %dma_start3A_24 = arith.constant 0 : i32
    %dma_start3A_25 = tpu.memref_slice %arg15[%dma_start3A_22, %dma_start3A_24] : memref<4x120xi32, #tpu.memory_space<vmem>> -> memref<1x104xi32, #tpu.memory_space<vmem>>
    %dma_start3A_26 = tpu.memref_squeeze %dma_start3A_25 : memref<1x104xi32, #tpu.memory_space<vmem>> -> memref<104xi32, #tpu.memory_space<vmem>>
    %dma_start3A_27 = tpu.memref_slice %arg3[%add3A_21] : memref<819200xi32, #tpu.memory_space<hbm>> -> memref<104xi32, #tpu.memory_space<hbm>>
    %dma_start3A_28 = tpu.memref_slice %arg23[%dma_start3A_23] : memref<4x!tpu.dma_semaphore, #tpu.memory_space<semaphore_mem>> -> memref<1x!tpu.dma_semaphore, #tpu.memory_space<semaphore_mem>>
    %dma_start3A_29 = tpu.memref_squeeze %dma_start3A_28 : memref<1x!tpu.dma_semaphore, #tpu.memory_space<semaphore_mem>> -> memref<!tpu.dma_semaphore, #tpu.memory_space<semaphore_mem>>
    %dma_start3A_30 = arith.constant 0 : i32
    %dma_start3A_31 = tpu.memref_slice %arg15[%dma_start3A_22, %dma_start3A_30] : memref<4x120xi32, #tpu.memory_space<vmem>> -> memref<1x104xi32, #tpu.memory_space<vmem>>
    %dma_start3A_32 = tpu.memref_squeeze %dma_start3A_31 : memref<1x104xi32, #tpu.memory_space<vmem>> -> memref<104xi32, #tpu.memory_space<vmem>>
    %dma_start3A_33 = tpu.memref_slice %arg3[%add3A_21] : memref<819200xi32, #tpu.memory_space<hbm>> -> memref<104xi32, #tpu.memory_space<hbm>>
    tpu.enqueue_dma source(%dma_start3A_33 : memref<104xi32, #tpu.memory_space<hbm>>) target(%dma_start3A_32 : memref<104xi32, #tpu.memory_space<vmem>>) target_semaphore(%dma_start3A_29 : memref<!tpu.dma_semaphore, #tpu.memory_space<semaphore_mem>>)
    %add3A_34 = arith.constant 104 : i32
    %add3A_35 = arith.addi %mul3A_4, %add3A_34 : i32
    %dma_start3A_36 = arith.constant 1 : i32
    %dma_start3A_37 = arith.constant 1 : i32
    %dma_start3A_38 = arith.constant 0 : i32
    %dma_start3A_39 = tpu.memref_slice %arg14[%dma_start3A_36, %dma_start3A_38] : memref<4x112xi32, #tpu.memory_space<vmem>> -> memref<1x96xi32, #tpu.memory_space<vmem>>
    %dma_start3A_40 = tpu.memref_squeeze %dma_start3A_39 : memref<1x96xi32, #tpu.memory_space<vmem>> -> memref<96xi32, #tpu.memory_space<vmem>>
    %dma_start3A_41 = tpu.memref_slice %arg2[%add3A_35] : memref<819200xi32, #tpu.memory_space<hbm>> -> memref<96xi32, #tpu.memory_space<hbm>>
    %dma_start3A_42 = tpu.memref_slice %arg22[%dma_start3A_37] : memref<4x!tpu.dma_semaphore, #tpu.memory_space<semaphore_mem>> -> memref<1x!tpu.dma_semaphore, #tpu.memory_space<semaphore_mem>>
    %dma_start3A_43 = tpu.memref_squeeze %dma_start3A_42 : memref<1x!tpu.dma_semaphore, #tpu.memory_space<semaphore_mem>> -> memref<!tpu.dma_semaphore, #tpu.memory_space<semaphore_mem>>
    %dma_start3A_44 = arith.constant 0 : i32
    %dma_start3A_45 = tpu.memref_slice %arg14[%dma_start3A_36, %dma_start3A_44] : memref<4x112xi32, #tpu.memory_space<vmem>> -> memref<1x96xi32, #tpu.memory_space<vmem>>
    %dma_start3A_46 = tpu.memref_squeeze %dma_start3A_45 : memref<1x96xi32, #tpu.memory_space<vmem>> -> memref<96xi32, #tpu.memory_space<vmem>>
    %dma_start3A_47 = tpu.memref_slice %arg2[%add3A_35] : memref<819200xi32, #tpu.memory_space<hbm>> -> memref<96xi32, #tpu.memory_space<hbm>>
    tpu.enqueue_dma source(%dma_start3A_47 : memref<96xi32, #tpu.memory_space<hbm>>) target(%dma_start3A_46 : memref<96xi32, #tpu.memory_space<vmem>>) target_semaphore(%dma_start3A_43 : memref<!tpu.dma_semaphore, #tpu.memory_space<semaphore_mem>>)
    %add3A_48 = arith.constant 104 : i32
    %add3A_49 = arith.addi %mul3A_4, %add3A_48 : i32
    %dma_start3A_50 = arith.constant 1 : i32
    %dma_start3A_51 = arith.constant 1 : i32
    %dma_start3A_52 = arith.constant 0 : i32
    %dma_start3A_53 = tpu.memref_slice %arg15[%dma_start3A_50, %dma_start3A_52] : memref<4x120xi32, #tpu.memory_space<vmem>> -> memref<1x96xi32, #tpu.memory_space<vmem>>
    %dma_start3A_54 = tpu.memref_squeeze %dma_start3A_53 : memref<1x96xi32, #tpu.memory_space<vmem>> -> memref<96xi32, #tpu.memory_space<vmem>>
    %dma_start3A_55 = tpu.memref_slice %arg3[%add3A_49] : memref<819200xi32, #tpu.memory_space<hbm>> -> memref<96xi32, #tpu.memory_space<hbm>>
    %dma_start3A_56 = tpu.memref_slice %arg23[%dma_start3A_51] : memref<4x!tpu.dma_semaphore, #tpu.memory_space<semaphore_mem>> -> memref<1x!tpu.dma_semaphore, #tpu.memory_space<semaphore_mem>>
    %dma_start3A_57 = tpu.memref_squeeze %dma_start3A_56 : memref<1x!tpu.dma_semaphore, #tpu.memory_space<semaphore_mem>> -> memref<!tpu.dma_semaphore, #tpu.memory_space<semaphore_mem>>
    %dma_start3A_58 = arith.constant 0 : i32
    %dma_start3A_59 = tpu.memref_slice %arg15[%dma_start3A_50, %dma_start3A_58] : memref<4x120xi32, #tpu.memory_space<vmem>> -> memref<1x96xi32, #tpu.memory_space<vmem>>
    %dma_start3A_60 = tpu.memref_squeeze %dma_start3A_59 : memref<1x96xi32, #tpu.memory_space<vmem>> -> memref<96xi32, #tpu.memory_space<vmem>>
    %dma_start3A_61 = tpu.memref_slice %arg3[%add3A_49] : memref<819200xi32, #tpu.memory_space<hbm>> -> memref<96xi32, #tpu.memory_space<hbm>>
    tpu.enqueue_dma source(%dma_start3A_61 : memref<96xi32, #tpu.memory_space<hbm>>) target(%dma_start3A_60 : memref<96xi32, #tpu.memory_space<vmem>>) target_semaphore(%dma_start3A_57 : memref<!tpu.dma_semaphore, #tpu.memory_space<semaphore_mem>>)
    %add3A_62 = arith.constant 200 : i32
    %add3A_63 = arith.addi %mul3A_4, %add3A_62 : i32
    %dma_start3A_64 = arith.constant 2 : i32
    %dma_start3A_65 = arith.constant 2 : i32
    %dma_start3A_66 = arith.constant 0 : i32
    %dma_start3A_67 = tpu.memref_slice %arg14[%dma_start3A_64, %dma_start3A_66] : memref<4x112xi32, #tpu.memory_space<vmem>> -> memref<1x104xi32, #tpu.memory_space<vmem>>
    %dma_start3A_68 = tpu.memref_squeeze %dma_start3A_67 : memref<1x104xi32, #tpu.memory_space<vmem>> -> memref<104xi32, #tpu.memory_space<vmem>>
    %dma_start3A_69 = tpu.memref_slice %arg2[%add3A_63] : memref<819200xi32, #tpu.memory_space<hbm>> -> memref<104xi32, #tpu.memory_space<hbm>>
    %dma_start3A_70 = tpu.memref_slice %arg22[%dma_start3A_65] : memref<4x!tpu.dma_semaphore, #tpu.memory_space<semaphore_mem>> -> memref<1x!tpu.dma_semaphore, #tpu.memory_space<semaphore_mem>>
    %dma_start3A_71 = tpu.memref_squeeze %dma_start3A_70 : memref<1x!tpu.dma_semaphore, #tpu.memory_space<semaphore_mem>> -> memref<!tpu.dma_semaphore, #tpu.memory_space<semaphore_mem>>
    %dma_start3A_72 = arith.constant 0 : i32
    %dma_start3A_73 = tpu.memref_slice %arg14[%dma_start3A_64, %dma_start3A_72] : memref<4x112xi32, #tpu.memory_space<vmem>> -> memref<1x104xi32, #tpu.memory_space<vmem>>
    %dma_start3A_74 = tpu.memref_squeeze %dma_start3A_73 : memref<1x104xi32, #tpu.memory_space<vmem>> -> memref<104xi32, #tpu.memory_space<vmem>>
    %dma_start3A_75 = tpu.memref_slice %arg2[%add3A_63] : memref<819200xi32, #tpu.memory_space<hbm>> -> memref<104xi32, #tpu.memory_space<hbm>>
    tpu.enqueue_dma source(%dma_start3A_75 : memref<104xi32, #tpu.memory_space<hbm>>) target(%dma_start3A_74 : memref<104xi32, #tpu.memory_space<vmem>>) target_semaphore(%dma_start3A_71 : memref<!tpu.dma_semaphore, #tpu.memory_space<semaphore_mem>>)
    %add3A_76 = arith.constant 200 : i32
    %add3A_77 = arith.addi %mul3A_4, %add3A_76 : i32
    %dma_start3A_78 = arith.constant 2 : i32
    %dma_start3A_79 = arith.constant 2 : i32
    %dma_start3A_80 = arith.constant 0 : i32
    %dma_start3A_81 = tpu.memref_slice %arg15[%dma_start3A_78, %dma_start3A_80] : memref<4x120xi32, #tpu.memory_space<vmem>> -> memref<1x104xi32, #tpu.memory_space<vmem>>
    %dma_start3A_82 = tpu.memref_squeeze %dma_start3A_81 : memref<1x104xi32, #tpu.memory_space<vmem>> -> memref<104xi32, #tpu.memory_space<vmem>>
    %dma_start3A_83 = tpu.memref_slice %arg3[%add3A_77] : memref<819200xi32, #tpu.memory_space<hbm>> -> memref<104xi32, #tpu.memory_space<hbm>>
    %dma_start3A_84 = tpu.memref_slice %arg23[%dma_start3A_79] : memref<4x!tpu.dma_semaphore, #tpu.memory_space<semaphore_mem>> -> memref<1x!tpu.dma_semaphore, #tpu.memory_space<semaphore_mem>>
    %dma_start3A_85 = tpu.memref_squeeze %dma_start3A_84 : memref<1x!tpu.dma_semaphore, #tpu.memory_space<semaphore_mem>> -> memref<!tpu.dma_semaphore, #tpu.memory_space<semaphore_mem>>
    %dma_start3A_86 = arith.constant 0 : i32
    %dma_start3A_87 = tpu.memref_slice %arg15[%dma_start3A_78, %dma_start3A_86] : memref<4x120xi32, #tpu.memory_space<vmem>> -> memref<1x104xi32, #tpu.memory_space<vmem>>
    %dma_start3A_88 = tpu.memref_squeeze %dma_start3A_87 : memref<1x104xi32, #tpu.memory_space<vmem>> -> memref<104xi32, #tpu.memory_space<vmem>>
    %dma_start3A_89 = tpu.memref_slice %arg3[%add3A_77] : memref<819200xi32, #tpu.memory_space<hbm>> -> memref<104xi32, #tpu.memory_space<hbm>>
    tpu.enqueue_dma source(%dma_start3A_89 : memref<104xi32, #tpu.memory_space<hbm>>) target(%dma_start3A_88 : memref<104xi32, #tpu.memory_space<vmem>>) target_semaphore(%dma_start3A_85 : memref<!tpu.dma_semaphore, #tpu.memory_space<semaphore_mem>>)
    %add3A_90 = arith.constant 304 : i32
    %add3A_91 = arith.addi %mul3A_4, %add3A_90 : i32
    %dma_start3A_92 = arith.constant 3 : i32
    %dma_start3A_93 = arith.constant 3 : i32
    %dma_start3A_94 = arith.constant 0 : i32
    %dma_start3A_95 = tpu.memref_slice %arg14[%dma_start3A_92, %dma_start3A_94] : memref<4x112xi32, #tpu.memory_space<vmem>> -> memref<1x96xi32, #tpu.memory_space<vmem>>
    %dma_start3A_96 = tpu.memref_squeeze %dma_start3A_95 : memref<1x96xi32, #tpu.memory_space<vmem>> -> memref<96xi32, #tpu.memory_space<vmem>>
    %dma_start3A_97 = tpu.memref_slice %arg2[%add3A_91] : memref<819200xi32, #tpu.memory_space<hbm>> -> memref<96xi32, #tpu.memory_space<hbm>>
    %dma_start3A_98 = tpu.memref_slice %arg22[%dma_start3A_93] : memref<4x!tpu.dma_semaphore, #tpu.memory_space<semaphore_mem>> -> memref<1x!tpu.dma_semaphore, #tpu.memory_space<semaphore_mem>>
    %dma_start3A_99 = tpu.memref_squeeze %dma_start3A_98 : memref<1x!tpu.dma_semaphore, #tpu.memory_space<semaphore_mem>> -> memref<!tpu.dma_semaphore, #tpu.memory_space<semaphore_mem>>
    %dma_start3A_100 = arith.constant 0 : i32
    %dma_start3A_101 = tpu.memref_slice %arg14[%dma_start3A_92, %dma_start3A_100] : memref<4x112xi32, #tpu.memory_space<vmem>> -> memref<1x96xi32, #tpu.memory_space<vmem>>
    %dma_start3A_102 = tpu.memref_squeeze %dma_start3A_101 : memref<1x96xi32, #tpu.memory_space<vmem>> -> memref<96xi32, #tpu.memory_space<vmem>>
    %dma_start3A_103 = tpu.memref_slice %arg2[%add3A_91] : memref<819200xi32, #tpu.memory_space<hbm>> -> memref<96xi32, #tpu.memory_space<hbm>>
    tpu.enqueue_dma source(%dma_start3A_103 : memref<96xi32, #tpu.memory_space<hbm>>) target(%dma_start3A_102 : memref<96xi32, #tpu.memory_space<vmem>>) target_semaphore(%dma_start3A_99 : memref<!tpu.dma_semaphore, #tpu.memory_space<semaphore_mem>>)
    %add3A_104 = arith.constant 304 : i32
    %add3A_105 = arith.addi %mul3A_4, %add3A_104 : i32
    %dma_start3A_106 = arith.constant 3 : i32
    %dma_start3A_107 = arith.constant 3 : i32
    %dma_start3A_108 = arith.constant 0 : i32
    %dma_start3A_109 = tpu.memref_slice %arg15[%dma_start3A_106, %dma_start3A_108] : memref<4x120xi32, #tpu.memory_space<vmem>> -> memref<1x96xi32, #tpu.memory_space<vmem>>
    %dma_start3A_110 = tpu.memref_squeeze %dma_start3A_109 : memref<1x96xi32, #tpu.memory_space<vmem>> -> memref<96xi32, #tpu.memory_space<vmem>>
    %dma_start3A_111 = tpu.memref_slice %arg3[%add3A_105] : memref<819200xi32, #tpu.memory_space<hbm>> -> memref<96xi32, #tpu.memory_space<hbm>>
    %dma_start3A_112 = tpu.memref_slice %arg23[%dma_start3A_107] : memref<4x!tpu.dma_semaphore, #tpu.memory_space<semaphore_mem>> -> memref<1x!tpu.dma_semaphore, #tpu.memory_space<semaphore_mem>>
    %dma_start3A_113 = tpu.memref_squeeze %dma_start3A_112 : memref<1x!tpu.dma_semaphore, #tpu.memory_space<semaphore_mem>> -> memref<!tpu.dma_semaphore, #tpu.memory_space<semaphore_mem>>
    %dma_start3A_114 = arith.constant 0 : i32
    %dma_start3A_115 = tpu.memref_slice %arg15[%dma_start3A_106, %dma_start3A_114] : memref<4x120xi32, #tpu.memory_space<vmem>> -> memref<1x96xi32, #tpu.memory_space<vmem>>
    %dma_start3A_116 = tpu.memref_squeeze %dma_start3A_115 : memref<1x96xi32, #tpu.memory_space<vmem>> -> memref<96xi32, #tpu.memory_space<vmem>>
    %dma_start3A_117 = tpu.memref_slice %arg3[%add3A_105] : memref<819200xi32, #tpu.memory_space<hbm>> -> memref<96xi32, #tpu.memory_space<hbm>>
    tpu.enqueue_dma source(%dma_start3A_117 : memref<96xi32, #tpu.memory_space<hbm>>) target(%dma_start3A_116 : memref<96xi32, #tpu.memory_space<vmem>>) target_semaphore(%dma_start3A_113 : memref<!tpu.dma_semaphore, #tpu.memory_space<semaphore_mem>>)
    %dma_wait3A = arith.constant 0 : i32
    %dma_wait3A_118 = arith.constant 0 : i32
    %dma_wait3A_119 = arith.constant 0 : i32
    %dma_wait3A_120 = tpu.memref_slice %arg14[%dma_wait3A, %dma_wait3A_119] : memref<4x112xi32, #tpu.memory_space<vmem>> -> memref<1x104xi32, #tpu.memory_space<vmem>>
    %dma_wait3A_121 = tpu.memref_squeeze %dma_wait3A_120 : memref<1x104xi32, #tpu.memory_space<vmem>> -> memref<104xi32, #tpu.memory_space<vmem>>
    %dma_wait3A_122 = tpu.memref_slice %arg2[%mul3A_4] : memref<819200xi32, #tpu.memory_space<hbm>> -> memref<104xi32, #tpu.memory_space<hbm>>
    %dma_wait3A_123 = tpu.memref_slice %arg22[%dma_wait3A_118] : memref<4x!tpu.dma_semaphore, #tpu.memory_space<semaphore_mem>> -> memref<1x!tpu.dma_semaphore, #tpu.memory_space<semaphore_mem>>
    %dma_wait3A_124 = tpu.memref_squeeze %dma_wait3A_123 : memref<1x!tpu.dma_semaphore, #tpu.memory_space<semaphore_mem>> -> memref<!tpu.dma_semaphore, #tpu.memory_space<semaphore_mem>>
    %dma_wait3A_125 = arith.constant 0 : i32
    %dma_wait3A_126 = tpu.memref_slice %arg14[%dma_wait3A, %dma_wait3A_125] : memref<4x112xi32, #tpu.memory_space<vmem>> -> memref<1x104xi32, #tpu.memory_space<vmem>>
    %dma_wait3A_127 = tpu.memref_squeeze %dma_wait3A_126 : memref<1x104xi32, #tpu.memory_space<vmem>> -> memref<104xi32, #tpu.memory_space<vmem>>
    %dma_wait3A_128 = tpu.memref_slice %arg2[%mul3A_4] : memref<819200xi32, #tpu.memory_space<hbm>> -> memref<104xi32, #tpu.memory_space<hbm>>
    tpu.wait_dma2 semaphore(%dma_wait3A_124 : memref<!tpu.dma_semaphore, #tpu.memory_space<semaphore_mem>>) src(%dma_wait3A_128 : memref<104xi32, #tpu.memory_space<hbm>>) dst(%dma_wait3A_127 : memref<104xi32, #tpu.memory_space<vmem>>)
    %dma_start3A_129 = arith.constant 0 : i32
    %dma_start3A_130 = arith.constant 0 : i32
    %dma_start3A_131 = arith.constant 0 : i32
    %dma_start3A_132 = arith.constant 0 : i32
    %dma_start3A_133 = tpu.memref_slice %arg10[%dma_start3A_131, %dma_start3A_132] : memref<104x128xf32, #tpu.memory_space<vmem>> -> memref<104x128xf32, #tpu.memory_space<vmem>>
    %dma_start3A_134 = arith.constant 0 : i32
    %dma_start3A_135 = tpu.memref_slice %arg14[%dma_start3A_129, %dma_start3A_134] : memref<4x112xi32, #tpu.memory_space<vmem>> -> memref<1x104xi32, #tpu.memory_space<vmem>>
    %dma_start3A_136 = tpu.memref_squeeze %dma_start3A_135 : memref<1x104xi32, #tpu.memory_space<vmem>> -> memref<104xi32, #tpu.memory_space<vmem>>
    %dma_start3A_137 = arith.constant 0 : i32
    %dma_start3A_138 = arith.constant 0 : i32
    %dma_start3A_139 = tpu.memref_slice %arg4[%dma_start3A_137, %dma_start3A_138] : memref<100000x128xf32, #tpu.memory_space<hbm>> -> memref<100000x128xf32, #tpu.memory_space<hbm>>
    %dma_start3A_140 = tpu.memref_slice %arg20[%dma_start3A_130] : memref<4x!tpu.dma_semaphore, #tpu.memory_space<semaphore_mem>> -> memref<1x!tpu.dma_semaphore, #tpu.memory_space<semaphore_mem>>
    %dma_start3A_141 = tpu.memref_squeeze %dma_start3A_140 : memref<1x!tpu.dma_semaphore, #tpu.memory_space<semaphore_mem>> -> memref<!tpu.dma_semaphore, #tpu.memory_space<semaphore_mem>>
    tpu.enqueue_indirect_dma source(%dma_start3A_139 : memref<100000x128xf32, #tpu.memory_space<hbm>>) target(%dma_start3A_133 : memref<104x128xf32, #tpu.memory_space<vmem>>) offsets(%dma_start3A_136 : memref<104xi32, #tpu.memory_space<vmem>>) semaphore(%dma_start3A_141 : memref<!tpu.dma_semaphore, #tpu.memory_space<semaphore_mem>>)
    %dma_wait3A_142 = arith.constant 1 : i32
    %dma_wait3A_143 = arith.constant 1 : i32
    %dma_wait3A_144 = arith.constant 0 : i32
    %dma_wait3A_145 = tpu.memref_slice %arg14[%dma_wait3A_142, %dma_wait3A_144] : memref<4x112xi32, #tpu.memory_space<vmem>> -> memref<1x96xi32, #tpu.memory_space<vmem>>
    %dma_wait3A_146 = tpu.memref_squeeze %dma_wait3A_145 : memref<1x96xi32, #tpu.memory_space<vmem>> -> memref<96xi32, #tpu.memory_space<vmem>>
    %dma_wait3A_147 = tpu.memref_slice %arg2[%mul3A_4] : memref<819200xi32, #tpu.memory_space<hbm>> -> memref<96xi32, #tpu.memory_space<hbm>>
    %dma_wait3A_148 = tpu.memref_slice %arg22[%dma_wait3A_143] : memref<4x!tpu.dma_semaphore, #tpu.memory_space<semaphore_mem>> -> memref<1x!tpu.dma_semaphore, #tpu.memory_space<semaphore_mem>>
    %dma_wait3A_149 = tpu.memref_squeeze %dma_wait3A_148 : memref<1x!tpu.dma_semaphore, #tpu.memory_space<semaphore_mem>> -> memref<!tpu.dma_semaphore, #tpu.memory_space<semaphore_mem>>
    %dma_wait3A_150 = arith.constant 0 : i32
    %dma_wait3A_151 = tpu.memref_slice %arg14[%dma_wait3A_142, %dma_wait3A_150] : memref<4x112xi32, #tpu.memory_space<vmem>> -> memref<1x96xi32, #tpu.memory_space<vmem>>
    %dma_wait3A_152 = tpu.memref_squeeze %dma_wait3A_151 : memref<1x96xi32, #tpu.memory_space<vmem>> -> memref<96xi32, #tpu.memory_space<vmem>>
    %dma_wait3A_153 = tpu.memref_slice %arg2[%mul3A_4] : memref<819200xi32, #tpu.memory_space<hbm>> -> memref<96xi32, #tpu.memory_space<hbm>>
    tpu.wait_dma2 semaphore(%dma_wait3A_149 : memref<!tpu.dma_semaphore, #tpu.memory_space<semaphore_mem>>) src(%dma_wait3A_153 : memref<96xi32, #tpu.memory_space<hbm>>) dst(%dma_wait3A_152 : memref<96xi32, #tpu.memory_space<vmem>>)
    %dma_start3A_154 = arith.constant 1 : i32
    %dma_start3A_155 = arith.constant 1 : i32
    %dma_start3A_156 = arith.constant 0 : i32
    %dma_start3A_157 = arith.constant 0 : i32
    %dma_start3A_158 = tpu.memref_slice %arg11[%dma_start3A_156, %dma_start3A_157] : memref<104x128xf32, #tpu.memory_space<vmem>> -> memref<96x128xf32, #tpu.memory_space<vmem>>
    %dma_start3A_159 = arith.constant 0 : i32
    %dma_start3A_160 = tpu.memref_slice %arg14[%dma_start3A_154, %dma_start3A_159] : memref<4x112xi32, #tpu.memory_space<vmem>> -> memref<1x96xi32, #tpu.memory_space<vmem>>
    %dma_start3A_161 = tpu.memref_squeeze %dma_start3A_160 : memref<1x96xi32, #tpu.memory_space<vmem>> -> memref<96xi32, #tpu.memory_space<vmem>>
    %dma_start3A_162 = arith.constant 0 : i32
    %dma_start3A_163 = arith.constant 0 : i32
    %dma_start3A_164 = tpu.memref_slice %arg4[%dma_start3A_162, %dma_start3A_163] : memref<100000x128xf32, #tpu.memory_space<hbm>> -> memref<100000x128xf32, #tpu.memory_space<hbm>>
    %dma_start3A_165 = tpu.memref_slice %arg20[%dma_start3A_155] : memref<4x!tpu.dma_semaphore, #tpu.memory_space<semaphore_mem>> -> memref<1x!tpu.dma_semaphore, #tpu.memory_space<semaphore_mem>>
    %dma_start3A_166 = tpu.memref_squeeze %dma_start3A_165 : memref<1x!tpu.dma_semaphore, #tpu.memory_space<semaphore_mem>> -> memref<!tpu.dma_semaphore, #tpu.memory_space<semaphore_mem>>
    tpu.enqueue_indirect_dma source(%dma_start3A_164 : memref<100000x128xf32, #tpu.memory_space<hbm>>) target(%dma_start3A_158 : memref<96x128xf32, #tpu.memory_space<vmem>>) offsets(%dma_start3A_161 : memref<96xi32, #tpu.memory_space<vmem>>) semaphore(%dma_start3A_166 : memref<!tpu.dma_semaphore, #tpu.memory_space<semaphore_mem>>)
    %scan3A = arith.constant 0 : i32
    %scan3A_167 = arith.constant 0 : i32
    %scan3A_168 = arith.constant 64 : i32
    %scan3A_169 = arith.addi %scan3A_167, %scan3A_168 : i32
    %scan3A_170 = arith.constant 1 : i32
    scf.for %scan3A_206 = %scan3A_167 to %scan3A_169 step %scan3A_170  : i32 {
      %mul3A_207 = arith.constant 4 : i32
      %mul3A_208 = arith.muli %scan3A_206, %mul3A_207 : i32
      %add3A_209 = arith.constant 0 : i32
      %add3A_210 = arith.addi %mul3A_208, %add3A_209 : i32
      %mul3A_211 = arith.constant 2 : i32
      %mul3A_212 = arith.muli %scan3A_206, %mul3A_211 : i32
      %add3A_213 = arith.constant 0 : i32
      %add3A_214 = arith.addi %mul3A_212, %add3A_213 : i32
      %add3A_215 = arith.addi %mul3A_2, %add3A_214 : i32
      %mul3A_216 = arith.constant 200 : i32
      %mul3A_217 = arith.muli %add3A_214, %mul3A_216 : i32
      %add3A_218 = arith.constant 0 : i32
      %add3A_219 = arith.addi %mul3A_217, %add3A_218 : i32
      %dma_wait3A_220 = arith.constant 0 : i32
      %dma_wait3A_221 = arith.constant 0 : i32
      %dma_wait3A_222 = arith.constant 0 : i32
      %dma_wait3A_223 = arith.constant 0 : i32
      %dma_wait3A_224 = tpu.memref_slice %arg10[%dma_wait3A_222, %dma_wait3A_223] : memref<104x128xf32, #tpu.memory_space<vmem>> -> memref<104x128xf32, #tpu.memory_space<vmem>>
      %dma_wait3A_225 = arith.constant 0 : i32
      %dma_wait3A_226 = tpu.memref_slice %arg14[%dma_wait3A_220, %dma_wait3A_225] : memref<4x112xi32, #tpu.memory_space<vmem>> -> memref<1x104xi32, #tpu.memory_space<vmem>>
      %dma_wait3A_227 = tpu.memref_squeeze %dma_wait3A_226 : memref<1x104xi32, #tpu.memory_space<vmem>> -> memref<104xi32, #tpu.memory_space<vmem>>
      %dma_wait3A_228 = arith.constant 0 : i32
      %dma_wait3A_229 = arith.constant 0 : i32
      %dma_wait3A_230 = tpu.memref_slice %arg4[%dma_wait3A_228, %dma_wait3A_229] : memref<100000x128xf32, #tpu.memory_space<hbm>> -> memref<100000x128xf32, #tpu.memory_space<hbm>>
      %dma_wait3A_231 = tpu.memref_slice %arg20[%dma_wait3A_221] : memref<4x!tpu.dma_semaphore, #tpu.memory_space<semaphore_mem>> -> memref<1x!tpu.dma_semaphore, #tpu.memory_space<semaphore_mem>>
      %dma_wait3A_232 = tpu.memref_squeeze %dma_wait3A_231 : memref<1x!tpu.dma_semaphore, #tpu.memory_space<semaphore_mem>> -> memref<!tpu.dma_semaphore, #tpu.memory_space<semaphore_mem>>
      tpu.wait_indirect_dma semaphore(%dma_wait3A_232 : memref<!tpu.dma_semaphore, #tpu.memory_space<semaphore_mem>>) src(%dma_wait3A_230 : memref<100000x128xf32, #tpu.memory_space<hbm>>) dst(%dma_wait3A_224 : memref<104x128xf32, #tpu.memory_space<vmem>>)
      %dma_wait3A_233 = arith.constant 0 : i32
      %dma_wait3A_234 = arith.constant 0 : i32
      %dma_wait3A_235 = arith.constant 0 : i32
      %dma_wait3A_236 = tpu.memref_slice %arg15[%dma_wait3A_233, %dma_wait3A_235] : memref<4x120xi32, #tpu.memory_space<vmem>> -> memref<1x104xi32, #tpu.memory_space<vmem>>
      %dma_wait3A_237 = tpu.memref_squeeze %dma_wait3A_236 : memref<1x104xi32, #tpu.memory_space<vmem>> -> memref<104xi32, #tpu.memory_space<vmem>>
      %dma_wait3A_238 = tpu.memref_slice %arg3[%mul3A_4] : memref<819200xi32, #tpu.memory_space<hbm>> -> memref<104xi32, #tpu.memory_space<hbm>>
      %dma_wait3A_239 = tpu.memref_slice %arg23[%dma_wait3A_234] : memref<4x!tpu.dma_semaphore, #tpu.memory_space<semaphore_mem>> -> memref<1x!tpu.dma_semaphore, #tpu.memory_space<semaphore_mem>>
      %dma_wait3A_240 = tpu.memref_squeeze %dma_wait3A_239 : memref<1x!tpu.dma_semaphore, #tpu.memory_space<semaphore_mem>> -> memref<!tpu.dma_semaphore, #tpu.memory_space<semaphore_mem>>
      %dma_wait3A_241 = arith.constant 0 : i32
      %dma_wait3A_242 = tpu.memref_slice %arg15[%dma_wait3A_233, %dma_wait3A_241] : memref<4x120xi32, #tpu.memory_space<vmem>> -> memref<1x104xi32, #tpu.memory_space<vmem>>
      %dma_wait3A_243 = tpu.memref_squeeze %dma_wait3A_242 : memref<1x104xi32, #tpu.memory_space<vmem>> -> memref<104xi32, #tpu.memory_space<vmem>>
      %dma_wait3A_244 = tpu.memref_slice %arg3[%mul3A_4] : memref<819200xi32, #tpu.memory_space<hbm>> -> memref<104xi32, #tpu.memory_space<hbm>>
      tpu.wait_dma2 semaphore(%dma_wait3A_240 : memref<!tpu.dma_semaphore, #tpu.memory_space<semaphore_mem>>) src(%dma_wait3A_244 : memref<104xi32, #tpu.memory_space<hbm>>) dst(%dma_wait3A_243 : memref<104xi32, #tpu.memory_space<vmem>>)
      %ge3A = arith.constant 2 : i32
      %ge3A_245 = arith.cmpi sge, %add3A_210, %ge3A : i32
      %convert_element_type3A = arith.extui %ge3A_245 : i1 to i32
      %cond3A = arith.constant 0 : i32
      %cond3A_246 = arith.cmpi ne, %convert_element_type3A, %cond3A : i32
      scf.if %cond3A_246 {
        %dma_wait3A_702 = arith.constant 2 : i32
        %dma_wait3A_703 = arith.constant 0 : i32
        %dma_wait3A_704 = arith.constant 0 : i32
        %dma_wait3A_705 = tpu.memref_slice %arg12[%dma_wait3A_703, %dma_wait3A_704] : memref<104x128xf32, #tpu.memory_space<vmem>> -> memref<104x128xf32, #tpu.memory_space<vmem>>
        %dma_wait3A_706 = arith.constant 0 : i32
        %dma_wait3A_707 = arith.constant 0 : i32
        %dma_wait3A_708 = tpu.memref_slice %arg9[%add3A_215, %dma_wait3A_706, %dma_wait3A_707] : memref<4096x200x128xf32, #tpu.memory_space<hbm>> -> memref<1x104x128xf32, #tpu.memory_space<hbm>>
        %dma_wait3A_709 = tpu.memref_squeeze %dma_wait3A_708 : memref<1x104x128xf32, #tpu.memory_space<hbm>> -> memref<104x128xf32, #tpu.memory_space<hbm>>
        %dma_wait3A_710 = tpu.memref_slice %arg21[%dma_wait3A_702] : memref<4x!tpu.dma_semaphore, #tpu.memory_space<semaphore_mem>> -> memref<1x!tpu.dma_semaphore, #tpu.memory_space<semaphore_mem>>
        %dma_wait3A_711 = tpu.memref_squeeze %dma_wait3A_710 : memref<1x!tpu.dma_semaphore, #tpu.memory_space<semaphore_mem>> -> memref<!tpu.dma_semaphore, #tpu.memory_space<semaphore_mem>>
        %dma_wait3A_712 = arith.constant 0 : i32
        %dma_wait3A_713 = arith.constant 0 : i32
        %dma_wait3A_714 = tpu.memref_slice %arg9[%add3A_215, %dma_wait3A_712, %dma_wait3A_713] : memref<4096x200x128xf32, #tpu.memory_space<hbm>> -> memref<1x104x128xf32, #tpu.memory_space<hbm>>
        %dma_wait3A_715 = tpu.memref_squeeze %dma_wait3A_714 : memref<1x104x128xf32, #tpu.memory_space<hbm>> -> memref<104x128xf32, #tpu.memory_space<hbm>>
        %dma_wait3A_716 = arith.constant 0 : i32
        %dma_wait3A_717 = arith.constant 0 : i32
        %dma_wait3A_718 = tpu.memref_slice %arg12[%dma_wait3A_716, %dma_wait3A_717] : memref<104x128xf32, #tpu.memory_space<vmem>> -> memref<104x128xf32, #tpu.memory_space<vmem>>
        tpu.wait_dma2 semaphore(%dma_wait3A_711 : memref<!tpu.dma_semaphore, #tpu.memory_space<semaphore_mem>>) src(%dma_wait3A_718 : memref<104x128xf32, #tpu.memory_space<vmem>>) dst(%dma_wait3A_715 : memref<104x128xf32, #tpu.memory_space<hbm>>)
      } else {
      }
      %add3A_247 = arith.constant 2 : i32
      %add3A_248 = arith.addi %add3A_210, %add3A_247 : i32
      %lt3A = arith.constant 256 : i32
      %lt3A_249 = arith.cmpi slt, %add3A_248, %lt3A : i32
      %convert_element_type3A_250 = arith.extui %lt3A_249 : i1 to i32
      %cond3A_251 = arith.constant 0 : i32
      %cond3A_252 = arith.cmpi ne, %convert_element_type3A_250, %cond3A_251 : i32
      scf.if %cond3A_252 {
        %dma_wait3A_702 = arith.constant 2 : i32
        %dma_wait3A_703 = arith.constant 2 : i32
        %dma_wait3A_704 = arith.constant 0 : i32
        %dma_wait3A_705 = tpu.memref_slice %arg14[%dma_wait3A_702, %dma_wait3A_704] : memref<4x112xi32, #tpu.memory_space<vmem>> -> memref<1x104xi32, #tpu.memory_space<vmem>>
        %dma_wait3A_706 = tpu.memref_squeeze %dma_wait3A_705 : memref<1x104xi32, #tpu.memory_space<vmem>> -> memref<104xi32, #tpu.memory_space<vmem>>
        %dma_wait3A_707 = tpu.memref_slice %arg2[%mul3A_4] : memref<819200xi32, #tpu.memory_space<hbm>> -> memref<104xi32, #tpu.memory_space<hbm>>
        %dma_wait3A_708 = tpu.memref_slice %arg22[%dma_wait3A_703] : memref<4x!tpu.dma_semaphore, #tpu.memory_space<semaphore_mem>> -> memref<1x!tpu.dma_semaphore, #tpu.memory_space<semaphore_mem>>
        %dma_wait3A_709 = tpu.memref_squeeze %dma_wait3A_708 : memref<1x!tpu.dma_semaphore, #tpu.memory_space<semaphore_mem>> -> memref<!tpu.dma_semaphore, #tpu.memory_space<semaphore_mem>>
        %dma_wait3A_710 = arith.constant 0 : i32
        %dma_wait3A_711 = tpu.memref_slice %arg14[%dma_wait3A_702, %dma_wait3A_710] : memref<4x112xi32, #tpu.memory_space<vmem>> -> memref<1x104xi32, #tpu.memory_space<vmem>>
        %dma_wait3A_712 = tpu.memref_squeeze %dma_wait3A_711 : memref<1x104xi32, #tpu.memory_space<vmem>> -> memref<104xi32, #tpu.memory_space<vmem>>
        %dma_wait3A_713 = tpu.memref_slice %arg2[%mul3A_4] : memref<819200xi32, #tpu.memory_space<hbm>> -> memref<104xi32, #tpu.memory_space<hbm>>
        tpu.wait_dma2 semaphore(%dma_wait3A_709 : memref<!tpu.dma_semaphore, #tpu.memory_space<semaphore_mem>>) src(%dma_wait3A_713 : memref<104xi32, #tpu.memory_space<hbm>>) dst(%dma_wait3A_712 : memref<104xi32, #tpu.memory_space<vmem>>)
        %dma_start3A_714 = arith.constant 2 : i32
        %dma_start3A_715 = arith.constant 2 : i32
        %dma_start3A_716 = arith.constant 0 : i32
        %dma_start3A_717 = arith.constant 0 : i32
        %dma_start3A_718 = tpu.memref_slice %arg12[%dma_start3A_716, %dma_start3A_717] : memref<104x128xf32, #tpu.memory_space<vmem>> -> memref<104x128xf32, #tpu.memory_space<vmem>>
        %dma_start3A_719 = arith.constant 0 : i32
        %dma_start3A_720 = tpu.memref_slice %arg14[%dma_start3A_714, %dma_start3A_719] : memref<4x112xi32, #tpu.memory_space<vmem>> -> memref<1x104xi32, #tpu.memory_space<vmem>>
        %dma_start3A_721 = tpu.memref_squeeze %dma_start3A_720 : memref<1x104xi32, #tpu.memory_space<vmem>> -> memref<104xi32, #tpu.memory_space<vmem>>
        %dma_start3A_722 = arith.constant 0 : i32
        %dma_start3A_723 = arith.constant 0 : i32
        %dma_start3A_724 = tpu.memref_slice %arg4[%dma_start3A_722, %dma_start3A_723] : memref<100000x128xf32, #tpu.memory_space<hbm>> -> memref<100000x128xf32, #tpu.memory_space<hbm>>
        %dma_start3A_725 = tpu.memref_slice %arg20[%dma_start3A_715] : memref<4x!tpu.dma_semaphore, #tpu.memory_space<semaphore_mem>> -> memref<1x!tpu.dma_semaphore, #tpu.memory_space<semaphore_mem>>
        %dma_start3A_726 = tpu.memref_squeeze %dma_start3A_725 : memref<1x!tpu.dma_semaphore, #tpu.memory_space<semaphore_mem>> -> memref<!tpu.dma_semaphore, #tpu.memory_space<semaphore_mem>>
        tpu.enqueue_indirect_dma source(%dma_start3A_724 : memref<100000x128xf32, #tpu.memory_space<hbm>>) target(%dma_start3A_718 : memref<104x128xf32, #tpu.memory_space<vmem>>) offsets(%dma_start3A_721 : memref<104xi32, #tpu.memory_space<vmem>>) semaphore(%dma_start3A_726 : memref<!tpu.dma_semaphore, #tpu.memory_space<semaphore_mem>>)
      } else {
      }
      %get3A = arith.constant 0 : index
      %get3A_253 = tpu.vector_load %arg18[%get3A] {strides = array<i32>} : memref<128xf32, #tpu.memory_space<vmem>>, vector<16xf32>,
      %get3A_254 = vector.shape_cast %get3A_253 : vector<16xf32> to vector<16xf32>
      %get3A_255 = arith.constant 16 : index
      %get3A_256 = tpu.vector_load %arg18[%get3A_255] {strides = array<i32>} : memref<128xf32, #tpu.memory_space<vmem>>, vector<16xf32>,
      %get3A_257 = vector.shape_cast %get3A_256 : vector<16xf32> to vector<16xf32>
      %get3A_258 = arith.constant 32 : index
      %get3A_259 = tpu.vector_load %arg18[%get3A_258] {strides = array<i32>} : memref<128xf32, #tpu.memory_space<vmem>>, vector<16xf32>,
      %get3A_260 = vector.shape_cast %get3A_259 : vector<16xf32> to vector<16xf32>
      %get3A_261 = arith.constant 48 : index
      %get3A_262 = tpu.vector_load %arg18[%get3A_261] {strides = array<i32>} : memref<128xf32, #tpu.memory_space<vmem>>, vector<16xf32>,
      %get3A_263 = vector.shape_cast %get3A_262 : vector<16xf32> to vector<16xf32>
      %get3A_264 = arith.constant 64 : index
      %get3A_265 = tpu.vector_load %arg18[%get3A_264] {strides = array<i32>} : memref<128xf32, #tpu.memory_space<vmem>>, vector<16xf32>,
      %get3A_266 = vector.shape_cast %get3A_265 : vector<16xf32> to vector<16xf32>
      %get3A_267 = arith.constant 80 : index
      %get3A_268 = tpu.vector_load %arg18[%get3A_267] {strides = array<i32>} : memref<128xf32, #tpu.memory_space<vmem>>, vector<16xf32>,
      %get3A_269 = vector.shape_cast %get3A_268 : vector<16xf32> to vector<16xf32>
      %get3A_270 = arith.constant 96 : index
      %get3A_271 = tpu.vector_load %arg18[%get3A_270] {strides = array<i32>} : memref<128xf32, #tpu.memory_space<vmem>>, vector<16xf32>,
      %get3A_272 = vector.shape_cast %get3A_271 : vector<16xf32> to vector<16xf32>
      %get3A_273 = arith.constant 112 : index
      %get3A_274 = tpu.vector_load %arg18[%get3A_273] {strides = array<i32>} : memref<128xf32, #tpu.memory_space<vmem>>, vector<16xf32>,
      %get3A_275 = vector.shape_cast %get3A_274 : vector<16xf32> to vector<16xf32>
      %get3A_276 = arith.constant 0 : index
      %get3A_277 = tpu.vector_load %arg19[%get3A_276] {strides = array<i32>} : memref<128xf32, #tpu.memory_space<vmem>>, vector<16xf32>,
      %get3A_278 = vector.shape_cast %get3A_277 : vector<16xf32> to vector<16xf32>
      %get3A_279 = arith.constant 16 : index
      %get3A_280 = tpu.vector_load %arg19[%get3A_279] {strides = array<i32>} : memref<128xf32, #tpu.memory_space<vmem>>, vector<16xf32>,
      %get3A_281 = vector.shape_cast %get3A_280 : vector<16xf32> to vector<16xf32>
      %get3A_282 = arith.constant 32 : index
      %get3A_283 = tpu.vector_load %arg19[%get3A_282] {strides = array<i32>} : memref<128xf32, #tpu.memory_space<vmem>>, vector<16xf32>,
      %get3A_284 = vector.shape_cast %get3A_283 : vector<16xf32> to vector<16xf32>
      %get3A_285 = arith.constant 48 : index
      %get3A_286 = tpu.vector_load %arg19[%get3A_285] {strides = array<i32>} : memref<128xf32, #tpu.memory_space<vmem>>, vector<16xf32>,
      %get3A_287 = vector.shape_cast %get3A_286 : vector<16xf32> to vector<16xf32>
      %get3A_288 = arith.constant 64 : index
      %get3A_289 = tpu.vector_load %arg19[%get3A_288] {strides = array<i32>} : memref<128xf32, #tpu.memory_space<vmem>>, vector<16xf32>,
      %get3A_290 = vector.shape_cast %get3A_289 : vector<16xf32> to vector<16xf32>
      %get3A_291 = arith.constant 80 : index
      %get3A_292 = tpu.vector_load %arg19[%get3A_291] {strides = array<i32>} : memref<128xf32, #tpu.memory_space<vmem>>, vector<16xf32>,
      %get3A_293 = vector.shape_cast %get3A_292 : vector<16xf32> to vector<16xf32>
      %get3A_294 = arith.constant 96 : index
      %get3A_295 = tpu.vector_load %arg19[%get3A_294] {strides = array<i32>} : memref<128xf32, #tpu.memory_space<vmem>>, vector<16xf32>,
      %get3A_296 = vector.shape_cast %get3A_295 : vector<16xf32> to vector<16xf32>
      %get3A_297 = arith.constant 112 : index
      %get3A_298 = tpu.vector_load %arg19[%get3A_297] {strides = array<i32>} : memref<128xf32, #tpu.memory_space<vmem>>, vector<16xf32>,
      %get3A_299 = vector.shape_cast %get3A_298 : vector<16xf32> to vector<16xf32>
      %parallel_loop3A_300 = arith.constant 0 : i32
      %parallel_loop3A_301 = arith.constant 104 : i32
      %parallel_loop3A_302 = arith.constant 1 : i32
      scf.for %parallel_loop3A_702 = %parallel_loop3A_300 to %parallel_loop3A_301 step %parallel_loop3A_302  : i32 {
        %parallel_loop3A_703 = arith.constant 0 : i32
        %parallel_loop3A_704 = arith.index_cast %parallel_loop3A_703 : i32 to index
        %parallel_loop3A_705 = arith.index_cast %parallel_loop3A_702 : i32 to index
        %parallel_loop3A_706 = tpu.vector_load %arg15[%parallel_loop3A_704, %parallel_loop3A_705] {strides = array<i32>} : memref<4x120xi32, #tpu.memory_space<vmem>>, vector<1x16xi32>,
        %parallel_loop3A_707 = vector.shape_cast %parallel_loop3A_706 : vector<1x16xi32> to vector<16xi32>
        %parallel_loop3A_708 = vector.extract_strided_slice %parallel_loop3A_707 {offsets = [0], sizes = [1], strides = [1]} : vector<16xi32> to vector<1xi32>
        %parallel_loop3A_709 = vector.extract %parallel_loop3A_708[0] : i32 from vector<1xi32>
        %parallel_loop3A_710 = arith.constant 200 : i32
        %parallel_loop3A_711 = arith.muli %parallel_loop3A_709, %parallel_loop3A_710 : i32
        %parallel_loop3A_712 = arith.constant 0 : i32
        %parallel_loop3A_713 = arith.addi %parallel_loop3A_712, %parallel_loop3A_702 : i32
        %parallel_loop3A_714 = arith.addi %parallel_loop3A_711, %parallel_loop3A_713 : i32
        %parallel_loop3A_715 = arith.index_cast %parallel_loop3A_702 : i32 to index
        %parallel_loop3A_716 = arith.constant 0 : index
        %parallel_loop3A_717 = tpu.vector_load %arg10[%parallel_loop3A_715, %parallel_loop3A_716] {strides = array<i32>} : memref<104x128xf32, #tpu.memory_space<vmem>>, vector<1x16xf32>,
        %parallel_loop3A_718 = vector.shape_cast %parallel_loop3A_717 : vector<1x16xf32> to vector<16xf32>
        %parallel_loop3A_719 = arith.index_cast %parallel_loop3A_714 : i32 to index
        %parallel_loop3A_720 = arith.constant 0 : index
        %parallel_loop3A_721 = tpu.vector_load %arg16[%parallel_loop3A_719, %parallel_loop3A_720] {strides = array<i32>} : memref<400x128xf32, #tpu.memory_space<vmem>>, vector<1x16xf32>,
        %parallel_loop3A_722 = vector.shape_cast %parallel_loop3A_721 : vector<1x16xf32> to vector<16xf32>
        %parallel_loop3A_723 = arith.addf %parallel_loop3A_718, %parallel_loop3A_722 : vector<16xf32>
        %parallel_loop3A_724 = arith.mulf %parallel_loop3A_723, %parallel_loop3A_723 : vector<16xf32>
        %parallel_loop3A_725 = arith.index_cast %parallel_loop3A_702 : i32 to index
        %parallel_loop3A_726 = arith.constant 16 : index
        %parallel_loop3A_727 = tpu.vector_load %arg10[%parallel_loop3A_725, %parallel_loop3A_726] {strides = array<i32>} : memref<104x128xf32, #tpu.memory_space<vmem>>, vector<1x16xf32>,
        %parallel_loop3A_728 = vector.shape_cast %parallel_loop3A_727 : vector<1x16xf32> to vector<16xf32>
        %parallel_loop3A_729 = arith.index_cast %parallel_loop3A_714 : i32 to index
        %parallel_loop3A_730 = arith.constant 16 : index
        %parallel_loop3A_731 = tpu.vector_load %arg16[%parallel_loop3A_729, %parallel_loop3A_730] {strides = array<i32>} : memref<400x128xf32, #tpu.memory_space<vmem>>, vector<1x16xf32>,
        %parallel_loop3A_732 = vector.shape_cast %parallel_loop3A_731 : vector<1x16xf32> to vector<16xf32>
        %parallel_loop3A_733 = arith.addf %parallel_loop3A_728, %parallel_loop3A_732 : vector<16xf32>
        %parallel_loop3A_734 = arith.mulf %parallel_loop3A_733, %parallel_loop3A_733 : vector<16xf32>
        %parallel_loop3A_735 = arith.index_cast %parallel_loop3A_702 : i32 to index
        %parallel_loop3A_736 = arith.constant 32 : index
        %parallel_loop3A_737 = tpu.vector_load %arg10[%parallel_loop3A_735, %parallel_loop3A_736] {strides = array<i32>} : memref<104x128xf32, #tpu.memory_space<vmem>>, vector<1x16xf32>,
        %parallel_loop3A_738 = vector.shape_cast %parallel_loop3A_737 : vector<1x16xf32> to vector<16xf32>
        %parallel_loop3A_739 = arith.index_cast %parallel_loop3A_714 : i32 to index
        %parallel_loop3A_740 = arith.constant 32 : index
        %parallel_loop3A_741 = tpu.vector_load %arg16[%parallel_loop3A_739, %parallel_loop3A_740] {strides = array<i32>} : memref<400x128xf32, #tpu.memory_space<vmem>>, vector<1x16xf32>,
        %parallel_loop3A_742 = vector.shape_cast %parallel_loop3A_741 : vector<1x16xf32> to vector<16xf32>
        %parallel_loop3A_743 = arith.addf %parallel_loop3A_738, %parallel_loop3A_742 : vector<16xf32>
        %parallel_loop3A_744 = arith.mulf %parallel_loop3A_743, %parallel_loop3A_743 : vector<16xf32>
        %parallel_loop3A_745 = arith.index_cast %parallel_loop3A_702 : i32 to index
        %parallel_loop3A_746 = arith.constant 48 : index
        %parallel_loop3A_747 = tpu.vector_load %arg10[%parallel_loop3A_745, %parallel_loop3A_746] {strides = array<i32>} : memref<104x128xf32, #tpu.memory_space<vmem>>, vector<1x16xf32>,
        %parallel_loop3A_748 = vector.shape_cast %parallel_loop3A_747 : vector<1x16xf32> to vector<16xf32>
        %parallel_loop3A_749 = arith.index_cast %parallel_loop3A_714 : i32 to index
        %parallel_loop3A_750 = arith.constant 48 : index
        %parallel_loop3A_751 = tpu.vector_load %arg16[%parallel_loop3A_749, %parallel_loop3A_750] {strides = array<i32>} : memref<400x128xf32, #tpu.memory_space<vmem>>, vector<1x16xf32>,
        %parallel_loop3A_752 = vector.shape_cast %parallel_loop3A_751 : vector<1x16xf32> to vector<16xf32>
        %parallel_loop3A_753 = arith.addf %parallel_loop3A_748, %parallel_loop3A_752 : vector<16xf32>
        %parallel_loop3A_754 = arith.mulf %parallel_loop3A_753, %parallel_loop3A_753 : vector<16xf32>
        %parallel_loop3A_755 = arith.index_cast %parallel_loop3A_702 : i32 to index
        %parallel_loop3A_756 = arith.constant 64 : index
        %parallel_loop3A_757 = tpu.vector_load %arg10[%parallel_loop3A_755, %parallel_loop3A_756] {strides = array<i32>} : memref<104x128xf32, #tpu.memory_space<vmem>>, vector<1x16xf32>,
        %parallel_loop3A_758 = vector.shape_cast %parallel_loop3A_757 : vector<1x16xf32> to vector<16xf32>
        %parallel_loop3A_759 = arith.index_cast %parallel_loop3A_714 : i32 to index
        %parallel_loop3A_760 = arith.constant 64 : index
        %parallel_loop3A_761 = tpu.vector_load %arg16[%parallel_loop3A_759, %parallel_loop3A_760] {strides = array<i32>} : memref<400x128xf32, #tpu.memory_space<vmem>>, vector<1x16xf32>,
        %parallel_loop3A_762 = vector.shape_cast %parallel_loop3A_761 : vector<1x16xf32> to vector<16xf32>
        %parallel_loop3A_763 = arith.addf %parallel_loop3A_758, %parallel_loop3A_762 : vector<16xf32>
        %parallel_loop3A_764 = arith.mulf %parallel_loop3A_763, %parallel_loop3A_763 : vector<16xf32>
        %parallel_loop3A_765 = arith.index_cast %parallel_loop3A_702 : i32 to index
        %parallel_loop3A_766 = arith.constant 80 : index
        %parallel_loop3A_767 = tpu.vector_load %arg10[%parallel_loop3A_765, %parallel_loop3A_766] {strides = array<i32>} : memref<104x128xf32, #tpu.memory_space<vmem>>, vector<1x16xf32>,
        %parallel_loop3A_768 = vector.shape_cast %parallel_loop3A_767 : vector<1x16xf32> to vector<16xf32>
        %parallel_loop3A_769 = arith.index_cast %parallel_loop3A_714 : i32 to index
        %parallel_loop3A_770 = arith.constant 80 : index
        %parallel_loop3A_771 = tpu.vector_load %arg16[%parallel_loop3A_769, %parallel_loop3A_770] {strides = array<i32>} : memref<400x128xf32, #tpu.memory_space<vmem>>, vector<1x16xf32>,
        %parallel_loop3A_772 = vector.shape_cast %parallel_loop3A_771 : vector<1x16xf32> to vector<16xf32>
        %parallel_loop3A_773 = arith.addf %parallel_loop3A_768, %parallel_loop3A_772 : vector<16xf32>
        %parallel_loop3A_774 = arith.mulf %parallel_loop3A_773, %parallel_loop3A_773 : vector<16xf32>
        %parallel_loop3A_775 = arith.index_cast %parallel_loop3A_702 : i32 to index
        %parallel_loop3A_776 = arith.constant 96 : index
        %parallel_loop3A_777 = tpu.vector_load %arg10[%parallel_loop3A_775, %parallel_loop3A_776] {strides = array<i32>} : memref<104x128xf32, #tpu.memory_space<vmem>>, vector<1x16xf32>,
        %parallel_loop3A_778 = vector.shape_cast %parallel_loop3A_777 : vector<1x16xf32> to vector<16xf32>
        %parallel_loop3A_779 = arith.index_cast %parallel_loop3A_714 : i32 to index
        %parallel_loop3A_780 = arith.constant 96 : index
        %parallel_loop3A_781 = tpu.vector_load %arg16[%parallel_loop3A_779, %parallel_loop3A_780] {strides = array<i32>} : memref<400x128xf32, #tpu.memory_space<vmem>>, vector<1x16xf32>,
        %parallel_loop3A_782 = vector.shape_cast %parallel_loop3A_781 : vector<1x16xf32> to vector<16xf32>
        %parallel_loop3A_783 = arith.addf %parallel_loop3A_778, %parallel_loop3A_782 : vector<16xf32>
        %parallel_loop3A_784 = arith.mulf %parallel_loop3A_783, %parallel_loop3A_783 : vector<16xf32>
        %parallel_loop3A_785 = arith.index_cast %parallel_loop3A_702 : i32 to index
        %parallel_loop3A_786 = arith.constant 112 : index
        %parallel_loop3A_787 = tpu.vector_load %arg10[%parallel_loop3A_785, %parallel_loop3A_786] {strides = array<i32>} : memref<104x128xf32, #tpu.memory_space<vmem>>, vector<1x16xf32>,
        %parallel_loop3A_788 = vector.shape_cast %parallel_loop3A_787 : vector<1x16xf32> to vector<16xf32>
        %parallel_loop3A_789 = arith.index_cast %parallel_loop3A_714 : i32 to index
        %parallel_loop3A_790 = arith.constant 112 : index
        %parallel_loop3A_791 = tpu.vector_load %arg16[%parallel_loop3A_789, %parallel_loop3A_790] {strides = array<i32>} : memref<400x128xf32, #tpu.memory_space<vmem>>, vector<1x16xf32>,
        %parallel_loop3A_792 = vector.shape_cast %parallel_loop3A_791 : vector<1x16xf32> to vector<16xf32>
        %parallel_loop3A_793 = arith.addf %parallel_loop3A_788, %parallel_loop3A_792 : vector<16xf32>
        %parallel_loop3A_794 = arith.mulf %parallel_loop3A_793, %parallel_loop3A_793 : vector<16xf32>
        %parallel_loop3A_795 = arith.addf %parallel_loop3A_723, %parallel_loop3A_733 : vector<16xf32>
        %parallel_loop3A_796 = arith.addf %parallel_loop3A_743, %parallel_loop3A_753 : vector<16xf32>
        %parallel_loop3A_797 = arith.addf %parallel_loop3A_763, %parallel_loop3A_773 : vector<16xf32>
        %parallel_loop3A_798 = arith.addf %parallel_loop3A_783, %parallel_loop3A_793 : vector<16xf32>
        %parallel_loop3A_799 = arith.addf %parallel_loop3A_795, %parallel_loop3A_796 : vector<16xf32>
        %parallel_loop3A_800 = arith.addf %parallel_loop3A_797, %parallel_loop3A_798 : vector<16xf32>
        %parallel_loop3A_801 = arith.addf %parallel_loop3A_799, %parallel_loop3A_800 : vector<16xf32>
        %parallel_loop3A_802 = arith.addf %parallel_loop3A_724, %parallel_loop3A_734 : vector<16xf32>
        %parallel_loop3A_803 = arith.addf %parallel_loop3A_744, %parallel_loop3A_754 : vector<16xf32>
        %parallel_loop3A_804 = arith.addf %parallel_loop3A_764, %parallel_loop3A_774 : vector<16xf32>
        %parallel_loop3A_805 = arith.addf %parallel_loop3A_784, %parallel_loop3A_794 : vector<16xf32>
        %parallel_loop3A_806 = arith.addf %parallel_loop3A_802, %parallel_loop3A_803 : vector<16xf32>
        %parallel_loop3A_807 = arith.addf %parallel_loop3A_804, %parallel_loop3A_805 : vector<16xf32>
        %parallel_loop3A_808 = arith.addf %parallel_loop3A_806, %parallel_loop3A_807 : vector<16xf32>
        %parallel_loop3A_809 = tpu.iota {dimensions = array<i32: 0>} : vector<16xi32>
        %parallel_loop3A_810 = arith.constant 8 : i32
        %parallel_loop3A_811 = vector.broadcast %parallel_loop3A_810 : i32 to vector<16xi32>
        %parallel_loop3A_812 = arith.xori %parallel_loop3A_809, %parallel_loop3A_811 : vector<16xi32>
        %parallel_loop3A_813 = vector.shape_cast %parallel_loop3A_812 : vector<16xi32> to vector<16x1xi32>
        %parallel_loop3A_814 = vector.shape_cast %parallel_loop3A_813 : vector<16x1xi32> to vector<16xi32>
        %parallel_loop3A_815 = tpu.dynamic_gather %parallel_loop3A_801[%parallel_loop3A_814] in [0] : vector<16xf32>, vector<16xi32> -> vector<16xf32>
        %parallel_loop3A_816 = arith.addf %parallel_loop3A_801, %parallel_loop3A_815 : vector<16xf32>
        %parallel_loop3A_817 = tpu.iota {dimensions = array<i32: 0>} : vector<16xi32>
        %parallel_loop3A_818 = arith.constant 8 : i32
        %parallel_loop3A_819 = vector.broadcast %parallel_loop3A_818 : i32 to vector<16xi32>
        %parallel_loop3A_820 = arith.xori %parallel_loop3A_817, %parallel_loop3A_819 : vector<16xi32>
        %parallel_loop3A_821 = vector.shape_cast %parallel_loop3A_820 : vector<16xi32> to vector<16x1xi32>
        %parallel_loop3A_822 = vector.shape_cast %parallel_loop3A_821 : vector<16x1xi32> to vector<16xi32>
        %parallel_loop3A_823 = tpu.dynamic_gather %parallel_loop3A_808[%parallel_loop3A_822] in [0] : vector<16xf32>, vector<16xi32> -> vector<16xf32>
        %parallel_loop3A_824 = arith.addf %parallel_loop3A_808, %parallel_loop3A_823 : vector<16xf32>
        %parallel_loop3A_825 = tpu.iota {dimensions = array<i32: 0>} : vector<16xi32>
        %parallel_loop3A_826 = arith.constant 8 : i32
        %parallel_loop3A_827 = vector.broadcast %parallel_loop3A_826 : i32 to vector<16xi32>
        %parallel_loop3A_828 = arith.cmpi slt, %parallel_loop3A_825, %parallel_loop3A_827 : vector<16xi32>
        %parallel_loop3A_829 = arith.select %parallel_loop3A_828, %parallel_loop3A_816, %parallel_loop3A_824 : vector<16xi1>, vector<16xf32>
        %parallel_loop3A_830 = tpu.iota {dimensions = array<i32: 0>} : vector<16xi32>
        %parallel_loop3A_831 = arith.constant 4 : i32
        %parallel_loop3A_832 = vector.broadcast %parallel_loop3A_831 : i32 to vector<16xi32>
        %parallel_loop3A_833 = arith.xori %parallel_loop3A_830, %parallel_loop3A_832 : vector<16xi32>
        %parallel_loop3A_834 = vector.shape_cast %parallel_loop3A_833 : vector<16xi32> to vector<16x1xi32>
        %parallel_loop3A_835 = vector.shape_cast %parallel_loop3A_834 : vector<16x1xi32> to vector<16xi32>
        %parallel_loop3A_836 = tpu.dynamic_gather %parallel_loop3A_829[%parallel_loop3A_835] in [0] : vector<16xf32>, vector<16xi32> -> vector<16xf32>
        %parallel_loop3A_837 = arith.addf %parallel_loop3A_829, %parallel_loop3A_836 : vector<16xf32>
        %parallel_loop3A_838 = tpu.iota {dimensions = array<i32: 0>} : vector<16xi32>
        %parallel_loop3A_839 = arith.constant 2 : i32
        %parallel_loop3A_840 = vector.broadcast %parallel_loop3A_839 : i32 to vector<16xi32>
        %parallel_loop3A_841 = arith.xori %parallel_loop3A_838, %parallel_loop3A_840 : vector<16xi32>
        %parallel_loop3A_842 = vector.shape_cast %parallel_loop3A_841 : vector<16xi32> to vector<16x1xi32>
        %parallel_loop3A_843 = vector.shape_cast %parallel_loop3A_842 : vector<16x1xi32> to vector<16xi32>
        %parallel_loop3A_844 = tpu.dynamic_gather %parallel_loop3A_837[%parallel_loop3A_843] in [0] : vector<16xf32>, vector<16xi32> -> vector<16xf32>
        %parallel_loop3A_845 = arith.addf %parallel_loop3A_837, %parallel_loop3A_844 : vector<16xf32>
        %parallel_loop3A_846 = tpu.iota {dimensions = array<i32: 0>} : vector<16xi32>
        %parallel_loop3A_847 = arith.constant 1 : i32
        %parallel_loop3A_848 = vector.broadcast %parallel_loop3A_847 : i32 to vector<16xi32>
        %parallel_loop3A_849 = arith.xori %parallel_loop3A_846, %parallel_loop3A_848 : vector<16xi32>
        %parallel_loop3A_850 = vector.shape_cast %parallel_loop3A_849 : vector<16xi32> to vector<16x1xi32>
        %parallel_loop3A_851 = vector.shape_cast %parallel_loop3A_850 : vector<16x1xi32> to vector<16xi32>
        %parallel_loop3A_852 = tpu.dynamic_gather %parallel_loop3A_845[%parallel_loop3A_851] in [0] : vector<16xf32>, vector<16xi32> -> vector<16xf32>
        %parallel_loop3A_853 = arith.addf %parallel_loop3A_845, %parallel_loop3A_852 : vector<16xf32>
        %parallel_loop3A_854 = arith.constant 0 : i32
        %parallel_loop3A_855 = vector.broadcast %parallel_loop3A_854 : i32 to vector<16x1xi32>
        %parallel_loop3A_856 = vector.shape_cast %parallel_loop3A_855 : vector<16x1xi32> to vector<16xi32>
        %parallel_loop3A_857 = tpu.dynamic_gather %parallel_loop3A_853[%parallel_loop3A_856] in [0] : vector<16xf32>, vector<16xi32> -> vector<16xf32>
        %parallel_loop3A_858 = arith.constant 7.812500e-03 : f32
        %parallel_loop3A_859 = vector.broadcast %parallel_loop3A_858 : f32 to vector<16xf32>
        %parallel_loop3A_860 = arith.mulf %parallel_loop3A_857, %parallel_loop3A_859 : vector<16xf32>
        %parallel_loop3A_861 = arith.constant 8 : i32
        %parallel_loop3A_862 = vector.broadcast %parallel_loop3A_861 : i32 to vector<16x1xi32>
        %parallel_loop3A_863 = vector.shape_cast %parallel_loop3A_862 : vector<16x1xi32> to vector<16xi32>
        %parallel_loop3A_864 = tpu.dynamic_gather %parallel_loop3A_853[%parallel_loop3A_863] in [0] : vector<16xf32>, vector<16xi32> -> vector<16xf32>
        %parallel_loop3A_865 = arith.constant 7.812500e-03 : f32
        %parallel_loop3A_866 = vector.broadcast %parallel_loop3A_865 : f32 to vector<16xf32>
        %parallel_loop3A_867 = arith.mulf %parallel_loop3A_864, %parallel_loop3A_866 : vector<16xf32>
        %parallel_loop3A_868 = arith.mulf %parallel_loop3A_860, %parallel_loop3A_860 : vector<16xf32>
        %parallel_loop3A_869 = arith.subf %parallel_loop3A_867, %parallel_loop3A_868 : vector<16xf32>
        %parallel_loop3A_870 = arith.constant 9.99999996E-13 : f32
        %parallel_loop3A_871 = vector.broadcast %parallel_loop3A_870 : f32 to vector<16xf32>
        %parallel_loop3A_872 = arith.addf %parallel_loop3A_869, %parallel_loop3A_871 : vector<16xf32>
        %parallel_loop3A_873 = tpu.bitcast %parallel_loop3A_872 : vector<16xf32> -> vector<16xi32>
        %parallel_loop3A_874 = arith.constant 1 : i32
        %parallel_loop3A_875 = vector.broadcast %parallel_loop3A_874 : i32 to vector<16xi32>
        %parallel_loop3A_876 = arith.shrsi %parallel_loop3A_873, %parallel_loop3A_875 : vector<16xi32>
        %parallel_loop3A_877 = arith.constant 1597463007 : i32
        %parallel_loop3A_878 = vector.broadcast %parallel_loop3A_877 : i32 to vector<16xi32>
        %parallel_loop3A_879 = arith.subi %parallel_loop3A_878, %parallel_loop3A_876 : vector<16xi32>
        %parallel_loop3A_880 = tpu.bitcast %parallel_loop3A_879 : vector<16xi32> -> vector<16xf32>
        %parallel_loop3A_881 = arith.constant 5.000000e-01 : f32
        %parallel_loop3A_882 = vector.broadcast %parallel_loop3A_881 : f32 to vector<16xf32>
        %parallel_loop3A_883 = arith.mulf %parallel_loop3A_882, %parallel_loop3A_872 : vector<16xf32>
        %parallel_loop3A_884 = arith.mulf %parallel_loop3A_883, %parallel_loop3A_880 : vector<16xf32>
        %parallel_loop3A_885 = arith.mulf %parallel_loop3A_884, %parallel_loop3A_880 : vector<16xf32>
        %parallel_loop3A_886 = arith.constant 1.500000e+00 : f32
        %parallel_loop3A_887 = vector.broadcast %parallel_loop3A_886 : f32 to vector<16xf32>
        %parallel_loop3A_888 = arith.subf %parallel_loop3A_887, %parallel_loop3A_885 : vector<16xf32>
        %parallel_loop3A_889 = arith.mulf %parallel_loop3A_880, %parallel_loop3A_888 : vector<16xf32>
        %parallel_loop3A_890 = arith.subf %parallel_loop3A_723, %parallel_loop3A_860 : vector<16xf32>
        %parallel_loop3A_891 = arith.mulf %parallel_loop3A_890, %parallel_loop3A_889 : vector<16xf32>
        %parallel_loop3A_892 = arith.mulf %parallel_loop3A_891, %get3A_254 : vector<16xf32>
        %parallel_loop3A_893 = arith.addf %parallel_loop3A_892, %get3A_278 : vector<16xf32>
        %parallel_loop3A_894 = arith.index_cast %parallel_loop3A_702 : i32 to index
        %parallel_loop3A_895 = arith.constant 0 : index
        %parallel_loop3A_896 = tpu.vector_load %arg10[%parallel_loop3A_894, %parallel_loop3A_895] {strides = array<i32>} : memref<104x128xf32, #tpu.memory_space<vmem>>, vector<1x16xf32>,
        %parallel_loop3A_897 = vector.shape_cast %parallel_loop3A_896 : vector<1x16xf32> to vector<16xf32>
        %parallel_loop3A_898 = vector.shape_cast %parallel_loop3A_893 : vector<16xf32> to vector<1x16xf32>
        tpu.vector_store %arg10[%parallel_loop3A_894, %parallel_loop3A_895], %parallel_loop3A_898 {strides = array<i32>} : memref<104x128xf32, #tpu.memory_space<vmem>>, vector<1x16xf32>,
        %parallel_loop3A_899 = arith.subf %parallel_loop3A_733, %parallel_loop3A_860 : vector<16xf32>
        %parallel_loop3A_900 = arith.mulf %parallel_loop3A_899, %parallel_loop3A_889 : vector<16xf32>
        %parallel_loop3A_901 = arith.mulf %parallel_loop3A_900, %get3A_257 : vector<16xf32>
        %parallel_loop3A_902 = arith.addf %parallel_loop3A_901, %get3A_281 : vector<16xf32>
        %parallel_loop3A_903 = arith.index_cast %parallel_loop3A_702 : i32 to index
        %parallel_loop3A_904 = arith.constant 16 : index
        %parallel_loop3A_905 = tpu.vector_load %arg10[%parallel_loop3A_903, %parallel_loop3A_904] {strides = array<i32>} : memref<104x128xf32, #tpu.memory_space<vmem>>, vector<1x16xf32>,
        %parallel_loop3A_906 = vector.shape_cast %parallel_loop3A_905 : vector<1x16xf32> to vector<16xf32>
        %parallel_loop3A_907 = vector.shape_cast %parallel_loop3A_902 : vector<16xf32> to vector<1x16xf32>
        tpu.vector_store %arg10[%parallel_loop3A_903, %parallel_loop3A_904], %parallel_loop3A_907 {strides = array<i32>} : memref<104x128xf32, #tpu.memory_space<vmem>>, vector<1x16xf32>,
        %parallel_loop3A_908 = arith.subf %parallel_loop3A_743, %parallel_loop3A_860 : vector<16xf32>
        %parallel_loop3A_909 = arith.mulf %parallel_loop3A_908, %parallel_loop3A_889 : vector<16xf32>
        %parallel_loop3A_910 = arith.mulf %parallel_loop3A_909, %get3A_260 : vector<16xf32>
        %parallel_loop3A_911 = arith.addf %parallel_loop3A_910, %get3A_284 : vector<16xf32>
        %parallel_loop3A_912 = arith.index_cast %parallel_loop3A_702 : i32 to index
        %parallel_loop3A_913 = arith.constant 32 : index
        %parallel_loop3A_914 = tpu.vector_load %arg10[%parallel_loop3A_912, %parallel_loop3A_913] {strides = array<i32>} : memref<104x128xf32, #tpu.memory_space<vmem>>, vector<1x16xf32>,
        %parallel_loop3A_915 = vector.shape_cast %parallel_loop3A_914 : vector<1x16xf32> to vector<16xf32>
        %parallel_loop3A_916 = vector.shape_cast %parallel_loop3A_911 : vector<16xf32> to vector<1x16xf32>
        tpu.vector_store %arg10[%parallel_loop3A_912, %parallel_loop3A_913], %parallel_loop3A_916 {strides = array<i32>} : memref<104x128xf32, #tpu.memory_space<vmem>>, vector<1x16xf32>,
        %parallel_loop3A_917 = arith.subf %parallel_loop3A_753, %parallel_loop3A_860 : vector<16xf32>
        %parallel_loop3A_918 = arith.mulf %parallel_loop3A_917, %parallel_loop3A_889 : vector<16xf32>
        %parallel_loop3A_919 = arith.mulf %parallel_loop3A_918, %get3A_263 : vector<16xf32>
        %parallel_loop3A_920 = arith.addf %parallel_loop3A_919, %get3A_287 : vector<16xf32>
        %parallel_loop3A_921 = arith.index_cast %parallel_loop3A_702 : i32 to index
        %parallel_loop3A_922 = arith.constant 48 : index
        %parallel_loop3A_923 = tpu.vector_load %arg10[%parallel_loop3A_921, %parallel_loop3A_922] {strides = array<i32>} : memref<104x128xf32, #tpu.memory_space<vmem>>, vector<1x16xf32>,
        %parallel_loop3A_924 = vector.shape_cast %parallel_loop3A_923 : vector<1x16xf32> to vector<16xf32>
        %parallel_loop3A_925 = vector.shape_cast %parallel_loop3A_920 : vector<16xf32> to vector<1x16xf32>
        tpu.vector_store %arg10[%parallel_loop3A_921, %parallel_loop3A_922], %parallel_loop3A_925 {strides = array<i32>} : memref<104x128xf32, #tpu.memory_space<vmem>>, vector<1x16xf32>,
        %parallel_loop3A_926 = arith.subf %parallel_loop3A_763, %parallel_loop3A_860 : vector<16xf32>
        %parallel_loop3A_927 = arith.mulf %parallel_loop3A_926, %parallel_loop3A_889 : vector<16xf32>
        %parallel_loop3A_928 = arith.mulf %parallel_loop3A_927, %get3A_266 : vector<16xf32>
        %parallel_loop3A_929 = arith.addf %parallel_loop3A_928, %get3A_290 : vector<16xf32>
        %parallel_loop3A_930 = arith.index_cast %parallel_loop3A_702 : i32 to index
        %parallel_loop3A_931 = arith.constant 64 : index
        %parallel_loop3A_932 = tpu.vector_load %arg10[%parallel_loop3A_930, %parallel_loop3A_931] {strides = array<i32>} : memref<104x128xf32, #tpu.memory_space<vmem>>, vector<1x16xf32>,
        %parallel_loop3A_933 = vector.shape_cast %parallel_loop3A_932 : vector<1x16xf32> to vector<16xf32>
        %parallel_loop3A_934 = vector.shape_cast %parallel_loop3A_929 : vector<16xf32> to vector<1x16xf32>
        tpu.vector_store %arg10[%parallel_loop3A_930, %parallel_loop3A_931], %parallel_loop3A_934 {strides = array<i32>} : memref<104x128xf32, #tpu.memory_space<vmem>>, vector<1x16xf32>,
        %parallel_loop3A_935 = arith.subf %parallel_loop3A_773, %parallel_loop3A_860 : vector<16xf32>
        %parallel_loop3A_936 = arith.mulf %parallel_loop3A_935, %parallel_loop3A_889 : vector<16xf32>
        %parallel_loop3A_937 = arith.mulf %parallel_loop3A_936, %get3A_269 : vector<16xf32>
        %parallel_loop3A_938 = arith.addf %parallel_loop3A_937, %get3A_293 : vector<16xf32>
        %parallel_loop3A_939 = arith.index_cast %parallel_loop3A_702 : i32 to index
        %parallel_loop3A_940 = arith.constant 80 : index
        %parallel_loop3A_941 = tpu.vector_load %arg10[%parallel_loop3A_939, %parallel_loop3A_940] {strides = array<i32>} : memref<104x128xf32, #tpu.memory_space<vmem>>, vector<1x16xf32>,
        %parallel_loop3A_942 = vector.shape_cast %parallel_loop3A_941 : vector<1x16xf32> to vector<16xf32>
        %parallel_loop3A_943 = vector.shape_cast %parallel_loop3A_938 : vector<16xf32> to vector<1x16xf32>
        tpu.vector_store %arg10[%parallel_loop3A_939, %parallel_loop3A_940], %parallel_loop3A_943 {strides = array<i32>} : memref<104x128xf32, #tpu.memory_space<vmem>>, vector<1x16xf32>,
        %parallel_loop3A_944 = arith.subf %parallel_loop3A_783, %parallel_loop3A_860 : vector<16xf32>
        %parallel_loop3A_945 = arith.mulf %parallel_loop3A_944, %parallel_loop3A_889 : vector<16xf32>
        %parallel_loop3A_946 = arith.mulf %parallel_loop3A_945, %get3A_272 : vector<16xf32>
        %parallel_loop3A_947 = arith.addf %parallel_loop3A_946, %get3A_296 : vector<16xf32>
        %parallel_loop3A_948 = arith.index_cast %parallel_loop3A_702 : i32 to index
        %parallel_loop3A_949 = arith.constant 96 : index
        %parallel_loop3A_950 = tpu.vector_load %arg10[%parallel_loop3A_948, %parallel_loop3A_949] {strides = array<i32>} : memref<104x128xf32, #tpu.memory_space<vmem>>, vector<1x16xf32>,
        %parallel_loop3A_951 = vector.shape_cast %parallel_loop3A_950 : vector<1x16xf32> to vector<16xf32>
        %parallel_loop3A_952 = vector.shape_cast %parallel_loop3A_947 : vector<16xf32> to vector<1x16xf32>
        tpu.vector_store %arg10[%parallel_loop3A_948, %parallel_loop3A_949], %parallel_loop3A_952 {strides = array<i32>} : memref<104x128xf32, #tpu.memory_space<vmem>>, vector<1x16xf32>,
        %parallel_loop3A_953 = arith.subf %parallel_loop3A_793, %parallel_loop3A_860 : vector<16xf32>
        %parallel_loop3A_954 = arith.mulf %parallel_loop3A_953, %parallel_loop3A_889 : vector<16xf32>
        %parallel_loop3A_955 = arith.mulf %parallel_loop3A_954, %get3A_275 : vector<16xf32>
        %parallel_loop3A_956 = arith.addf %parallel_loop3A_955, %get3A_299 : vector<16xf32>
        %parallel_loop3A_957 = arith.index_cast %parallel_loop3A_702 : i32 to index
        %parallel_loop3A_958 = arith.constant 112 : index
        %parallel_loop3A_959 = tpu.vector_load %arg10[%parallel_loop3A_957, %parallel_loop3A_958] {strides = array<i32>} : memref<104x128xf32, #tpu.memory_space<vmem>>, vector<1x16xf32>,
        %parallel_loop3A_960 = vector.shape_cast %parallel_loop3A_959 : vector<1x16xf32> to vector<16xf32>
        %parallel_loop3A_961 = vector.shape_cast %parallel_loop3A_956 : vector<16xf32> to vector<1x16xf32>
        tpu.vector_store %arg10[%parallel_loop3A_957, %parallel_loop3A_958], %parallel_loop3A_961 {strides = array<i32>} : memref<104x128xf32, #tpu.memory_space<vmem>>, vector<1x16xf32>,
      } {sc.loop_unroll_factor = 8 : i64, sc.parallel_access}
      %dma_start3A_303 = arith.constant 0 : i32
      %dma_start3A_304 = arith.constant 0 : i32
      %dma_start3A_305 = arith.constant 0 : i32
      %dma_start3A_306 = tpu.memref_slice %arg10[%dma_start3A_304, %dma_start3A_305] : memref<104x128xf32, #tpu.memory_space<vmem>> -> memref<104x128xf32, #tpu.memory_space<vmem>>
      %dma_start3A_307 = arith.constant 0 : i32
      %dma_start3A_308 = arith.constant 0 : i32
      %dma_start3A_309 = tpu.memref_slice %arg9[%add3A_215, %dma_start3A_307, %dma_start3A_308] : memref<4096x200x128xf32, #tpu.memory_space<hbm>> -> memref<1x104x128xf32, #tpu.memory_space<hbm>>
      %dma_start3A_310 = tpu.memref_squeeze %dma_start3A_309 : memref<1x104x128xf32, #tpu.memory_space<hbm>> -> memref<104x128xf32, #tpu.memory_space<hbm>>
      %dma_start3A_311 = tpu.memref_slice %arg21[%dma_start3A_303] : memref<4x!tpu.dma_semaphore, #tpu.memory_space<semaphore_mem>> -> memref<1x!tpu.dma_semaphore, #tpu.memory_space<semaphore_mem>>
      %dma_start3A_312 = tpu.memref_squeeze %dma_start3A_311 : memref<1x!tpu.dma_semaphore, #tpu.memory_space<semaphore_mem>> -> memref<!tpu.dma_semaphore, #tpu.memory_space<semaphore_mem>>
      %dma_start3A_313 = arith.constant 0 : i32
      %dma_start3A_314 = arith.constant 0 : i32
      %dma_start3A_315 = tpu.memref_slice %arg9[%add3A_215, %dma_start3A_313, %dma_start3A_314] : memref<4096x200x128xf32, #tpu.memory_space<hbm>> -> memref<1x104x128xf32, #tpu.memory_space<hbm>>
      %dma_start3A_316 = tpu.memref_squeeze %dma_start3A_315 : memref<1x104x128xf32, #tpu.memory_space<hbm>> -> memref<104x128xf32, #tpu.memory_space<hbm>>
      %dma_start3A_317 = arith.constant 0 : i32
      %dma_start3A_318 = arith.constant 0 : i32
      %dma_start3A_319 = tpu.memref_slice %arg10[%dma_start3A_317, %dma_start3A_318] : memref<104x128xf32, #tpu.memory_space<vmem>> -> memref<104x128xf32, #tpu.memory_space<vmem>>
      tpu.enqueue_dma source(%dma_start3A_319 : memref<104x128xf32, #tpu.memory_space<vmem>>) target(%dma_start3A_316 : memref<104x128xf32, #tpu.memory_space<hbm>>) target_semaphore(%dma_start3A_312 : memref<!tpu.dma_semaphore, #tpu.memory_space<semaphore_mem>>)
      %add3A_320 = arith.constant 4 : i32
      %add3A_321 = arith.addi %add3A_210, %add3A_320 : i32
      %lt3A_322 = arith.constant 256 : i32
      %lt3A_323 = arith.cmpi slt, %add3A_321, %lt3A_322 : i32
      %convert_element_type3A_324 = arith.extui %lt3A_323 : i1 to i32
      %cond3A_325 = arith.constant 0 : i32
      %cond3A_326 = arith.cmpi ne, %convert_element_type3A_324, %cond3A_325 : i32
      scf.if %cond3A_326 {
        %add3A_702 = arith.constant 4 : i32
        %add3A_703 = arith.addi %add3A_210, %add3A_702 : i32
        %jit3A = arith.constant 2 : i32
        %div3A = arith.divsi %add3A_703, %jit3A : i32
        %sign3A = arith.constant 0 : i32
        %sign3A_704 = arith.cmpi sgt, %add3A_703, %sign3A : i32
        %sign3A_705 = arith.extui %sign3A_704 : i1 to i32
        %sign3A_706 = arith.constant 0 : i32
        %sign3A_707 = arith.cmpi slt, %add3A_703, %sign3A_706 : i32
        %sign3A_708 = arith.extui %sign3A_707 : i1 to i32
        %sign3A_709 = arith.subi %sign3A_705, %sign3A_708 : i32
        %sign3A_710 = arith.constant 0 : i32
        %sign3A_711 = arith.cmpi sgt, %jit3A, %sign3A_710 : i32
        %sign3A_712 = arith.extui %sign3A_711 : i1 to i32
        %sign3A_713 = arith.constant 0 : i32
        %sign3A_714 = arith.cmpi slt, %jit3A, %sign3A_713 : i32
        %sign3A_715 = arith.extui %sign3A_714 : i1 to i32
        %sign3A_716 = arith.subi %sign3A_712, %sign3A_715 : i32
        %ne3A = arith.cmpi ne, %sign3A_709, %sign3A_716 : i32
        %rem3A = arith.remsi %add3A_703, %jit3A : i32
        %ne3A_717 = arith.constant 0 : i32
        %ne3A_718 = arith.cmpi ne, %rem3A, %ne3A_717 : i32
        %and3A = arith.andi %ne3A, %ne3A_718 : i1
        %sub3A = arith.constant 1 : i32
        %sub3A_719 = arith.subi %div3A, %sub3A : i32
        %select_n3A = arith.select %and3A, %sub3A_719, %div3A : i32
        %mul3A_720 = arith.constant 200 : i32
        %mul3A_721 = arith.muli %select_n3A, %mul3A_720 : i32
        %add3A_722 = arith.constant 0 : i32
        %add3A_723 = arith.addi %mul3A_721, %add3A_722 : i32
        %add3A_724 = arith.addi %mul3A_4, %add3A_723 : i32
        %dma_start3A_725 = arith.constant 0 : i32
        %dma_start3A_726 = arith.constant 0 : i32
        %dma_start3A_727 = arith.constant 0 : i32
        %dma_start3A_728 = tpu.memref_slice %arg14[%dma_start3A_725, %dma_start3A_727] : memref<4x112xi32, #tpu.memory_space<vmem>> -> memref<1x104xi32, #tpu.memory_space<vmem>>
        %dma_start3A_729 = tpu.memref_squeeze %dma_start3A_728 : memref<1x104xi32, #tpu.memory_space<vmem>> -> memref<104xi32, #tpu.memory_space<vmem>>
        %dma_start3A_730 = tpu.memref_slice %arg2[%add3A_724] : memref<819200xi32, #tpu.memory_space<hbm>> -> memref<104xi32, #tpu.memory_space<hbm>>
        %dma_start3A_731 = tpu.memref_slice %arg22[%dma_start3A_726] : memref<4x!tpu.dma_semaphore, #tpu.memory_space<semaphore_mem>> -> memref<1x!tpu.dma_semaphore, #tpu.memory_space<semaphore_mem>>
        %dma_start3A_732 = tpu.memref_squeeze %dma_start3A_731 : memref<1x!tpu.dma_semaphore, #tpu.memory_space<semaphore_mem>> -> memref<!tpu.dma_semaphore, #tpu.memory_space<semaphore_mem>>
        %dma_start3A_733 = arith.constant 0 : i32
        %dma_start3A_734 = tpu.memref_slice %arg14[%dma_start3A_725, %dma_start3A_733] : memref<4x112xi32, #tpu.memory_space<vmem>> -> memref<1x104xi32, #tpu.memory_space<vmem>>
        %dma_start3A_735 = tpu.memref_squeeze %dma_start3A_734 : memref<1x104xi32, #tpu.memory_space<vmem>> -> memref<104xi32, #tpu.memory_space<vmem>>
        %dma_start3A_736 = tpu.memref_slice %arg2[%add3A_724] : memref<819200xi32, #tpu.memory_space<hbm>> -> memref<104xi32, #tpu.memory_space<hbm>>
        tpu.enqueue_dma source(%dma_start3A_736 : memref<104xi32, #tpu.memory_space<hbm>>) target(%dma_start3A_735 : memref<104xi32, #tpu.memory_space<vmem>>) target_semaphore(%dma_start3A_732 : memref<!tpu.dma_semaphore, #tpu.memory_space<semaphore_mem>>)
        %add3A_737 = arith.addi %mul3A_4, %add3A_723 : i32
        %dma_start3A_738 = arith.constant 0 : i32
        %dma_start3A_739 = arith.constant 0 : i32
        %dma_start3A_740 = arith.constant 0 : i32
        %dma_start3A_741 = tpu.memref_slice %arg15[%dma_start3A_738, %dma_start3A_740] : memref<4x120xi32, #tpu.memory_space<vmem>> -> memref<1x104xi32, #tpu.memory_space<vmem>>
        %dma_start3A_742 = tpu.memref_squeeze %dma_start3A_741 : memref<1x104xi32, #tpu.memory_space<vmem>> -> memref<104xi32, #tpu.memory_space<vmem>>
        %dma_start3A_743 = tpu.memref_slice %arg3[%add3A_737] : memref<819200xi32, #tpu.memory_space<hbm>> -> memref<104xi32, #tpu.memory_space<hbm>>
        %dma_start3A_744 = tpu.memref_slice %arg23[%dma_start3A_739] : memref<4x!tpu.dma_semaphore, #tpu.memory_space<semaphore_mem>> -> memref<1x!tpu.dma_semaphore, #tpu.memory_space<semaphore_mem>>
        %dma_start3A_745 = tpu.memref_squeeze %dma_start3A_744 : memref<1x!tpu.dma_semaphore, #tpu.memory_space<semaphore_mem>> -> memref<!tpu.dma_semaphore, #tpu.memory_space<semaphore_mem>>
        %dma_start3A_746 = arith.constant 0 : i32
        %dma_start3A_747 = tpu.memref_slice %arg15[%dma_start3A_738, %dma_start3A_746] : memref<4x120xi32, #tpu.memory_space<vmem>> -> memref<1x104xi32, #tpu.memory_space<vmem>>
        %dma_start3A_748 = tpu.memref_squeeze %dma_start3A_747 : memref<1x104xi32, #tpu.memory_space<vmem>> -> memref<104xi32, #tpu.memory_space<vmem>>
        %dma_start3A_749 = tpu.memref_slice %arg3[%add3A_737] : memref<819200xi32, #tpu.memory_space<hbm>> -> memref<104xi32, #tpu.memory_space<hbm>>
        tpu.enqueue_dma source(%dma_start3A_749 : memref<104xi32, #tpu.memory_space<hbm>>) target(%dma_start3A_748 : memref<104xi32, #tpu.memory_space<vmem>>) target_semaphore(%dma_start3A_745 : memref<!tpu.dma_semaphore, #tpu.memory_space<semaphore_mem>>)
      } else {
      }
      %mul3A_327 = arith.constant 4 : i32
      %mul3A_328 = arith.muli %scan3A_206, %mul3A_327 : i32
      %add3A_329 = arith.constant 1 : i32
      %add3A_330 = arith.addi %mul3A_328, %add3A_329 : i32
      %mul3A_331 = arith.constant 2 : i32
      %mul3A_332 = arith.muli %scan3A_206, %mul3A_331 : i32
      %add3A_333 = arith.constant 0 : i32
      %add3A_334 = arith.addi %mul3A_332, %add3A_333 : i32
      %add3A_335 = arith.addi %mul3A_2, %add3A_334 : i32
      %mul3A_336 = arith.constant 200 : i32
      %mul3A_337 = arith.muli %add3A_334, %mul3A_336 : i32
      %add3A_338 = arith.constant 104 : i32
      %add3A_339 = arith.addi %mul3A_337, %add3A_338 : i32
      %dma_wait3A_340 = arith.constant 1 : i32
      %dma_wait3A_341 = arith.constant 1 : i32
      %dma_wait3A_342 = arith.constant 0 : i32
      %dma_wait3A_343 = arith.constant 0 : i32
      %dma_wait3A_344 = tpu.memref_slice %arg11[%dma_wait3A_342, %dma_wait3A_343] : memref<104x128xf32, #tpu.memory_space<vmem>> -> memref<96x128xf32, #tpu.memory_space<vmem>>
      %dma_wait3A_345 = arith.constant 0 : i32
      %dma_wait3A_346 = tpu.memref_slice %arg14[%dma_wait3A_340, %dma_wait3A_345] : memref<4x112xi32, #tpu.memory_space<vmem>> -> memref<1x96xi32, #tpu.memory_space<vmem>>
      %dma_wait3A_347 = tpu.memref_squeeze %dma_wait3A_346 : memref<1x96xi32, #tpu.memory_space<vmem>> -> memref<96xi32, #tpu.memory_space<vmem>>
      %dma_wait3A_348 = arith.constant 0 : i32
      %dma_wait3A_349 = arith.constant 0 : i32
      %dma_wait3A_350 = tpu.memref_slice %arg4[%dma_wait3A_348, %dma_wait3A_349] : memref<100000x128xf32, #tpu.memory_space<hbm>> -> memref<100000x128xf32, #tpu.memory_space<hbm>>
      %dma_wait3A_351 = tpu.memref_slice %arg20[%dma_wait3A_341] : memref<4x!tpu.dma_semaphore, #tpu.memory_space<semaphore_mem>> -> memref<1x!tpu.dma_semaphore, #tpu.memory_space<semaphore_mem>>
      %dma_wait3A_352 = tpu.memref_squeeze %dma_wait3A_351 : memref<1x!tpu.dma_semaphore, #tpu.memory_space<semaphore_mem>> -> memref<!tpu.dma_semaphore, #tpu.memory_space<semaphore_mem>>
      tpu.wait_indirect_dma semaphore(%dma_wait3A_352 : memref<!tpu.dma_semaphore, #tpu.memory_space<semaphore_mem>>) src(%dma_wait3A_350 : memref<100000x128xf32, #tpu.memory_space<hbm>>) dst(%dma_wait3A_344 : memref<96x128xf32, #tpu.memory_space<vmem>>)
      %dma_wait3A_353 = arith.constant 1 : i32
      %dma_wait3A_354 = arith.constant 1 : i32
      %dma_wait3A_355 = arith.constant 0 : i32
      %dma_wait3A_356 = tpu.memref_slice %arg15[%dma_wait3A_353, %dma_wait3A_355] : memref<4x120xi32, #tpu.memory_space<vmem>> -> memref<1x96xi32, #tpu.memory_space<vmem>>
      %dma_wait3A_357 = tpu.memref_squeeze %dma_wait3A_356 : memref<1x96xi32, #tpu.memory_space<vmem>> -> memref<96xi32, #tpu.memory_space<vmem>>
      %dma_wait3A_358 = tpu.memref_slice %arg3[%mul3A_4] : memref<819200xi32, #tpu.memory_space<hbm>> -> memref<96xi32, #tpu.memory_space<hbm>>
      %dma_wait3A_359 = tpu.memref_slice %arg23[%dma_wait3A_354] : memref<4x!tpu.dma_semaphore, #tpu.memory_space<semaphore_mem>> -> memref<1x!tpu.dma_semaphore, #tpu.memory_space<semaphore_mem>>
      %dma_wait3A_360 = tpu.memref_squeeze %dma_wait3A_359 : memref<1x!tpu.dma_semaphore, #tpu.memory_space<semaphore_mem>> -> memref<!tpu.dma_semaphore, #tpu.memory_space<semaphore_mem>>
      %dma_wait3A_361 = arith.constant 0 : i32
      %dma_wait3A_362 = tpu.memref_slice %arg15[%dma_wait3A_353, %dma_wait3A_361] : memref<4x120xi32, #tpu.memory_space<vmem>> -> memref<1x96xi32, #tpu.memory_space<vmem>>
      %dma_wait3A_363 = tpu.memref_squeeze %dma_wait3A_362 : memref<1x96xi32, #tpu.memory_space<vmem>> -> memref<96xi32, #tpu.memory_space<vmem>>
      %dma_wait3A_364 = tpu.memref_slice %arg3[%mul3A_4] : memref<819200xi32, #tpu.memory_space<hbm>> -> memref<96xi32, #tpu.memory_space<hbm>>
      tpu.wait_dma2 semaphore(%dma_wait3A_360 : memref<!tpu.dma_semaphore, #tpu.memory_space<semaphore_mem>>) src(%dma_wait3A_364 : memref<96xi32, #tpu.memory_space<hbm>>) dst(%dma_wait3A_363 : memref<96xi32, #tpu.memory_space<vmem>>)
      %ge3A_365 = arith.constant 2 : i32
      %ge3A_366 = arith.cmpi sge, %add3A_330, %ge3A_365 : i32
      %convert_element_type3A_367 = arith.extui %ge3A_366 : i1 to i32
      %cond3A_368 = arith.constant 0 : i32
      %cond3A_369 = arith.cmpi ne, %convert_element_type3A_367, %cond3A_368 : i32
      scf.if %cond3A_369 {
        %dma_wait3A_702 = arith.constant 3 : i32
        %dma_wait3A_703 = arith.constant 0 : i32
        %dma_wait3A_704 = arith.constant 0 : i32
        %dma_wait3A_705 = tpu.memref_slice %arg13[%dma_wait3A_703, %dma_wait3A_704] : memref<104x128xf32, #tpu.memory_space<vmem>> -> memref<96x128xf32, #tpu.memory_space<vmem>>
        %dma_wait3A_706 = arith.constant 0 : i32
        %dma_wait3A_707 = arith.constant 0 : i32
        %dma_wait3A_708 = tpu.memref_slice %arg9[%add3A_335, %dma_wait3A_706, %dma_wait3A_707] : memref<4096x200x128xf32, #tpu.memory_space<hbm>> -> memref<1x96x128xf32, #tpu.memory_space<hbm>>
        %dma_wait3A_709 = tpu.memref_squeeze %dma_wait3A_708 : memref<1x96x128xf32, #tpu.memory_space<hbm>> -> memref<96x128xf32, #tpu.memory_space<hbm>>
        %dma_wait3A_710 = tpu.memref_slice %arg21[%dma_wait3A_702] : memref<4x!tpu.dma_semaphore, #tpu.memory_space<semaphore_mem>> -> memref<1x!tpu.dma_semaphore, #tpu.memory_space<semaphore_mem>>
        %dma_wait3A_711 = tpu.memref_squeeze %dma_wait3A_710 : memref<1x!tpu.dma_semaphore, #tpu.memory_space<semaphore_mem>> -> memref<!tpu.dma_semaphore, #tpu.memory_space<semaphore_mem>>
        %dma_wait3A_712 = arith.constant 0 : i32
        %dma_wait3A_713 = arith.constant 0 : i32
        %dma_wait3A_714 = tpu.memref_slice %arg9[%add3A_335, %dma_wait3A_712, %dma_wait3A_713] : memref<4096x200x128xf32, #tpu.memory_space<hbm>> -> memref<1x96x128xf32, #tpu.memory_space<hbm>>
        %dma_wait3A_715 = tpu.memref_squeeze %dma_wait3A_714 : memref<1x96x128xf32, #tpu.memory_space<hbm>> -> memref<96x128xf32, #tpu.memory_space<hbm>>
        %dma_wait3A_716 = arith.constant 0 : i32
        %dma_wait3A_717 = arith.constant 0 : i32
        %dma_wait3A_718 = tpu.memref_slice %arg13[%dma_wait3A_716, %dma_wait3A_717] : memref<104x128xf32, #tpu.memory_space<vmem>> -> memref<96x128xf32, #tpu.memory_space<vmem>>
        tpu.wait_dma2 semaphore(%dma_wait3A_711 : memref<!tpu.dma_semaphore, #tpu.memory_space<semaphore_mem>>) src(%dma_wait3A_718 : memref<96x128xf32, #tpu.memory_space<vmem>>) dst(%dma_wait3A_715 : memref<96x128xf32, #tpu.memory_space<hbm>>)
      } else {
      }
      %add3A_370 = arith.constant 2 : i32
      %add3A_371 = arith.addi %add3A_330, %add3A_370 : i32
      %lt3A_372 = arith.constant 256 : i32
      %lt3A_373 = arith.cmpi slt, %add3A_371, %lt3A_372 : i32
      %convert_element_type3A_374 = arith.extui %lt3A_373 : i1 to i32
      %cond3A_375 = arith.constant 0 : i32
      %cond3A_376 = arith.cmpi ne, %convert_element_type3A_374, %cond3A_375 : i32
      scf.if %cond3A_376 {
        %dma_wait3A_702 = arith.constant 3 : i32
        %dma_wait3A_703 = arith.constant 3 : i32
        %dma_wait3A_704 = arith.constant 0 : i32
        %dma_wait3A_705 = tpu.memref_slice %arg14[%dma_wait3A_702, %dma_wait3A_704] : memref<4x112xi32, #tpu.memory_space<vmem>> -> memref<1x96xi32, #tpu.memory_space<vmem>>
        %dma_wait3A_706 = tpu.memref_squeeze %dma_wait3A_705 : memref<1x96xi32, #tpu.memory_space<vmem>> -> memref<96xi32, #tpu.memory_space<vmem>>
        %dma_wait3A_707 = tpu.memref_slice %arg2[%mul3A_4] : memref<819200xi32, #tpu.memory_space<hbm>> -> memref<96xi32, #tpu.memory_space<hbm>>
        %dma_wait3A_708 = tpu.memref_slice %arg22[%dma_wait3A_703] : memref<4x!tpu.dma_semaphore, #tpu.memory_space<semaphore_mem>> -> memref<1x!tpu.dma_semaphore, #tpu.memory_space<semaphore_mem>>
        %dma_wait3A_709 = tpu.memref_squeeze %dma_wait3A_708 : memref<1x!tpu.dma_semaphore, #tpu.memory_space<semaphore_mem>> -> memref<!tpu.dma_semaphore, #tpu.memory_space<semaphore_mem>>
        %dma_wait3A_710 = arith.constant 0 : i32
        %dma_wait3A_711 = tpu.memref_slice %arg14[%dma_wait3A_702, %dma_wait3A_710] : memref<4x112xi32, #tpu.memory_space<vmem>> -> memref<1x96xi32, #tpu.memory_space<vmem>>
        %dma_wait3A_712 = tpu.memref_squeeze %dma_wait3A_711 : memref<1x96xi32, #tpu.memory_space<vmem>> -> memref<96xi32, #tpu.memory_space<vmem>>
        %dma_wait3A_713 = tpu.memref_slice %arg2[%mul3A_4] : memref<819200xi32, #tpu.memory_space<hbm>> -> memref<96xi32, #tpu.memory_space<hbm>>
        tpu.wait_dma2 semaphore(%dma_wait3A_709 : memref<!tpu.dma_semaphore, #tpu.memory_space<semaphore_mem>>) src(%dma_wait3A_713 : memref<96xi32, #tpu.memory_space<hbm>>) dst(%dma_wait3A_712 : memref<96xi32, #tpu.memory_space<vmem>>)
        %dma_start3A_714 = arith.constant 3 : i32
        %dma_start3A_715 = arith.constant 3 : i32
        %dma_start3A_716 = arith.constant 0 : i32
        %dma_start3A_717 = arith.constant 0 : i32
        %dma_start3A_718 = tpu.memref_slice %arg13[%dma_start3A_716, %dma_start3A_717] : memref<104x128xf32, #tpu.memory_space<vmem>> -> memref<96x128xf32, #tpu.memory_space<vmem>>
        %dma_start3A_719 = arith.constant 0 : i32
        %dma_start3A_720 = tpu.memref_slice %arg14[%dma_start3A_714, %dma_start3A_719] : memref<4x112xi32, #tpu.memory_space<vmem>> -> memref<1x96xi32, #tpu.memory_space<vmem>>
        %dma_start3A_721 = tpu.memref_squeeze %dma_start3A_720 : memref<1x96xi32, #tpu.memory_space<vmem>> -> memref<96xi32, #tpu.memory_space<vmem>>
        %dma_start3A_722 = arith.constant 0 : i32
        %dma_start3A_723 = arith.constant 0 : i32
        %dma_start3A_724 = tpu.memref_slice %arg4[%dma_start3A_722, %dma_start3A_723] : memref<100000x128xf32, #tpu.memory_space<hbm>> -> memref<100000x128xf32, #tpu.memory_space<hbm>>
        %dma_start3A_725 = tpu.memref_slice %arg20[%dma_start3A_715] : memref<4x!tpu.dma_semaphore, #tpu.memory_space<semaphore_mem>> -> memref<1x!tpu.dma_semaphore, #tpu.memory_space<semaphore_mem>>
        %dma_start3A_726 = tpu.memref_squeeze %dma_start3A_725 : memref<1x!tpu.dma_semaphore, #tpu.memory_space<semaphore_mem>> -> memref<!tpu.dma_semaphore, #tpu.memory_space<semaphore_mem>>
        tpu.enqueue_indirect_dma source(%dma_start3A_724 : memref<100000x128xf32, #tpu.memory_space<hbm>>) target(%dma_start3A_718 : memref<96x128xf32, #tpu.memory_space<vmem>>) offsets(%dma_start3A_721 : memref<96xi32, #tpu.memory_space<vmem>>) semaphore(%dma_start3A_726 : memref<!tpu.dma_semaphore, #tpu.memory_space<semaphore_mem>>)
      } else {
      }
      %get3A_377 = arith.constant 0 : index
      %get3A_378 = tpu.vector_load %arg18[%get3A_377] {strides = array<i32>} : memref<128xf32, #tpu.memory_space<vmem>>, vector<16xf32>,
      %get3A_379 = vector.shape_cast %get3A_378 : vector<16xf32> to vector<16xf32>
      %get3A_380 = arith.constant 16 : index
      %get3A_381 = tpu.vector_load %arg18[%get3A_380] {strides = array<i32>} : memref<128xf32, #tpu.memory_space<vmem>>, vector<16xf32>,
      %get3A_382 = vector.shape_cast %get3A_381 : vector<16xf32> to vector<16xf32>
      %get3A_383 = arith.constant 32 : index
      %get3A_384 = tpu.vector_load %arg18[%get3A_383] {strides = array<i32>} : memref<128xf32, #tpu.memory_space<vmem>>, vector<16xf32>,
      %get3A_385 = vector.shape_cast %get3A_384 : vector<16xf32> to vector<16xf32>
      %get3A_386 = arith.constant 48 : index
      %get3A_387 = tpu.vector_load %arg18[%get3A_386] {strides = array<i32>} : memref<128xf32, #tpu.memory_space<vmem>>, vector<16xf32>,
      %get3A_388 = vector.shape_cast %get3A_387 : vector<16xf32> to vector<16xf32>
      %get3A_389 = arith.constant 64 : index
      %get3A_390 = tpu.vector_load %arg18[%get3A_389] {strides = array<i32>} : memref<128xf32, #tpu.memory_space<vmem>>, vector<16xf32>,
      %get3A_391 = vector.shape_cast %get3A_390 : vector<16xf32> to vector<16xf32>
      %get3A_392 = arith.constant 80 : index
      %get3A_393 = tpu.vector_load %arg18[%get3A_392] {strides = array<i32>} : memref<128xf32, #tpu.memory_space<vmem>>, vector<16xf32>,
      %get3A_394 = vector.shape_cast %get3A_393 : vector<16xf32> to vector<16xf32>
      %get3A_395 = arith.constant 96 : index
      %get3A_396 = tpu.vector_load %arg18[%get3A_395] {strides = array<i32>} : memref<128xf32, #tpu.memory_space<vmem>>, vector<16xf32>,
      %get3A_397 = vector.shape_cast %get3A_396 : vector<16xf32> to vector<16xf32>
      %get3A_398 = arith.constant 112 : index
      %get3A_399 = tpu.vector_load %arg18[%get3A_398] {strides = array<i32>} : memref<128xf32, #tpu.memory_space<vmem>>, vector<16xf32>,
      %get3A_400 = vector.shape_cast %get3A_399 : vector<16xf32> to vector<16xf32>
      %get3A_401 = arith.constant 0 : index
      %get3A_402 = tpu.vector_load %arg19[%get3A_401] {strides = array<i32>} : memref<128xf32, #tpu.memory_space<vmem>>, vector<16xf32>,
      %get3A_403 = vector.shape_cast %get3A_402 : vector<16xf32> to vector<16xf32>
      %get3A_404 = arith.constant 16 : index
      %get3A_405 = tpu.vector_load %arg19[%get3A_404] {strides = array<i32>} : memref<128xf32, #tpu.memory_space<vmem>>, vector<16xf32>,
      %get3A_406 = vector.shape_cast %get3A_405 : vector<16xf32> to vector<16xf32>
      %get3A_407 = arith.constant 32 : index
      %get3A_408 = tpu.vector_load %arg19[%get3A_407] {strides = array<i32>} : memref<128xf32, #tpu.memory_space<vmem>>, vector<16xf32>,
      %get3A_409 = vector.shape_cast %get3A_408 : vector<16xf32> to vector<16xf32>
      %get3A_410 = arith.constant 48 : index
      %get3A_411 = tpu.vector_load %arg19[%get3A_410] {strides = array<i32>} : memref<128xf32, #tpu.memory_space<vmem>>, vector<16xf32>,
      %get3A_412 = vector.shape_cast %get3A_411 : vector<16xf32> to vector<16xf32>
      %get3A_413 = arith.constant 64 : index
      %get3A_414 = tpu.vector_load %arg19[%get3A_413] {strides = array<i32>} : memref<128xf32, #tpu.memory_space<vmem>>, vector<16xf32>,
      %get3A_415 = vector.shape_cast %get3A_414 : vector<16xf32> to vector<16xf32>
      %get3A_416 = arith.constant 80 : index
      %get3A_417 = tpu.vector_load %arg19[%get3A_416] {strides = array<i32>} : memref<128xf32, #tpu.memory_space<vmem>>, vector<16xf32>,
      %get3A_418 = vector.shape_cast %get3A_417 : vector<16xf32> to vector<16xf32>
      %get3A_419 = arith.constant 96 : index
      %get3A_420 = tpu.vector_load %arg19[%get3A_419] {strides = array<i32>} : memref<128xf32, #tpu.memory_space<vmem>>, vector<16xf32>,
      %get3A_421 = vector.shape_cast %get3A_420 : vector<16xf32> to vector<16xf32>
      %get3A_422 = arith.constant 112 : index
      %get3A_423 = tpu.vector_load %arg19[%get3A_422] {strides = array<i32>} : memref<128xf32, #tpu.memory_space<vmem>>, vector<16xf32>,
      %get3A_424 = vector.shape_cast %get3A_423 : vector<16xf32> to vector<16xf32>
      %parallel_loop3A_425 = arith.constant 0 : i32
      %parallel_loop3A_426 = arith.constant 96 : i32
      %parallel_loop3A_427 = arith.constant 1 : i32
      scf.for %parallel_loop3A_702 = %parallel_loop3A_425 to %parallel_loop3A_426 step %parallel_loop3A_427  : i32 {
        %parallel_loop3A_703 = arith.constant 1 : i32
        %parallel_loop3A_704 = arith.index_cast %parallel_loop3A_703 : i32 to index
        %parallel_loop3A_705 = arith.index_cast %parallel_loop3A_702 : i32 to index
        %parallel_loop3A_706 = tpu.vector_load %arg15[%parallel_loop3A_704, %parallel_loop3A_705] {strides = array<i32>} : memref<4x120xi32, #tpu.memory_space<vmem>>, vector<1x16xi32>,
        %parallel_loop3A_707 = vector.shape_cast %parallel_loop3A_706 : vector<1x16xi32> to vector<16xi32>
        %parallel_loop3A_708 = vector.extract_strided_slice %parallel_loop3A_707 {offsets = [0], sizes = [1], strides = [1]} : vector<16xi32> to vector<1xi32>
        %parallel_loop3A_709 = vector.extract %parallel_loop3A_708[0] : i32 from vector<1xi32>
        %parallel_loop3A_710 = arith.constant 200 : i32
        %parallel_loop3A_711 = arith.muli %parallel_loop3A_709, %parallel_loop3A_710 : i32
        %parallel_loop3A_712 = arith.constant 104 : i32
        %parallel_loop3A_713 = arith.addi %parallel_loop3A_712, %parallel_loop3A_702 : i32
        %parallel_loop3A_714 = arith.addi %parallel_loop3A_711, %parallel_loop3A_713 : i32
        %parallel_loop3A_715 = arith.index_cast %parallel_loop3A_702 : i32 to index
        %parallel_loop3A_716 = arith.constant 0 : index
        %parallel_loop3A_717 = tpu.vector_load %arg11[%parallel_loop3A_715, %parallel_loop3A_716] {strides = array<i32>} : memref<104x128xf32, #tpu.memory_space<vmem>>, vector<1x16xf32>,
        %parallel_loop3A_718 = vector.shape_cast %parallel_loop3A_717 : vector<1x16xf32> to vector<16xf32>
        %parallel_loop3A_719 = arith.index_cast %parallel_loop3A_714 : i32 to index
        %parallel_loop3A_720 = arith.constant 0 : index
        %parallel_loop3A_721 = tpu.vector_load %arg16[%parallel_loop3A_719, %parallel_loop3A_720] {strides = array<i32>} : memref<400x128xf32, #tpu.memory_space<vmem>>, vector<1x16xf32>,
        %parallel_loop3A_722 = vector.shape_cast %parallel_loop3A_721 : vector<1x16xf32> to vector<16xf32>
        %parallel_loop3A_723 = arith.addf %parallel_loop3A_718, %parallel_loop3A_722 : vector<16xf32>
        %parallel_loop3A_724 = arith.mulf %parallel_loop3A_723, %parallel_loop3A_723 : vector<16xf32>
        %parallel_loop3A_725 = arith.index_cast %parallel_loop3A_702 : i32 to index
        %parallel_loop3A_726 = arith.constant 16 : index
        %parallel_loop3A_727 = tpu.vector_load %arg11[%parallel_loop3A_725, %parallel_loop3A_726] {strides = array<i32>} : memref<104x128xf32, #tpu.memory_space<vmem>>, vector<1x16xf32>,
        %parallel_loop3A_728 = vector.shape_cast %parallel_loop3A_727 : vector<1x16xf32> to vector<16xf32>
        %parallel_loop3A_729 = arith.index_cast %parallel_loop3A_714 : i32 to index
        %parallel_loop3A_730 = arith.constant 16 : index
        %parallel_loop3A_731 = tpu.vector_load %arg16[%parallel_loop3A_729, %parallel_loop3A_730] {strides = array<i32>} : memref<400x128xf32, #tpu.memory_space<vmem>>, vector<1x16xf32>,
        %parallel_loop3A_732 = vector.shape_cast %parallel_loop3A_731 : vector<1x16xf32> to vector<16xf32>
        %parallel_loop3A_733 = arith.addf %parallel_loop3A_728, %parallel_loop3A_732 : vector<16xf32>
        %parallel_loop3A_734 = arith.mulf %parallel_loop3A_733, %parallel_loop3A_733 : vector<16xf32>
        %parallel_loop3A_735 = arith.index_cast %parallel_loop3A_702 : i32 to index
        %parallel_loop3A_736 = arith.constant 32 : index
        %parallel_loop3A_737 = tpu.vector_load %arg11[%parallel_loop3A_735, %parallel_loop3A_736] {strides = array<i32>} : memref<104x128xf32, #tpu.memory_space<vmem>>, vector<1x16xf32>,
        %parallel_loop3A_738 = vector.shape_cast %parallel_loop3A_737 : vector<1x16xf32> to vector<16xf32>
        %parallel_loop3A_739 = arith.index_cast %parallel_loop3A_714 : i32 to index
        %parallel_loop3A_740 = arith.constant 32 : index
        %parallel_loop3A_741 = tpu.vector_load %arg16[%parallel_loop3A_739, %parallel_loop3A_740] {strides = array<i32>} : memref<400x128xf32, #tpu.memory_space<vmem>>, vector<1x16xf32>,
        %parallel_loop3A_742 = vector.shape_cast %parallel_loop3A_741 : vector<1x16xf32> to vector<16xf32>
        %parallel_loop3A_743 = arith.addf %parallel_loop3A_738, %parallel_loop3A_742 : vector<16xf32>
        %parallel_loop3A_744 = arith.mulf %parallel_loop3A_743, %parallel_loop3A_743 : vector<16xf32>
        %parallel_loop3A_745 = arith.index_cast %parallel_loop3A_702 : i32 to index
        %parallel_loop3A_746 = arith.constant 48 : index
        %parallel_loop3A_747 = tpu.vector_load %arg11[%parallel_loop3A_745, %parallel_loop3A_746] {strides = array<i32>} : memref<104x128xf32, #tpu.memory_space<vmem>>, vector<1x16xf32>,
        %parallel_loop3A_748 = vector.shape_cast %parallel_loop3A_747 : vector<1x16xf32> to vector<16xf32>
        %parallel_loop3A_749 = arith.index_cast %parallel_loop3A_714 : i32 to index
        %parallel_loop3A_750 = arith.constant 48 : index
        %parallel_loop3A_751 = tpu.vector_load %arg16[%parallel_loop3A_749, %parallel_loop3A_750] {strides = array<i32>} : memref<400x128xf32, #tpu.memory_space<vmem>>, vector<1x16xf32>,
        %parallel_loop3A_752 = vector.shape_cast %parallel_loop3A_751 : vector<1x16xf32> to vector<16xf32>
        %parallel_loop3A_753 = arith.addf %parallel_loop3A_748, %parallel_loop3A_752 : vector<16xf32>
        %parallel_loop3A_754 = arith.mulf %parallel_loop3A_753, %parallel_loop3A_753 : vector<16xf32>
        %parallel_loop3A_755 = arith.index_cast %parallel_loop3A_702 : i32 to index
        %parallel_loop3A_756 = arith.constant 64 : index
        %parallel_loop3A_757 = tpu.vector_load %arg11[%parallel_loop3A_755, %parallel_loop3A_756] {strides = array<i32>} : memref<104x128xf32, #tpu.memory_space<vmem>>, vector<1x16xf32>,
        %parallel_loop3A_758 = vector.shape_cast %parallel_loop3A_757 : vector<1x16xf32> to vector<16xf32>
        %parallel_loop3A_759 = arith.index_cast %parallel_loop3A_714 : i32 to index
        %parallel_loop3A_760 = arith.constant 64 : index
        %parallel_loop3A_761 = tpu.vector_load %arg16[%parallel_loop3A_759, %parallel_loop3A_760] {strides = array<i32>} : memref<400x128xf32, #tpu.memory_space<vmem>>, vector<1x16xf32>,
        %parallel_loop3A_762 = vector.shape_cast %parallel_loop3A_761 : vector<1x16xf32> to vector<16xf32>
        %parallel_loop3A_763 = arith.addf %parallel_loop3A_758, %parallel_loop3A_762 : vector<16xf32>
        %parallel_loop3A_764 = arith.mulf %parallel_loop3A_763, %parallel_loop3A_763 : vector<16xf32>
        %parallel_loop3A_765 = arith.index_cast %parallel_loop3A_702 : i32 to index
        %parallel_loop3A_766 = arith.constant 80 : index
        %parallel_loop3A_767 = tpu.vector_load %arg11[%parallel_loop3A_765, %parallel_loop3A_766] {strides = array<i32>} : memref<104x128xf32, #tpu.memory_space<vmem>>, vector<1x16xf32>,
        %parallel_loop3A_768 = vector.shape_cast %parallel_loop3A_767 : vector<1x16xf32> to vector<16xf32>
        %parallel_loop3A_769 = arith.index_cast %parallel_loop3A_714 : i32 to index
        %parallel_loop3A_770 = arith.constant 80 : index
        %parallel_loop3A_771 = tpu.vector_load %arg16[%parallel_loop3A_769, %parallel_loop3A_770] {strides = array<i32>} : memref<400x128xf32, #tpu.memory_space<vmem>>, vector<1x16xf32>,
        %parallel_loop3A_772 = vector.shape_cast %parallel_loop3A_771 : vector<1x16xf32> to vector<16xf32>
        %parallel_loop3A_773 = arith.addf %parallel_loop3A_768, %parallel_loop3A_772 : vector<16xf32>
        %parallel_loop3A_774 = arith.mulf %parallel_loop3A_773, %parallel_loop3A_773 : vector<16xf32>
        %parallel_loop3A_775 = arith.index_cast %parallel_loop3A_702 : i32 to index
        %parallel_loop3A_776 = arith.constant 96 : index
        %parallel_loop3A_777 = tpu.vector_load %arg11[%parallel_loop3A_775, %parallel_loop3A_776] {strides = array<i32>} : memref<104x128xf32, #tpu.memory_space<vmem>>, vector<1x16xf32>,
        %parallel_loop3A_778 = vector.shape_cast %parallel_loop3A_777 : vector<1x16xf32> to vector<16xf32>
        %parallel_loop3A_779 = arith.index_cast %parallel_loop3A_714 : i32 to index
        %parallel_loop3A_780 = arith.constant 96 : index
        %parallel_loop3A_781 = tpu.vector_load %arg16[%parallel_loop3A_779, %parallel_loop3A_780] {strides = array<i32>} : memref<400x128xf32, #tpu.memory_space<vmem>>, vector<1x16xf32>,
        %parallel_loop3A_782 = vector.shape_cast %parallel_loop3A_781 : vector<1x16xf32> to vector<16xf32>
        %parallel_loop3A_783 = arith.addf %parallel_loop3A_778, %parallel_loop3A_782 : vector<16xf32>
        %parallel_loop3A_784 = arith.mulf %parallel_loop3A_783, %parallel_loop3A_783 : vector<16xf32>
        %parallel_loop3A_785 = arith.index_cast %parallel_loop3A_702 : i32 to index
        %parallel_loop3A_786 = arith.constant 112 : index
        %parallel_loop3A_787 = tpu.vector_load %arg11[%parallel_loop3A_785, %parallel_loop3A_786] {strides = array<i32>} : memref<104x128xf32, #tpu.memory_space<vmem>>, vector<1x16xf32>,
        %parallel_loop3A_788 = vector.shape_cast %parallel_loop3A_787 : vector<1x16xf32> to vector<16xf32>
        %parallel_loop3A_789 = arith.index_cast %parallel_loop3A_714 : i32 to index
        %parallel_loop3A_790 = arith.constant 112 : index
        %parallel_loop3A_791 = tpu.vector_load %arg16[%parallel_loop3A_789, %parallel_loop3A_790] {strides = array<i32>} : memref<400x128xf32, #tpu.memory_space<vmem>>, vector<1x16xf32>,
        %parallel_loop3A_792 = vector.shape_cast %parallel_loop3A_791 : vector<1x16xf32> to vector<16xf32>
        %parallel_loop3A_793 = arith.addf %parallel_loop3A_788, %parallel_loop3A_792 : vector<16xf32>
        %parallel_loop3A_794 = arith.mulf %parallel_loop3A_793, %parallel_loop3A_793 : vector<16xf32>
        %parallel_loop3A_795 = arith.addf %parallel_loop3A_723, %parallel_loop3A_733 : vector<16xf32>
        %parallel_loop3A_796 = arith.addf %parallel_loop3A_743, %parallel_loop3A_753 : vector<16xf32>
        %parallel_loop3A_797 = arith.addf %parallel_loop3A_763, %parallel_loop3A_773 : vector<16xf32>
        %parallel_loop3A_798 = arith.addf %parallel_loop3A_783, %parallel_loop3A_793 : vector<16xf32>
        %parallel_loop3A_799 = arith.addf %parallel_loop3A_795, %parallel_loop3A_796 : vector<16xf32>
        %parallel_loop3A_800 = arith.addf %parallel_loop3A_797, %parallel_loop3A_798 : vector<16xf32>
        %parallel_loop3A_801 = arith.addf %parallel_loop3A_799, %parallel_loop3A_800 : vector<16xf32>
        %parallel_loop3A_802 = arith.addf %parallel_loop3A_724, %parallel_loop3A_734 : vector<16xf32>
        %parallel_loop3A_803 = arith.addf %parallel_loop3A_744, %parallel_loop3A_754 : vector<16xf32>
        %parallel_loop3A_804 = arith.addf %parallel_loop3A_764, %parallel_loop3A_774 : vector<16xf32>
        %parallel_loop3A_805 = arith.addf %parallel_loop3A_784, %parallel_loop3A_794 : vector<16xf32>
        %parallel_loop3A_806 = arith.addf %parallel_loop3A_802, %parallel_loop3A_803 : vector<16xf32>
        %parallel_loop3A_807 = arith.addf %parallel_loop3A_804, %parallel_loop3A_805 : vector<16xf32>
        %parallel_loop3A_808 = arith.addf %parallel_loop3A_806, %parallel_loop3A_807 : vector<16xf32>
        %parallel_loop3A_809 = tpu.iota {dimensions = array<i32: 0>} : vector<16xi32>
        %parallel_loop3A_810 = arith.constant 8 : i32
        %parallel_loop3A_811 = vector.broadcast %parallel_loop3A_810 : i32 to vector<16xi32>
        %parallel_loop3A_812 = arith.xori %parallel_loop3A_809, %parallel_loop3A_811 : vector<16xi32>
        %parallel_loop3A_813 = vector.shape_cast %parallel_loop3A_812 : vector<16xi32> to vector<16x1xi32>
        %parallel_loop3A_814 = vector.shape_cast %parallel_loop3A_813 : vector<16x1xi32> to vector<16xi32>
        %parallel_loop3A_815 = tpu.dynamic_gather %parallel_loop3A_801[%parallel_loop3A_814] in [0] : vector<16xf32>, vector<16xi32> -> vector<16xf32>
        %parallel_loop3A_816 = arith.addf %parallel_loop3A_801, %parallel_loop3A_815 : vector<16xf32>
        %parallel_loop3A_817 = tpu.iota {dimensions = array<i32: 0>} : vector<16xi32>
        %parallel_loop3A_818 = arith.constant 8 : i32
        %parallel_loop3A_819 = vector.broadcast %parallel_loop3A_818 : i32 to vector<16xi32>
        %parallel_loop3A_820 = arith.xori %parallel_loop3A_817, %parallel_loop3A_819 : vector<16xi32>
        %parallel_loop3A_821 = vector.shape_cast %parallel_loop3A_820 : vector<16xi32> to vector<16x1xi32>
        %parallel_loop3A_822 = vector.shape_cast %parallel_loop3A_821 : vector<16x1xi32> to vector<16xi32>
        %parallel_loop3A_823 = tpu.dynamic_gather %parallel_loop3A_808[%parallel_loop3A_822] in [0] : vector<16xf32>, vector<16xi32> -> vector<16xf32>
        %parallel_loop3A_824 = arith.addf %parallel_loop3A_808, %parallel_loop3A_823 : vector<16xf32>
        %parallel_loop3A_825 = tpu.iota {dimensions = array<i32: 0>} : vector<16xi32>
        %parallel_loop3A_826 = arith.constant 8 : i32
        %parallel_loop3A_827 = vector.broadcast %parallel_loop3A_826 : i32 to vector<16xi32>
        %parallel_loop3A_828 = arith.cmpi slt, %parallel_loop3A_825, %parallel_loop3A_827 : vector<16xi32>
        %parallel_loop3A_829 = arith.select %parallel_loop3A_828, %parallel_loop3A_816, %parallel_loop3A_824 : vector<16xi1>, vector<16xf32>
        %parallel_loop3A_830 = tpu.iota {dimensions = array<i32: 0>} : vector<16xi32>
        %parallel_loop3A_831 = arith.constant 4 : i32
        %parallel_loop3A_832 = vector.broadcast %parallel_loop3A_831 : i32 to vector<16xi32>
        %parallel_loop3A_833 = arith.xori %parallel_loop3A_830, %parallel_loop3A_832 : vector<16xi32>
        %parallel_loop3A_834 = vector.shape_cast %parallel_loop3A_833 : vector<16xi32> to vector<16x1xi32>
        %parallel_loop3A_835 = vector.shape_cast %parallel_loop3A_834 : vector<16x1xi32> to vector<16xi32>
        %parallel_loop3A_836 = tpu.dynamic_gather %parallel_loop3A_829[%parallel_loop3A_835] in [0] : vector<16xf32>, vector<16xi32> -> vector<16xf32>
        %parallel_loop3A_837 = arith.addf %parallel_loop3A_829, %parallel_loop3A_836 : vector<16xf32>
        %parallel_loop3A_838 = tpu.iota {dimensions = array<i32: 0>} : vector<16xi32>
        %parallel_loop3A_839 = arith.constant 2 : i32
        %parallel_loop3A_840 = vector.broadcast %parallel_loop3A_839 : i32 to vector<16xi32>
        %parallel_loop3A_841 = arith.xori %parallel_loop3A_838, %parallel_loop3A_840 : vector<16xi32>
        %parallel_loop3A_842 = vector.shape_cast %parallel_loop3A_841 : vector<16xi32> to vector<16x1xi32>
        %parallel_loop3A_843 = vector.shape_cast %parallel_loop3A_842 : vector<16x1xi32> to vector<16xi32>
        %parallel_loop3A_844 = tpu.dynamic_gather %parallel_loop3A_837[%parallel_loop3A_843] in [0] : vector<16xf32>, vector<16xi32> -> vector<16xf32>
        %parallel_loop3A_845 = arith.addf %parallel_loop3A_837, %parallel_loop3A_844 : vector<16xf32>
        %parallel_loop3A_846 = tpu.iota {dimensions = array<i32: 0>} : vector<16xi32>
        %parallel_loop3A_847 = arith.constant 1 : i32
        %parallel_loop3A_848 = vector.broadcast %parallel_loop3A_847 : i32 to vector<16xi32>
        %parallel_loop3A_849 = arith.xori %parallel_loop3A_846, %parallel_loop3A_848 : vector<16xi32>
        %parallel_loop3A_850 = vector.shape_cast %parallel_loop3A_849 : vector<16xi32> to vector<16x1xi32>
        %parallel_loop3A_851 = vector.shape_cast %parallel_loop3A_850 : vector<16x1xi32> to vector<16xi32>
        %parallel_loop3A_852 = tpu.dynamic_gather %parallel_loop3A_845[%parallel_loop3A_851] in [0] : vector<16xf32>, vector<16xi32> -> vector<16xf32>
        %parallel_loop3A_853 = arith.addf %parallel_loop3A_845, %parallel_loop3A_852 : vector<16xf32>
        %parallel_loop3A_854 = arith.constant 0 : i32
        %parallel_loop3A_855 = vector.broadcast %parallel_loop3A_854 : i32 to vector<16x1xi32>
        %parallel_loop3A_856 = vector.shape_cast %parallel_loop3A_855 : vector<16x1xi32> to vector<16xi32>
        %parallel_loop3A_857 = tpu.dynamic_gather %parallel_loop3A_853[%parallel_loop3A_856] in [0] : vector<16xf32>, vector<16xi32> -> vector<16xf32>
        %parallel_loop3A_858 = arith.constant 7.812500e-03 : f32
        %parallel_loop3A_859 = vector.broadcast %parallel_loop3A_858 : f32 to vector<16xf32>
        %parallel_loop3A_860 = arith.mulf %parallel_loop3A_857, %parallel_loop3A_859 : vector<16xf32>
        %parallel_loop3A_861 = arith.constant 8 : i32
        %parallel_loop3A_862 = vector.broadcast %parallel_loop3A_861 : i32 to vector<16x1xi32>
        %parallel_loop3A_863 = vector.shape_cast %parallel_loop3A_862 : vector<16x1xi32> to vector<16xi32>
        %parallel_loop3A_864 = tpu.dynamic_gather %parallel_loop3A_853[%parallel_loop3A_863] in [0] : vector<16xf32>, vector<16xi32> -> vector<16xf32>
        %parallel_loop3A_865 = arith.constant 7.812500e-03 : f32
        %parallel_loop3A_866 = vector.broadcast %parallel_loop3A_865 : f32 to vector<16xf32>
        %parallel_loop3A_867 = arith.mulf %parallel_loop3A_864, %parallel_loop3A_866 : vector<16xf32>
        %parallel_loop3A_868 = arith.mulf %parallel_loop3A_860, %parallel_loop3A_860 : vector<16xf32>
        %parallel_loop3A_869 = arith.subf %parallel_loop3A_867, %parallel_loop3A_868 : vector<16xf32>
        %parallel_loop3A_870 = arith.constant 9.99999996E-13 : f32
        %parallel_loop3A_871 = vector.broadcast %parallel_loop3A_870 : f32 to vector<16xf32>
        %parallel_loop3A_872 = arith.addf %parallel_loop3A_869, %parallel_loop3A_871 : vector<16xf32>
        %parallel_loop3A_873 = tpu.bitcast %parallel_loop3A_872 : vector<16xf32> -> vector<16xi32>
        %parallel_loop3A_874 = arith.constant 1 : i32
        %parallel_loop3A_875 = vector.broadcast %parallel_loop3A_874 : i32 to vector<16xi32>
        %parallel_loop3A_876 = arith.shrsi %parallel_loop3A_873, %parallel_loop3A_875 : vector<16xi32>
        %parallel_loop3A_877 = arith.constant 1597463007 : i32
        %parallel_loop3A_878 = vector.broadcast %parallel_loop3A_877 : i32 to vector<16xi32>
        %parallel_loop3A_879 = arith.subi %parallel_loop3A_878, %parallel_loop3A_876 : vector<16xi32>
        %parallel_loop3A_880 = tpu.bitcast %parallel_loop3A_879 : vector<16xi32> -> vector<16xf32>
        %parallel_loop3A_881 = arith.constant 5.000000e-01 : f32
        %parallel_loop3A_882 = vector.broadcast %parallel_loop3A_881 : f32 to vector<16xf32>
        %parallel_loop3A_883 = arith.mulf %parallel_loop3A_882, %parallel_loop3A_872 : vector<16xf32>
        %parallel_loop3A_884 = arith.mulf %parallel_loop3A_883, %parallel_loop3A_880 : vector<16xf32>
        %parallel_loop3A_885 = arith.mulf %parallel_loop3A_884, %parallel_loop3A_880 : vector<16xf32>
        %parallel_loop3A_886 = arith.constant 1.500000e+00 : f32
        %parallel_loop3A_887 = vector.broadcast %parallel_loop3A_886 : f32 to vector<16xf32>
        %parallel_loop3A_888 = arith.subf %parallel_loop3A_887, %parallel_loop3A_885 : vector<16xf32>
        %parallel_loop3A_889 = arith.mulf %parallel_loop3A_880, %parallel_loop3A_888 : vector<16xf32>
        %parallel_loop3A_890 = arith.subf %parallel_loop3A_723, %parallel_loop3A_860 : vector<16xf32>
        %parallel_loop3A_891 = arith.mulf %parallel_loop3A_890, %parallel_loop3A_889 : vector<16xf32>
        %parallel_loop3A_892 = arith.mulf %parallel_loop3A_891, %get3A_379 : vector<16xf32>
        %parallel_loop3A_893 = arith.addf %parallel_loop3A_892, %get3A_403 : vector<16xf32>
        %parallel_loop3A_894 = arith.index_cast %parallel_loop3A_702 : i32 to index
        %parallel_loop3A_895 = arith.constant 0 : index
        %parallel_loop3A_896 = tpu.vector_load %arg11[%parallel_loop3A_894, %parallel_loop3A_895] {strides = array<i32>} : memref<104x128xf32, #tpu.memory_space<vmem>>, vector<1x16xf32>,
        %parallel_loop3A_897 = vector.shape_cast %parallel_loop3A_896 : vector<1x16xf32> to vector<16xf32>
        %parallel_loop3A_898 = vector.shape_cast %parallel_loop3A_893 : vector<16xf32> to vector<1x16xf32>
        tpu.vector_store %arg11[%parallel_loop3A_894, %parallel_loop3A_895], %parallel_loop3A_898 {strides = array<i32>} : memref<104x128xf32, #tpu.memory_space<vmem>>, vector<1x16xf32>,
        %parallel_loop3A_899 = arith.subf %parallel_loop3A_733, %parallel_loop3A_860 : vector<16xf32>
        %parallel_loop3A_900 = arith.mulf %parallel_loop3A_899, %parallel_loop3A_889 : vector<16xf32>
        %parallel_loop3A_901 = arith.mulf %parallel_loop3A_900, %get3A_382 : vector<16xf32>
        %parallel_loop3A_902 = arith.addf %parallel_loop3A_901, %get3A_406 : vector<16xf32>
        %parallel_loop3A_903 = arith.index_cast %parallel_loop3A_702 : i32 to index
        %parallel_loop3A_904 = arith.constant 16 : index
        %parallel_loop3A_905 = tpu.vector_load %arg11[%parallel_loop3A_903, %parallel_loop3A_904] {strides = array<i32>} : memref<104x128xf32, #tpu.memory_space<vmem>>, vector<1x16xf32>,
        %parallel_loop3A_906 = vector.shape_cast %parallel_loop3A_905 : vector<1x16xf32> to vector<16xf32>
        %parallel_loop3A_907 = vector.shape_cast %parallel_loop3A_902 : vector<16xf32> to vector<1x16xf32>
        tpu.vector_store %arg11[%parallel_loop3A_903, %parallel_loop3A_904], %parallel_loop3A_907 {strides = array<i32>} : memref<104x128xf32, #tpu.memory_space<vmem>>, vector<1x16xf32>,
        %parallel_loop3A_908 = arith.subf %parallel_loop3A_743, %parallel_loop3A_860 : vector<16xf32>
        %parallel_loop3A_909 = arith.mulf %parallel_loop3A_908, %parallel_loop3A_889 : vector<16xf32>
        %parallel_loop3A_910 = arith.mulf %parallel_loop3A_909, %get3A_385 : vector<16xf32>
        %parallel_loop3A_911 = arith.addf %parallel_loop3A_910, %get3A_409 : vector<16xf32>
        %parallel_loop3A_912 = arith.index_cast %parallel_loop3A_702 : i32 to index
        %parallel_loop3A_913 = arith.constant 32 : index
        %parallel_loop3A_914 = tpu.vector_load %arg11[%parallel_loop3A_912, %parallel_loop3A_913] {strides = array<i32>} : memref<104x128xf32, #tpu.memory_space<vmem>>, vector<1x16xf32>,
        %parallel_loop3A_915 = vector.shape_cast %parallel_loop3A_914 : vector<1x16xf32> to vector<16xf32>
        %parallel_loop3A_916 = vector.shape_cast %parallel_loop3A_911 : vector<16xf32> to vector<1x16xf32>
        tpu.vector_store %arg11[%parallel_loop3A_912, %parallel_loop3A_913], %parallel_loop3A_916 {strides = array<i32>} : memref<104x128xf32, #tpu.memory_space<vmem>>, vector<1x16xf32>,
        %parallel_loop3A_917 = arith.subf %parallel_loop3A_753, %parallel_loop3A_860 : vector<16xf32>
        %parallel_loop3A_918 = arith.mulf %parallel_loop3A_917, %parallel_loop3A_889 : vector<16xf32>
        %parallel_loop3A_919 = arith.mulf %parallel_loop3A_918, %get3A_388 : vector<16xf32>
        %parallel_loop3A_920 = arith.addf %parallel_loop3A_919, %get3A_412 : vector<16xf32>
        %parallel_loop3A_921 = arith.index_cast %parallel_loop3A_702 : i32 to index
        %parallel_loop3A_922 = arith.constant 48 : index
        %parallel_loop3A_923 = tpu.vector_load %arg11[%parallel_loop3A_921, %parallel_loop3A_922] {strides = array<i32>} : memref<104x128xf32, #tpu.memory_space<vmem>>, vector<1x16xf32>,
        %parallel_loop3A_924 = vector.shape_cast %parallel_loop3A_923 : vector<1x16xf32> to vector<16xf32>
        %parallel_loop3A_925 = vector.shape_cast %parallel_loop3A_920 : vector<16xf32> to vector<1x16xf32>
        tpu.vector_store %arg11[%parallel_loop3A_921, %parallel_loop3A_922], %parallel_loop3A_925 {strides = array<i32>} : memref<104x128xf32, #tpu.memory_space<vmem>>, vector<1x16xf32>,
        %parallel_loop3A_926 = arith.subf %parallel_loop3A_763, %parallel_loop3A_860 : vector<16xf32>
        %parallel_loop3A_927 = arith.mulf %parallel_loop3A_926, %parallel_loop3A_889 : vector<16xf32>
        %parallel_loop3A_928 = arith.mulf %parallel_loop3A_927, %get3A_391 : vector<16xf32>
        %parallel_loop3A_929 = arith.addf %parallel_loop3A_928, %get3A_415 : vector<16xf32>
        %parallel_loop3A_930 = arith.index_cast %parallel_loop3A_702 : i32 to index
        %parallel_loop3A_931 = arith.constant 64 : index
        %parallel_loop3A_932 = tpu.vector_load %arg11[%parallel_loop3A_930, %parallel_loop3A_931] {strides = array<i32>} : memref<104x128xf32, #tpu.memory_space<vmem>>, vector<1x16xf32>,
        %parallel_loop3A_933 = vector.shape_cast %parallel_loop3A_932 : vector<1x16xf32> to vector<16xf32>
        %parallel_loop3A_934 = vector.shape_cast %parallel_loop3A_929 : vector<16xf32> to vector<1x16xf32>
        tpu.vector_store %arg11[%parallel_loop3A_930, %parallel_loop3A_931], %parallel_loop3A_934 {strides = array<i32>} : memref<104x128xf32, #tpu.memory_space<vmem>>, vector<1x16xf32>,
        %parallel_loop3A_935 = arith.subf %parallel_loop3A_773, %parallel_loop3A_860 : vector<16xf32>
        %parallel_loop3A_936 = arith.mulf %parallel_loop3A_935, %parallel_loop3A_889 : vector<16xf32>
        %parallel_loop3A_937 = arith.mulf %parallel_loop3A_936, %get3A_394 : vector<16xf32>
        %parallel_loop3A_938 = arith.addf %parallel_loop3A_937, %get3A_418 : vector<16xf32>
        %parallel_loop3A_939 = arith.index_cast %parallel_loop3A_702 : i32 to index
        %parallel_loop3A_940 = arith.constant 80 : index
        %parallel_loop3A_941 = tpu.vector_load %arg11[%parallel_loop3A_939, %parallel_loop3A_940] {strides = array<i32>} : memref<104x128xf32, #tpu.memory_space<vmem>>, vector<1x16xf32>,
        %parallel_loop3A_942 = vector.shape_cast %parallel_loop3A_941 : vector<1x16xf32> to vector<16xf32>
        %parallel_loop3A_943 = vector.shape_cast %parallel_loop3A_938 : vector<16xf32> to vector<1x16xf32>
        tpu.vector_store %arg11[%parallel_loop3A_939, %parallel_loop3A_940], %parallel_loop3A_943 {strides = array<i32>} : memref<104x128xf32, #tpu.memory_space<vmem>>, vector<1x16xf32>,
        %parallel_loop3A_944 = arith.subf %parallel_loop3A_783, %parallel_loop3A_860 : vector<16xf32>
        %parallel_loop3A_945 = arith.mulf %parallel_loop3A_944, %parallel_loop3A_889 : vector<16xf32>
        %parallel_loop3A_946 = arith.mulf %parallel_loop3A_945, %get3A_397 : vector<16xf32>
        %parallel_loop3A_947 = arith.addf %parallel_loop3A_946, %get3A_421 : vector<16xf32>
        %parallel_loop3A_948 = arith.index_cast %parallel_loop3A_702 : i32 to index
        %parallel_loop3A_949 = arith.constant 96 : index
        %parallel_loop3A_950 = tpu.vector_load %arg11[%parallel_loop3A_948, %parallel_loop3A_949] {strides = array<i32>} : memref<104x128xf32, #tpu.memory_space<vmem>>, vector<1x16xf32>,
        %parallel_loop3A_951 = vector.shape_cast %parallel_loop3A_950 : vector<1x16xf32> to vector<16xf32>
        %parallel_loop3A_952 = vector.shape_cast %parallel_loop3A_947 : vector<16xf32> to vector<1x16xf32>
        tpu.vector_store %arg11[%parallel_loop3A_948, %parallel_loop3A_949], %parallel_loop3A_952 {strides = array<i32>} : memref<104x128xf32, #tpu.memory_space<vmem>>, vector<1x16xf32>,
        %parallel_loop3A_953 = arith.subf %parallel_loop3A_793, %parallel_loop3A_860 : vector<16xf32>
        %parallel_loop3A_954 = arith.mulf %parallel_loop3A_953, %parallel_loop3A_889 : vector<16xf32>
        %parallel_loop3A_955 = arith.mulf %parallel_loop3A_954, %get3A_400 : vector<16xf32>
        %parallel_loop3A_956 = arith.addf %parallel_loop3A_955, %get3A_424 : vector<16xf32>
        %parallel_loop3A_957 = arith.index_cast %parallel_loop3A_702 : i32 to index
        %parallel_loop3A_958 = arith.constant 112 : index
        %parallel_loop3A_959 = tpu.vector_load %arg11[%parallel_loop3A_957, %parallel_loop3A_958] {strides = array<i32>} : memref<104x128xf32, #tpu.memory_space<vmem>>, vector<1x16xf32>,
        %parallel_loop3A_960 = vector.shape_cast %parallel_loop3A_959 : vector<1x16xf32> to vector<16xf32>
        %parallel_loop3A_961 = vector.shape_cast %parallel_loop3A_956 : vector<16xf32> to vector<1x16xf32>
        tpu.vector_store %arg11[%parallel_loop3A_957, %parallel_loop3A_958], %parallel_loop3A_961 {strides = array<i32>} : memref<104x128xf32, #tpu.memory_space<vmem>>, vector<1x16xf32>,
      } {sc.loop_unroll_factor = 8 : i64, sc.parallel_access}
      %dma_start3A_428 = arith.constant 1 : i32
      %dma_start3A_429 = arith.constant 0 : i32
      %dma_start3A_430 = arith.constant 0 : i32
      %dma_start3A_431 = tpu.memref_slice %arg11[%dma_start3A_429, %dma_start3A_430] : memref<104x128xf32, #tpu.memory_space<vmem>> -> memref<96x128xf32, #tpu.memory_space<vmem>>
      %dma_start3A_432 = arith.constant 104 : i32
      %dma_start3A_433 = arith.constant 0 : i32
      %dma_start3A_434 = tpu.memref_slice %arg9[%add3A_335, %dma_start3A_432, %dma_start3A_433] : memref<4096x200x128xf32, #tpu.memory_space<hbm>> -> memref<1x96x128xf32, #tpu.memory_space<hbm>>
      %dma_start3A_435 = tpu.memref_squeeze %dma_start3A_434 : memref<1x96x128xf32, #tpu.memory_space<hbm>> -> memref<96x128xf32, #tpu.memory_space<hbm>>
      %dma_start3A_436 = tpu.memref_slice %arg21[%dma_start3A_428] : memref<4x!tpu.dma_semaphore, #tpu.memory_space<semaphore_mem>> -> memref<1x!tpu.dma_semaphore, #tpu.memory_space<semaphore_mem>>
      %dma_start3A_437 = tpu.memref_squeeze %dma_start3A_436 : memref<1x!tpu.dma_semaphore, #tpu.memory_space<semaphore_mem>> -> memref<!tpu.dma_semaphore, #tpu.memory_space<semaphore_mem>>
      %dma_start3A_438 = arith.constant 104 : i32
      %dma_start3A_439 = arith.constant 0 : i32
      %dma_start3A_440 = tpu.memref_slice %arg9[%add3A_335, %dma_start3A_438, %dma_start3A_439] : memref<4096x200x128xf32, #tpu.memory_space<hbm>> -> memref<1x96x128xf32, #tpu.memory_space<hbm>>
      %dma_start3A_441 = tpu.memref_squeeze %dma_start3A_440 : memref<1x96x128xf32, #tpu.memory_space<hbm>> -> memref<96x128xf32, #tpu.memory_space<hbm>>
      %dma_start3A_442 = arith.constant 0 : i32
      %dma_start3A_443 = arith.constant 0 : i32
      %dma_start3A_444 = tpu.memref_slice %arg11[%dma_start3A_442, %dma_start3A_443] : memref<104x128xf32, #tpu.memory_space<vmem>> -> memref<96x128xf32, #tpu.memory_space<vmem>>
      tpu.enqueue_dma source(%dma_start3A_444 : memref<96x128xf32, #tpu.memory_space<vmem>>) target(%dma_start3A_441 : memref<96x128xf32, #tpu.memory_space<hbm>>) target_semaphore(%dma_start3A_437 : memref<!tpu.dma_semaphore, #tpu.memory_space<semaphore_mem>>)
      %add3A_445 = arith.constant 4 : i32
      %add3A_446 = arith.addi %add3A_330, %add3A_445 : i32
      %lt3A_447 = arith.constant 256 : i32
      %lt3A_448 = arith.cmpi slt, %add3A_446, %lt3A_447 : i32
      %convert_element_type3A_449 = arith.extui %lt3A_448 : i1 to i32
      %cond3A_450 = arith.constant 0 : i32
      %cond3A_451 = arith.cmpi ne, %convert_element_type3A_449, %cond3A_450 : i32
      scf.if %cond3A_451 {
        %add3A_702 = arith.constant 4 : i32
        %add3A_703 = arith.addi %add3A_330, %add3A_702 : i32
        %jit3A = arith.constant 2 : i32
        %div3A = arith.divsi %add3A_703, %jit3A : i32
        %sign3A = arith.constant 0 : i32
        %sign3A_704 = arith.cmpi sgt, %add3A_703, %sign3A : i32
        %sign3A_705 = arith.extui %sign3A_704 : i1 to i32
        %sign3A_706 = arith.constant 0 : i32
        %sign3A_707 = arith.cmpi slt, %add3A_703, %sign3A_706 : i32
        %sign3A_708 = arith.extui %sign3A_707 : i1 to i32
        %sign3A_709 = arith.subi %sign3A_705, %sign3A_708 : i32
        %sign3A_710 = arith.constant 0 : i32
        %sign3A_711 = arith.cmpi sgt, %jit3A, %sign3A_710 : i32
        %sign3A_712 = arith.extui %sign3A_711 : i1 to i32
        %sign3A_713 = arith.constant 0 : i32
        %sign3A_714 = arith.cmpi slt, %jit3A, %sign3A_713 : i32
        %sign3A_715 = arith.extui %sign3A_714 : i1 to i32
        %sign3A_716 = arith.subi %sign3A_712, %sign3A_715 : i32
        %ne3A = arith.cmpi ne, %sign3A_709, %sign3A_716 : i32
        %rem3A = arith.remsi %add3A_703, %jit3A : i32
        %ne3A_717 = arith.constant 0 : i32
        %ne3A_718 = arith.cmpi ne, %rem3A, %ne3A_717 : i32
        %and3A = arith.andi %ne3A, %ne3A_718 : i1
        %sub3A = arith.constant 1 : i32
        %sub3A_719 = arith.subi %div3A, %sub3A : i32
        %select_n3A = arith.select %and3A, %sub3A_719, %div3A : i32
        %mul3A_720 = arith.constant 200 : i32
        %mul3A_721 = arith.muli %select_n3A, %mul3A_720 : i32
        %add3A_722 = arith.constant 104 : i32
        %add3A_723 = arith.addi %mul3A_721, %add3A_722 : i32
        %add3A_724 = arith.addi %mul3A_4, %add3A_723 : i32
        %dma_start3A_725 = arith.constant 1 : i32
        %dma_start3A_726 = arith.constant 1 : i32
        %dma_start3A_727 = arith.constant 0 : i32
        %dma_start3A_728 = tpu.memref_slice %arg14[%dma_start3A_725, %dma_start3A_727] : memref<4x112xi32, #tpu.memory_space<vmem>> -> memref<1x96xi32, #tpu.memory_space<vmem>>
        %dma_start3A_729 = tpu.memref_squeeze %dma_start3A_728 : memref<1x96xi32, #tpu.memory_space<vmem>> -> memref<96xi32, #tpu.memory_space<vmem>>
        %dma_start3A_730 = tpu.memref_slice %arg2[%add3A_724] : memref<819200xi32, #tpu.memory_space<hbm>> -> memref<96xi32, #tpu.memory_space<hbm>>
        %dma_start3A_731 = tpu.memref_slice %arg22[%dma_start3A_726] : memref<4x!tpu.dma_semaphore, #tpu.memory_space<semaphore_mem>> -> memref<1x!tpu.dma_semaphore, #tpu.memory_space<semaphore_mem>>
        %dma_start3A_732 = tpu.memref_squeeze %dma_start3A_731 : memref<1x!tpu.dma_semaphore, #tpu.memory_space<semaphore_mem>> -> memref<!tpu.dma_semaphore, #tpu.memory_space<semaphore_mem>>
        %dma_start3A_733 = arith.constant 0 : i32
        %dma_start3A_734 = tpu.memref_slice %arg14[%dma_start3A_725, %dma_start3A_733] : memref<4x112xi32, #tpu.memory_space<vmem>> -> memref<1x96xi32, #tpu.memory_space<vmem>>
        %dma_start3A_735 = tpu.memref_squeeze %dma_start3A_734 : memref<1x96xi32, #tpu.memory_space<vmem>> -> memref<96xi32, #tpu.memory_space<vmem>>
        %dma_start3A_736 = tpu.memref_slice %arg2[%add3A_724] : memref<819200xi32, #tpu.memory_space<hbm>> -> memref<96xi32, #tpu.memory_space<hbm>>
        tpu.enqueue_dma source(%dma_start3A_736 : memref<96xi32, #tpu.memory_space<hbm>>) target(%dma_start3A_735 : memref<96xi32, #tpu.memory_space<vmem>>) target_semaphore(%dma_start3A_732 : memref<!tpu.dma_semaphore, #tpu.memory_space<semaphore_mem>>)
        %add3A_737 = arith.addi %mul3A_4, %add3A_723 : i32
        %dma_start3A_738 = arith.constant 1 : i32
        %dma_start3A_739 = arith.constant 1 : i32
        %dma_start3A_740 = arith.constant 0 : i32
        %dma_start3A_741 = tpu.memref_slice %arg15[%dma_start3A_738, %dma_start3A_740] : memref<4x120xi32, #tpu.memory_space<vmem>> -> memref<1x96xi32, #tpu.memory_space<vmem>>
        %dma_start3A_742 = tpu.memref_squeeze %dma_start3A_741 : memref<1x96xi32, #tpu.memory_space<vmem>> -> memref<96xi32, #tpu.memory_space<vmem>>
        %dma_start3A_743 = tpu.memref_slice %arg3[%add3A_737] : memref<819200xi32, #tpu.memory_space<hbm>> -> memref<96xi32, #tpu.memory_space<hbm>>
        %dma_start3A_744 = tpu.memref_slice %arg23[%dma_start3A_739] : memref<4x!tpu.dma_semaphore, #tpu.memory_space<semaphore_mem>> -> memref<1x!tpu.dma_semaphore, #tpu.memory_space<semaphore_mem>>
        %dma_start3A_745 = tpu.memref_squeeze %dma_start3A_744 : memref<1x!tpu.dma_semaphore, #tpu.memory_space<semaphore_mem>> -> memref<!tpu.dma_semaphore, #tpu.memory_space<semaphore_mem>>
        %dma_start3A_746 = arith.constant 0 : i32
        %dma_start3A_747 = tpu.memref_slice %arg15[%dma_start3A_738, %dma_start3A_746] : memref<4x120xi32, #tpu.memory_space<vmem>> -> memref<1x96xi32, #tpu.memory_space<vmem>>
        %dma_start3A_748 = tpu.memref_squeeze %dma_start3A_747 : memref<1x96xi32, #tpu.memory_space<vmem>> -> memref<96xi32, #tpu.memory_space<vmem>>
        %dma_start3A_749 = tpu.memref_slice %arg3[%add3A_737] : memref<819200xi32, #tpu.memory_space<hbm>> -> memref<96xi32, #tpu.memory_space<hbm>>
        tpu.enqueue_dma source(%dma_start3A_749 : memref<96xi32, #tpu.memory_space<hbm>>) target(%dma_start3A_748 : memref<96xi32, #tpu.memory_space<vmem>>) target_semaphore(%dma_start3A_745 : memref<!tpu.dma_semaphore, #tpu.memory_space<semaphore_mem>>)
      } else {
      }
      %mul3A_452 = arith.constant 4 : i32
      %mul3A_453 = arith.muli %scan3A_206, %mul3A_452 : i32
      %add3A_454 = arith.constant 2 : i32
      %add3A_455 = arith.addi %mul3A_453, %add3A_454 : i32
      %mul3A_456 = arith.constant 2 : i32
      %mul3A_457 = arith.muli %scan3A_206, %mul3A_456 : i32
      %add3A_458 = arith.constant 1 : i32
      %add3A_459 = arith.addi %mul3A_457, %add3A_458 : i32
      %add3A_460 = arith.addi %mul3A_2, %add3A_459 : i32
      %mul3A_461 = arith.constant 200 : i32
      %mul3A_462 = arith.muli %add3A_459, %mul3A_461 : i32
      %add3A_463 = arith.constant 0 : i32
      %add3A_464 = arith.addi %mul3A_462, %add3A_463 : i32
      %dma_wait3A_465 = arith.constant 2 : i32
      %dma_wait3A_466 = arith.constant 2 : i32
      %dma_wait3A_467 = arith.constant 0 : i32
      %dma_wait3A_468 = arith.constant 0 : i32
      %dma_wait3A_469 = tpu.memref_slice %arg12[%dma_wait3A_467, %dma_wait3A_468] : memref<104x128xf32, #tpu.memory_space<vmem>> -> memref<104x128xf32, #tpu.memory_space<vmem>>
      %dma_wait3A_470 = arith.constant 0 : i32
      %dma_wait3A_471 = tpu.memref_slice %arg14[%dma_wait3A_465, %dma_wait3A_470] : memref<4x112xi32, #tpu.memory_space<vmem>> -> memref<1x104xi32, #tpu.memory_space<vmem>>
      %dma_wait3A_472 = tpu.memref_squeeze %dma_wait3A_471 : memref<1x104xi32, #tpu.memory_space<vmem>> -> memref<104xi32, #tpu.memory_space<vmem>>
      %dma_wait3A_473 = arith.constant 0 : i32
      %dma_wait3A_474 = arith.constant 0 : i32
      %dma_wait3A_475 = tpu.memref_slice %arg4[%dma_wait3A_473, %dma_wait3A_474] : memref<100000x128xf32, #tpu.memory_space<hbm>> -> memref<100000x128xf32, #tpu.memory_space<hbm>>
      %dma_wait3A_476 = tpu.memref_slice %arg20[%dma_wait3A_466] : memref<4x!tpu.dma_semaphore, #tpu.memory_space<semaphore_mem>> -> memref<1x!tpu.dma_semaphore, #tpu.memory_space<semaphore_mem>>
      %dma_wait3A_477 = tpu.memref_squeeze %dma_wait3A_476 : memref<1x!tpu.dma_semaphore, #tpu.memory_space<semaphore_mem>> -> memref<!tpu.dma_semaphore, #tpu.memory_space<semaphore_mem>>
      tpu.wait_indirect_dma semaphore(%dma_wait3A_477 : memref<!tpu.dma_semaphore, #tpu.memory_space<semaphore_mem>>) src(%dma_wait3A_475 : memref<100000x128xf32, #tpu.memory_space<hbm>>) dst(%dma_wait3A_469 : memref<104x128xf32, #tpu.memory_space<vmem>>)
      %dma_wait3A_478 = arith.constant 2 : i32
      %dma_wait3A_479 = arith.constant 2 : i32
      %dma_wait3A_480 = arith.constant 0 : i32
      %dma_wait3A_481 = tpu.memref_slice %arg15[%dma_wait3A_478, %dma_wait3A_480] : memref<4x120xi32, #tpu.memory_space<vmem>> -> memref<1x104xi32, #tpu.memory_space<vmem>>
      %dma_wait3A_482 = tpu.memref_squeeze %dma_wait3A_481 : memref<1x104xi32, #tpu.memory_space<vmem>> -> memref<104xi32, #tpu.memory_space<vmem>>
      %dma_wait3A_483 = tpu.memref_slice %arg3[%mul3A_4] : memref<819200xi32, #tpu.memory_space<hbm>> -> memref<104xi32, #tpu.memory_space<hbm>>
      %dma_wait3A_484 = tpu.memref_slice %arg23[%dma_wait3A_479] : memref<4x!tpu.dma_semaphore, #tpu.memory_space<semaphore_mem>> -> memref<1x!tpu.dma_semaphore, #tpu.memory_space<semaphore_mem>>
      %dma_wait3A_485 = tpu.memref_squeeze %dma_wait3A_484 : memref<1x!tpu.dma_semaphore, #tpu.memory_space<semaphore_mem>> -> memref<!tpu.dma_semaphore, #tpu.memory_space<semaphore_mem>>
      %dma_wait3A_486 = arith.constant 0 : i32
      %dma_wait3A_487 = tpu.memref_slice %arg15[%dma_wait3A_478, %dma_wait3A_486] : memref<4x120xi32, #tpu.memory_space<vmem>> -> memref<1x104xi32, #tpu.memory_space<vmem>>
      %dma_wait3A_488 = tpu.memref_squeeze %dma_wait3A_487 : memref<1x104xi32, #tpu.memory_space<vmem>> -> memref<104xi32, #tpu.memory_space<vmem>>
      %dma_wait3A_489 = tpu.memref_slice %arg3[%mul3A_4] : memref<819200xi32, #tpu.memory_space<hbm>> -> memref<104xi32, #tpu.memory_space<hbm>>
      tpu.wait_dma2 semaphore(%dma_wait3A_485 : memref<!tpu.dma_semaphore, #tpu.memory_space<semaphore_mem>>) src(%dma_wait3A_489 : memref<104xi32, #tpu.memory_space<hbm>>) dst(%dma_wait3A_488 : memref<104xi32, #tpu.memory_space<vmem>>)
      %ge3A_490 = arith.constant 2 : i32
      %ge3A_491 = arith.cmpi sge, %add3A_455, %ge3A_490 : i32
      %convert_element_type3A_492 = arith.extui %ge3A_491 : i1 to i32
      %cond3A_493 = arith.constant 0 : i32
      %cond3A_494 = arith.cmpi ne, %convert_element_type3A_492, %cond3A_493 : i32
      scf.if %cond3A_494 {
        %dma_wait3A_702 = arith.constant 0 : i32
        %dma_wait3A_703 = arith.constant 0 : i32
        %dma_wait3A_704 = arith.constant 0 : i32
        %dma_wait3A_705 = tpu.memref_slice %arg10[%dma_wait3A_703, %dma_wait3A_704] : memref<104x128xf32, #tpu.memory_space<vmem>> -> memref<104x128xf32, #tpu.memory_space<vmem>>
        %dma_wait3A_706 = arith.constant 0 : i32
        %dma_wait3A_707 = arith.constant 0 : i32
        %dma_wait3A_708 = tpu.memref_slice %arg9[%add3A_460, %dma_wait3A_706, %dma_wait3A_707] : memref<4096x200x128xf32, #tpu.memory_space<hbm>> -> memref<1x104x128xf32, #tpu.memory_space<hbm>>
        %dma_wait3A_709 = tpu.memref_squeeze %dma_wait3A_708 : memref<1x104x128xf32, #tpu.memory_space<hbm>> -> memref<104x128xf32, #tpu.memory_space<hbm>>
        %dma_wait3A_710 = tpu.memref_slice %arg21[%dma_wait3A_702] : memref<4x!tpu.dma_semaphore, #tpu.memory_space<semaphore_mem>> -> memref<1x!tpu.dma_semaphore, #tpu.memory_space<semaphore_mem>>
        %dma_wait3A_711 = tpu.memref_squeeze %dma_wait3A_710 : memref<1x!tpu.dma_semaphore, #tpu.memory_space<semaphore_mem>> -> memref<!tpu.dma_semaphore, #tpu.memory_space<semaphore_mem>>
        %dma_wait3A_712 = arith.constant 0 : i32
        %dma_wait3A_713 = arith.constant 0 : i32
        %dma_wait3A_714 = tpu.memref_slice %arg9[%add3A_460, %dma_wait3A_712, %dma_wait3A_713] : memref<4096x200x128xf32, #tpu.memory_space<hbm>> -> memref<1x104x128xf32, #tpu.memory_space<hbm>>
        %dma_wait3A_715 = tpu.memref_squeeze %dma_wait3A_714 : memref<1x104x128xf32, #tpu.memory_space<hbm>> -> memref<104x128xf32, #tpu.memory_space<hbm>>
        %dma_wait3A_716 = arith.constant 0 : i32
        %dma_wait3A_717 = arith.constant 0 : i32
        %dma_wait3A_718 = tpu.memref_slice %arg10[%dma_wait3A_716, %dma_wait3A_717] : memref<104x128xf32, #tpu.memory_space<vmem>> -> memref<104x128xf32, #tpu.memory_space<vmem>>
        tpu.wait_dma2 semaphore(%dma_wait3A_711 : memref<!tpu.dma_semaphore, #tpu.memory_space<semaphore_mem>>) src(%dma_wait3A_718 : memref<104x128xf32, #tpu.memory_space<vmem>>) dst(%dma_wait3A_715 : memref<104x128xf32, #tpu.memory_space<hbm>>)
      } else {
      }
      %add3A_495 = arith.constant 2 : i32
      %add3A_496 = arith.addi %add3A_455, %add3A_495 : i32
      %lt3A_497 = arith.constant 256 : i32
      %lt3A_498 = arith.cmpi slt, %add3A_496, %lt3A_497 : i32
      %convert_element_type3A_499 = arith.extui %lt3A_498 : i1 to i32
      %cond3A_500 = arith.constant 0 : i32
      %cond3A_501 = arith.cmpi ne, %convert_element_type3A_499, %cond3A_500 : i32
      scf.if %cond3A_501 {
        %dma_wait3A_702 = arith.constant 0 : i32
        %dma_wait3A_703 = arith.constant 0 : i32
        %dma_wait3A_704 = arith.constant 0 : i32
        %dma_wait3A_705 = tpu.memref_slice %arg14[%dma_wait3A_702, %dma_wait3A_704] : memref<4x112xi32, #tpu.memory_space<vmem>> -> memref<1x104xi32, #tpu.memory_space<vmem>>
        %dma_wait3A_706 = tpu.memref_squeeze %dma_wait3A_705 : memref<1x104xi32, #tpu.memory_space<vmem>> -> memref<104xi32, #tpu.memory_space<vmem>>
        %dma_wait3A_707 = tpu.memref_slice %arg2[%mul3A_4] : memref<819200xi32, #tpu.memory_space<hbm>> -> memref<104xi32, #tpu.memory_space<hbm>>
        %dma_wait3A_708 = tpu.memref_slice %arg22[%dma_wait3A_703] : memref<4x!tpu.dma_semaphore, #tpu.memory_space<semaphore_mem>> -> memref<1x!tpu.dma_semaphore, #tpu.memory_space<semaphore_mem>>
        %dma_wait3A_709 = tpu.memref_squeeze %dma_wait3A_708 : memref<1x!tpu.dma_semaphore, #tpu.memory_space<semaphore_mem>> -> memref<!tpu.dma_semaphore, #tpu.memory_space<semaphore_mem>>
        %dma_wait3A_710 = arith.constant 0 : i32
        %dma_wait3A_711 = tpu.memref_slice %arg14[%dma_wait3A_702, %dma_wait3A_710] : memref<4x112xi32, #tpu.memory_space<vmem>> -> memref<1x104xi32, #tpu.memory_space<vmem>>
        %dma_wait3A_712 = tpu.memref_squeeze %dma_wait3A_711 : memref<1x104xi32, #tpu.memory_space<vmem>> -> memref<104xi32, #tpu.memory_space<vmem>>
        %dma_wait3A_713 = tpu.memref_slice %arg2[%mul3A_4] : memref<819200xi32, #tpu.memory_space<hbm>> -> memref<104xi32, #tpu.memory_space<hbm>>
        tpu.wait_dma2 semaphore(%dma_wait3A_709 : memref<!tpu.dma_semaphore, #tpu.memory_space<semaphore_mem>>) src(%dma_wait3A_713 : memref<104xi32, #tpu.memory_space<hbm>>) dst(%dma_wait3A_712 : memref<104xi32, #tpu.memory_space<vmem>>)
        %dma_start3A_714 = arith.constant 0 : i32
        %dma_start3A_715 = arith.constant 0 : i32
        %dma_start3A_716 = arith.constant 0 : i32
        %dma_start3A_717 = arith.constant 0 : i32
        %dma_start3A_718 = tpu.memref_slice %arg10[%dma_start3A_716, %dma_start3A_717] : memref<104x128xf32, #tpu.memory_space<vmem>> -> memref<104x128xf32, #tpu.memory_space<vmem>>
        %dma_start3A_719 = arith.constant 0 : i32
        %dma_start3A_720 = tpu.memref_slice %arg14[%dma_start3A_714, %dma_start3A_719] : memref<4x112xi32, #tpu.memory_space<vmem>> -> memref<1x104xi32, #tpu.memory_space<vmem>>
        %dma_start3A_721 = tpu.memref_squeeze %dma_start3A_720 : memref<1x104xi32, #tpu.memory_space<vmem>> -> memref<104xi32, #tpu.memory_space<vmem>>
        %dma_start3A_722 = arith.constant 0 : i32
        %dma_start3A_723 = arith.constant 0 : i32
        %dma_start3A_724 = tpu.memref_slice %arg4[%dma_start3A_722, %dma_start3A_723] : memref<100000x128xf32, #tpu.memory_space<hbm>> -> memref<100000x128xf32, #tpu.memory_space<hbm>>
        %dma_start3A_725 = tpu.memref_slice %arg20[%dma_start3A_715] : memref<4x!tpu.dma_semaphore, #tpu.memory_space<semaphore_mem>> -> memref<1x!tpu.dma_semaphore, #tpu.memory_space<semaphore_mem>>
        %dma_start3A_726 = tpu.memref_squeeze %dma_start3A_725 : memref<1x!tpu.dma_semaphore, #tpu.memory_space<semaphore_mem>> -> memref<!tpu.dma_semaphore, #tpu.memory_space<semaphore_mem>>
        tpu.enqueue_indirect_dma source(%dma_start3A_724 : memref<100000x128xf32, #tpu.memory_space<hbm>>) target(%dma_start3A_718 : memref<104x128xf32, #tpu.memory_space<vmem>>) offsets(%dma_start3A_721 : memref<104xi32, #tpu.memory_space<vmem>>) semaphore(%dma_start3A_726 : memref<!tpu.dma_semaphore, #tpu.memory_space<semaphore_mem>>)
      } else {
      }
      %get3A_502 = arith.constant 0 : index
      %get3A_503 = tpu.vector_load %arg18[%get3A_502] {strides = array<i32>} : memref<128xf32, #tpu.memory_space<vmem>>, vector<16xf32>,
      %get3A_504 = vector.shape_cast %get3A_503 : vector<16xf32> to vector<16xf32>
      %get3A_505 = arith.constant 16 : index
      %get3A_506 = tpu.vector_load %arg18[%get3A_505] {strides = array<i32>} : memref<128xf32, #tpu.memory_space<vmem>>, vector<16xf32>,
      %get3A_507 = vector.shape_cast %get3A_506 : vector<16xf32> to vector<16xf32>
      %get3A_508 = arith.constant 32 : index
      %get3A_509 = tpu.vector_load %arg18[%get3A_508] {strides = array<i32>} : memref<128xf32, #tpu.memory_space<vmem>>, vector<16xf32>,
      %get3A_510 = vector.shape_cast %get3A_509 : vector<16xf32> to vector<16xf32>
      %get3A_511 = arith.constant 48 : index
      %get3A_512 = tpu.vector_load %arg18[%get3A_511] {strides = array<i32>} : memref<128xf32, #tpu.memory_space<vmem>>, vector<16xf32>,
      %get3A_513 = vector.shape_cast %get3A_512 : vector<16xf32> to vector<16xf32>
      %get3A_514 = arith.constant 64 : index
      %get3A_515 = tpu.vector_load %arg18[%get3A_514] {strides = array<i32>} : memref<128xf32, #tpu.memory_space<vmem>>, vector<16xf32>,
      %get3A_516 = vector.shape_cast %get3A_515 : vector<16xf32> to vector<16xf32>
      %get3A_517 = arith.constant 80 : index
      %get3A_518 = tpu.vector_load %arg18[%get3A_517] {strides = array<i32>} : memref<128xf32, #tpu.memory_space<vmem>>, vector<16xf32>,
      %get3A_519 = vector.shape_cast %get3A_518 : vector<16xf32> to vector<16xf32>
      %get3A_520 = arith.constant 96 : index
      %get3A_521 = tpu.vector_load %arg18[%get3A_520] {strides = array<i32>} : memref<128xf32, #tpu.memory_space<vmem>>, vector<16xf32>,
      %get3A_522 = vector.shape_cast %get3A_521 : vector<16xf32> to vector<16xf32>
      %get3A_523 = arith.constant 112 : index
      %get3A_524 = tpu.vector_load %arg18[%get3A_523] {strides = array<i32>} : memref<128xf32, #tpu.memory_space<vmem>>, vector<16xf32>,
      %get3A_525 = vector.shape_cast %get3A_524 : vector<16xf32> to vector<16xf32>
      %get3A_526 = arith.constant 0 : index
      %get3A_527 = tpu.vector_load %arg19[%get3A_526] {strides = array<i32>} : memref<128xf32, #tpu.memory_space<vmem>>, vector<16xf32>,
      %get3A_528 = vector.shape_cast %get3A_527 : vector<16xf32> to vector<16xf32>
      %get3A_529 = arith.constant 16 : index
      %get3A_530 = tpu.vector_load %arg19[%get3A_529] {strides = array<i32>} : memref<128xf32, #tpu.memory_space<vmem>>, vector<16xf32>,
      %get3A_531 = vector.shape_cast %get3A_530 : vector<16xf32> to vector<16xf32>
      %get3A_532 = arith.constant 32 : index
      %get3A_533 = tpu.vector_load %arg19[%get3A_532] {strides = array<i32>} : memref<128xf32, #tpu.memory_space<vmem>>, vector<16xf32>,
      %get3A_534 = vector.shape_cast %get3A_533 : vector<16xf32> to vector<16xf32>
      %get3A_535 = arith.constant 48 : index
      %get3A_536 = tpu.vector_load %arg19[%get3A_535] {strides = array<i32>} : memref<128xf32, #tpu.memory_space<vmem>>, vector<16xf32>,
      %get3A_537 = vector.shape_cast %get3A_536 : vector<16xf32> to vector<16xf32>
      %get3A_538 = arith.constant 64 : index
      %get3A_539 = tpu.vector_load %arg19[%get3A_538] {strides = array<i32>} : memref<128xf32, #tpu.memory_space<vmem>>, vector<16xf32>,
      %get3A_540 = vector.shape_cast %get3A_539 : vector<16xf32> to vector<16xf32>
      %get3A_541 = arith.constant 80 : index
      %get3A_542 = tpu.vector_load %arg19[%get3A_541] {strides = array<i32>} : memref<128xf32, #tpu.memory_space<vmem>>, vector<16xf32>,
      %get3A_543 = vector.shape_cast %get3A_542 : vector<16xf32> to vector<16xf32>
      %get3A_544 = arith.constant 96 : index
      %get3A_545 = tpu.vector_load %arg19[%get3A_544] {strides = array<i32>} : memref<128xf32, #tpu.memory_space<vmem>>, vector<16xf32>,
      %get3A_546 = vector.shape_cast %get3A_545 : vector<16xf32> to vector<16xf32>
      %get3A_547 = arith.constant 112 : index
      %get3A_548 = tpu.vector_load %arg19[%get3A_547] {strides = array<i32>} : memref<128xf32, #tpu.memory_space<vmem>>, vector<16xf32>,
      %get3A_549 = vector.shape_cast %get3A_548 : vector<16xf32> to vector<16xf32>
      %parallel_loop3A_550 = arith.constant 0 : i32
      %parallel_loop3A_551 = arith.constant 104 : i32
      %parallel_loop3A_552 = arith.constant 1 : i32
      scf.for %parallel_loop3A_702 = %parallel_loop3A_550 to %parallel_loop3A_551 step %parallel_loop3A_552  : i32 {
        %parallel_loop3A_703 = arith.constant 2 : i32
        %parallel_loop3A_704 = arith.index_cast %parallel_loop3A_703 : i32 to index
        %parallel_loop3A_705 = arith.index_cast %parallel_loop3A_702 : i32 to index
        %parallel_loop3A_706 = tpu.vector_load %arg15[%parallel_loop3A_704, %parallel_loop3A_705] {strides = array<i32>} : memref<4x120xi32, #tpu.memory_space<vmem>>, vector<1x16xi32>,
        %parallel_loop3A_707 = vector.shape_cast %parallel_loop3A_706 : vector<1x16xi32> to vector<16xi32>
        %parallel_loop3A_708 = vector.extract_strided_slice %parallel_loop3A_707 {offsets = [0], sizes = [1], strides = [1]} : vector<16xi32> to vector<1xi32>
        %parallel_loop3A_709 = vector.extract %parallel_loop3A_708[0] : i32 from vector<1xi32>
        %parallel_loop3A_710 = arith.constant 200 : i32
        %parallel_loop3A_711 = arith.muli %parallel_loop3A_709, %parallel_loop3A_710 : i32
        %parallel_loop3A_712 = arith.constant 0 : i32
        %parallel_loop3A_713 = arith.addi %parallel_loop3A_712, %parallel_loop3A_702 : i32
        %parallel_loop3A_714 = arith.addi %parallel_loop3A_711, %parallel_loop3A_713 : i32
        %parallel_loop3A_715 = arith.index_cast %parallel_loop3A_702 : i32 to index
        %parallel_loop3A_716 = arith.constant 0 : index
        %parallel_loop3A_717 = tpu.vector_load %arg12[%parallel_loop3A_715, %parallel_loop3A_716] {strides = array<i32>} : memref<104x128xf32, #tpu.memory_space<vmem>>, vector<1x16xf32>,
        %parallel_loop3A_718 = vector.shape_cast %parallel_loop3A_717 : vector<1x16xf32> to vector<16xf32>
        %parallel_loop3A_719 = arith.index_cast %parallel_loop3A_714 : i32 to index
        %parallel_loop3A_720 = arith.constant 0 : index
        %parallel_loop3A_721 = tpu.vector_load %arg16[%parallel_loop3A_719, %parallel_loop3A_720] {strides = array<i32>} : memref<400x128xf32, #tpu.memory_space<vmem>>, vector<1x16xf32>,
        %parallel_loop3A_722 = vector.shape_cast %parallel_loop3A_721 : vector<1x16xf32> to vector<16xf32>
        %parallel_loop3A_723 = arith.addf %parallel_loop3A_718, %parallel_loop3A_722 : vector<16xf32>
        %parallel_loop3A_724 = arith.mulf %parallel_loop3A_723, %parallel_loop3A_723 : vector<16xf32>
        %parallel_loop3A_725 = arith.index_cast %parallel_loop3A_702 : i32 to index
        %parallel_loop3A_726 = arith.constant 16 : index
        %parallel_loop3A_727 = tpu.vector_load %arg12[%parallel_loop3A_725, %parallel_loop3A_726] {strides = array<i32>} : memref<104x128xf32, #tpu.memory_space<vmem>>, vector<1x16xf32>,
        %parallel_loop3A_728 = vector.shape_cast %parallel_loop3A_727 : vector<1x16xf32> to vector<16xf32>
        %parallel_loop3A_729 = arith.index_cast %parallel_loop3A_714 : i32 to index
        %parallel_loop3A_730 = arith.constant 16 : index
        %parallel_loop3A_731 = tpu.vector_load %arg16[%parallel_loop3A_729, %parallel_loop3A_730] {strides = array<i32>} : memref<400x128xf32, #tpu.memory_space<vmem>>, vector<1x16xf32>,
        %parallel_loop3A_732 = vector.shape_cast %parallel_loop3A_731 : vector<1x16xf32> to vector<16xf32>
        %parallel_loop3A_733 = arith.addf %parallel_loop3A_728, %parallel_loop3A_732 : vector<16xf32>
        %parallel_loop3A_734 = arith.mulf %parallel_loop3A_733, %parallel_loop3A_733 : vector<16xf32>
        %parallel_loop3A_735 = arith.index_cast %parallel_loop3A_702 : i32 to index
        %parallel_loop3A_736 = arith.constant 32 : index
        %parallel_loop3A_737 = tpu.vector_load %arg12[%parallel_loop3A_735, %parallel_loop3A_736] {strides = array<i32>} : memref<104x128xf32, #tpu.memory_space<vmem>>, vector<1x16xf32>,
        %parallel_loop3A_738 = vector.shape_cast %parallel_loop3A_737 : vector<1x16xf32> to vector<16xf32>
        %parallel_loop3A_739 = arith.index_cast %parallel_loop3A_714 : i32 to index
        %parallel_loop3A_740 = arith.constant 32 : index
        %parallel_loop3A_741 = tpu.vector_load %arg16[%parallel_loop3A_739, %parallel_loop3A_740] {strides = array<i32>} : memref<400x128xf32, #tpu.memory_space<vmem>>, vector<1x16xf32>,
        %parallel_loop3A_742 = vector.shape_cast %parallel_loop3A_741 : vector<1x16xf32> to vector<16xf32>
        %parallel_loop3A_743 = arith.addf %parallel_loop3A_738, %parallel_loop3A_742 : vector<16xf32>
        %parallel_loop3A_744 = arith.mulf %parallel_loop3A_743, %parallel_loop3A_743 : vector<16xf32>
        %parallel_loop3A_745 = arith.index_cast %parallel_loop3A_702 : i32 to index
        %parallel_loop3A_746 = arith.constant 48 : index
        %parallel_loop3A_747 = tpu.vector_load %arg12[%parallel_loop3A_745, %parallel_loop3A_746] {strides = array<i32>} : memref<104x128xf32, #tpu.memory_space<vmem>>, vector<1x16xf32>,
        %parallel_loop3A_748 = vector.shape_cast %parallel_loop3A_747 : vector<1x16xf32> to vector<16xf32>
        %parallel_loop3A_749 = arith.index_cast %parallel_loop3A_714 : i32 to index
        %parallel_loop3A_750 = arith.constant 48 : index
        %parallel_loop3A_751 = tpu.vector_load %arg16[%parallel_loop3A_749, %parallel_loop3A_750] {strides = array<i32>} : memref<400x128xf32, #tpu.memory_space<vmem>>, vector<1x16xf32>,
        %parallel_loop3A_752 = vector.shape_cast %parallel_loop3A_751 : vector<1x16xf32> to vector<16xf32>
        %parallel_loop3A_753 = arith.addf %parallel_loop3A_748, %parallel_loop3A_752 : vector<16xf32>
        %parallel_loop3A_754 = arith.mulf %parallel_loop3A_753, %parallel_loop3A_753 : vector<16xf32>
        %parallel_loop3A_755 = arith.index_cast %parallel_loop3A_702 : i32 to index
        %parallel_loop3A_756 = arith.constant 64 : index
        %parallel_loop3A_757 = tpu.vector_load %arg12[%parallel_loop3A_755, %parallel_loop3A_756] {strides = array<i32>} : memref<104x128xf32, #tpu.memory_space<vmem>>, vector<1x16xf32>,
        %parallel_loop3A_758 = vector.shape_cast %parallel_loop3A_757 : vector<1x16xf32> to vector<16xf32>
        %parallel_loop3A_759 = arith.index_cast %parallel_loop3A_714 : i32 to index
        %parallel_loop3A_760 = arith.constant 64 : index
        %parallel_loop3A_761 = tpu.vector_load %arg16[%parallel_loop3A_759, %parallel_loop3A_760] {strides = array<i32>} : memref<400x128xf32, #tpu.memory_space<vmem>>, vector<1x16xf32>,
        %parallel_loop3A_762 = vector.shape_cast %parallel_loop3A_761 : vector<1x16xf32> to vector<16xf32>
        %parallel_loop3A_763 = arith.addf %parallel_loop3A_758, %parallel_loop3A_762 : vector<16xf32>
        %parallel_loop3A_764 = arith.mulf %parallel_loop3A_763, %parallel_loop3A_763 : vector<16xf32>
        %parallel_loop3A_765 = arith.index_cast %parallel_loop3A_702 : i32 to index
        %parallel_loop3A_766 = arith.constant 80 : index
        %parallel_loop3A_767 = tpu.vector_load %arg12[%parallel_loop3A_765, %parallel_loop3A_766] {strides = array<i32>} : memref<104x128xf32, #tpu.memory_space<vmem>>, vector<1x16xf32>,
        %parallel_loop3A_768 = vector.shape_cast %parallel_loop3A_767 : vector<1x16xf32> to vector<16xf32>
        %parallel_loop3A_769 = arith.index_cast %parallel_loop3A_714 : i32 to index
        %parallel_loop3A_770 = arith.constant 80 : index
        %parallel_loop3A_771 = tpu.vector_load %arg16[%parallel_loop3A_769, %parallel_loop3A_770] {strides = array<i32>} : memref<400x128xf32, #tpu.memory_space<vmem>>, vector<1x16xf32>,
        %parallel_loop3A_772 = vector.shape_cast %parallel_loop3A_771 : vector<1x16xf32> to vector<16xf32>
        %parallel_loop3A_773 = arith.addf %parallel_loop3A_768, %parallel_loop3A_772 : vector<16xf32>
        %parallel_loop3A_774 = arith.mulf %parallel_loop3A_773, %parallel_loop3A_773 : vector<16xf32>
        %parallel_loop3A_775 = arith.index_cast %parallel_loop3A_702 : i32 to index
        %parallel_loop3A_776 = arith.constant 96 : index
        %parallel_loop3A_777 = tpu.vector_load %arg12[%parallel_loop3A_775, %parallel_loop3A_776] {strides = array<i32>} : memref<104x128xf32, #tpu.memory_space<vmem>>, vector<1x16xf32>,
        %parallel_loop3A_778 = vector.shape_cast %parallel_loop3A_777 : vector<1x16xf32> to vector<16xf32>
        %parallel_loop3A_779 = arith.index_cast %parallel_loop3A_714 : i32 to index
        %parallel_loop3A_780 = arith.constant 96 : index
        %parallel_loop3A_781 = tpu.vector_load %arg16[%parallel_loop3A_779, %parallel_loop3A_780] {strides = array<i32>} : memref<400x128xf32, #tpu.memory_space<vmem>>, vector<1x16xf32>,
        %parallel_loop3A_782 = vector.shape_cast %parallel_loop3A_781 : vector<1x16xf32> to vector<16xf32>
        %parallel_loop3A_783 = arith.addf %parallel_loop3A_778, %parallel_loop3A_782 : vector<16xf32>
        %parallel_loop3A_784 = arith.mulf %parallel_loop3A_783, %parallel_loop3A_783 : vector<16xf32>
        %parallel_loop3A_785 = arith.index_cast %parallel_loop3A_702 : i32 to index
        %parallel_loop3A_786 = arith.constant 112 : index
        %parallel_loop3A_787 = tpu.vector_load %arg12[%parallel_loop3A_785, %parallel_loop3A_786] {strides = array<i32>} : memref<104x128xf32, #tpu.memory_space<vmem>>, vector<1x16xf32>,
        %parallel_loop3A_788 = vector.shape_cast %parallel_loop3A_787 : vector<1x16xf32> to vector<16xf32>
        %parallel_loop3A_789 = arith.index_cast %parallel_loop3A_714 : i32 to index
        %parallel_loop3A_790 = arith.constant 112 : index
        %parallel_loop3A_791 = tpu.vector_load %arg16[%parallel_loop3A_789, %parallel_loop3A_790] {strides = array<i32>} : memref<400x128xf32, #tpu.memory_space<vmem>>, vector<1x16xf32>,
        %parallel_loop3A_792 = vector.shape_cast %parallel_loop3A_791 : vector<1x16xf32> to vector<16xf32>
        %parallel_loop3A_793 = arith.addf %parallel_loop3A_788, %parallel_loop3A_792 : vector<16xf32>
        %parallel_loop3A_794 = arith.mulf %parallel_loop3A_793, %parallel_loop3A_793 : vector<16xf32>
        %parallel_loop3A_795 = arith.addf %parallel_loop3A_723, %parallel_loop3A_733 : vector<16xf32>
        %parallel_loop3A_796 = arith.addf %parallel_loop3A_743, %parallel_loop3A_753 : vector<16xf32>
        %parallel_loop3A_797 = arith.addf %parallel_loop3A_763, %parallel_loop3A_773 : vector<16xf32>
        %parallel_loop3A_798 = arith.addf %parallel_loop3A_783, %parallel_loop3A_793 : vector<16xf32>
        %parallel_loop3A_799 = arith.addf %parallel_loop3A_795, %parallel_loop3A_796 : vector<16xf32>
        %parallel_loop3A_800 = arith.addf %parallel_loop3A_797, %parallel_loop3A_798 : vector<16xf32>
        %parallel_loop3A_801 = arith.addf %parallel_loop3A_799, %parallel_loop3A_800 : vector<16xf32>
        %parallel_loop3A_802 = arith.addf %parallel_loop3A_724, %parallel_loop3A_734 : vector<16xf32>
        %parallel_loop3A_803 = arith.addf %parallel_loop3A_744, %parallel_loop3A_754 : vector<16xf32>
        %parallel_loop3A_804 = arith.addf %parallel_loop3A_764, %parallel_loop3A_774 : vector<16xf32>
        %parallel_loop3A_805 = arith.addf %parallel_loop3A_784, %parallel_loop3A_794 : vector<16xf32>
        %parallel_loop3A_806 = arith.addf %parallel_loop3A_802, %parallel_loop3A_803 : vector<16xf32>
        %parallel_loop3A_807 = arith.addf %parallel_loop3A_804, %parallel_loop3A_805 : vector<16xf32>
        %parallel_loop3A_808 = arith.addf %parallel_loop3A_806, %parallel_loop3A_807 : vector<16xf32>
        %parallel_loop3A_809 = tpu.iota {dimensions = array<i32: 0>} : vector<16xi32>
        %parallel_loop3A_810 = arith.constant 8 : i32
        %parallel_loop3A_811 = vector.broadcast %parallel_loop3A_810 : i32 to vector<16xi32>
        %parallel_loop3A_812 = arith.xori %parallel_loop3A_809, %parallel_loop3A_811 : vector<16xi32>
        %parallel_loop3A_813 = vector.shape_cast %parallel_loop3A_812 : vector<16xi32> to vector<16x1xi32>
        %parallel_loop3A_814 = vector.shape_cast %parallel_loop3A_813 : vector<16x1xi32> to vector<16xi32>
        %parallel_loop3A_815 = tpu.dynamic_gather %parallel_loop3A_801[%parallel_loop3A_814] in [0] : vector<16xf32>, vector<16xi32> -> vector<16xf32>
        %parallel_loop3A_816 = arith.addf %parallel_loop3A_801, %parallel_loop3A_815 : vector<16xf32>
        %parallel_loop3A_817 = tpu.iota {dimensions = array<i32: 0>} : vector<16xi32>
        %parallel_loop3A_818 = arith.constant 8 : i32
        %parallel_loop3A_819 = vector.broadcast %parallel_loop3A_818 : i32 to vector<16xi32>
        %parallel_loop3A_820 = arith.xori %parallel_loop3A_817, %parallel_loop3A_819 : vector<16xi32>
        %parallel_loop3A_821 = vector.shape_cast %parallel_loop3A_820 : vector<16xi32> to vector<16x1xi32>
        %parallel_loop3A_822 = vector.shape_cast %parallel_loop3A_821 : vector<16x1xi32> to vector<16xi32>
        %parallel_loop3A_823 = tpu.dynamic_gather %parallel_loop3A_808[%parallel_loop3A_822] in [0] : vector<16xf32>, vector<16xi32> -> vector<16xf32>
        %parallel_loop3A_824 = arith.addf %parallel_loop3A_808, %parallel_loop3A_823 : vector<16xf32>
        %parallel_loop3A_825 = tpu.iota {dimensions = array<i32: 0>} : vector<16xi32>
        %parallel_loop3A_826 = arith.constant 8 : i32
        %parallel_loop3A_827 = vector.broadcast %parallel_loop3A_826 : i32 to vector<16xi32>
        %parallel_loop3A_828 = arith.cmpi slt, %parallel_loop3A_825, %parallel_loop3A_827 : vector<16xi32>
        %parallel_loop3A_829 = arith.select %parallel_loop3A_828, %parallel_loop3A_816, %parallel_loop3A_824 : vector<16xi1>, vector<16xf32>
        %parallel_loop3A_830 = tpu.iota {dimensions = array<i32: 0>} : vector<16xi32>
        %parallel_loop3A_831 = arith.constant 4 : i32
        %parallel_loop3A_832 = vector.broadcast %parallel_loop3A_831 : i32 to vector<16xi32>
        %parallel_loop3A_833 = arith.xori %parallel_loop3A_830, %parallel_loop3A_832 : vector<16xi32>
        %parallel_loop3A_834 = vector.shape_cast %parallel_loop3A_833 : vector<16xi32> to vector<16x1xi32>
        %parallel_loop3A_835 = vector.shape_cast %parallel_loop3A_834 : vector<16x1xi32> to vector<16xi32>
        %parallel_loop3A_836 = tpu.dynamic_gather %parallel_loop3A_829[%parallel_loop3A_835] in [0] : vector<16xf32>, vector<16xi32> -> vector<16xf32>
        %parallel_loop3A_837 = arith.addf %parallel_loop3A_829, %parallel_loop3A_836 : vector<16xf32>
        %parallel_loop3A_838 = tpu.iota {dimensions = array<i32: 0>} : vector<16xi32>
        %parallel_loop3A_839 = arith.constant 2 : i32
        %parallel_loop3A_840 = vector.broadcast %parallel_loop3A_839 : i32 to vector<16xi32>
        %parallel_loop3A_841 = arith.xori %parallel_loop3A_838, %parallel_loop3A_840 : vector<16xi32>
        %parallel_loop3A_842 = vector.shape_cast %parallel_loop3A_841 : vector<16xi32> to vector<16x1xi32>
        %parallel_loop3A_843 = vector.shape_cast %parallel_loop3A_842 : vector<16x1xi32> to vector<16xi32>
        %parallel_loop3A_844 = tpu.dynamic_gather %parallel_loop3A_837[%parallel_loop3A_843] in [0] : vector<16xf32>, vector<16xi32> -> vector<16xf32>
        %parallel_loop3A_845 = arith.addf %parallel_loop3A_837, %parallel_loop3A_844 : vector<16xf32>
        %parallel_loop3A_846 = tpu.iota {dimensions = array<i32: 0>} : vector<16xi32>
        %parallel_loop3A_847 = arith.constant 1 : i32
        %parallel_loop3A_848 = vector.broadcast %parallel_loop3A_847 : i32 to vector<16xi32>
        %parallel_loop3A_849 = arith.xori %parallel_loop3A_846, %parallel_loop3A_848 : vector<16xi32>
        %parallel_loop3A_850 = vector.shape_cast %parallel_loop3A_849 : vector<16xi32> to vector<16x1xi32>
        %parallel_loop3A_851 = vector.shape_cast %parallel_loop3A_850 : vector<16x1xi32> to vector<16xi32>
        %parallel_loop3A_852 = tpu.dynamic_gather %parallel_loop3A_845[%parallel_loop3A_851] in [0] : vector<16xf32>, vector<16xi32> -> vector<16xf32>
        %parallel_loop3A_853 = arith.addf %parallel_loop3A_845, %parallel_loop3A_852 : vector<16xf32>
        %parallel_loop3A_854 = arith.constant 0 : i32
        %parallel_loop3A_855 = vector.broadcast %parallel_loop3A_854 : i32 to vector<16x1xi32>
        %parallel_loop3A_856 = vector.shape_cast %parallel_loop3A_855 : vector<16x1xi32> to vector<16xi32>
        %parallel_loop3A_857 = tpu.dynamic_gather %parallel_loop3A_853[%parallel_loop3A_856] in [0] : vector<16xf32>, vector<16xi32> -> vector<16xf32>
        %parallel_loop3A_858 = arith.constant 7.812500e-03 : f32
        %parallel_loop3A_859 = vector.broadcast %parallel_loop3A_858 : f32 to vector<16xf32>
        %parallel_loop3A_860 = arith.mulf %parallel_loop3A_857, %parallel_loop3A_859 : vector<16xf32>
        %parallel_loop3A_861 = arith.constant 8 : i32
        %parallel_loop3A_862 = vector.broadcast %parallel_loop3A_861 : i32 to vector<16x1xi32>
        %parallel_loop3A_863 = vector.shape_cast %parallel_loop3A_862 : vector<16x1xi32> to vector<16xi32>
        %parallel_loop3A_864 = tpu.dynamic_gather %parallel_loop3A_853[%parallel_loop3A_863] in [0] : vector<16xf32>, vector<16xi32> -> vector<16xf32>
        %parallel_loop3A_865 = arith.constant 7.812500e-03 : f32
        %parallel_loop3A_866 = vector.broadcast %parallel_loop3A_865 : f32 to vector<16xf32>
        %parallel_loop3A_867 = arith.mulf %parallel_loop3A_864, %parallel_loop3A_866 : vector<16xf32>
        %parallel_loop3A_868 = arith.mulf %parallel_loop3A_860, %parallel_loop3A_860 : vector<16xf32>
        %parallel_loop3A_869 = arith.subf %parallel_loop3A_867, %parallel_loop3A_868 : vector<16xf32>
        %parallel_loop3A_870 = arith.constant 9.99999996E-13 : f32
        %parallel_loop3A_871 = vector.broadcast %parallel_loop3A_870 : f32 to vector<16xf32>
        %parallel_loop3A_872 = arith.addf %parallel_loop3A_869, %parallel_loop3A_871 : vector<16xf32>
        %parallel_loop3A_873 = tpu.bitcast %parallel_loop3A_872 : vector<16xf32> -> vector<16xi32>
        %parallel_loop3A_874 = arith.constant 1 : i32
        %parallel_loop3A_875 = vector.broadcast %parallel_loop3A_874 : i32 to vector<16xi32>
        %parallel_loop3A_876 = arith.shrsi %parallel_loop3A_873, %parallel_loop3A_875 : vector<16xi32>
        %parallel_loop3A_877 = arith.constant 1597463007 : i32
        %parallel_loop3A_878 = vector.broadcast %parallel_loop3A_877 : i32 to vector<16xi32>
        %parallel_loop3A_879 = arith.subi %parallel_loop3A_878, %parallel_loop3A_876 : vector<16xi32>
        %parallel_loop3A_880 = tpu.bitcast %parallel_loop3A_879 : vector<16xi32> -> vector<16xf32>
        %parallel_loop3A_881 = arith.constant 5.000000e-01 : f32
        %parallel_loop3A_882 = vector.broadcast %parallel_loop3A_881 : f32 to vector<16xf32>
        %parallel_loop3A_883 = arith.mulf %parallel_loop3A_882, %parallel_loop3A_872 : vector<16xf32>
        %parallel_loop3A_884 = arith.mulf %parallel_loop3A_883, %parallel_loop3A_880 : vector<16xf32>
        %parallel_loop3A_885 = arith.mulf %parallel_loop3A_884, %parallel_loop3A_880 : vector<16xf32>
        %parallel_loop3A_886 = arith.constant 1.500000e+00 : f32
        %parallel_loop3A_887 = vector.broadcast %parallel_loop3A_886 : f32 to vector<16xf32>
        %parallel_loop3A_888 = arith.subf %parallel_loop3A_887, %parallel_loop3A_885 : vector<16xf32>
        %parallel_loop3A_889 = arith.mulf %parallel_loop3A_880, %parallel_loop3A_888 : vector<16xf32>
        %parallel_loop3A_890 = arith.subf %parallel_loop3A_723, %parallel_loop3A_860 : vector<16xf32>
        %parallel_loop3A_891 = arith.mulf %parallel_loop3A_890, %parallel_loop3A_889 : vector<16xf32>
        %parallel_loop3A_892 = arith.mulf %parallel_loop3A_891, %get3A_504 : vector<16xf32>
        %parallel_loop3A_893 = arith.addf %parallel_loop3A_892, %get3A_528 : vector<16xf32>
        %parallel_loop3A_894 = arith.index_cast %parallel_loop3A_702 : i32 to index
        %parallel_loop3A_895 = arith.constant 0 : index
        %parallel_loop3A_896 = tpu.vector_load %arg12[%parallel_loop3A_894, %parallel_loop3A_895] {strides = array<i32>} : memref<104x128xf32, #tpu.memory_space<vmem>>, vector<1x16xf32>,
        %parallel_loop3A_897 = vector.shape_cast %parallel_loop3A_896 : vector<1x16xf32> to vector<16xf32>
        %parallel_loop3A_898 = vector.shape_cast %parallel_loop3A_893 : vector<16xf32> to vector<1x16xf32>
        tpu.vector_store %arg12[%parallel_loop3A_894, %parallel_loop3A_895], %parallel_loop3A_898 {strides = array<i32>} : memref<104x128xf32, #tpu.memory_space<vmem>>, vector<1x16xf32>,
        %parallel_loop3A_899 = arith.subf %parallel_loop3A_733, %parallel_loop3A_860 : vector<16xf32>
        %parallel_loop3A_900 = arith.mulf %parallel_loop3A_899, %parallel_loop3A_889 : vector<16xf32>
        %parallel_loop3A_901 = arith.mulf %parallel_loop3A_900, %get3A_507 : vector<16xf32>
        %parallel_loop3A_902 = arith.addf %parallel_loop3A_901, %get3A_531 : vector<16xf32>
        %parallel_loop3A_903 = arith.index_cast %parallel_loop3A_702 : i32 to index
        %parallel_loop3A_904 = arith.constant 16 : index
        %parallel_loop3A_905 = tpu.vector_load %arg12[%parallel_loop3A_903, %parallel_loop3A_904] {strides = array<i32>} : memref<104x128xf32, #tpu.memory_space<vmem>>, vector<1x16xf32>,
        %parallel_loop3A_906 = vector.shape_cast %parallel_loop3A_905 : vector<1x16xf32> to vector<16xf32>
        %parallel_loop3A_907 = vector.shape_cast %parallel_loop3A_902 : vector<16xf32> to vector<1x16xf32>
        tpu.vector_store %arg12[%parallel_loop3A_903, %parallel_loop3A_904], %parallel_loop3A_907 {strides = array<i32>} : memref<104x128xf32, #tpu.memory_space<vmem>>, vector<1x16xf32>,
        %parallel_loop3A_908 = arith.subf %parallel_loop3A_743, %parallel_loop3A_860 : vector<16xf32>
        %parallel_loop3A_909 = arith.mulf %parallel_loop3A_908, %parallel_loop3A_889 : vector<16xf32>
        %parallel_loop3A_910 = arith.mulf %parallel_loop3A_909, %get3A_510 : vector<16xf32>
        %parallel_loop3A_911 = arith.addf %parallel_loop3A_910, %get3A_534 : vector<16xf32>
        %parallel_loop3A_912 = arith.index_cast %parallel_loop3A_702 : i32 to index
        %parallel_loop3A_913 = arith.constant 32 : index
        %parallel_loop3A_914 = tpu.vector_load %arg12[%parallel_loop3A_912, %parallel_loop3A_913] {strides = array<i32>} : memref<104x128xf32, #tpu.memory_space<vmem>>, vector<1x16xf32>,
        %parallel_loop3A_915 = vector.shape_cast %parallel_loop3A_914 : vector<1x16xf32> to vector<16xf32>
        %parallel_loop3A_916 = vector.shape_cast %parallel_loop3A_911 : vector<16xf32> to vector<1x16xf32>
        tpu.vector_store %arg12[%parallel_loop3A_912, %parallel_loop3A_913], %parallel_loop3A_916 {strides = array<i32>} : memref<104x128xf32, #tpu.memory_space<vmem>>, vector<1x16xf32>,
        %parallel_loop3A_917 = arith.subf %parallel_loop3A_753, %parallel_loop3A_860 : vector<16xf32>
        %parallel_loop3A_918 = arith.mulf %parallel_loop3A_917, %parallel_loop3A_889 : vector<16xf32>
        %parallel_loop3A_919 = arith.mulf %parallel_loop3A_918, %get3A_513 : vector<16xf32>
        %parallel_loop3A_920 = arith.addf %parallel_loop3A_919, %get3A_537 : vector<16xf32>
        %parallel_loop3A_921 = arith.index_cast %parallel_loop3A_702 : i32 to index
        %parallel_loop3A_922 = arith.constant 48 : index
        %parallel_loop3A_923 = tpu.vector_load %arg12[%parallel_loop3A_921, %parallel_loop3A_922] {strides = array<i32>} : memref<104x128xf32, #tpu.memory_space<vmem>>, vector<1x16xf32>,
        %parallel_loop3A_924 = vector.shape_cast %parallel_loop3A_923 : vector<1x16xf32> to vector<16xf32>
        %parallel_loop3A_925 = vector.shape_cast %parallel_loop3A_920 : vector<16xf32> to vector<1x16xf32>
        tpu.vector_store %arg12[%parallel_loop3A_921, %parallel_loop3A_922], %parallel_loop3A_925 {strides = array<i32>} : memref<104x128xf32, #tpu.memory_space<vmem>>, vector<1x16xf32>,
        %parallel_loop3A_926 = arith.subf %parallel_loop3A_763, %parallel_loop3A_860 : vector<16xf32>
        %parallel_loop3A_927 = arith.mulf %parallel_loop3A_926, %parallel_loop3A_889 : vector<16xf32>
        %parallel_loop3A_928 = arith.mulf %parallel_loop3A_927, %get3A_516 : vector<16xf32>
        %parallel_loop3A_929 = arith.addf %parallel_loop3A_928, %get3A_540 : vector<16xf32>
        %parallel_loop3A_930 = arith.index_cast %parallel_loop3A_702 : i32 to index
        %parallel_loop3A_931 = arith.constant 64 : index
        %parallel_loop3A_932 = tpu.vector_load %arg12[%parallel_loop3A_930, %parallel_loop3A_931] {strides = array<i32>} : memref<104x128xf32, #tpu.memory_space<vmem>>, vector<1x16xf32>,
        %parallel_loop3A_933 = vector.shape_cast %parallel_loop3A_932 : vector<1x16xf32> to vector<16xf32>
        %parallel_loop3A_934 = vector.shape_cast %parallel_loop3A_929 : vector<16xf32> to vector<1x16xf32>
        tpu.vector_store %arg12[%parallel_loop3A_930, %parallel_loop3A_931], %parallel_loop3A_934 {strides = array<i32>} : memref<104x128xf32, #tpu.memory_space<vmem>>, vector<1x16xf32>,
        %parallel_loop3A_935 = arith.subf %parallel_loop3A_773, %parallel_loop3A_860 : vector<16xf32>
        %parallel_loop3A_936 = arith.mulf %parallel_loop3A_935, %parallel_loop3A_889 : vector<16xf32>
        %parallel_loop3A_937 = arith.mulf %parallel_loop3A_936, %get3A_519 : vector<16xf32>
        %parallel_loop3A_938 = arith.addf %parallel_loop3A_937, %get3A_543 : vector<16xf32>
        %parallel_loop3A_939 = arith.index_cast %parallel_loop3A_702 : i32 to index
        %parallel_loop3A_940 = arith.constant 80 : index
        %parallel_loop3A_941 = tpu.vector_load %arg12[%parallel_loop3A_939, %parallel_loop3A_940] {strides = array<i32>} : memref<104x128xf32, #tpu.memory_space<vmem>>, vector<1x16xf32>,
        %parallel_loop3A_942 = vector.shape_cast %parallel_loop3A_941 : vector<1x16xf32> to vector<16xf32>
        %parallel_loop3A_943 = vector.shape_cast %parallel_loop3A_938 : vector<16xf32> to vector<1x16xf32>
        tpu.vector_store %arg12[%parallel_loop3A_939, %parallel_loop3A_940], %parallel_loop3A_943 {strides = array<i32>} : memref<104x128xf32, #tpu.memory_space<vmem>>, vector<1x16xf32>,
        %parallel_loop3A_944 = arith.subf %parallel_loop3A_783, %parallel_loop3A_860 : vector<16xf32>
        %parallel_loop3A_945 = arith.mulf %parallel_loop3A_944, %parallel_loop3A_889 : vector<16xf32>
        %parallel_loop3A_946 = arith.mulf %parallel_loop3A_945, %get3A_522 : vector<16xf32>
        %parallel_loop3A_947 = arith.addf %parallel_loop3A_946, %get3A_546 : vector<16xf32>
        %parallel_loop3A_948 = arith.index_cast %parallel_loop3A_702 : i32 to index
        %parallel_loop3A_949 = arith.constant 96 : index
        %parallel_loop3A_950 = tpu.vector_load %arg12[%parallel_loop3A_948, %parallel_loop3A_949] {strides = array<i32>} : memref<104x128xf32, #tpu.memory_space<vmem>>, vector<1x16xf32>,
        %parallel_loop3A_951 = vector.shape_cast %parallel_loop3A_950 : vector<1x16xf32> to vector<16xf32>
        %parallel_loop3A_952 = vector.shape_cast %parallel_loop3A_947 : vector<16xf32> to vector<1x16xf32>
        tpu.vector_store %arg12[%parallel_loop3A_948, %parallel_loop3A_949], %parallel_loop3A_952 {strides = array<i32>} : memref<104x128xf32, #tpu.memory_space<vmem>>, vector<1x16xf32>,
        %parallel_loop3A_953 = arith.subf %parallel_loop3A_793, %parallel_loop3A_860 : vector<16xf32>
        %parallel_loop3A_954 = arith.mulf %parallel_loop3A_953, %parallel_loop3A_889 : vector<16xf32>
        %parallel_loop3A_955 = arith.mulf %parallel_loop3A_954, %get3A_525 : vector<16xf32>
        %parallel_loop3A_956 = arith.addf %parallel_loop3A_955, %get3A_549 : vector<16xf32>
        %parallel_loop3A_957 = arith.index_cast %parallel_loop3A_702 : i32 to index
        %parallel_loop3A_958 = arith.constant 112 : index
        %parallel_loop3A_959 = tpu.vector_load %arg12[%parallel_loop3A_957, %parallel_loop3A_958] {strides = array<i32>} : memref<104x128xf32, #tpu.memory_space<vmem>>, vector<1x16xf32>,
        %parallel_loop3A_960 = vector.shape_cast %parallel_loop3A_959 : vector<1x16xf32> to vector<16xf32>
        %parallel_loop3A_961 = vector.shape_cast %parallel_loop3A_956 : vector<16xf32> to vector<1x16xf32>
        tpu.vector_store %arg12[%parallel_loop3A_957, %parallel_loop3A_958], %parallel_loop3A_961 {strides = array<i32>} : memref<104x128xf32, #tpu.memory_space<vmem>>, vector<1x16xf32>,
      } {sc.loop_unroll_factor = 8 : i64, sc.parallel_access}
      %dma_start3A_553 = arith.constant 2 : i32
      %dma_start3A_554 = arith.constant 0 : i32
      %dma_start3A_555 = arith.constant 0 : i32
      %dma_start3A_556 = tpu.memref_slice %arg12[%dma_start3A_554, %dma_start3A_555] : memref<104x128xf32, #tpu.memory_space<vmem>> -> memref<104x128xf32, #tpu.memory_space<vmem>>
      %dma_start3A_557 = arith.constant 0 : i32
      %dma_start3A_558 = arith.constant 0 : i32
      %dma_start3A_559 = tpu.memref_slice %arg9[%add3A_460, %dma_start3A_557, %dma_start3A_558] : memref<4096x200x128xf32, #tpu.memory_space<hbm>> -> memref<1x104x128xf32, #tpu.memory_space<hbm>>
      %dma_start3A_560 = tpu.memref_squeeze %dma_start3A_559 : memref<1x104x128xf32, #tpu.memory_space<hbm>> -> memref<104x128xf32, #tpu.memory_space<hbm>>
      %dma_start3A_561 = tpu.memref_slice %arg21[%dma_start3A_553] : memref<4x!tpu.dma_semaphore, #tpu.memory_space<semaphore_mem>> -> memref<1x!tpu.dma_semaphore, #tpu.memory_space<semaphore_mem>>
      %dma_start3A_562 = tpu.memref_squeeze %dma_start3A_561 : memref<1x!tpu.dma_semaphore, #tpu.memory_space<semaphore_mem>> -> memref<!tpu.dma_semaphore, #tpu.memory_space<semaphore_mem>>
      %dma_start3A_563 = arith.constant 0 : i32
      %dma_start3A_564 = arith.constant 0 : i32
      %dma_start3A_565 = tpu.memref_slice %arg9[%add3A_460, %dma_start3A_563, %dma_start3A_564] : memref<4096x200x128xf32, #tpu.memory_space<hbm>> -> memref<1x104x128xf32, #tpu.memory_space<hbm>>
      %dma_start3A_566 = tpu.memref_squeeze %dma_start3A_565 : memref<1x104x128xf32, #tpu.memory_space<hbm>> -> memref<104x128xf32, #tpu.memory_space<hbm>>
      %dma_start3A_567 = arith.constant 0 : i32
      %dma_start3A_568 = arith.constant 0 : i32
      %dma_start3A_569 = tpu.memref_slice %arg12[%dma_start3A_567, %dma_start3A_568] : memref<104x128xf32, #tpu.memory_space<vmem>> -> memref<104x128xf32, #tpu.memory_space<vmem>>
      tpu.enqueue_dma source(%dma_start3A_569 : memref<104x128xf32, #tpu.memory_space<vmem>>) target(%dma_start3A_566 : memref<104x128xf32, #tpu.memory_space<hbm>>) target_semaphore(%dma_start3A_562 : memref<!tpu.dma_semaphore, #tpu.memory_space<semaphore_mem>>)
      %add3A_570 = arith.constant 4 : i32
      %add3A_571 = arith.addi %add3A_455, %add3A_570 : i32
      %lt3A_572 = arith.constant 256 : i32
      %lt3A_573 = arith.cmpi slt, %add3A_571, %lt3A_572 : i32
      %convert_element_type3A_574 = arith.extui %lt3A_573 : i1 to i32
      %cond3A_575 = arith.constant 0 : i32
      %cond3A_576 = arith.cmpi ne, %convert_element_type3A_574, %cond3A_575 : i32
      scf.if %cond3A_576 {
        %add3A_702 = arith.constant 4 : i32
        %add3A_703 = arith.addi %add3A_455, %add3A_702 : i32
        %jit3A = arith.constant 2 : i32
        %div3A = arith.divsi %add3A_703, %jit3A : i32
        %sign3A = arith.constant 0 : i32
        %sign3A_704 = arith.cmpi sgt, %add3A_703, %sign3A : i32
        %sign3A_705 = arith.extui %sign3A_704 : i1 to i32
        %sign3A_706 = arith.constant 0 : i32
        %sign3A_707 = arith.cmpi slt, %add3A_703, %sign3A_706 : i32
        %sign3A_708 = arith.extui %sign3A_707 : i1 to i32
        %sign3A_709 = arith.subi %sign3A_705, %sign3A_708 : i32
        %sign3A_710 = arith.constant 0 : i32
        %sign3A_711 = arith.cmpi sgt, %jit3A, %sign3A_710 : i32
        %sign3A_712 = arith.extui %sign3A_711 : i1 to i32
        %sign3A_713 = arith.constant 0 : i32
        %sign3A_714 = arith.cmpi slt, %jit3A, %sign3A_713 : i32
        %sign3A_715 = arith.extui %sign3A_714 : i1 to i32
        %sign3A_716 = arith.subi %sign3A_712, %sign3A_715 : i32
        %ne3A = arith.cmpi ne, %sign3A_709, %sign3A_716 : i32
        %rem3A = arith.remsi %add3A_703, %jit3A : i32
        %ne3A_717 = arith.constant 0 : i32
        %ne3A_718 = arith.cmpi ne, %rem3A, %ne3A_717 : i32
        %and3A = arith.andi %ne3A, %ne3A_718 : i1
        %sub3A = arith.constant 1 : i32
        %sub3A_719 = arith.subi %div3A, %sub3A : i32
        %select_n3A = arith.select %and3A, %sub3A_719, %div3A : i32
        %mul3A_720 = arith.constant 200 : i32
        %mul3A_721 = arith.muli %select_n3A, %mul3A_720 : i32
        %add3A_722 = arith.constant 0 : i32
        %add3A_723 = arith.addi %mul3A_721, %add3A_722 : i32
        %add3A_724 = arith.addi %mul3A_4, %add3A_723 : i32
        %dma_start3A_725 = arith.constant 2 : i32
        %dma_start3A_726 = arith.constant 2 : i32
        %dma_start3A_727 = arith.constant 0 : i32
        %dma_start3A_728 = tpu.memref_slice %arg14[%dma_start3A_725, %dma_start3A_727] : memref<4x112xi32, #tpu.memory_space<vmem>> -> memref<1x104xi32, #tpu.memory_space<vmem>>
        %dma_start3A_729 = tpu.memref_squeeze %dma_start3A_728 : memref<1x104xi32, #tpu.memory_space<vmem>> -> memref<104xi32, #tpu.memory_space<vmem>>
        %dma_start3A_730 = tpu.memref_slice %arg2[%add3A_724] : memref<819200xi32, #tpu.memory_space<hbm>> -> memref<104xi32, #tpu.memory_space<hbm>>
        %dma_start3A_731 = tpu.memref_slice %arg22[%dma_start3A_726] : memref<4x!tpu.dma_semaphore, #tpu.memory_space<semaphore_mem>> -> memref<1x!tpu.dma_semaphore, #tpu.memory_space<semaphore_mem>>
        %dma_start3A_732 = tpu.memref_squeeze %dma_start3A_731 : memref<1x!tpu.dma_semaphore, #tpu.memory_space<semaphore_mem>> -> memref<!tpu.dma_semaphore, #tpu.memory_space<semaphore_mem>>
        %dma_start3A_733 = arith.constant 0 : i32
        %dma_start3A_734 = tpu.memref_slice %arg14[%dma_start3A_725, %dma_start3A_733] : memref<4x112xi32, #tpu.memory_space<vmem>> -> memref<1x104xi32, #tpu.memory_space<vmem>>
        %dma_start3A_735 = tpu.memref_squeeze %dma_start3A_734 : memref<1x104xi32, #tpu.memory_space<vmem>> -> memref<104xi32, #tpu.memory_space<vmem>>
        %dma_start3A_736 = tpu.memref_slice %arg2[%add3A_724] : memref<819200xi32, #tpu.memory_space<hbm>> -> memref<104xi32, #tpu.memory_space<hbm>>
        tpu.enqueue_dma source(%dma_start3A_736 : memref<104xi32, #tpu.memory_space<hbm>>) target(%dma_start3A_735 : memref<104xi32, #tpu.memory_space<vmem>>) target_semaphore(%dma_start3A_732 : memref<!tpu.dma_semaphore, #tpu.memory_space<semaphore_mem>>)
        %add3A_737 = arith.addi %mul3A_4, %add3A_723 : i32
        %dma_start3A_738 = arith.constant 2 : i32
        %dma_start3A_739 = arith.constant 2 : i32
        %dma_start3A_740 = arith.constant 0 : i32
        %dma_start3A_741 = tpu.memref_slice %arg15[%dma_start3A_738, %dma_start3A_740] : memref<4x120xi32, #tpu.memory_space<vmem>> -> memref<1x104xi32, #tpu.memory_space<vmem>>
        %dma_start3A_742 = tpu.memref_squeeze %dma_start3A_741 : memref<1x104xi32, #tpu.memory_space<vmem>> -> memref<104xi32, #tpu.memory_space<vmem>>
        %dma_start3A_743 = tpu.memref_slice %arg3[%add3A_737] : memref<819200xi32, #tpu.memory_space<hbm>> -> memref<104xi32, #tpu.memory_space<hbm>>
        %dma_start3A_744 = tpu.memref_slice %arg23[%dma_start3A_739] : memref<4x!tpu.dma_semaphore, #tpu.memory_space<semaphore_mem>> -> memref<1x!tpu.dma_semaphore, #tpu.memory_space<semaphore_mem>>
        %dma_start3A_745 = tpu.memref_squeeze %dma_start3A_744 : memref<1x!tpu.dma_semaphore, #tpu.memory_space<semaphore_mem>> -> memref<!tpu.dma_semaphore, #tpu.memory_space<semaphore_mem>>
        %dma_start3A_746 = arith.constant 0 : i32
        %dma_start3A_747 = tpu.memref_slice %arg15[%dma_start3A_738, %dma_start3A_746] : memref<4x120xi32, #tpu.memory_space<vmem>> -> memref<1x104xi32, #tpu.memory_space<vmem>>
        %dma_start3A_748 = tpu.memref_squeeze %dma_start3A_747 : memref<1x104xi32, #tpu.memory_space<vmem>> -> memref<104xi32, #tpu.memory_space<vmem>>
        %dma_start3A_749 = tpu.memref_slice %arg3[%add3A_737] : memref<819200xi32, #tpu.memory_space<hbm>> -> memref<104xi32, #tpu.memory_space<hbm>>
        tpu.enqueue_dma source(%dma_start3A_749 : memref<104xi32, #tpu.memory_space<hbm>>) target(%dma_start3A_748 : memref<104xi32, #tpu.memory_space<vmem>>) target_semaphore(%dma_start3A_745 : memref<!tpu.dma_semaphore, #tpu.memory_space<semaphore_mem>>)
      } else {
      }
      %mul3A_577 = arith.constant 4 : i32
      %mul3A_578 = arith.muli %scan3A_206, %mul3A_577 : i32
      %add3A_579 = arith.constant 3 : i32
      %add3A_580 = arith.addi %mul3A_578, %add3A_579 : i32
      %mul3A_581 = arith.constant 2 : i32
      %mul3A_582 = arith.muli %scan3A_206, %mul3A_581 : i32
      %add3A_583 = arith.constant 1 : i32
      %add3A_584 = arith.addi %mul3A_582, %add3A_583 : i32
      %add3A_585 = arith.addi %mul3A_2, %add3A_584 : i32
      %mul3A_586 = arith.constant 200 : i32
      %mul3A_587 = arith.muli %add3A_584, %mul3A_586 : i32
      %add3A_588 = arith.constant 104 : i32
      %add3A_589 = arith.addi %mul3A_587, %add3A_588 : i32
      %dma_wait3A_590 = arith.constant 3 : i32
      %dma_wait3A_591 = arith.constant 3 : i32
      %dma_wait3A_592 = arith.constant 0 : i32
      %dma_wait3A_593 = arith.constant 0 : i32
      %dma_wait3A_594 = tpu.memref_slice %arg13[%dma_wait3A_592, %dma_wait3A_593] : memref<104x128xf32, #tpu.memory_space<vmem>> -> memref<96x128xf32, #tpu.memory_space<vmem>>
      %dma_wait3A_595 = arith.constant 0 : i32
      %dma_wait3A_596 = tpu.memref_slice %arg14[%dma_wait3A_590, %dma_wait3A_595] : memref<4x112xi32, #tpu.memory_space<vmem>> -> memref<1x96xi32, #tpu.memory_space<vmem>>
      %dma_wait3A_597 = tpu.memref_squeeze %dma_wait3A_596 : memref<1x96xi32, #tpu.memory_space<vmem>> -> memref<96xi32, #tpu.memory_space<vmem>>
      %dma_wait3A_598 = arith.constant 0 : i32
      %dma_wait3A_599 = arith.constant 0 : i32
      %dma_wait3A_600 = tpu.memref_slice %arg4[%dma_wait3A_598, %dma_wait3A_599] : memref<100000x128xf32, #tpu.memory_space<hbm>> -> memref<100000x128xf32, #tpu.memory_space<hbm>>
      %dma_wait3A_601 = tpu.memref_slice %arg20[%dma_wait3A_591] : memref<4x!tpu.dma_semaphore, #tpu.memory_space<semaphore_mem>> -> memref<1x!tpu.dma_semaphore, #tpu.memory_space<semaphore_mem>>
      %dma_wait3A_602 = tpu.memref_squeeze %dma_wait3A_601 : memref<1x!tpu.dma_semaphore, #tpu.memory_space<semaphore_mem>> -> memref<!tpu.dma_semaphore, #tpu.memory_space<semaphore_mem>>
      tpu.wait_indirect_dma semaphore(%dma_wait3A_602 : memref<!tpu.dma_semaphore, #tpu.memory_space<semaphore_mem>>) src(%dma_wait3A_600 : memref<100000x128xf32, #tpu.memory_space<hbm>>) dst(%dma_wait3A_594 : memref<96x128xf32, #tpu.memory_space<vmem>>)
      %dma_wait3A_603 = arith.constant 3 : i32
      %dma_wait3A_604 = arith.constant 3 : i32
      %dma_wait3A_605 = arith.constant 0 : i32
      %dma_wait3A_606 = tpu.memref_slice %arg15[%dma_wait3A_603, %dma_wait3A_605] : memref<4x120xi32, #tpu.memory_space<vmem>> -> memref<1x96xi32, #tpu.memory_space<vmem>>
      %dma_wait3A_607 = tpu.memref_squeeze %dma_wait3A_606 : memref<1x96xi32, #tpu.memory_space<vmem>> -> memref<96xi32, #tpu.memory_space<vmem>>
      %dma_wait3A_608 = tpu.memref_slice %arg3[%mul3A_4] : memref<819200xi32, #tpu.memory_space<hbm>> -> memref<96xi32, #tpu.memory_space<hbm>>
      %dma_wait3A_609 = tpu.memref_slice %arg23[%dma_wait3A_604] : memref<4x!tpu.dma_semaphore, #tpu.memory_space<semaphore_mem>> -> memref<1x!tpu.dma_semaphore, #tpu.memory_space<semaphore_mem>>
      %dma_wait3A_610 = tpu.memref_squeeze %dma_wait3A_609 : memref<1x!tpu.dma_semaphore, #tpu.memory_space<semaphore_mem>> -> memref<!tpu.dma_semaphore, #tpu.memory_space<semaphore_mem>>
      %dma_wait3A_611 = arith.constant 0 : i32
      %dma_wait3A_612 = tpu.memref_slice %arg15[%dma_wait3A_603, %dma_wait3A_611] : memref<4x120xi32, #tpu.memory_space<vmem>> -> memref<1x96xi32, #tpu.memory_space<vmem>>
      %dma_wait3A_613 = tpu.memref_squeeze %dma_wait3A_612 : memref<1x96xi32, #tpu.memory_space<vmem>> -> memref<96xi32, #tpu.memory_space<vmem>>
      %dma_wait3A_614 = tpu.memref_slice %arg3[%mul3A_4] : memref<819200xi32, #tpu.memory_space<hbm>> -> memref<96xi32, #tpu.memory_space<hbm>>
      tpu.wait_dma2 semaphore(%dma_wait3A_610 : memref<!tpu.dma_semaphore, #tpu.memory_space<semaphore_mem>>) src(%dma_wait3A_614 : memref<96xi32, #tpu.memory_space<hbm>>) dst(%dma_wait3A_613 : memref<96xi32, #tpu.memory_space<vmem>>)
      %ge3A_615 = arith.constant 2 : i32
      %ge3A_616 = arith.cmpi sge, %add3A_580, %ge3A_615 : i32
      %convert_element_type3A_617 = arith.extui %ge3A_616 : i1 to i32
      %cond3A_618 = arith.constant 0 : i32
      %cond3A_619 = arith.cmpi ne, %convert_element_type3A_617, %cond3A_618 : i32
      scf.if %cond3A_619 {
        %dma_wait3A_702 = arith.constant 1 : i32
        %dma_wait3A_703 = arith.constant 0 : i32
        %dma_wait3A_704 = arith.constant 0 : i32
        %dma_wait3A_705 = tpu.memref_slice %arg11[%dma_wait3A_703, %dma_wait3A_704] : memref<104x128xf32, #tpu.memory_space<vmem>> -> memref<96x128xf32, #tpu.memory_space<vmem>>
        %dma_wait3A_706 = arith.constant 0 : i32
        %dma_wait3A_707 = arith.constant 0 : i32
        %dma_wait3A_708 = tpu.memref_slice %arg9[%add3A_585, %dma_wait3A_706, %dma_wait3A_707] : memref<4096x200x128xf32, #tpu.memory_space<hbm>> -> memref<1x96x128xf32, #tpu.memory_space<hbm>>
        %dma_wait3A_709 = tpu.memref_squeeze %dma_wait3A_708 : memref<1x96x128xf32, #tpu.memory_space<hbm>> -> memref<96x128xf32, #tpu.memory_space<hbm>>
        %dma_wait3A_710 = tpu.memref_slice %arg21[%dma_wait3A_702] : memref<4x!tpu.dma_semaphore, #tpu.memory_space<semaphore_mem>> -> memref<1x!tpu.dma_semaphore, #tpu.memory_space<semaphore_mem>>
        %dma_wait3A_711 = tpu.memref_squeeze %dma_wait3A_710 : memref<1x!tpu.dma_semaphore, #tpu.memory_space<semaphore_mem>> -> memref<!tpu.dma_semaphore, #tpu.memory_space<semaphore_mem>>
        %dma_wait3A_712 = arith.constant 0 : i32
        %dma_wait3A_713 = arith.constant 0 : i32
        %dma_wait3A_714 = tpu.memref_slice %arg9[%add3A_585, %dma_wait3A_712, %dma_wait3A_713] : memref<4096x200x128xf32, #tpu.memory_space<hbm>> -> memref<1x96x128xf32, #tpu.memory_space<hbm>>
        %dma_wait3A_715 = tpu.memref_squeeze %dma_wait3A_714 : memref<1x96x128xf32, #tpu.memory_space<hbm>> -> memref<96x128xf32, #tpu.memory_space<hbm>>
        %dma_wait3A_716 = arith.constant 0 : i32
        %dma_wait3A_717 = arith.constant 0 : i32
        %dma_wait3A_718 = tpu.memref_slice %arg11[%dma_wait3A_716, %dma_wait3A_717] : memref<104x128xf32, #tpu.memory_space<vmem>> -> memref<96x128xf32, #tpu.memory_space<vmem>>
        tpu.wait_dma2 semaphore(%dma_wait3A_711 : memref<!tpu.dma_semaphore, #tpu.memory_space<semaphore_mem>>) src(%dma_wait3A_718 : memref<96x128xf32, #tpu.memory_space<vmem>>) dst(%dma_wait3A_715 : memref<96x128xf32, #tpu.memory_space<hbm>>)
      } else {
      }
      %add3A_620 = arith.constant 2 : i32
      %add3A_621 = arith.addi %add3A_580, %add3A_620 : i32
      %lt3A_622 = arith.constant 256 : i32
      %lt3A_623 = arith.cmpi slt, %add3A_621, %lt3A_622 : i32
      %convert_element_type3A_624 = arith.extui %lt3A_623 : i1 to i32
      %cond3A_625 = arith.constant 0 : i32
      %cond3A_626 = arith.cmpi ne, %convert_element_type3A_624, %cond3A_625 : i32
      scf.if %cond3A_626 {
        %dma_wait3A_702 = arith.constant 1 : i32
        %dma_wait3A_703 = arith.constant 1 : i32
        %dma_wait3A_704 = arith.constant 0 : i32
        %dma_wait3A_705 = tpu.memref_slice %arg14[%dma_wait3A_702, %dma_wait3A_704] : memref<4x112xi32, #tpu.memory_space<vmem>> -> memref<1x96xi32, #tpu.memory_space<vmem>>
        %dma_wait3A_706 = tpu.memref_squeeze %dma_wait3A_705 : memref<1x96xi32, #tpu.memory_space<vmem>> -> memref<96xi32, #tpu.memory_space<vmem>>
        %dma_wait3A_707 = tpu.memref_slice %arg2[%mul3A_4] : memref<819200xi32, #tpu.memory_space<hbm>> -> memref<96xi32, #tpu.memory_space<hbm>>
        %dma_wait3A_708 = tpu.memref_slice %arg22[%dma_wait3A_703] : memref<4x!tpu.dma_semaphore, #tpu.memory_space<semaphore_mem>> -> memref<1x!tpu.dma_semaphore, #tpu.memory_space<semaphore_mem>>
        %dma_wait3A_709 = tpu.memref_squeeze %dma_wait3A_708 : memref<1x!tpu.dma_semaphore, #tpu.memory_space<semaphore_mem>> -> memref<!tpu.dma_semaphore, #tpu.memory_space<semaphore_mem>>
        %dma_wait3A_710 = arith.constant 0 : i32
        %dma_wait3A_711 = tpu.memref_slice %arg14[%dma_wait3A_702, %dma_wait3A_710] : memref<4x112xi32, #tpu.memory_space<vmem>> -> memref<1x96xi32, #tpu.memory_space<vmem>>
        %dma_wait3A_712 = tpu.memref_squeeze %dma_wait3A_711 : memref<1x96xi32, #tpu.memory_space<vmem>> -> memref<96xi32, #tpu.memory_space<vmem>>
        %dma_wait3A_713 = tpu.memref_slice %arg2[%mul3A_4] : memref<819200xi32, #tpu.memory_space<hbm>> -> memref<96xi32, #tpu.memory_space<hbm>>
        tpu.wait_dma2 semaphore(%dma_wait3A_709 : memref<!tpu.dma_semaphore, #tpu.memory_space<semaphore_mem>>) src(%dma_wait3A_713 : memref<96xi32, #tpu.memory_space<hbm>>) dst(%dma_wait3A_712 : memref<96xi32, #tpu.memory_space<vmem>>)
        %dma_start3A_714 = arith.constant 1 : i32
        %dma_start3A_715 = arith.constant 1 : i32
        %dma_start3A_716 = arith.constant 0 : i32
        %dma_start3A_717 = arith.constant 0 : i32
        %dma_start3A_718 = tpu.memref_slice %arg11[%dma_start3A_716, %dma_start3A_717] : memref<104x128xf32, #tpu.memory_space<vmem>> -> memref<96x128xf32, #tpu.memory_space<vmem>>
        %dma_start3A_719 = arith.constant 0 : i32
        %dma_start3A_720 = tpu.memref_slice %arg14[%dma_start3A_714, %dma_start3A_719] : memref<4x112xi32, #tpu.memory_space<vmem>> -> memref<1x96xi32, #tpu.memory_space<vmem>>
        %dma_start3A_721 = tpu.memref_squeeze %dma_start3A_720 : memref<1x96xi32, #tpu.memory_space<vmem>> -> memref<96xi32, #tpu.memory_space<vmem>>
        %dma_start3A_722 = arith.constant 0 : i32
        %dma_start3A_723 = arith.constant 0 : i32
        %dma_start3A_724 = tpu.memref_slice %arg4[%dma_start3A_722, %dma_start3A_723] : memref<100000x128xf32, #tpu.memory_space<hbm>> -> memref<100000x128xf32, #tpu.memory_space<hbm>>
        %dma_start3A_725 = tpu.memref_slice %arg20[%dma_start3A_715] : memref<4x!tpu.dma_semaphore, #tpu.memory_space<semaphore_mem>> -> memref<1x!tpu.dma_semaphore, #tpu.memory_space<semaphore_mem>>
        %dma_start3A_726 = tpu.memref_squeeze %dma_start3A_725 : memref<1x!tpu.dma_semaphore, #tpu.memory_space<semaphore_mem>> -> memref<!tpu.dma_semaphore, #tpu.memory_space<semaphore_mem>>
        tpu.enqueue_indirect_dma source(%dma_start3A_724 : memref<100000x128xf32, #tpu.memory_space<hbm>>) target(%dma_start3A_718 : memref<96x128xf32, #tpu.memory_space<vmem>>) offsets(%dma_start3A_721 : memref<96xi32, #tpu.memory_space<vmem>>) semaphore(%dma_start3A_726 : memref<!tpu.dma_semaphore, #tpu.memory_space<semaphore_mem>>)
      } else {
      }
      %get3A_627 = arith.constant 0 : index
      %get3A_628 = tpu.vector_load %arg18[%get3A_627] {strides = array<i32>} : memref<128xf32, #tpu.memory_space<vmem>>, vector<16xf32>,
      %get3A_629 = vector.shape_cast %get3A_628 : vector<16xf32> to vector<16xf32>
      %get3A_630 = arith.constant 16 : index
      %get3A_631 = tpu.vector_load %arg18[%get3A_630] {strides = array<i32>} : memref<128xf32, #tpu.memory_space<vmem>>, vector<16xf32>,
      %get3A_632 = vector.shape_cast %get3A_631 : vector<16xf32> to vector<16xf32>
      %get3A_633 = arith.constant 32 : index
      %get3A_634 = tpu.vector_load %arg18[%get3A_633] {strides = array<i32>} : memref<128xf32, #tpu.memory_space<vmem>>, vector<16xf32>,
      %get3A_635 = vector.shape_cast %get3A_634 : vector<16xf32> to vector<16xf32>
      %get3A_636 = arith.constant 48 : index
      %get3A_637 = tpu.vector_load %arg18[%get3A_636] {strides = array<i32>} : memref<128xf32, #tpu.memory_space<vmem>>, vector<16xf32>,
      %get3A_638 = vector.shape_cast %get3A_637 : vector<16xf32> to vector<16xf32>
      %get3A_639 = arith.constant 64 : index
      %get3A_640 = tpu.vector_load %arg18[%get3A_639] {strides = array<i32>} : memref<128xf32, #tpu.memory_space<vmem>>, vector<16xf32>,
      %get3A_641 = vector.shape_cast %get3A_640 : vector<16xf32> to vector<16xf32>
      %get3A_642 = arith.constant 80 : index
      %get3A_643 = tpu.vector_load %arg18[%get3A_642] {strides = array<i32>} : memref<128xf32, #tpu.memory_space<vmem>>, vector<16xf32>,
      %get3A_644 = vector.shape_cast %get3A_643 : vector<16xf32> to vector<16xf32>
      %get3A_645 = arith.constant 96 : index
      %get3A_646 = tpu.vector_load %arg18[%get3A_645] {strides = array<i32>} : memref<128xf32, #tpu.memory_space<vmem>>, vector<16xf32>,
      %get3A_647 = vector.shape_cast %get3A_646 : vector<16xf32> to vector<16xf32>
      %get3A_648 = arith.constant 112 : index
      %get3A_649 = tpu.vector_load %arg18[%get3A_648] {strides = array<i32>} : memref<128xf32, #tpu.memory_space<vmem>>, vector<16xf32>,
      %get3A_650 = vector.shape_cast %get3A_649 : vector<16xf32> to vector<16xf32>
      %get3A_651 = arith.constant 0 : index
      %get3A_652 = tpu.vector_load %arg19[%get3A_651] {strides = array<i32>} : memref<128xf32, #tpu.memory_space<vmem>>, vector<16xf32>,
      %get3A_653 = vector.shape_cast %get3A_652 : vector<16xf32> to vector<16xf32>
      %get3A_654 = arith.constant 16 : index
      %get3A_655 = tpu.vector_load %arg19[%get3A_654] {strides = array<i32>} : memref<128xf32, #tpu.memory_space<vmem>>, vector<16xf32>,
      %get3A_656 = vector.shape_cast %get3A_655 : vector<16xf32> to vector<16xf32>
      %get3A_657 = arith.constant 32 : index
      %get3A_658 = tpu.vector_load %arg19[%get3A_657] {strides = array<i32>} : memref<128xf32, #tpu.memory_space<vmem>>, vector<16xf32>,
      %get3A_659 = vector.shape_cast %get3A_658 : vector<16xf32> to vector<16xf32>
      %get3A_660 = arith.constant 48 : index
      %get3A_661 = tpu.vector_load %arg19[%get3A_660] {strides = array<i32>} : memref<128xf32, #tpu.memory_space<vmem>>, vector<16xf32>,
      %get3A_662 = vector.shape_cast %get3A_661 : vector<16xf32> to vector<16xf32>
      %get3A_663 = arith.constant 64 : index
      %get3A_664 = tpu.vector_load %arg19[%get3A_663] {strides = array<i32>} : memref<128xf32, #tpu.memory_space<vmem>>, vector<16xf32>,
      %get3A_665 = vector.shape_cast %get3A_664 : vector<16xf32> to vector<16xf32>
      %get3A_666 = arith.constant 80 : index
      %get3A_667 = tpu.vector_load %arg19[%get3A_666] {strides = array<i32>} : memref<128xf32, #tpu.memory_space<vmem>>, vector<16xf32>,
      %get3A_668 = vector.shape_cast %get3A_667 : vector<16xf32> to vector<16xf32>
      %get3A_669 = arith.constant 96 : index
      %get3A_670 = tpu.vector_load %arg19[%get3A_669] {strides = array<i32>} : memref<128xf32, #tpu.memory_space<vmem>>, vector<16xf32>,
      %get3A_671 = vector.shape_cast %get3A_670 : vector<16xf32> to vector<16xf32>
      %get3A_672 = arith.constant 112 : index
      %get3A_673 = tpu.vector_load %arg19[%get3A_672] {strides = array<i32>} : memref<128xf32, #tpu.memory_space<vmem>>, vector<16xf32>,
      %get3A_674 = vector.shape_cast %get3A_673 : vector<16xf32> to vector<16xf32>
      %parallel_loop3A_675 = arith.constant 0 : i32
      %parallel_loop3A_676 = arith.constant 96 : i32
      %parallel_loop3A_677 = arith.constant 1 : i32
      scf.for %parallel_loop3A_702 = %parallel_loop3A_675 to %parallel_loop3A_676 step %parallel_loop3A_677  : i32 {
        %parallel_loop3A_703 = arith.constant 3 : i32
        %parallel_loop3A_704 = arith.index_cast %parallel_loop3A_703 : i32 to index
        %parallel_loop3A_705 = arith.index_cast %parallel_loop3A_702 : i32 to index
        %parallel_loop3A_706 = tpu.vector_load %arg15[%parallel_loop3A_704, %parallel_loop3A_705] {strides = array<i32>} : memref<4x120xi32, #tpu.memory_space<vmem>>, vector<1x16xi32>,
        %parallel_loop3A_707 = vector.shape_cast %parallel_loop3A_706 : vector<1x16xi32> to vector<16xi32>
        %parallel_loop3A_708 = vector.extract_strided_slice %parallel_loop3A_707 {offsets = [0], sizes = [1], strides = [1]} : vector<16xi32> to vector<1xi32>
        %parallel_loop3A_709 = vector.extract %parallel_loop3A_708[0] : i32 from vector<1xi32>
        %parallel_loop3A_710 = arith.constant 200 : i32
        %parallel_loop3A_711 = arith.muli %parallel_loop3A_709, %parallel_loop3A_710 : i32
        %parallel_loop3A_712 = arith.constant 104 : i32
        %parallel_loop3A_713 = arith.addi %parallel_loop3A_712, %parallel_loop3A_702 : i32
        %parallel_loop3A_714 = arith.addi %parallel_loop3A_711, %parallel_loop3A_713 : i32
        %parallel_loop3A_715 = arith.index_cast %parallel_loop3A_702 : i32 to index
        %parallel_loop3A_716 = arith.constant 0 : index
        %parallel_loop3A_717 = tpu.vector_load %arg13[%parallel_loop3A_715, %parallel_loop3A_716] {strides = array<i32>} : memref<104x128xf32, #tpu.memory_space<vmem>>, vector<1x16xf32>,
        %parallel_loop3A_718 = vector.shape_cast %parallel_loop3A_717 : vector<1x16xf32> to vector<16xf32>
        %parallel_loop3A_719 = arith.index_cast %parallel_loop3A_714 : i32 to index
        %parallel_loop3A_720 = arith.constant 0 : index
        %parallel_loop3A_721 = tpu.vector_load %arg16[%parallel_loop3A_719, %parallel_loop3A_720] {strides = array<i32>} : memref<400x128xf32, #tpu.memory_space<vmem>>, vector<1x16xf32>,
        %parallel_loop3A_722 = vector.shape_cast %parallel_loop3A_721 : vector<1x16xf32> to vector<16xf32>
        %parallel_loop3A_723 = arith.addf %parallel_loop3A_718, %parallel_loop3A_722 : vector<16xf32>
        %parallel_loop3A_724 = arith.mulf %parallel_loop3A_723, %parallel_loop3A_723 : vector<16xf32>
        %parallel_loop3A_725 = arith.index_cast %parallel_loop3A_702 : i32 to index
        %parallel_loop3A_726 = arith.constant 16 : index
        %parallel_loop3A_727 = tpu.vector_load %arg13[%parallel_loop3A_725, %parallel_loop3A_726] {strides = array<i32>} : memref<104x128xf32, #tpu.memory_space<vmem>>, vector<1x16xf32>,
        %parallel_loop3A_728 = vector.shape_cast %parallel_loop3A_727 : vector<1x16xf32> to vector<16xf32>
        %parallel_loop3A_729 = arith.index_cast %parallel_loop3A_714 : i32 to index
        %parallel_loop3A_730 = arith.constant 16 : index
        %parallel_loop3A_731 = tpu.vector_load %arg16[%parallel_loop3A_729, %parallel_loop3A_730] {strides = array<i32>} : memref<400x128xf32, #tpu.memory_space<vmem>>, vector<1x16xf32>,
        %parallel_loop3A_732 = vector.shape_cast %parallel_loop3A_731 : vector<1x16xf32> to vector<16xf32>
        %parallel_loop3A_733 = arith.addf %parallel_loop3A_728, %parallel_loop3A_732 : vector<16xf32>
        %parallel_loop3A_734 = arith.mulf %parallel_loop3A_733, %parallel_loop3A_733 : vector<16xf32>
        %parallel_loop3A_735 = arith.index_cast %parallel_loop3A_702 : i32 to index
        %parallel_loop3A_736 = arith.constant 32 : index
        %parallel_loop3A_737 = tpu.vector_load %arg13[%parallel_loop3A_735, %parallel_loop3A_736] {strides = array<i32>} : memref<104x128xf32, #tpu.memory_space<vmem>>, vector<1x16xf32>,
        %parallel_loop3A_738 = vector.shape_cast %parallel_loop3A_737 : vector<1x16xf32> to vector<16xf32>
        %parallel_loop3A_739 = arith.index_cast %parallel_loop3A_714 : i32 to index
        %parallel_loop3A_740 = arith.constant 32 : index
        %parallel_loop3A_741 = tpu.vector_load %arg16[%parallel_loop3A_739, %parallel_loop3A_740] {strides = array<i32>} : memref<400x128xf32, #tpu.memory_space<vmem>>, vector<1x16xf32>,
        %parallel_loop3A_742 = vector.shape_cast %parallel_loop3A_741 : vector<1x16xf32> to vector<16xf32>
        %parallel_loop3A_743 = arith.addf %parallel_loop3A_738, %parallel_loop3A_742 : vector<16xf32>
        %parallel_loop3A_744 = arith.mulf %parallel_loop3A_743, %parallel_loop3A_743 : vector<16xf32>
        %parallel_loop3A_745 = arith.index_cast %parallel_loop3A_702 : i32 to index
        %parallel_loop3A_746 = arith.constant 48 : index
        %parallel_loop3A_747 = tpu.vector_load %arg13[%parallel_loop3A_745, %parallel_loop3A_746] {strides = array<i32>} : memref<104x128xf32, #tpu.memory_space<vmem>>, vector<1x16xf32>,
        %parallel_loop3A_748 = vector.shape_cast %parallel_loop3A_747 : vector<1x16xf32> to vector<16xf32>
        %parallel_loop3A_749 = arith.index_cast %parallel_loop3A_714 : i32 to index
        %parallel_loop3A_750 = arith.constant 48 : index
        %parallel_loop3A_751 = tpu.vector_load %arg16[%parallel_loop3A_749, %parallel_loop3A_750] {strides = array<i32>} : memref<400x128xf32, #tpu.memory_space<vmem>>, vector<1x16xf32>,
        %parallel_loop3A_752 = vector.shape_cast %parallel_loop3A_751 : vector<1x16xf32> to vector<16xf32>
        %parallel_loop3A_753 = arith.addf %parallel_loop3A_748, %parallel_loop3A_752 : vector<16xf32>
        %parallel_loop3A_754 = arith.mulf %parallel_loop3A_753, %parallel_loop3A_753 : vector<16xf32>
        %parallel_loop3A_755 = arith.index_cast %parallel_loop3A_702 : i32 to index
        %parallel_loop3A_756 = arith.constant 64 : index
        %parallel_loop3A_757 = tpu.vector_load %arg13[%parallel_loop3A_755, %parallel_loop3A_756] {strides = array<i32>} : memref<104x128xf32, #tpu.memory_space<vmem>>, vector<1x16xf32>,
        %parallel_loop3A_758 = vector.shape_cast %parallel_loop3A_757 : vector<1x16xf32> to vector<16xf32>
        %parallel_loop3A_759 = arith.index_cast %parallel_loop3A_714 : i32 to index
        %parallel_loop3A_760 = arith.constant 64 : index
        %parallel_loop3A_761 = tpu.vector_load %arg16[%parallel_loop3A_759, %parallel_loop3A_760] {strides = array<i32>} : memref<400x128xf32, #tpu.memory_space<vmem>>, vector<1x16xf32>,
        %parallel_loop3A_762 = vector.shape_cast %parallel_loop3A_761 : vector<1x16xf32> to vector<16xf32>
        %parallel_loop3A_763 = arith.addf %parallel_loop3A_758, %parallel_loop3A_762 : vector<16xf32>
        %parallel_loop3A_764 = arith.mulf %parallel_loop3A_763, %parallel_loop3A_763 : vector<16xf32>
        %parallel_loop3A_765 = arith.index_cast %parallel_loop3A_702 : i32 to index
        %parallel_loop3A_766 = arith.constant 80 : index
        %parallel_loop3A_767 = tpu.vector_load %arg13[%parallel_loop3A_765, %parallel_loop3A_766] {strides = array<i32>} : memref<104x128xf32, #tpu.memory_space<vmem>>, vector<1x16xf32>,
        %parallel_loop3A_768 = vector.shape_cast %parallel_loop3A_767 : vector<1x16xf32> to vector<16xf32>
        %parallel_loop3A_769 = arith.index_cast %parallel_loop3A_714 : i32 to index
        %parallel_loop3A_770 = arith.constant 80 : index
        %parallel_loop3A_771 = tpu.vector_load %arg16[%parallel_loop3A_769, %parallel_loop3A_770] {strides = array<i32>} : memref<400x128xf32, #tpu.memory_space<vmem>>, vector<1x16xf32>,
        %parallel_loop3A_772 = vector.shape_cast %parallel_loop3A_771 : vector<1x16xf32> to vector<16xf32>
        %parallel_loop3A_773 = arith.addf %parallel_loop3A_768, %parallel_loop3A_772 : vector<16xf32>
        %parallel_loop3A_774 = arith.mulf %parallel_loop3A_773, %parallel_loop3A_773 : vector<16xf32>
        %parallel_loop3A_775 = arith.index_cast %parallel_loop3A_702 : i32 to index
        %parallel_loop3A_776 = arith.constant 96 : index
        %parallel_loop3A_777 = tpu.vector_load %arg13[%parallel_loop3A_775, %parallel_loop3A_776] {strides = array<i32>} : memref<104x128xf32, #tpu.memory_space<vmem>>, vector<1x16xf32>,
        %parallel_loop3A_778 = vector.shape_cast %parallel_loop3A_777 : vector<1x16xf32> to vector<16xf32>
        %parallel_loop3A_779 = arith.index_cast %parallel_loop3A_714 : i32 to index
        %parallel_loop3A_780 = arith.constant 96 : index
        %parallel_loop3A_781 = tpu.vector_load %arg16[%parallel_loop3A_779, %parallel_loop3A_780] {strides = array<i32>} : memref<400x128xf32, #tpu.memory_space<vmem>>, vector<1x16xf32>,
        %parallel_loop3A_782 = vector.shape_cast %parallel_loop3A_781 : vector<1x16xf32> to vector<16xf32>
        %parallel_loop3A_783 = arith.addf %parallel_loop3A_778, %parallel_loop3A_782 : vector<16xf32>
        %parallel_loop3A_784 = arith.mulf %parallel_loop3A_783, %parallel_loop3A_783 : vector<16xf32>
        %parallel_loop3A_785 = arith.index_cast %parallel_loop3A_702 : i32 to index
        %parallel_loop3A_786 = arith.constant 112 : index
        %parallel_loop3A_787 = tpu.vector_load %arg13[%parallel_loop3A_785, %parallel_loop3A_786] {strides = array<i32>} : memref<104x128xf32, #tpu.memory_space<vmem>>, vector<1x16xf32>,
        %parallel_loop3A_788 = vector.shape_cast %parallel_loop3A_787 : vector<1x16xf32> to vector<16xf32>
        %parallel_loop3A_789 = arith.index_cast %parallel_loop3A_714 : i32 to index
        %parallel_loop3A_790 = arith.constant 112 : index
        %parallel_loop3A_791 = tpu.vector_load %arg16[%parallel_loop3A_789, %parallel_loop3A_790] {strides = array<i32>} : memref<400x128xf32, #tpu.memory_space<vmem>>, vector<1x16xf32>,
        %parallel_loop3A_792 = vector.shape_cast %parallel_loop3A_791 : vector<1x16xf32> to vector<16xf32>
        %parallel_loop3A_793 = arith.addf %parallel_loop3A_788, %parallel_loop3A_792 : vector<16xf32>
        %parallel_loop3A_794 = arith.mulf %parallel_loop3A_793, %parallel_loop3A_793 : vector<16xf32>
        %parallel_loop3A_795 = arith.addf %parallel_loop3A_723, %parallel_loop3A_733 : vector<16xf32>
        %parallel_loop3A_796 = arith.addf %parallel_loop3A_743, %parallel_loop3A_753 : vector<16xf32>
        %parallel_loop3A_797 = arith.addf %parallel_loop3A_763, %parallel_loop3A_773 : vector<16xf32>
        %parallel_loop3A_798 = arith.addf %parallel_loop3A_783, %parallel_loop3A_793 : vector<16xf32>
        %parallel_loop3A_799 = arith.addf %parallel_loop3A_795, %parallel_loop3A_796 : vector<16xf32>
        %parallel_loop3A_800 = arith.addf %parallel_loop3A_797, %parallel_loop3A_798 : vector<16xf32>
        %parallel_loop3A_801 = arith.addf %parallel_loop3A_799, %parallel_loop3A_800 : vector<16xf32>
        %parallel_loop3A_802 = arith.addf %parallel_loop3A_724, %parallel_loop3A_734 : vector<16xf32>
        %parallel_loop3A_803 = arith.addf %parallel_loop3A_744, %parallel_loop3A_754 : vector<16xf32>
        %parallel_loop3A_804 = arith.addf %parallel_loop3A_764, %parallel_loop3A_774 : vector<16xf32>
        %parallel_loop3A_805 = arith.addf %parallel_loop3A_784, %parallel_loop3A_794 : vector<16xf32>
        %parallel_loop3A_806 = arith.addf %parallel_loop3A_802, %parallel_loop3A_803 : vector<16xf32>
        %parallel_loop3A_807 = arith.addf %parallel_loop3A_804, %parallel_loop3A_805 : vector<16xf32>
        %parallel_loop3A_808 = arith.addf %parallel_loop3A_806, %parallel_loop3A_807 : vector<16xf32>
        %parallel_loop3A_809 = tpu.iota {dimensions = array<i32: 0>} : vector<16xi32>
        %parallel_loop3A_810 = arith.constant 8 : i32
        %parallel_loop3A_811 = vector.broadcast %parallel_loop3A_810 : i32 to vector<16xi32>
        %parallel_loop3A_812 = arith.xori %parallel_loop3A_809, %parallel_loop3A_811 : vector<16xi32>
        %parallel_loop3A_813 = vector.shape_cast %parallel_loop3A_812 : vector<16xi32> to vector<16x1xi32>
        %parallel_loop3A_814 = vector.shape_cast %parallel_loop3A_813 : vector<16x1xi32> to vector<16xi32>
        %parallel_loop3A_815 = tpu.dynamic_gather %parallel_loop3A_801[%parallel_loop3A_814] in [0] : vector<16xf32>, vector<16xi32> -> vector<16xf32>
        %parallel_loop3A_816 = arith.addf %parallel_loop3A_801, %parallel_loop3A_815 : vector<16xf32>
        %parallel_loop3A_817 = tpu.iota {dimensions = array<i32: 0>} : vector<16xi32>
        %parallel_loop3A_818 = arith.constant 8 : i32
        %parallel_loop3A_819 = vector.broadcast %parallel_loop3A_818 : i32 to vector<16xi32>
        %parallel_loop3A_820 = arith.xori %parallel_loop3A_817, %parallel_loop3A_819 : vector<16xi32>
        %parallel_loop3A_821 = vector.shape_cast %parallel_loop3A_820 : vector<16xi32> to vector<16x1xi32>
        %parallel_loop3A_822 = vector.shape_cast %parallel_loop3A_821 : vector<16x1xi32> to vector<16xi32>
        %parallel_loop3A_823 = tpu.dynamic_gather %parallel_loop3A_808[%parallel_loop3A_822] in [0] : vector<16xf32>, vector<16xi32> -> vector<16xf32>
        %parallel_loop3A_824 = arith.addf %parallel_loop3A_808, %parallel_loop3A_823 : vector<16xf32>
        %parallel_loop3A_825 = tpu.iota {dimensions = array<i32: 0>} : vector<16xi32>
        %parallel_loop3A_826 = arith.constant 8 : i32
        %parallel_loop3A_827 = vector.broadcast %parallel_loop3A_826 : i32 to vector<16xi32>
        %parallel_loop3A_828 = arith.cmpi slt, %parallel_loop3A_825, %parallel_loop3A_827 : vector<16xi32>
        %parallel_loop3A_829 = arith.select %parallel_loop3A_828, %parallel_loop3A_816, %parallel_loop3A_824 : vector<16xi1>, vector<16xf32>
        %parallel_loop3A_830 = tpu.iota {dimensions = array<i32: 0>} : vector<16xi32>
        %parallel_loop3A_831 = arith.constant 4 : i32
        %parallel_loop3A_832 = vector.broadcast %parallel_loop3A_831 : i32 to vector<16xi32>
        %parallel_loop3A_833 = arith.xori %parallel_loop3A_830, %parallel_loop3A_832 : vector<16xi32>
        %parallel_loop3A_834 = vector.shape_cast %parallel_loop3A_833 : vector<16xi32> to vector<16x1xi32>
        %parallel_loop3A_835 = vector.shape_cast %parallel_loop3A_834 : vector<16x1xi32> to vector<16xi32>
        %parallel_loop3A_836 = tpu.dynamic_gather %parallel_loop3A_829[%parallel_loop3A_835] in [0] : vector<16xf32>, vector<16xi32> -> vector<16xf32>
        %parallel_loop3A_837 = arith.addf %parallel_loop3A_829, %parallel_loop3A_836 : vector<16xf32>
        %parallel_loop3A_838 = tpu.iota {dimensions = array<i32: 0>} : vector<16xi32>
        %parallel_loop3A_839 = arith.constant 2 : i32
        %parallel_loop3A_840 = vector.broadcast %parallel_loop3A_839 : i32 to vector<16xi32>
        %parallel_loop3A_841 = arith.xori %parallel_loop3A_838, %parallel_loop3A_840 : vector<16xi32>
        %parallel_loop3A_842 = vector.shape_cast %parallel_loop3A_841 : vector<16xi32> to vector<16x1xi32>
        %parallel_loop3A_843 = vector.shape_cast %parallel_loop3A_842 : vector<16x1xi32> to vector<16xi32>
        %parallel_loop3A_844 = tpu.dynamic_gather %parallel_loop3A_837[%parallel_loop3A_843] in [0] : vector<16xf32>, vector<16xi32> -> vector<16xf32>
        %parallel_loop3A_845 = arith.addf %parallel_loop3A_837, %parallel_loop3A_844 : vector<16xf32>
        %parallel_loop3A_846 = tpu.iota {dimensions = array<i32: 0>} : vector<16xi32>
        %parallel_loop3A_847 = arith.constant 1 : i32
        %parallel_loop3A_848 = vector.broadcast %parallel_loop3A_847 : i32 to vector<16xi32>
        %parallel_loop3A_849 = arith.xori %parallel_loop3A_846, %parallel_loop3A_848 : vector<16xi32>
        %parallel_loop3A_850 = vector.shape_cast %parallel_loop3A_849 : vector<16xi32> to vector<16x1xi32>
        %parallel_loop3A_851 = vector.shape_cast %parallel_loop3A_850 : vector<16x1xi32> to vector<16xi32>
        %parallel_loop3A_852 = tpu.dynamic_gather %parallel_loop3A_845[%parallel_loop3A_851] in [0] : vector<16xf32>, vector<16xi32> -> vector<16xf32>
        %parallel_loop3A_853 = arith.addf %parallel_loop3A_845, %parallel_loop3A_852 : vector<16xf32>
        %parallel_loop3A_854 = arith.constant 0 : i32
        %parallel_loop3A_855 = vector.broadcast %parallel_loop3A_854 : i32 to vector<16x1xi32>
        %parallel_loop3A_856 = vector.shape_cast %parallel_loop3A_855 : vector<16x1xi32> to vector<16xi32>
        %parallel_loop3A_857 = tpu.dynamic_gather %parallel_loop3A_853[%parallel_loop3A_856] in [0] : vector<16xf32>, vector<16xi32> -> vector<16xf32>
        %parallel_loop3A_858 = arith.constant 7.812500e-03 : f32
        %parallel_loop3A_859 = vector.broadcast %parallel_loop3A_858 : f32 to vector<16xf32>
        %parallel_loop3A_860 = arith.mulf %parallel_loop3A_857, %parallel_loop3A_859 : vector<16xf32>
        %parallel_loop3A_861 = arith.constant 8 : i32
        %parallel_loop3A_862 = vector.broadcast %parallel_loop3A_861 : i32 to vector<16x1xi32>
        %parallel_loop3A_863 = vector.shape_cast %parallel_loop3A_862 : vector<16x1xi32> to vector<16xi32>
        %parallel_loop3A_864 = tpu.dynamic_gather %parallel_loop3A_853[%parallel_loop3A_863] in [0] : vector<16xf32>, vector<16xi32> -> vector<16xf32>
        %parallel_loop3A_865 = arith.constant 7.812500e-03 : f32
        %parallel_loop3A_866 = vector.broadcast %parallel_loop3A_865 : f32 to vector<16xf32>
        %parallel_loop3A_867 = arith.mulf %parallel_loop3A_864, %parallel_loop3A_866 : vector<16xf32>
        %parallel_loop3A_868 = arith.mulf %parallel_loop3A_860, %parallel_loop3A_860 : vector<16xf32>
        %parallel_loop3A_869 = arith.subf %parallel_loop3A_867, %parallel_loop3A_868 : vector<16xf32>
        %parallel_loop3A_870 = arith.constant 9.99999996E-13 : f32
        %parallel_loop3A_871 = vector.broadcast %parallel_loop3A_870 : f32 to vector<16xf32>
        %parallel_loop3A_872 = arith.addf %parallel_loop3A_869, %parallel_loop3A_871 : vector<16xf32>
        %parallel_loop3A_873 = tpu.bitcast %parallel_loop3A_872 : vector<16xf32> -> vector<16xi32>
        %parallel_loop3A_874 = arith.constant 1 : i32
        %parallel_loop3A_875 = vector.broadcast %parallel_loop3A_874 : i32 to vector<16xi32>
        %parallel_loop3A_876 = arith.shrsi %parallel_loop3A_873, %parallel_loop3A_875 : vector<16xi32>
        %parallel_loop3A_877 = arith.constant 1597463007 : i32
        %parallel_loop3A_878 = vector.broadcast %parallel_loop3A_877 : i32 to vector<16xi32>
        %parallel_loop3A_879 = arith.subi %parallel_loop3A_878, %parallel_loop3A_876 : vector<16xi32>
        %parallel_loop3A_880 = tpu.bitcast %parallel_loop3A_879 : vector<16xi32> -> vector<16xf32>
        %parallel_loop3A_881 = arith.constant 5.000000e-01 : f32
        %parallel_loop3A_882 = vector.broadcast %parallel_loop3A_881 : f32 to vector<16xf32>
        %parallel_loop3A_883 = arith.mulf %parallel_loop3A_882, %parallel_loop3A_872 : vector<16xf32>
        %parallel_loop3A_884 = arith.mulf %parallel_loop3A_883, %parallel_loop3A_880 : vector<16xf32>
        %parallel_loop3A_885 = arith.mulf %parallel_loop3A_884, %parallel_loop3A_880 : vector<16xf32>
        %parallel_loop3A_886 = arith.constant 1.500000e+00 : f32
        %parallel_loop3A_887 = vector.broadcast %parallel_loop3A_886 : f32 to vector<16xf32>
        %parallel_loop3A_888 = arith.subf %parallel_loop3A_887, %parallel_loop3A_885 : vector<16xf32>
        %parallel_loop3A_889 = arith.mulf %parallel_loop3A_880, %parallel_loop3A_888 : vector<16xf32>
        %parallel_loop3A_890 = arith.subf %parallel_loop3A_723, %parallel_loop3A_860 : vector<16xf32>
        %parallel_loop3A_891 = arith.mulf %parallel_loop3A_890, %parallel_loop3A_889 : vector<16xf32>
        %parallel_loop3A_892 = arith.mulf %parallel_loop3A_891, %get3A_629 : vector<16xf32>
        %parallel_loop3A_893 = arith.addf %parallel_loop3A_892, %get3A_653 : vector<16xf32>
        %parallel_loop3A_894 = arith.index_cast %parallel_loop3A_702 : i32 to index
        %parallel_loop3A_895 = arith.constant 0 : index
        %parallel_loop3A_896 = tpu.vector_load %arg13[%parallel_loop3A_894, %parallel_loop3A_895] {strides = array<i32>} : memref<104x128xf32, #tpu.memory_space<vmem>>, vector<1x16xf32>,
        %parallel_loop3A_897 = vector.shape_cast %parallel_loop3A_896 : vector<1x16xf32> to vector<16xf32>
        %parallel_loop3A_898 = vector.shape_cast %parallel_loop3A_893 : vector<16xf32> to vector<1x16xf32>
        tpu.vector_store %arg13[%parallel_loop3A_894, %parallel_loop3A_895], %parallel_loop3A_898 {strides = array<i32>} : memref<104x128xf32, #tpu.memory_space<vmem>>, vector<1x16xf32>,
        %parallel_loop3A_899 = arith.subf %parallel_loop3A_733, %parallel_loop3A_860 : vector<16xf32>
        %parallel_loop3A_900 = arith.mulf %parallel_loop3A_899, %parallel_loop3A_889 : vector<16xf32>
        %parallel_loop3A_901 = arith.mulf %parallel_loop3A_900, %get3A_632 : vector<16xf32>
        %parallel_loop3A_902 = arith.addf %parallel_loop3A_901, %get3A_656 : vector<16xf32>
        %parallel_loop3A_903 = arith.index_cast %parallel_loop3A_702 : i32 to index
        %parallel_loop3A_904 = arith.constant 16 : index
        %parallel_loop3A_905 = tpu.vector_load %arg13[%parallel_loop3A_903, %parallel_loop3A_904] {strides = array<i32>} : memref<104x128xf32, #tpu.memory_space<vmem>>, vector<1x16xf32>,
        %parallel_loop3A_906 = vector.shape_cast %parallel_loop3A_905 : vector<1x16xf32> to vector<16xf32>
        %parallel_loop3A_907 = vector.shape_cast %parallel_loop3A_902 : vector<16xf32> to vector<1x16xf32>
        tpu.vector_store %arg13[%parallel_loop3A_903, %parallel_loop3A_904], %parallel_loop3A_907 {strides = array<i32>} : memref<104x128xf32, #tpu.memory_space<vmem>>, vector<1x16xf32>,
        %parallel_loop3A_908 = arith.subf %parallel_loop3A_743, %parallel_loop3A_860 : vector<16xf32>
        %parallel_loop3A_909 = arith.mulf %parallel_loop3A_908, %parallel_loop3A_889 : vector<16xf32>
        %parallel_loop3A_910 = arith.mulf %parallel_loop3A_909, %get3A_635 : vector<16xf32>
        %parallel_loop3A_911 = arith.addf %parallel_loop3A_910, %get3A_659 : vector<16xf32>
        %parallel_loop3A_912 = arith.index_cast %parallel_loop3A_702 : i32 to index
        %parallel_loop3A_913 = arith.constant 32 : index
        %parallel_loop3A_914 = tpu.vector_load %arg13[%parallel_loop3A_912, %parallel_loop3A_913] {strides = array<i32>} : memref<104x128xf32, #tpu.memory_space<vmem>>, vector<1x16xf32>,
        %parallel_loop3A_915 = vector.shape_cast %parallel_loop3A_914 : vector<1x16xf32> to vector<16xf32>
        %parallel_loop3A_916 = vector.shape_cast %parallel_loop3A_911 : vector<16xf32> to vector<1x16xf32>
        tpu.vector_store %arg13[%parallel_loop3A_912, %parallel_loop3A_913], %parallel_loop3A_916 {strides = array<i32>} : memref<104x128xf32, #tpu.memory_space<vmem>>, vector<1x16xf32>,
        %parallel_loop3A_917 = arith.subf %parallel_loop3A_753, %parallel_loop3A_860 : vector<16xf32>
        %parallel_loop3A_918 = arith.mulf %parallel_loop3A_917, %parallel_loop3A_889 : vector<16xf32>
        %parallel_loop3A_919 = arith.mulf %parallel_loop3A_918, %get3A_638 : vector<16xf32>
        %parallel_loop3A_920 = arith.addf %parallel_loop3A_919, %get3A_662 : vector<16xf32>
        %parallel_loop3A_921 = arith.index_cast %parallel_loop3A_702 : i32 to index
        %parallel_loop3A_922 = arith.constant 48 : index
        %parallel_loop3A_923 = tpu.vector_load %arg13[%parallel_loop3A_921, %parallel_loop3A_922] {strides = array<i32>} : memref<104x128xf32, #tpu.memory_space<vmem>>, vector<1x16xf32>,
        %parallel_loop3A_924 = vector.shape_cast %parallel_loop3A_923 : vector<1x16xf32> to vector<16xf32>
        %parallel_loop3A_925 = vector.shape_cast %parallel_loop3A_920 : vector<16xf32> to vector<1x16xf32>
        tpu.vector_store %arg13[%parallel_loop3A_921, %parallel_loop3A_922], %parallel_loop3A_925 {strides = array<i32>} : memref<104x128xf32, #tpu.memory_space<vmem>>, vector<1x16xf32>,
        %parallel_loop3A_926 = arith.subf %parallel_loop3A_763, %parallel_loop3A_860 : vector<16xf32>
        %parallel_loop3A_927 = arith.mulf %parallel_loop3A_926, %parallel_loop3A_889 : vector<16xf32>
        %parallel_loop3A_928 = arith.mulf %parallel_loop3A_927, %get3A_641 : vector<16xf32>
        %parallel_loop3A_929 = arith.addf %parallel_loop3A_928, %get3A_665 : vector<16xf32>
        %parallel_loop3A_930 = arith.index_cast %parallel_loop3A_702 : i32 to index
        %parallel_loop3A_931 = arith.constant 64 : index
        %parallel_loop3A_932 = tpu.vector_load %arg13[%parallel_loop3A_930, %parallel_loop3A_931] {strides = array<i32>} : memref<104x128xf32, #tpu.memory_space<vmem>>, vector<1x16xf32>,
        %parallel_loop3A_933 = vector.shape_cast %parallel_loop3A_932 : vector<1x16xf32> to vector<16xf32>
        %parallel_loop3A_934 = vector.shape_cast %parallel_loop3A_929 : vector<16xf32> to vector<1x16xf32>
        tpu.vector_store %arg13[%parallel_loop3A_930, %parallel_loop3A_931], %parallel_loop3A_934 {strides = array<i32>} : memref<104x128xf32, #tpu.memory_space<vmem>>, vector<1x16xf32>,
        %parallel_loop3A_935 = arith.subf %parallel_loop3A_773, %parallel_loop3A_860 : vector<16xf32>
        %parallel_loop3A_936 = arith.mulf %parallel_loop3A_935, %parallel_loop3A_889 : vector<16xf32>
        %parallel_loop3A_937 = arith.mulf %parallel_loop3A_936, %get3A_644 : vector<16xf32>
        %parallel_loop3A_938 = arith.addf %parallel_loop3A_937, %get3A_668 : vector<16xf32>
        %parallel_loop3A_939 = arith.index_cast %parallel_loop3A_702 : i32 to index
        %parallel_loop3A_940 = arith.constant 80 : index
        %parallel_loop3A_941 = tpu.vector_load %arg13[%parallel_loop3A_939, %parallel_loop3A_940] {strides = array<i32>} : memref<104x128xf32, #tpu.memory_space<vmem>>, vector<1x16xf32>,
        %parallel_loop3A_942 = vector.shape_cast %parallel_loop3A_941 : vector<1x16xf32> to vector<16xf32>
        %parallel_loop3A_943 = vector.shape_cast %parallel_loop3A_938 : vector<16xf32> to vector<1x16xf32>
        tpu.vector_store %arg13[%parallel_loop3A_939, %parallel_loop3A_940], %parallel_loop3A_943 {strides = array<i32>} : memref<104x128xf32, #tpu.memory_space<vmem>>, vector<1x16xf32>,
        %parallel_loop3A_944 = arith.subf %parallel_loop3A_783, %parallel_loop3A_860 : vector<16xf32>
        %parallel_loop3A_945 = arith.mulf %parallel_loop3A_944, %parallel_loop3A_889 : vector<16xf32>
        %parallel_loop3A_946 = arith.mulf %parallel_loop3A_945, %get3A_647 : vector<16xf32>
        %parallel_loop3A_947 = arith.addf %parallel_loop3A_946, %get3A_671 : vector<16xf32>
        %parallel_loop3A_948 = arith.index_cast %parallel_loop3A_702 : i32 to index
        %parallel_loop3A_949 = arith.constant 96 : index
        %parallel_loop3A_950 = tpu.vector_load %arg13[%parallel_loop3A_948, %parallel_loop3A_949] {strides = array<i32>} : memref<104x128xf32, #tpu.memory_space<vmem>>, vector<1x16xf32>,
        %parallel_loop3A_951 = vector.shape_cast %parallel_loop3A_950 : vector<1x16xf32> to vector<16xf32>
        %parallel_loop3A_952 = vector.shape_cast %parallel_loop3A_947 : vector<16xf32> to vector<1x16xf32>
        tpu.vector_store %arg13[%parallel_loop3A_948, %parallel_loop3A_949], %parallel_loop3A_952 {strides = array<i32>} : memref<104x128xf32, #tpu.memory_space<vmem>>, vector<1x16xf32>,
        %parallel_loop3A_953 = arith.subf %parallel_loop3A_793, %parallel_loop3A_860 : vector<16xf32>
        %parallel_loop3A_954 = arith.mulf %parallel_loop3A_953, %parallel_loop3A_889 : vector<16xf32>
        %parallel_loop3A_955 = arith.mulf %parallel_loop3A_954, %get3A_650 : vector<16xf32>
        %parallel_loop3A_956 = arith.addf %parallel_loop3A_955, %get3A_674 : vector<16xf32>
        %parallel_loop3A_957 = arith.index_cast %parallel_loop3A_702 : i32 to index
        %parallel_loop3A_958 = arith.constant 112 : index
        %parallel_loop3A_959 = tpu.vector_load %arg13[%parallel_loop3A_957, %parallel_loop3A_958] {strides = array<i32>} : memref<104x128xf32, #tpu.memory_space<vmem>>, vector<1x16xf32>,
        %parallel_loop3A_960 = vector.shape_cast %parallel_loop3A_959 : vector<1x16xf32> to vector<16xf32>
        %parallel_loop3A_961 = vector.shape_cast %parallel_loop3A_956 : vector<16xf32> to vector<1x16xf32>
        tpu.vector_store %arg13[%parallel_loop3A_957, %parallel_loop3A_958], %parallel_loop3A_961 {strides = array<i32>} : memref<104x128xf32, #tpu.memory_space<vmem>>, vector<1x16xf32>,
      } {sc.loop_unroll_factor = 8 : i64, sc.parallel_access}
      %dma_start3A_678 = arith.constant 3 : i32
      %dma_start3A_679 = arith.constant 0 : i32
      %dma_start3A_680 = arith.constant 0 : i32
      %dma_start3A_681 = tpu.memref_slice %arg13[%dma_start3A_679, %dma_start3A_680] : memref<104x128xf32, #tpu.memory_space<vmem>> -> memref<96x128xf32, #tpu.memory_space<vmem>>
      %dma_start3A_682 = arith.constant 104 : i32
      %dma_start3A_683 = arith.constant 0 : i32
      %dma_start3A_684 = tpu.memref_slice %arg9[%add3A_585, %dma_start3A_682, %dma_start3A_683] : memref<4096x200x128xf32, #tpu.memory_space<hbm>> -> memref<1x96x128xf32, #tpu.memory_space<hbm>>
      %dma_start3A_685 = tpu.memref_squeeze %dma_start3A_684 : memref<1x96x128xf32, #tpu.memory_space<hbm>> -> memref<96x128xf32, #tpu.memory_space<hbm>>
      %dma_start3A_686 = tpu.memref_slice %arg21[%dma_start3A_678] : memref<4x!tpu.dma_semaphore, #tpu.memory_space<semaphore_mem>> -> memref<1x!tpu.dma_semaphore, #tpu.memory_space<semaphore_mem>>
      %dma_start3A_687 = tpu.memref_squeeze %dma_start3A_686 : memref<1x!tpu.dma_semaphore, #tpu.memory_space<semaphore_mem>> -> memref<!tpu.dma_semaphore, #tpu.memory_space<semaphore_mem>>
      %dma_start3A_688 = arith.constant 104 : i32
      %dma_start3A_689 = arith.constant 0 : i32
      %dma_start3A_690 = tpu.memref_slice %arg9[%add3A_585, %dma_start3A_688, %dma_start3A_689] : memref<4096x200x128xf32, #tpu.memory_space<hbm>> -> memref<1x96x128xf32, #tpu.memory_space<hbm>>
      %dma_start3A_691 = tpu.memref_squeeze %dma_start3A_690 : memref<1x96x128xf32, #tpu.memory_space<hbm>> -> memref<96x128xf32, #tpu.memory_space<hbm>>
      %dma_start3A_692 = arith.constant 0 : i32
      %dma_start3A_693 = arith.constant 0 : i32
      %dma_start3A_694 = tpu.memref_slice %arg13[%dma_start3A_692, %dma_start3A_693] : memref<104x128xf32, #tpu.memory_space<vmem>> -> memref<96x128xf32, #tpu.memory_space<vmem>>
      tpu.enqueue_dma source(%dma_start3A_694 : memref<96x128xf32, #tpu.memory_space<vmem>>) target(%dma_start3A_691 : memref<96x128xf32, #tpu.memory_space<hbm>>) target_semaphore(%dma_start3A_687 : memref<!tpu.dma_semaphore, #tpu.memory_space<semaphore_mem>>)
      %add3A_695 = arith.constant 4 : i32
      %add3A_696 = arith.addi %add3A_580, %add3A_695 : i32
      %lt3A_697 = arith.constant 256 : i32
      %lt3A_698 = arith.cmpi slt, %add3A_696, %lt3A_697 : i32
      %convert_element_type3A_699 = arith.extui %lt3A_698 : i1 to i32
      %cond3A_700 = arith.constant 0 : i32
      %cond3A_701 = arith.cmpi ne, %convert_element_type3A_699, %cond3A_700 : i32
      scf.if %cond3A_701 {
        %add3A_702 = arith.constant 4 : i32
        %add3A_703 = arith.addi %add3A_580, %add3A_702 : i32
        %jit3A = arith.constant 2 : i32
        %div3A = arith.divsi %add3A_703, %jit3A : i32
        %sign3A = arith.constant 0 : i32
        %sign3A_704 = arith.cmpi sgt, %add3A_703, %sign3A : i32
        %sign3A_705 = arith.extui %sign3A_704 : i1 to i32
        %sign3A_706 = arith.constant 0 : i32
        %sign3A_707 = arith.cmpi slt, %add3A_703, %sign3A_706 : i32
        %sign3A_708 = arith.extui %sign3A_707 : i1 to i32
        %sign3A_709 = arith.subi %sign3A_705, %sign3A_708 : i32
        %sign3A_710 = arith.constant 0 : i32
        %sign3A_711 = arith.cmpi sgt, %jit3A, %sign3A_710 : i32
        %sign3A_712 = arith.extui %sign3A_711 : i1 to i32
        %sign3A_713 = arith.constant 0 : i32
        %sign3A_714 = arith.cmpi slt, %jit3A, %sign3A_713 : i32
        %sign3A_715 = arith.extui %sign3A_714 : i1 to i32
        %sign3A_716 = arith.subi %sign3A_712, %sign3A_715 : i32
        %ne3A = arith.cmpi ne, %sign3A_709, %sign3A_716 : i32
        %rem3A = arith.remsi %add3A_703, %jit3A : i32
        %ne3A_717 = arith.constant 0 : i32
        %ne3A_718 = arith.cmpi ne, %rem3A, %ne3A_717 : i32
        %and3A = arith.andi %ne3A, %ne3A_718 : i1
        %sub3A = arith.constant 1 : i32
        %sub3A_719 = arith.subi %div3A, %sub3A : i32
        %select_n3A = arith.select %and3A, %sub3A_719, %div3A : i32
        %mul3A_720 = arith.constant 200 : i32
        %mul3A_721 = arith.muli %select_n3A, %mul3A_720 : i32
        %add3A_722 = arith.constant 104 : i32
        %add3A_723 = arith.addi %mul3A_721, %add3A_722 : i32
        %add3A_724 = arith.addi %mul3A_4, %add3A_723 : i32
        %dma_start3A_725 = arith.constant 3 : i32
        %dma_start3A_726 = arith.constant 3 : i32
        %dma_start3A_727 = arith.constant 0 : i32
        %dma_start3A_728 = tpu.memref_slice %arg14[%dma_start3A_725, %dma_start3A_727] : memref<4x112xi32, #tpu.memory_space<vmem>> -> memref<1x96xi32, #tpu.memory_space<vmem>>
        %dma_start3A_729 = tpu.memref_squeeze %dma_start3A_728 : memref<1x96xi32, #tpu.memory_space<vmem>> -> memref<96xi32, #tpu.memory_space<vmem>>
        %dma_start3A_730 = tpu.memref_slice %arg2[%add3A_724] : memref<819200xi32, #tpu.memory_space<hbm>> -> memref<96xi32, #tpu.memory_space<hbm>>
        %dma_start3A_731 = tpu.memref_slice %arg22[%dma_start3A_726] : memref<4x!tpu.dma_semaphore, #tpu.memory_space<semaphore_mem>> -> memref<1x!tpu.dma_semaphore, #tpu.memory_space<semaphore_mem>>
        %dma_start3A_732 = tpu.memref_squeeze %dma_start3A_731 : memref<1x!tpu.dma_semaphore, #tpu.memory_space<semaphore_mem>> -> memref<!tpu.dma_semaphore, #tpu.memory_space<semaphore_mem>>
        %dma_start3A_733 = arith.constant 0 : i32
        %dma_start3A_734 = tpu.memref_slice %arg14[%dma_start3A_725, %dma_start3A_733] : memref<4x112xi32, #tpu.memory_space<vmem>> -> memref<1x96xi32, #tpu.memory_space<vmem>>
        %dma_start3A_735 = tpu.memref_squeeze %dma_start3A_734 : memref<1x96xi32, #tpu.memory_space<vmem>> -> memref<96xi32, #tpu.memory_space<vmem>>
        %dma_start3A_736 = tpu.memref_slice %arg2[%add3A_724] : memref<819200xi32, #tpu.memory_space<hbm>> -> memref<96xi32, #tpu.memory_space<hbm>>
        tpu.enqueue_dma source(%dma_start3A_736 : memref<96xi32, #tpu.memory_space<hbm>>) target(%dma_start3A_735 : memref<96xi32, #tpu.memory_space<vmem>>) target_semaphore(%dma_start3A_732 : memref<!tpu.dma_semaphore, #tpu.memory_space<semaphore_mem>>)
        %add3A_737 = arith.addi %mul3A_4, %add3A_723 : i32
        %dma_start3A_738 = arith.constant 3 : i32
        %dma_start3A_739 = arith.constant 3 : i32
        %dma_start3A_740 = arith.constant 0 : i32
        %dma_start3A_741 = tpu.memref_slice %arg15[%dma_start3A_738, %dma_start3A_740] : memref<4x120xi32, #tpu.memory_space<vmem>> -> memref<1x96xi32, #tpu.memory_space<vmem>>
        %dma_start3A_742 = tpu.memref_squeeze %dma_start3A_741 : memref<1x96xi32, #tpu.memory_space<vmem>> -> memref<96xi32, #tpu.memory_space<vmem>>
        %dma_start3A_743 = tpu.memref_slice %arg3[%add3A_737] : memref<819200xi32, #tpu.memory_space<hbm>> -> memref<96xi32, #tpu.memory_space<hbm>>
        %dma_start3A_744 = tpu.memref_slice %arg23[%dma_start3A_739] : memref<4x!tpu.dma_semaphore, #tpu.memory_space<semaphore_mem>> -> memref<1x!tpu.dma_semaphore, #tpu.memory_space<semaphore_mem>>
        %dma_start3A_745 = tpu.memref_squeeze %dma_start3A_744 : memref<1x!tpu.dma_semaphore, #tpu.memory_space<semaphore_mem>> -> memref<!tpu.dma_semaphore, #tpu.memory_space<semaphore_mem>>
        %dma_start3A_746 = arith.constant 0 : i32
        %dma_start3A_747 = tpu.memref_slice %arg15[%dma_start3A_738, %dma_start3A_746] : memref<4x120xi32, #tpu.memory_space<vmem>> -> memref<1x96xi32, #tpu.memory_space<vmem>>
        %dma_start3A_748 = tpu.memref_squeeze %dma_start3A_747 : memref<1x96xi32, #tpu.memory_space<vmem>> -> memref<96xi32, #tpu.memory_space<vmem>>
        %dma_start3A_749 = tpu.memref_slice %arg3[%add3A_737] : memref<819200xi32, #tpu.memory_space<hbm>> -> memref<96xi32, #tpu.memory_space<hbm>>
        tpu.enqueue_dma source(%dma_start3A_749 : memref<96xi32, #tpu.memory_space<hbm>>) target(%dma_start3A_748 : memref<96xi32, #tpu.memory_space<vmem>>) target_semaphore(%dma_start3A_745 : memref<!tpu.dma_semaphore, #tpu.memory_space<semaphore_mem>>)
      } else {
      }
    }
    %scan3A_171 = arith.constant 64 : i32
    %dma_wait3A_172 = arith.constant 2 : i32
    %dma_wait3A_173 = arith.constant 0 : i32
    %dma_wait3A_174 = arith.constant 0 : i32
    %dma_wait3A_175 = tpu.memref_slice %arg12[%dma_wait3A_173, %dma_wait3A_174] : memref<104x128xf32, #tpu.memory_space<vmem>> -> memref<104x128xf32, #tpu.memory_space<vmem>>
    %dma_wait3A_176 = arith.constant 0 : i32
    %dma_wait3A_177 = arith.constant 0 : i32
    %dma_wait3A_178 = tpu.memref_slice %arg9[%mul3A_2, %dma_wait3A_176, %dma_wait3A_177] : memref<4096x200x128xf32, #tpu.memory_space<hbm>> -> memref<1x104x128xf32, #tpu.memory_space<hbm>>
    %dma_wait3A_179 = tpu.memref_squeeze %dma_wait3A_178 : memref<1x104x128xf32, #tpu.memory_space<hbm>> -> memref<104x128xf32, #tpu.memory_space<hbm>>
    %dma_wait3A_180 = tpu.memref_slice %arg21[%dma_wait3A_172] : memref<4x!tpu.dma_semaphore, #tpu.memory_space<semaphore_mem>> -> memref<1x!tpu.dma_semaphore, #tpu.memory_space<semaphore_mem>>
    %dma_wait3A_181 = tpu.memref_squeeze %dma_wait3A_180 : memref<1x!tpu.dma_semaphore, #tpu.memory_space<semaphore_mem>> -> memref<!tpu.dma_semaphore, #tpu.memory_space<semaphore_mem>>
    %dma_wait3A_182 = arith.constant 0 : i32
    %dma_wait3A_183 = arith.constant 0 : i32
    %dma_wait3A_184 = tpu.memref_slice %arg9[%mul3A_2, %dma_wait3A_182, %dma_wait3A_183] : memref<4096x200x128xf32, #tpu.memory_space<hbm>> -> memref<1x104x128xf32, #tpu.memory_space<hbm>>
    %dma_wait3A_185 = tpu.memref_squeeze %dma_wait3A_184 : memref<1x104x128xf32, #tpu.memory_space<hbm>> -> memref<104x128xf32, #tpu.memory_space<hbm>>
    %dma_wait3A_186 = arith.constant 0 : i32
    %dma_wait3A_187 = arith.constant 0 : i32
    %dma_wait3A_188 = tpu.memref_slice %arg12[%dma_wait3A_186, %dma_wait3A_187] : memref<104x128xf32, #tpu.memory_space<vmem>> -> memref<104x128xf32, #tpu.memory_space<vmem>>
    tpu.wait_dma2 semaphore(%dma_wait3A_181 : memref<!tpu.dma_semaphore, #tpu.memory_space<semaphore_mem>>) src(%dma_wait3A_188 : memref<104x128xf32, #tpu.memory_space<vmem>>) dst(%dma_wait3A_185 : memref<104x128xf32, #tpu.memory_space<hbm>>)
    %dma_wait3A_189 = arith.constant 3 : i32
    %dma_wait3A_190 = arith.constant 0 : i32
    %dma_wait3A_191 = arith.constant 0 : i32
    %dma_wait3A_192 = tpu.memref_slice %arg13[%dma_wait3A_190, %dma_wait3A_191] : memref<104x128xf32, #tpu.memory_space<vmem>> -> memref<96x128xf32, #tpu.memory_space<vmem>>
    %dma_wait3A_193 = arith.constant 104 : i32
    %dma_wait3A_194 = arith.constant 0 : i32
    %dma_wait3A_195 = tpu.memref_slice %arg9[%mul3A_2, %dma_wait3A_193, %dma_wait3A_194] : memref<4096x200x128xf32, #tpu.memory_space<hbm>> -> memref<1x96x128xf32, #tpu.memory_space<hbm>>
    %dma_wait3A_196 = tpu.memref_squeeze %dma_wait3A_195 : memref<1x96x128xf32, #tpu.memory_space<hbm>> -> memref<96x128xf32, #tpu.memory_space<hbm>>
    %dma_wait3A_197 = tpu.memref_slice %arg21[%dma_wait3A_189] : memref<4x!tpu.dma_semaphore, #tpu.memory_space<semaphore_mem>> -> memref<1x!tpu.dma_semaphore, #tpu.memory_space<semaphore_mem>>
    %dma_wait3A_198 = tpu.memref_squeeze %dma_wait3A_197 : memref<1x!tpu.dma_semaphore, #tpu.memory_space<semaphore_mem>> -> memref<!tpu.dma_semaphore, #tpu.memory_space<semaphore_mem>>
    %dma_wait3A_199 = arith.constant 104 : i32
    %dma_wait3A_200 = arith.constant 0 : i32
    %dma_wait3A_201 = tpu.memref_slice %arg9[%mul3A_2, %dma_wait3A_199, %dma_wait3A_200] : memref<4096x200x128xf32, #tpu.memory_space<hbm>> -> memref<1x96x128xf32, #tpu.memory_space<hbm>>
    %dma_wait3A_202 = tpu.memref_squeeze %dma_wait3A_201 : memref<1x96x128xf32, #tpu.memory_space<hbm>> -> memref<96x128xf32, #tpu.memory_space<hbm>>
    %dma_wait3A_203 = arith.constant 0 : i32
    %dma_wait3A_204 = arith.constant 0 : i32
    %dma_wait3A_205 = tpu.memref_slice %arg13[%dma_wait3A_203, %dma_wait3A_204] : memref<104x128xf32, #tpu.memory_space<vmem>> -> memref<96x128xf32, #tpu.memory_space<vmem>>
    tpu.wait_dma2 semaphore(%dma_wait3A_198 : memref<!tpu.dma_semaphore, #tpu.memory_space<semaphore_mem>>) src(%dma_wait3A_205 : memref<96x128xf32, #tpu.memory_space<vmem>>) dst(%dma_wait3A_202 : memref<96x128xf32, #tpu.memory_space<hbm>>)
    return
  }
}

</mosaic_0001>

<sc_bundles>
// kernel: kernel.3.cloned.1.call-start
scs
__scs_entry_jumppad:
0x0: {  	(pc) =	sbr.rel $0x88, $3  }
0x1: {  	(tag) =	ssettag $0x0;
	lr =	simm.s32 $0x1  }
0x2: {  	[smem:$0x3F9A] =	sst lr;
	_ =	strace $0xD0000000  }
0x3: {  	_ = 	snop  }
0x4: {  	_ = 	snop  }
0x5: {  	_ = 	snop  }
0x6: {  	_ = 	snop  }
0x7: {  	_ = 	snop  }
__scs_overlays_trampoline_lowered:
0x8: {  	[smem:$0x3FA9] =	sst s0  }
0x9: {  	[smem:$0x3FAA] =	sst s1  }
0xa: {  	[smem:$0x3FAB] =	sst s2  }
0xb: {  	[smem:$0x3FAC] =	sst s3  }
0xc: {  	[smem:$0x3FAD] =	sst s4  }
0xd: {  	[smem:$0x3FAE] =	sst s5  }
0xe: {  	[smem:$0x3FAF] =	sst s6  }
0xf: {  	[smem:$0x3FB0] =	sst s7  }
0x10: {  	[smem:$0x3FB1] =	sst s8  }
0x11: {  	[smem:$0x3FB2] =	sst s9;
	s0 =	simm.s32 @!p0 $0x0  }
0x12: {  	s1 =	sld [smem:$0x3F98];
	s0 =	simm.s32 @p0 $0x1  }
0x13: {  	[smem:$0x3FB3] =	sst s0;
	s0 =	simm.s32 @!p1 $0x0  }
0x14: {  	s2 =	sld [smem:$0x3F97];
	s0 =	simm.s32 @p1 $0x1  }
0x15: {  	[smem:$0x3FB4] =	sst s0;
	s0 =	simm.s32 @!p2 $0x0  }
0x16: {  	s3 =	sld [smem:$0x3FDB];
	s0 =	simm.s32 @p2 $0x1  }
0x17: {  	s4 =	simm.s32 $0x1BF5;
	[smem:$0x3FB6] =	sst s0  }
0x18: {  	s0 =	sld [smem:$0x3F99];
	_ =	swait.ge [sflag:s4], $0x0  }
0x19: {  	s7 =	sld [smem:$0x3F9A]  }
0x1a: {  	s8 =	sadd.s32 $0xFFFFE003, lr  }
0x1b: {  	s9 =	sadd.s32 $0xFFFFFEF7, lr;
	s5 =	simm.s32 $0xFFFFFFFF;
	p2 =	slt.u32 s8, $0xFFFFF086  }
0x1c: {  	p1 =	slt.u32 s9, $0xF7A;
	s5 =	simm.s32 @!p2 $0x0  }
0x1d: {  	s5 =	simm.s32 @p1 $0x1;
	p0 =	seq.s32 s7, s2  }
0x1e: {  	s7 =	smul.u32 @!p0 $0xF7A, s2;
	p2 =	seq.s32 @!p0 s5, $0x0  }
0x1f: {  	s9 =	smul.u32 $0xF7A, s1;
	s8 =	simm.s32 @!p0 $0x1BF5;
	p2 =	por !p2, p0  }
0x20: {  	[sflag:s8] =	ssyncset.s32 @!p0 $0xFFFFF086;
	s6 =	sadd.s32 @!p0 s3, s7;
	s7 =	simm.s32 @!p0 $0x108  }
0x21: {  	s3 =	sadd.s32 s3, s9;
	s6 =	sadd.s32 @!p0 $0x88, s6;
	s7 =	simm.s32 @p2 $0x1082  }
0x22: {  	[simem:s7], [sflag:s8] =	dma.local @!p0 [hbm:s6], $0xF7A  }
0x23: {  	s9 =	sor.u32 $0xD0000000, s2;
	s6 =	simm.s32 $0x108;
	_ =	swait.ge @!p0 [sflag:s8], $0x0  }
0x24: {  	s3 =	sadd.s32 $0x88, s3;
	s6 =	simm.s32 @!p1 $0x1082;
	[sflag:s4] =	ssyncset.s32 $0xFFFFF086  }
0x25: {  	[simem:s6], [sflag:s4] =	dma.local [hbm:s3], $0xF7A  }
0x26: {  	[smem:$0x3F9A] =	sst s1;
	(tag) =	ssettag s2;
	_ =	strace s9  }
0x27: {  	s1 =	sld [smem:$0x3FAA]  }
0x28: {  	s2 =	sld [smem:$0x3FAB]  }
0x29: {  	s4 =	sld [smem:$0x3FAD]  }
0x2a: {  	p0 =	seq.s32 s5, $0x0;
	s5 =	sld [smem:$0x3FAE]  }
0x2b: {  	s6 =	sld [smem:$0x3FAF]  }
0x2c: {  	s7 =	sld [smem:$0x3FB0]  }
0x2d: {  	s3 =	simm.s32 $0x108;
	s8 =	sld [smem:$0x3FB1]  }
0x2e: {  	s3 =	simm.s32 @!p0 $0x1082;
	s9 =	sld [smem:$0x3FB2]  }
0x2f: {  	lr =	sadd.s32 s0, s3;
	s0 =	sld [smem:$0x3FA9]  }
0x30: {  	s3 =	sld [smem:$0x3FAC]  }
0x31: {  	[smem:$0x3FB5] =	sst s10  }
0x32: {  	s10 =	sld [smem:$0x3FB3];
	_ =	sdelay $0x3  }
0x33: {  	p0 =	seq.s32 s10, $0x1;
	s10 =	sld [smem:$0x3FB5];
	_ =	sdelay $0x3  }
0x34: {  	[smem:$0x3FB5] =	sst s10  }
0x35: {  	s10 =	sld [smem:$0x3FB4];
	_ =	sdelay $0x3  }
0x36: {  	p1 =	seq.s32 s10, $0x1;
	s10 =	sld [smem:$0x3FB5];
	_ =	sdelay $0x3  }
0x37: {  	[smem:$0x3FB5] =	sst s10  }
0x38: {  	s10 =	sld [smem:$0x3FB6]  }
0x39: {  	_ = 	snop;
	(pc) =	sbr.ind lr, $3  }
0x3a: {  	_ = 	snop  }
0x3b: {  	_ = 	snop  }
0x3c: {  	p2 =	seq.s32 s10, $0x1;
	s10 =	sld [smem:$0x3FB5]  }
0x3d: {  	_ =	shalt  }
0x3e: {  	_ =	shalt  }
0x3f: {  	_ =	shalt  }
0x40: {  	_ =	shalt  }
0x41: {  	_ =	shalt  }
0x42: {  	_ =	shalt  }
0x43: {  	_ =	shalt  }
0x44: {  	_ =	shalt  }
0x45: {  	_ =	shalt  }
0x46: {  	_ =	shalt  }
0x47: {  	_ =	shalt  }
0x48: {  	_ =	shalt  }
0x49: {  	_ =	shalt  }
0x4a: {  	_ =	shalt  }
0x4b: {  	_ =	shalt  }
0x4c: {  	_ =	shalt  }
0x4d: {  	_ =	shalt  }
0x4e: {  	_ =	shalt  }
0x4f: {  	_ =	shalt  }
0x50: {  	_ =	shalt  }
0x51: {  	_ =	shalt  }
0x52: {  	_ =	shalt  }
0x53: {  	_ =	shalt  }
0x54: {  	_ =	shalt  }
0x55: {  	_ =	shalt  }
0x56: {  	_ =	shalt  }
0x57: {  	_ =	shalt  }
0x58: {  	_ =	shalt  }
0x59: {  	_ =	shalt  }
0x5a: {  	_ =	shalt  }
0x5b: {  	_ =	shalt  }
0x5c: {  	_ =	shalt  }
0x5d: {  	_ =	shalt  }
0x5e: {  	_ =	shalt  }
0x5f: {  	_ =	shalt  }
0x60: {  	_ =	shalt  }
0x61: {  	_ =	shalt  }
0x62: {  	_ =	shalt  }
0x63: {  	_ =	shalt  }
0x64: {  	_ =	shalt  }
0x65: {  	_ =	shalt  }
0x66: {  	_ =	shalt  }
0x67: {  	_ =	shalt  }
0x68: {  	_ =	shalt  }
0x69: {  	_ =	shalt  }
0x6a: {  	_ =	shalt  }
0x6b: {  	_ =	shalt  }
0x6c: {  	_ =	shalt  }
0x6d: {  	_ =	shalt  }
0x6e: {  	_ =	shalt  }
0x6f: {  	_ =	shalt  }
0x70: {  	_ =	shalt  }
0x71: {  	_ =	shalt  }
0x72: {  	_ =	shalt  }
0x73: {  	_ =	shalt  }
0x74: {  	_ =	shalt  }
0x75: {  	_ =	shalt  }
0x76: {  	_ =	shalt  }
0x77: {  	_ =	shalt  }
0x78: {  	_ =	shalt  }
0x79: {  	_ =	shalt  }
0x7a: {  	_ =	shalt  }
0x7b: {  	_ =	shalt  }
0x7c: {  	_ =	shalt  }
0x7d: {  	_ =	shalt  }
0x7e: {  	_ =	shalt  }
0x7f: {  	_ =	shalt  }
0x80: {  	_ =	shalt  }
0x81: {  	_ =	shalt  }
0x82: {  	_ =	shalt  }
0x83: {  	_ =	shalt  }
0x84: {  	_ =	shalt  }
0x85: {  	_ =	shalt  }
0x86: {  	_ =	shalt  }
0x87: {  	_ =	shalt  }
.Lfunc_end0:
.L_simem_size_0:
called_computation_lowered:
.L_overlay_start_0:
0x88: {  	s2 =	sld [smem:$0x3FD9]  }
0x89: {  	s3 =	sld [smem:$0x3FFE];
	_ =	sdelay $0x1  }
0x8a: {  	s1 =	srdreg.scid  }
0x8b: {  	s0 =	sand.u32 $0x1, s1  }
0x8c: {  	s17 =	sshll.u32 s0, $0xA;
	s2 =	sadd.s32 s3, s2  }
0x8d: {  	s2 =	sadd.s32 s2, s17  }
0x8e: {  	[smem:$0x3FC1] =	sst s2  }
0x8f: {  	_ = 	snop  }
0x90: {  	s2 =	sld [smem:$0x3FC7]  }
0x91: {  	s18 =	sld [smem:$0x3FC6]  }
0x92: {  	s4 =	sld [smem:$0x3FC5]  }
0x93: {  	s5 =	sld [smem:$0x3FC4]  }
0x94: {  	s6 =	sld [smem:$0x3FC3]  }
0x95: {  	s7 =	sld [smem:$0x3FD0];
	(tm) =	ssettm $0x1  }
0x96: {  	s8 =	sld [smem:$0x3FFB];
	_ =	sdelay $0x3  }
0x97: {  	_ =	strace s8  }
0x98: {  	s8 =	sld [smem:$0x3FFC];
	_ =	sdelay $0x3  }
0x99: {  	_ =	strace s8  }
0x9a: {  	s8 =	sld [smem:$0x3FFD];
	_ =	sdelay $0x3  }
0x9b: {  	_ =	strace s8  }
0x9c: {  	_ =	strace $0x8FFFFFFF  }
0x9d: {  	s19 =	sld [smem:$0x3FDB];
	_ =	sdelay $0x1  }
0x9e: {  	s9 =	simm.s32 $_scs_section_size  }
0x9f: {  	s10 =	simm.s32 $_size__tile_overlayer_lowered;
	s11 =	simm.s32 $_tile_overlayer_lowered  }
0xa0: {  	s22 =	simm.s32 $0x1BFF;
	s21 =	sshll.u32 s11, $0x1;
	s8 =	sadd.s32 s9, s19  }
0xa1: {  	s12 =	simm.s32 $0x0;
	s20 =	sshll.u32 s10, $0x1;
	s10 =	sadd.s32 s21, s8  }
0xa2: {  	[timem:s12], [sflag:s22] =	dma.local [hbm:s10], s20  }
0xa3: {  	_ =	swait.ge [sflag:s22], s20  }
0xa4: {  	s9 =	ssub.s32 $0x0, s20;
	[sflag:s22] =	ssyncset.done $0x0  }
0xa5: {  	[sflag:s22] =	ssyncadd.s32 s9;
	_ =	sdelay $0x1  }
0xa6: {  	s23 =	simm.s32 $0x1B8B  }
0xa7: {  	_ =	swait.ge [sflag:s23], $0x1  }
0xa8: {  	[sflag:s23] =	ssyncset.done $0x0  }
0xa9: {  	s25 =	simm.s32 $0x1B8E;
	s24 =	sld [smem:$0x3FFE];
	[sflag:s23] =	ssyncadd.s32 $0xFFFFFFFF  }
0xaa: {  	s26 =	simm.s32 $execute0_lowered;
	[smem:$0x3FD2] =	sst s25  }
0xab: {  	s10 =	sshll.u32 s26, $0x1;
	_ =	strace $0x80000046;
	[dreg:$0x1] =	wrdreg $0xFFFFFFFF  }
0xac: {  	s28 =	simm.s32 $_size_execute0_lowered;
	s8 =	sadd.s32 s8, s10;
	[dreg:$0x0] =	wrdreg $0x0  }
0xad: {  	s10 =	sshll.u32 s28, $0x1;
	[dreg:$0x2] =	wrdreg s8  }
0xae: {  	[dreg:$0x3] =	wrdreg s10  }
0xaf: {  	[dreg:$0x4] =	wrdreg $0xC0  }
0xb0: {  	_ =	task [dreg:s12], $0x5FFFF  }
0xb1: {  	[dreg:$0x1] =	wrdreg $0xFFFFFFFF  }
0xb2: {  	[dreg:$0x0] =	wrdreg $0x60  }
0xb3: {  	[dreg:$0x2] =	wrdreg s24  }
0xb4: {  	[dreg:$0x3] =	wrdreg s2  }
0xb5: {  	[dreg:$0x4] =	wrdreg s18  }
0xb6: {  	[dreg:$0x5] =	wrdreg s4  }
0xb7: {  	[dreg:$0x6] =	wrdreg s5  }
0xb8: {  	[dreg:$0x7] =	wrdreg s6  }
0xb9: {  	[dreg:$0x8] =	wrdreg s7  }
0xba: {  	[dreg:$0x9] =	wrdreg $0x9  }
0xbb: {  	_ =	task.clear_ibuf [dreg:s12], $0xAFFFF;
	_ =	strace $0x90000046  }
0xbc: {  	s29 =	simm.s32 $0x9;
	_ =	strace $0x80000048  }
0xbd: {  	_ =	swait.ge [sflag:s29], $0x1  }
0xbe: {  	[sflag:s29] =	ssyncadd.s32 $0xFFFFFFFF  }
0xbf: {  	_ =	strace $0x90000048  }
0xc0: {  	_ =	sfence  }
0xc1: {  	s30 =	sld [smem:$0x0];
	_ =	sdelay $0x2  }
0xc2: {  	s31 =	sshll.u32 s1, $0xD;
	s1 =	sshrl.u32 s1, $0x2  }
0xc3: {  	s3 =	sand.u32 $0x4000, s31;
	s1 =	sadd.s32 s1, s30  }
0xc4: {  	s0 =	sor.u32 s3, s0;
	s1 =	sshll.u32 s1, $0x11  }
0xc5: {  	s0 =	sor.u32 s1, s0  }
0xc6: {  	s0 =	sadd.s32 $0x8F2B, s0  }
0xc7: {  	[sflag:s0] =	ssyncadd.remote.s32 $0x1  }
0xc8: {  	_ =	sfence.sel $0xFFFF  }
0xc9: {  	[dreg:$0x0] =	wrdreg $0xFFFFFFFF;
	(pc) =	sbr.abs _section_cstart, $3  }
0xca: {  	[dreg:$0x1] =	wrdreg $0xFFFFFFFF  }
0xcb: {  	_ =	task.clear_ibuf [dreg:s12], $0x2FFFF;
	_ =	strace $0x9FFFFFFF  }
0xcc: {  	(tm) =	ssettm $0x7FFFFFFF  }
0xcd: {  	_ =	shalt  }
tec
execute0_lowered:
.L_overlay_start_1:
0x0: {  	(tag) =	ssettag $0x1  }
0x1: {  	s1 =	rddreg [dreg:$0x0]  }
0x2: {  	s0 =	rddreg [dreg:$0x1]  }
0x3: {  	s2 =	srdreg.scid;
	s3 =	stileid.u32  }
0x4: {  	s8 =	simm.s32 $0x0;
	s29 =	simm.s32 $0x1;
	s31 =	simm.s32 $0xD  }
0x5: {  	v0 =	vimm.s32 $0xFEDCBA98;
	v1 =	vimm.s32 $0x76543210;
	s28 =	simm.s32 $0x6800;
	s30 =	simm.s32 $0x2;
	s13 =	simm.s32 $0xE  }
0x6: {  	v2 =	vimm.s32 $0xBA98FEDC;
	v3 =	vimm.s32 $0x32107654;
	s14 =	simm.s32 $0xC;
	s2 =	sand.u32 $0x1, s2;
	s3 =	sshll.u32 s3, $0x1  }
0x7: {  	v4 =	vimm.s32 $0xDCFE98BA;
	v5 =	vimm.s32 $0x54761032;
	s15 =	simm.s32 $0x9C00;
	s3 =	sor.u32 s2, s3;
	s2 =	ssub.s32 $0x2, s2  }
0x8: {  	v6 =	vimm.s32 $0xEFCDAB89;
	v7 =	vimm.s32 $0x67452301;
	s5 =	simm.s32 $0x0;
	s9 =	smul.u32 $0x6400, s3;
	s4 =	sshrl.u32 s2, $0x1  }
0x9: {  	[smem:$0x7FF] =	sst s8;
	s10 =	sadd.s32 $0x600, s1;
	v0 =	vunpack.c.l.s4.s8 v0;
	v2 =	vunpack.c.l.s4.s8 v2;
	v3 =	vunpack.c.l.s4.s8 v3;
	s17 =	ssub.s32 s2, s4  }
0xa: {  	s11 =	sadd.s32 $0x19600, s1;
	v4 =	vunpack.c.l.s4.s8 v4;
	v5 =	vunpack.c.l.s4.s8 v5;
	v6 =	vunpack.c.l.s4.s8 v6;
	s18 =	sshrl.u32 s9, $0x3;
	s1 =	smax.u32 s17, $0x1  }
0xb: {  	v7 =	vunpack.c.l.s4.s8 v7;
	_ =	strace $0x80000047;
	v2 =	vunpack.c.0.s8.s32 v2;
	v3 =	vunpack.c.0.s8.s32 v3;
	s19 =	sadd.s32 s10, s18;
	[dreg:$0x10] =	wrdreg s1  }
0xc: {  	v1 =	vunpack.c.l.s4.s8 v1;
	v4 =	vunpack.c.0.s8.s32 v4;
	v5 =	vunpack.c.0.s8.s32 v5;
	s20 =	sor.u32 $0xD, s18;
	s21 =	sadd.s32 s11, s18;
	[dreg:$0x8] =	wrdreg s19  }
0xd: {  	s12 =	sshll.u32 s3, $0x7;
	v6 =	vunpack.c.0.s8.s32 v6;
	v7 =	vunpack.c.0.s8.s32 v7;
	v2 =	vcombine.low v3, v2;
	[dreg:$0x9] =	wrdreg s21;
	s22 =	sadd.s32 s10, s20  }
0xe: {  	v0 =	vunpack.c.0.s8.s32 v0;
	v61 =	vcombine.low v5, v4;
	s23 =	sor.u32 $0x19, s18;
	s3 =	sadd.s32 s11, s20;
	[dreg:$0xa] =	wrdreg s22  }
.Ltmp0:
0xf: {  	v1 =	vunpack.c.0.s8.s32 v1;
	v62 =	vcombine.low v7, v6;
	s24 =	sadd.s32 s10, s23;
	v2 =	vand.u32 $0xF, v2;
	[dreg:$0xb] =	wrdreg s3;
	(pc) =	sbr.rel .LBB2_1-.Ltmp0, $4  }
0x10: {  	v0 =	vand.u32 $0xF, v0;
	s2 =	sor.u32 $0x26, s18;
	s25 =	sadd.s32 s11, s23;
	v63 =	vand.u32 $0xF, v61;
	[dreg:$0xc] =	wrdreg s24;
	[tilespmem:$0x1FFC0] =	vst v2  }
0x11: {  	s1 =	simm.s32 $0xD180;
	v0 =	vcombine.low v0, v1;
	s26 =	sadd.s32 s10, s2;
	v1 =	vand.u32 $0xF, v62;
	[dreg:$0xd] =	wrdreg s25;
	[tilespmem:$0x1FFD0] =	vst v63  }
0x12: {  	s20 =	sor.u32 $0x68, s9;
	s2 =	sadd.s32 s11, s2;
	[dreg:$0xe] =	wrdreg s26;
	[tilespmem:$0x1FFE0] =	vst v1  }
0x13: {  	vm0 =	vmmov $0xff;
	v51 =	vimm.s32 $0x0;
	[dreg:$0xf] =	wrdreg s2;
	s26 =	simm.s32 $0x3400;
	s2 =	simm.s32 $0xB;
	[tilespmem:$0x1FFF0] =	vst v0  }
.LBB2_14:
0x14: {  	s3 =	simm.s32 $0x7  }
0x15: {  	_ =	swait.ge [sflag:s3], $0x3400  }
0x16: {  	[sflag:s3] =	ssyncset.done $0x0  }
0x17: {  	s4 =	simm.s32 $0x8;
	[sflag:s3] =	ssyncadd.s32 $0xFFFFCC00  }
0x18: {  	_ =	swait.ge [sflag:s4], $0x3000  }
0x19: {  	s5 =	rddreg [dreg:$0x11]  }
0x1a: {  	s25 =	rddreg [dreg:$0x10];
	s5 =	sadd.s32 $0x1, s5  }
0x1b: {  	p0 =	sne.s32 s5, s25  }
.Ltmp1:
0x1c: {  	_ = 	snop;
	(pc) =	sbr.rel @!p0 .LBB2_15-.Ltmp1, $3  }
0x1d: {  	_ =	sdelay $0x1  }
0x1e: {  	[sflag:s4] =	ssyncset.done $0x0  }
0x1f: {  	[sflag:s4] =	ssyncadd.s32 $0xFFFFD000  }
.LBB2_1:
0x20: {  	[dreg:$0x11] =	wrdreg s5  }
0x21: {  	s4 =	simm.s32 $0xD400;
	s3 =	rddreg [dreg:$0x2];
	s19 =	simm.s32 $0x11  }
0x22: {  	[tilespmem:s4], [sflag:$0x11] =	stream.linear.gather [hbm4b:s3+s8], $0x6400, $0x38;
	[tilespmem:$0x19E00] =	vst v63  }
0x23: {  	_ =	swait.ge [sflag:s19], $0x6400  }
0x24: {  	[sflag:s19] =	ssyncset.done $0x0  }
0x25: {  	[sflag:s19] =	ssyncadd.s32 $0xFFFF9C00  }
0x26: {  	s6 =	simm.s32 $0x19C00;
	s21 =	rddreg [dreg:$0x3]  }
0x27: {  	[tilespmem:s6], [sflag:$0x11] =	stream.linear.gather [hbm4b:s21+s8], $0x100, $0x38;
	[tilespmem:$0x19E00] =	vst v63  }
0x28: {  	_ =	swait.ge [sflag:s19], $0x100  }
0x29: {  	[sflag:s19] =	ssyncset.done $0x0  }
0x2a: {  	[sflag:s19] =	ssyncadd.s32 $0xFFFFFF00  }
0x2b: {  	s23 =	simm.s32 $0x19D00;
	s22 =	rddreg [dreg:$0x4]  }
0x2c: {  	[tilespmem:s23], [sflag:$0x11] =	stream.linear.gather [hbm4b:s22+s8], $0x80, $0x38;
	[tilespmem:$0x19E00] =	vst v63  }
0x2d: {  	_ =	swait.ge [sflag:s19], $0x80  }
0x2e: {  	[sflag:s19] =	ssyncset.done $0x0  }
0x2f: {  	[sflag:s19] =	ssyncadd.s32 $0xFFFFFF80  }
0x30: {  	s25 =	simm.s32 $0x19D80;
	s24 =	rddreg [dreg:$0x5]  }
0x31: {  	[tilespmem:s25], [sflag:$0x11] =	stream.linear.gather [hbm4b:s24+s8], $0x80, $0x38;
	[tilespmem:$0x19E00] =	vst v63  }
0x32: {  	_ =	swait.ge [sflag:s19], $0x80  }
0x33: {  	[sflag:s19] =	ssyncset.done $0x0  }
0x34: {  	[sflag:s19] =	ssyncadd.s32 $0xFFFFFF80  }
0x35: {  	v1 =	vld [tilespmem:$0x19C80]  }
0x36: {  	v2 =	vld [tilespmem:s4+$0x180];
	_ =	sdelay $0x4  }
0x37: {  	v3 =	vadd.f32 v2, v1;
	_ =	sdelay $0x1  }
0x38: {  	[tilespmem:s4+$0x6580] =	vst v3  }
0x39: {  	v3 =	vld [tilespmem:$0x19C00];
	_ =	sdelay $0x3  }
0x3a: {  	v4 =	vld [tilespmem:s4+$0x80]  }
0x3b: {  	v2 =	vadd.f32 v3, v2  }
0x3c: {  	v3 =	vld [tilespmem:s4+$0x100]  }
0x3d: {  	[tilespmem:s4+$0x180] =	vst v2;
	v2 =	vld [tilespmem:s4+$0x190]  }
0x3e: {  	v5 =	vld [tilespmem:$0x19C90]  }
0x3f: {  	v6 =	vadd.f32 v4, v1  }
0x40: {  	v8 =	vld [tilespmem:s4+$0x0]  }
0x41: {  	[tilespmem:s4+$0x6480] =	vst v6;
	v9 =	vadd.f32 v3, v1  }
0x42: {  	v6 =	vld [tilespmem:$0x19C00]  }
0x43: {  	[tilespmem:s4+$0x6500] =	vst v9;
	v5 =	vadd.f32 v5, v2  }
0x44: {  	v9 =	vld [tilespmem:$0x19C00]  }
0x45: {  	v1 =	vadd.f32 v1, v8;
	[tilespmem:s4+$0x6590] =	vst v5  }
0x46: {  	v5 =	vld [tilespmem:$0x19C10]  }
0x47: {  	v4 =	vadd.f32 v6, v4;
	[tilespmem:s4+$0x6400] =	vst v1  }
0x48: {  	v1 =	vld [tilespmem:$0x19C00]  }
0x49: {  	v7 =	vld [tilespmem:s4+$0x90];
	[tilespmem:s4+$0x80] =	vst v4;
	v3 =	vadd.f32 v9, v3  }
0x4a: {  	v4 =	vld [tilespmem:$0x19C90]  }
0x4b: {  	v10 =	vld [tilespmem:s4+$0x110];
	[tilespmem:s4+$0x100] =	vst v3;
	v2 =	vadd.f32 v5, v2  }
0x4c: {  	v3 =	vld [tilespmem:$0x19C90]  }
0x4d: {  	v1 =	vadd.f32 v1, v8;
	[tilespmem:s4+$0x190] =	vst v2;
	v2 =	vld [tilespmem:s4+$0x1A0]  }
0x4e: {  	v5 =	vld [tilespmem:$0x19CA0]  }
0x4f: {  	v11 =	vld [tilespmem:s4+$0x10];
	v4 =	vadd.f32 v4, v7;
	[tilespmem:s4+$0x0] =	vst v1  }
0x50: {  	v8 =	vld [tilespmem:$0x19C90]  }
0x51: {  	[tilespmem:s4+$0x6490] =	vst v4;
	v3 =	vadd.f32 v3, v10  }
0x52: {  	v4 =	vld [tilespmem:$0x19C10]  }
0x53: {  	[tilespmem:s4+$0x6510] =	vst v3;
	v5 =	vadd.f32 v5, v2  }
0x54: {  	v3 =	vld [tilespmem:$0x19C10]  }
0x55: {  	[tilespmem:s4+$0x65A0] =	vst v5;
	v5 =	vadd.f32 v8, v11  }
0x56: {  	v8 =	vld [tilespmem:$0x19C20]  }
0x57: {  	v4 =	vadd.f32 v4, v7;
	[tilespmem:s4+$0x6410] =	vst v5  }
0x58: {  	v5 =	vld [tilespmem:$0x19C10]  }
0x59: {  	v1 =	vld [tilespmem:s4+$0xA0];
	[tilespmem:s4+$0x90] =	vst v4;
	v3 =	vadd.f32 v3, v10  }
0x5a: {  	v4 =	vld [tilespmem:$0x19CA0]  }
0x5b: {  	v9 =	vld [tilespmem:s4+$0x120];
	[tilespmem:s4+$0x110] =	vst v3;
	v2 =	vadd.f32 v8, v2  }
0x5c: {  	v3 =	vld [tilespmem:$0x19CA0]  }
0x5d: {  	[tilespmem:s4+$0x1A0] =	vst v2;
	v2 =	vld [tilespmem:s4+$0x1B0];
	v5 =	vadd.f32 v5, v11  }
0x5e: {  	v8 =	vld [tilespmem:$0x19CB0]  }
0x5f: {  	v6 =	vld [tilespmem:s4+$0x20];
	v4 =	vadd.f32 v4, v1;
	[tilespmem:s4+$0x10] =	vst v5  }
0x60: {  	v5 =	vld [tilespmem:$0x19CA0]  }
0x61: {  	[tilespmem:s4+$0x64A0] =	vst v4  }
0x62: {  	v4 =	vld [tilespmem:$0x19C20];
	v3 =	vadd.f32 v3, v9  }
0x63: {  	v12 =	vld [tilespmem:s4+$0x30];
	v8 =	vadd.f32 v8, v2  }
0x64: {  	v13 =	vld [tilespmem:s4+$0x40];
	[tilespmem:s4+$0x6520] =	vst v3  }
0x65: {  	v3 =	vld [tilespmem:$0x19C20];
	[tilespmem:s4+$0x65B0] =	vst v8;
	v8 =	vadd.f32 v5, v6  }
0x66: {  	v16 =	vld [tilespmem:$0x19C30]  }
0x67: {  	v14 =	vld [tilespmem:s4+$0xC0];
	v1 =	vadd.f32 v4, v1;
	[tilespmem:s4+$0x6420] =	vst v8  }
0x68: {  	v8 =	vld [tilespmem:$0x19C20]  }
0x69: {  	v7 =	vld [tilespmem:s4+$0xB0];
	[tilespmem:s4+$0xA0] =	vst v1  }
0x6a: {  	v1 =	vld [tilespmem:$0x19CB0];
	v3 =	vadd.f32 v3, v9  }
0x6b: {  	v15 =	vld [tilespmem:s4+$0x140];
	v2 =	vadd.f32 v16, v2  }
0x6c: {  	v10 =	vld [tilespmem:s4+$0x130];
	[tilespmem:s4+$0x120] =	vst v3  }
0x6d: {  	v3 =	vld [tilespmem:$0x19CB0];
	[tilespmem:s4+$0x1B0] =	vst v2;
	v2 =	vadd.f32 v8, v6  }
0x6e: {  	v6 =	vld [tilespmem:s4+$0x1C0]  }
0x6f: {  	v1 =	vadd.f32 v1, v7;
	v8 =	vld [tilespmem:$0x19CC0];
	[tilespmem:s4+$0x20] =	vst v2  }
0x70: {  	s7 =	simm.s32 $0xD600;
	v9 =	vld [tilespmem:$0x19CB0]  }
0x71: {  	v19 =	vld [tilespmem:s7+$0x100];
	[tilespmem:s4+$0x64B0] =	vst v1  }
0x72: {  	v1 =	vld [tilespmem:$0x19C30];
	v3 =	vadd.f32 v3, v10  }
0x73: {  	v20 =	vld [tilespmem:s7+$0x0]  }
0x74: {  	v22 =	vld [tilespmem:s7+$0x90];
	[tilespmem:s4+$0x6530] =	vst v3;
	v8 =	vadd.f32 v8, v6  }
0x75: {  	v3 =	vadd.f32 v9, v12;
	v9 =	vld [tilespmem:$0x19C30]  }
0x76: {  	v23 =	vld [tilespmem:s7+$0x10];
	[tilespmem:s4+$0x65C0] =	vst v8  }
0x77: {  	v1 =	vadd.f32 v1, v7;
	v7 =	vld [tilespmem:$0x19C40];
	[tilespmem:s4+$0x6430] =	vst v3  }
0x78: {  	v8 =	vld [tilespmem:$0x19C30]  }
0x79: {  	v25 =	vld [tilespmem:s7+$0x110]  }
0x7a: {  	v57 =	vld [tilespmem:s7+$0x120];
	[tilespmem:s4+$0xB0] =	vst v1;
	v9 =	vadd.f32 v9, v10  }
0x7b: {  	v16 =	vld [tilespmem:$0x19CC0]  }
0x7c: {  	v26 =	vld [tilespmem:s7+$0x30];
	v6 =	vadd.f32 v7, v6;
	[tilespmem:s4+$0x130] =	vst v9  }
0x7d: {  	v7 =	vadd.f32 v8, v12;
	v8 =	vld [tilespmem:$0x19CC0]  }
0x7e: {  	v9 =	vld [tilespmem:s4+$0x1D0];
	[tilespmem:s4+$0x1C0] =	vst v6  }
0x7f: {  	[tilespmem:s4+$0x30] =	vst v7;
	v7 =	vld [tilespmem:$0x19CD0]  }
0x80: {  	v6 =	vadd.f32 v16, v14;
	v10 =	vld [tilespmem:$0x19CC0]  }
0x81: {  	v58 =	vld [tilespmem:s7+$0xB0]  }
0x82: {  	v59 =	vld [tilespmem:s7+$0x40];
	[tilespmem:s4+$0x64C0] =	vst v6;
	v6 =	vadd.f32 v8, v15  }
0x83: {  	v28 =	vld [tilespmem:s7+$0xC0]  }
0x84: {  	v29 =	vld [tilespmem:s7+$0x140];
	[tilespmem:s4+$0x6540] =	vst v6  }
0x85: {  	v7 =	vadd.f32 v7, v9;
	v8 =	vadd.f32 v10, v13;
	v10 =	vld [tilespmem:$0x19C40]  }
0x86: {  	v4 =	vld [tilespmem:s4+$0x150]  }
0x87: {  	v11 =	vld [tilespmem:s4+$0xD0];
	[tilespmem:s4+$0x65D0] =	vst v7  }
0x88: {  	[tilespmem:s4+$0x6440] =	vst v8;
	v8 =	vld [tilespmem:$0x19C50]  }
0x89: {  	v16 =	vld [tilespmem:s7+$0x180]  }
0x8a: {  	v10 =	vadd.f32 v10, v15;
	v15 =	vld [tilespmem:$0x19C80]  }
0x8b: {  	v5 =	vld [tilespmem:s4+$0x50]  }
0x8c: {  	v12 =	vld [tilespmem:$0x19C40]  }
0x8d: {  	v8 =	vadd.f32 v8, v9;
	v9 =	vld [tilespmem:s7+$0x80]  }
0x8e: {  	v1 =	vld [tilespmem:s4+$0x160];
	[tilespmem:s4+$0x140] =	vst v10  }
0x8f: {  	v10 =	vld [tilespmem:s4+$0x1E0];
	[tilespmem:s4+$0x1D0] =	vst v8;
	v18 =	vadd.f32 v16, v15  }
0x90: {  	v8 =	vld [tilespmem:$0x19CE0]  }
0x91: {  	v12 =	vadd.f32 v12, v14;
	v14 =	vld [tilespmem:$0x19C40];
	[tilespmem:s7+$0x6580] =	vst v18  }
0x92: {  	v18 =	vadd.f32 v9, v15;
	v21 =	vld [tilespmem:$0x19C00]  }
0x93: {  	v2 =	vld [tilespmem:s4+$0x60];
	v24 =	vadd.f32 v19, v15;
	v15 =	vadd.f32 v15, v20  }
0x94: {  	v3 =	vld [tilespmem:s4+$0xE0];
	[tilespmem:s7+$0x6480] =	vst v18  }
0x95: {  	[tilespmem:s7+$0x6400] =	vst v15;
	v8 =	vadd.f32 v8, v10;
	v18 =	vld [tilespmem:$0x19C00]  }
0x96: {  	v13 =	vadd.f32 v14, v13;
	[tilespmem:s7+$0x6500] =	vst v24;
	v14 =	vld [tilespmem:$0x19C00]  }
0x97: {  	v15 =	vld [tilespmem:$0x19C00];
	[tilespmem:s4+$0x65E0] =	vst v8;
	v8 =	vadd.f32 v21, v16  }
0x98: {  	v55 =	vld [tilespmem:$0x19C60]  }
0x99: {  	v16 =	vld [tilespmem:s7+$0x190];
	[tilespmem:s7+$0x180] =	vst v8  }
0x9a: {  	[tilespmem:s4+$0x40] =	vst v13;
	v9 =	vadd.f32 v18, v9;
	v13 =	vld [tilespmem:$0x19C90]  }
0x9b: {  	v6 =	vld [tilespmem:s4+$0x70];
	[tilespmem:s4+$0xC0] =	vst v12;
	v14 =	vadd.f32 v14, v20  }
0x9c: {  	v7 =	vld [tilespmem:s4+$0xF0];
	[tilespmem:s7+$0x80] =	vst v9;
	v9 =	vadd.f32 v15, v19  }
0x9d: {  	[tilespmem:s7+$0x0] =	vst v14;
	v10 =	vadd.f32 v55, v10;
	v19 =	vld [tilespmem:$0x19C90]  }
0x9e: {  	v12 =	vld [tilespmem:$0x19CD0];
	[tilespmem:s7+$0x100] =	vst v9  }
0x9f: {  	[tilespmem:s4+$0x1E0] =	vst v10;
	v10 =	vld [tilespmem:$0x19C90];
	v9 =	vadd.f32 v13, v16  }
0xa0: {  	v13 =	vld [tilespmem:$0x19C90]  }
0xa1: {  	v17 =	vld [tilespmem:$0x19CD0];
	[tilespmem:s7+$0x6590] =	vst v9  }
0xa2: {  	v19 =	vadd.f32 v19, v22;
	v9 =	vld [tilespmem:$0x19C10]  }
0xa3: {  	v56 =	vld [tilespmem:$0x19CD0]  }
0xa4: {  	v8 =	vld [tilespmem:s4+$0x170];
	[tilespmem:s7+$0x6490] =	vst v19;
	v10 =	vadd.f32 v10, v25  }
0xa5: {  	v19 =	vld [tilespmem:$0x19C10];
	v13 =	vadd.f32 v13, v23  }
0xa6: {  	v15 =	vld [tilespmem:s4+$0x1F0];
	[tilespmem:s7+$0x6510] =	vst v10  }
0xa7: {  	[tilespmem:s7+$0x6410] =	vst v13;
	v10 =	vld [tilespmem:$0x19C10];
	v9 =	vadd.f32 v9, v16  }
0xa8: {  	v13 =	vld [tilespmem:$0x19C10]  }
0xa9: {  	[tilespmem:s7+$0x190] =	vst v9;
	v9 =	vadd.f32 v12, v11;
	v12 =	vld [tilespmem:s7+$0x1A0]  }
0xaa: {  	v16 =	vadd.f32 v19, v22;
	v19 =	vld [tilespmem:$0x19CA0]  }
0xab: {  	v14 =	vld [tilespmem:$0x19CF0]  }
0xac: {  	v20 =	vld [tilespmem:s7+$0xA0];
	[tilespmem:s7+$0x90] =	vst v16;
	v10 =	vadd.f32 v10, v25  }
0xad: {  	[tilespmem:s4+$0x64D0] =	vst v9;
	v9 =	vld [tilespmem:$0x19CA0];
	v13 =	vadd.f32 v13, v23  }
0xae: {  	v18 =	vld [tilespmem:s7+$0x20];
	[tilespmem:s7+$0x110] =	vst v10  }
0xaf: {  	[tilespmem:s7+$0x10] =	vst v13;
	v13 =	vld [tilespmem:$0x19CA0];
	v10 =	vadd.f32 v19, v12  }
0xb0: {  	v14 =	vadd.f32 v14, v15;
	v19 =	vld [tilespmem:$0x19CA0]  }
0xb1: {  	v27 =	vld [tilespmem:$0x19C50];
	[tilespmem:s7+$0x65A0] =	vst v10  }
0xb2: {  	[tilespmem:s4+$0x65F0] =	vst v14;
	v9 =	vadd.f32 v9, v20;
	v10 =	vld [tilespmem:$0x19C20]  }
0xb3: {  	v60 =	vld [tilespmem:$0x19C70]  }
0xb4: {  	v16 =	vld [tilespmem:s7+$0x130];
	[tilespmem:s7+$0x64A0] =	vst v9;
	v13 =	vadd.f32 v13, v57  }
0xb5: {  	v14 =	vld [tilespmem:$0x19C20];
	v19 =	vadd.f32 v19, v18  }
0xb6: {  	v11 =	vadd.f32 v27, v11;
	v9 =	vld [tilespmem:s7+$0x50];
	[tilespmem:s7+$0x6520] =	vst v13  }
0xb7: {  	[tilespmem:s7+$0x6420] =	vst v19;
	v10 =	vadd.f32 v10, v12;
	v12 =	vld [tilespmem:$0x19C20]  }
0xb8: {  	[tilespmem:s4+$0xD0] =	vst v11;
	v13 =	vld [tilespmem:$0x19C20]  }
0xb9: {  	v61 =	vld [tilespmem:$0x19CE0]  }
0xba: {  	v19 =	vld [tilespmem:s7+$0x1B0];
	[tilespmem:s7+$0x1A0] =	vst v10;
	v10 =	vadd.f32 v14, v20  }
0xbb: {  	v21 =	vadd.f32 v56, v5;
	v20 =	vld [tilespmem:$0x19CB0]  }
0xbc: {  	v14 =	vld [tilespmem:s7+$0xD0];
	[tilespmem:s7+$0xA0] =	vst v10;
	v12 =	vadd.f32 v12, v57  }
0xbd: {  	[tilespmem:s4+$0x6450] =	vst v21;
	v13 =	vadd.f32 v13, v18;
	v18 =	vld [tilespmem:$0x19CB0]  }
0xbe: {  	[tilespmem:s7+$0x120] =	vst v12;
	v12 =	vld [tilespmem:$0x19C50]  }
0xbf: {  	v17 =	vadd.f32 v17, v4;
	v10 =	vld [tilespmem:s7+$0x150]  }
0xc0: {  	[tilespmem:s7+$0x20] =	vst v13;
	v13 =	vld [tilespmem:$0x19CB0];
	v20 =	vadd.f32 v20, v19  }
0xc1: {  	[tilespmem:s4+$0x6550] =	vst v17;
	v17 =	vld [tilespmem:$0x19CB0]  }
0xc2: {  	[tilespmem:s7+$0x65B0] =	vst v20;
	v20 =	vld [tilespmem:$0x19C50];
	v11 =	vadd.f32 v18, v58  }
0xc3: {  	v18 =	vld [tilespmem:$0x19C30];
	v5 =	vadd.f32 v12, v5  }
0xc4: {  	[tilespmem:s7+$0x64B0] =	vst v11;
	v11 =	vld [tilespmem:s7+$0x60]  }
0xc5: {  	v12 =	vadd.f32 v13, v16;
	[tilespmem:s4+$0x50] =	vst v5;
	v5 =	vld [tilespmem:$0x19C30]  }
0xc6: {  	v13 =	vadd.f32 v17, v26;
	v17 =	vld [tilespmem:$0x19CE0]  }
0xc7: {  	[tilespmem:s7+$0x6530] =	vst v12;
	v12 =	vld [tilespmem:s7+$0xE0]  }
0xc8: {  	[tilespmem:s7+$0x6430] =	vst v13;
	v13 =	vld [tilespmem:$0x19C30];
	v18 =	vadd.f32 v18, v19  }
0xc9: {  	v4 =	vadd.f32 v20, v4;
	v19 =	vld [tilespmem:$0x19C30]  }
0xca: {  	[tilespmem:s7+$0x1B0] =	vst v18;
	v18 =	vld [tilespmem:s7+$0x1C0];
	v5 =	vadd.f32 v5, v58  }
0xcb: {  	[tilespmem:s4+$0x150] =	vst v4;
	v4 =	vld [tilespmem:$0x19CC0]  }
0xcc: {  	v20 =	vld [tilespmem:$0x19CE0];
	v17 =	vadd.f32 v17, v2;
	[tilespmem:s7+$0xB0] =	vst v5  }
0xcd: {  	v16 =	vadd.f32 v13, v16;
	v5 =	vld [tilespmem:$0x19CC0]  }
0xce: {  	v13 =	vld [tilespmem:s7+$0x160];
	[tilespmem:s4+$0x6460] =	vst v17;
	v17 =	vadd.f32 v19, v26  }
0xcf: {  	v19 =	vadd.f32 v61, v3;
	[tilespmem:s7+$0x130] =	vst v16;
	v16 =	vld [tilespmem:$0x19C60]  }
0xd0: {  	[tilespmem:s7+$0x30] =	vst v17;
	v17 =	vld [tilespmem:$0x19CC0];
	v4 =	vadd.f32 v4, v18  }
0xd1: {  	[tilespmem:s4+$0x64E0] =	vst v19;
	v19 =	vadd.f32 v20, v1;
	v20 =	vld [tilespmem:$0x19CC0]  }
0xd2: {  	v62 =	vld [tilespmem:$0x19C60];
	[tilespmem:s7+$0x65C0] =	vst v4;
	v5 =	vadd.f32 v5, v28  }
0xd3: {  	[tilespmem:s4+$0x6560] =	vst v19;
	v4 =	vld [tilespmem:$0x19C40]  }
0xd4: {  	v19 =	vld [tilespmem:$0x19C60];
	[tilespmem:s7+$0x64C0] =	vst v5;
	v5 =	vadd.f32 v16, v2  }
0xd5: {  	v17 =	vadd.f32 v17, v29;
	v16 =	vld [tilespmem:$0x19C40]  }
0xd6: {  	v2 =	vld [tilespmem:s7+$0x70];
	v20 =	vadd.f32 v20, v59;
	[tilespmem:s4+$0x60] =	vst v5  }
0xd7: {  	v3 =	vadd.f32 v62, v3;
	[tilespmem:s7+$0x6540] =	vst v17;
	v5 =	vld [tilespmem:$0x19CF0]  }
0xd8: {  	[tilespmem:s7+$0x6440] =	vst v20;
	v17 =	vld [tilespmem:$0x19C40];
	v4 =	vadd.f32 v4, v18  }
0xd9: {  	[tilespmem:s4+$0xE0] =	vst v3;
	v1 =	vadd.f32 v19, v1;
	v18 =	vld [tilespmem:$0x19C40]  }
0xda: {  	[tilespmem:s7+$0x1C0] =	vst v4;
	v4 =	vld [tilespmem:s7+$0x1D0];
	v3 =	vadd.f32 v16, v28  }
0xdb: {  	[tilespmem:s4+$0x160] =	vst v1;
	v1 =	vld [tilespmem:s7+$0xF0]  }
0xdc: {  	v15 =	vadd.f32 v60, v15;
	[tilespmem:s7+$0xC0] =	vst v3;
	v3 =	vld [tilespmem:$0x19CD0]  }
0xdd: {  	v17 =	vadd.f32 v17, v29;
	v19 =	vld [tilespmem:$0x19CD0]  }
0xde: {  	[tilespmem:s4+$0x1F0] =	vst v15;
	v16 =	vld [tilespmem:$0x19CF0];
	v18 =	vadd.f32 v18, v59  }
0xdf: {  	v20 =	vld [tilespmem:$0x19CF0];
	v5 =	vadd.f32 v5, v6;
	[tilespmem:s7+$0x140] =	vst v17  }
0xe0: {  	[tilespmem:s7+$0x40] =	vst v18;
	v63 =	vld [tilespmem:$0x19CD0]  }
0xe1: {  	[tilespmem:s4+$0x6470] =	vst v5;
	v15 =	vld [tilespmem:$0x19CD0];
	v17 =	vadd.f32 v3, v4  }
0xe2: {  	v5 =	vld [tilespmem:$0x19C70];
	v18 =	vadd.f32 v19, v14  }
0xe3: {  	v16 =	vadd.f32 v16, v7;
	v3 =	vld [tilespmem:s7+$0x170];
	[tilespmem:s7+$0x65D0] =	vst v17  }
0xe4: {  	v19 =	vadd.f32 v20, v8;
	[tilespmem:s7+$0x64D0] =	vst v18;
	v18 =	vld [tilespmem:$0x19C50]  }
0xe5: {  	[tilespmem:s4+$0x64F0] =	vst v16;
	v20 =	vadd.f32 v63, v10;
	v17 =	vld [tilespmem:$0x19C50]  }
0xe6: {  	v16 =	vld [tilespmem:$0x19C70];
	[tilespmem:s4+$0x6570] =	vst v19;
	v19 =	vadd.f32 v15, v9  }
0xe7: {  	s5 =	simm.s32 $0xD600;
	s3 =	simm.s32 $0x4;
	v15 =	vld [tilespmem:$0x19C70];
	[tilespmem:s7+$0x6550] =	vst v20  }
.LBB2_2:
0xe8: {  	v20 =	vld [tilespmem:$0x19C80];
	[tilespmem:s7+$0x6450] =	vst v19;
	s5 =	sadd.s32 $0x200, s5;
	v5 =	vadd.f32 v5, v6;
	v6 =	vmov v2  }
0xe9: {  	s3 =	sadd.s32 $0x4, s3;
	v2 =	vld [tilespmem:s5+$0x180];
	v4 =	vadd.f32 v18, v4  }
0xea: {  	p0 =	slt.u32 s3, $0xC4;
	v18 =	vld [tilespmem:s5+$0x80];
	v14 =	vadd.f32 v17, v14;
	[tilespmem:s4+$0x70] =	vst v5  }
0xeb: {  	[tilespmem:s7+$0x1D0] =	vst v4;
	v4 =	vld [tilespmem:s7+$0x1E0];
	v5 =	vadd.f32 v16, v7;
	v7 =	vmov v1  }
0xec: {  	[tilespmem:s7+$0xD0] =	vst v14;
	v1 =	vld [tilespmem:$0x19CE0];
	v14 =	vadd.f32 v15, v8;
	v8 =	vmov v3  }
0xed: {  	v3 =	vld [tilespmem:s5+$0x100];
	[tilespmem:s4+$0xF0] =	vst v5  }
0xee: {  	v5 =	vld [tilespmem:s5+$0x0];
	v15 =	vadd.f32 v2, v20;
	[tilespmem:s4+$0x170] =	vst v14;
	s4 =	smov.u32 s7;
	s7 =	smov.u32 s5  }
0xef: {  	v14 =	vld [tilespmem:s5+$0x10];
	v16 =	vadd.f32 v18, v20  }
0xf0: {  	v17 =	vld [tilespmem:s5+$0x90];
	[tilespmem:s5+$0x6580] =	vst v15  }
0xf1: {  	[tilespmem:s5+$0x6480] =	vst v16;
	v15 =	vld [tilespmem:$0x19C00];
	v1 =	vadd.f32 v1, v4  }
0xf2: {  	v16 =	vld [tilespmem:$0x19C00];
	v19 =	vadd.f32 v3, v20  }
0xf3: {  	v20 =	vadd.f32 v20, v5;
	v21 =	vld [tilespmem:s5+$0x110];
	[tilespmem:s4+$0x65E0] =	vst v1  }
0xf4: {  	[tilespmem:s5+$0x6500] =	vst v19;
	v1 =	vld [tilespmem:$0x19C60]  }
0xf5: {  	[tilespmem:s5+$0x6400] =	vst v20;
	v19 =	vld [tilespmem:$0x19C00]  }
0xf6: {  	v20 =	vld [tilespmem:$0x19C00];
	v2 =	vadd.f32 v15, v2  }
0xf7: {  	v15 =	vld [tilespmem:s5+$0x20];
	v16 =	vadd.f32 v16, v18  }
0xf8: {  	[tilespmem:s5+$0x180] =	vst v2;
	v18 =	vld [tilespmem:s5+$0x190]  }
0xf9: {  	[tilespmem:s5+$0x80] =	vst v16;
	v2 =	vld [tilespmem:$0x19C90];
	v1 =	vadd.f32 v1, v4  }
0xfa: {  	v4 =	vld [tilespmem:$0x19C90];
	v3 =	vadd.f32 v19, v3  }
0xfb: {  	v5 =	vadd.f32 v20, v5;
	[tilespmem:s4+$0x1E0] =	vst v1;
	v1 =	vld [tilespmem:s4+$0x1F0]  }
0xfc: {  	[tilespmem:s5+$0x100] =	vst v3;
	v3 =	vld [tilespmem:$0x19CF0]  }
0xfd: {  	[tilespmem:s5+$0x0] =	vst v5;
	v5 =	vld [tilespmem:$0x19C90]  }
0xfe: {  	v16 =	vld [tilespmem:$0x19C90];
	v2 =	vadd.f32 v2, v18  }
0xff: {  	v4 =	vadd.f32 v4, v17;
	v19 =	vld [tilespmem:s5+$0xA0]  }
0x100: {  	v20 =	vld [tilespmem:s5+$0x120];
	[tilespmem:s5+$0x6590] =	vst v2  }
0x101: {  	[tilespmem:s5+$0x6490] =	vst v4;
	v4 =	vld [tilespmem:$0x19C10];
	v3 =	vadd.f32 v3, v1  }
0x102: {  	v22 =	vld [tilespmem:$0x19C10];
	v5 =	vadd.f32 v5, v21  }
0x103: {  	v16 =	vadd.f32 v16, v14;
	v2 =	vld [tilespmem:s5+$0x30];
	[tilespmem:s4+$0x65F0] =	vst v3  }
0x104: {  	[tilespmem:s5+$0x6510] =	vst v5;
	v3 =	vld [tilespmem:$0x19C70]  }
0x105: {  	[tilespmem:s5+$0x6410] =	vst v16;
	v5 =	vld [tilespmem:$0x19C10]  }
0x106: {  	v16 =	vld [tilespmem:$0x19C10];
	v4 =	vadd.f32 v4, v18  }
0x107: {  	v17 =	vadd.f32 v22, v17;
	v18 =	vld [tilespmem:s5+$0xB0]  }
0x108: {  	[tilespmem:s5+$0x190] =	vst v4;
	v22 =	vld [tilespmem:s5+$0x1A0]  }
0x109: {  	[tilespmem:s5+$0x90] =	vst v17;
	v4 =	vld [tilespmem:$0x19CA0];
	v1 =	vadd.f32 v3, v1  }
0x10a: {  	v3 =	vld [tilespmem:$0x19CA0];
	v5 =	vadd.f32 v5, v21  }
0x10b: {  	v14 =	vadd.f32 v16, v14;
	v16 =	vld [tilespmem:s5+$0x130];
	[tilespmem:s4+$0x1F0] =	vst v1  }
0x10c: {  	v1 =	vld [tilespmem:s5+$0x40];
	[tilespmem:s5+$0x110] =	vst v5  }
0x10d: {  	[tilespmem:s5+$0x10] =	vst v14;
	v5 =	vld [tilespmem:$0x19CA0]  }
0x10e: {  	v14 =	vld [tilespmem:$0x19CA0];
	v17 =	vadd.f32 v4, v22  }
0x10f: {  	v21 =	vadd.f32 v3, v19;
	v4 =	vld [tilespmem:s5+$0xC0]  }
0x110: {  	v3 =	vld [tilespmem:s5+$0x140];
	[tilespmem:s5+$0x65A0] =	vst v17  }
0x111: {  	[tilespmem:s5+$0x64A0] =	vst v21;
	v17 =	vld [tilespmem:$0x19C20]  }
0x112: {  	v21 =	vld [tilespmem:$0x19C20];
	v5 =	vadd.f32 v5, v20  }
0x113: {  	v23 =	vadd.f32 v14, v15;
	v24 =	vld [tilespmem:s5+$0x50]  }
0x114: {  	v14 =	vld [tilespmem:s5+$0xD0];
	[tilespmem:s5+$0x6520] =	vst v5  }
0x115: {  	[tilespmem:s5+$0x6420] =	vst v23;
	v5 =	vld [tilespmem:$0x19C20]  }
0x116: {  	v23 =	vld [tilespmem:$0x19C20];
	v17 =	vadd.f32 v17, v22  }
0x117: {  	v19 =	vadd.f32 v21, v19;
	v21 =	vld [tilespmem:s5+$0x150]  }
0x118: {  	[tilespmem:s5+$0x1A0] =	vst v17;
	v17 =	vld [tilespmem:s5+$0x1B0]  }
0x119: {  	[tilespmem:s5+$0xA0] =	vst v19;
	v19 =	vld [tilespmem:$0x19CB0]  }
0x11a: {  	v22 =	vld [tilespmem:$0x19CB0];
	v5 =	vadd.f32 v5, v20  }
0x11b: {  	v15 =	vadd.f32 v23, v15;
	v20 =	vld [tilespmem:$0x19C50]  }
0x11c: {  	[tilespmem:s5+$0x120] =	vst v5;
	v5 =	vld [tilespmem:$0x19C50]  }
0x11d: {  	[tilespmem:s5+$0x20] =	vst v15;
	v15 =	vld [tilespmem:$0x19CB0]  }
0x11e: {  	v23 =	vld [tilespmem:$0x19CB0];
	v19 =	vadd.f32 v19, v17  }
0x11f: {  	v22 =	vadd.f32 v22, v18;
	v25 =	vld [tilespmem:$0x19CE0]  }
0x120: {  	v26 =	vld [tilespmem:s5+$0x60];
	[tilespmem:s5+$0x65B0] =	vst v19;
	v19 =	vadd.f32 v20, v9;
	v9 =	vmov v24  }
0x121: {  	[tilespmem:s5+$0x64B0] =	vst v22;
	v20 =	vld [tilespmem:$0x19C30];
	v5 =	vadd.f32 v5, v10;
	v10 =	vmov v21  }
0x122: {  	v21 =	vld [tilespmem:$0x19C30];
	v15 =	vadd.f32 v15, v16;
	[tilespmem:s4+$0x50] =	vst v19  }
0x123: {  	v19 =	vadd.f32 v23, v2;
	v22 =	vld [tilespmem:$0x19CE0];
	[tilespmem:s4+$0x150] =	vst v5  }
0x124: {  	[tilespmem:s5+$0x6530] =	vst v15;
	v5 =	vadd.f32 v25, v12;
	v15 =	vld [tilespmem:$0x19CE0]  }
0x125: {  	[tilespmem:s5+$0x6430] =	vst v19;
	v19 =	vld [tilespmem:$0x19C30]  }
0x126: {  	v23 =	vld [tilespmem:$0x19C30];
	v17 =	vadd.f32 v20, v17;
	[tilespmem:s4+$0x64E0] =	vst v5  }
0x127: {  	v5 =	vadd.f32 v21, v18;
	v18 =	vld [tilespmem:s5+$0xE0]  }
0x128: {  	[tilespmem:s5+$0x1B0] =	vst v17;
	v17 =	vld [tilespmem:s5+$0x1C0];
	v20 =	vadd.f32 v22, v11  }
0x129: {  	[tilespmem:s5+$0xB0] =	vst v5;
	v5 =	vld [tilespmem:$0x19CC0];
	v15 =	vadd.f32 v15, v13  }
0x12a: {  	v21 =	vld [tilespmem:$0x19CC0];
	v16 =	vadd.f32 v19, v16;
	[tilespmem:s4+$0x6460] =	vst v20  }
0x12b: {  	v2 =	vadd.f32 v23, v2;
	v19 =	vld [tilespmem:s5+$0x160];
	[tilespmem:s4+$0x6560] =	vst v15  }
0x12c: {  	[tilespmem:s5+$0x130] =	vst v16;
	v15 =	vld [tilespmem:$0x19C60]  }
0x12d: {  	[tilespmem:s5+$0x30] =	vst v2;
	v2 =	vld [tilespmem:$0x19CC0]  }
0x12e: {  	v16 =	vld [tilespmem:$0x19CC0];
	v5 =	vadd.f32 v5, v17  }
0x12f: {  	v20 =	vadd.f32 v21, v4;
	v21 =	vld [tilespmem:$0x19C60]  }
0x130: {  	[tilespmem:s5+$0x65C0] =	vst v5;
	v5 =	vld [tilespmem:$0x19C60]  }
0x131: {  	[tilespmem:s5+$0x64C0] =	vst v20;
	v20 =	vld [tilespmem:$0x19C40];
	v15 =	vadd.f32 v15, v11;
	v11 =	vmov v26  }
0x132: {  	v22 =	vld [tilespmem:$0x19C40];
	v23 =	vadd.f32 v2, v3  }
0x133: {  	v16 =	vadd.f32 v16, v1;
	v2 =	vld [tilespmem:s5+$0x70];
	[tilespmem:s4+$0x60] =	vst v15  }
0x134: {  	[tilespmem:s5+$0x6540] =	vst v23;
	v15 =	vld [tilespmem:$0x19CF0];
	v21 =	vadd.f32 v21, v12;
	v12 =	vmov v18  }
0x135: {  	[tilespmem:s5+$0x6440] =	vst v16;
	v16 =	vld [tilespmem:$0x19C40];
	v5 =	vadd.f32 v5, v13;
	v13 =	vmov v19  }
0x136: {  	v18 =	vld [tilespmem:$0x19C40];
	v17 =	vadd.f32 v20, v17;
	[tilespmem:s4+$0xE0] =	vst v21  }
0x137: {  	v19 =	vadd.f32 v22, v4;
	v20 =	vld [tilespmem:$0x19CF0];
	[tilespmem:s4+$0x160] =	vst v5  }
0x138: {  	[tilespmem:s5+$0x1C0] =	vst v17;
	v4 =	vld [tilespmem:s5+$0x1D0]  }
0x139: {  	[tilespmem:s5+$0xC0] =	vst v19;
	v5 =	vld [tilespmem:$0x19CD0];
	v15 =	vadd.f32 v15, v6  }
0x13a: {  	v17 =	vld [tilespmem:$0x19CD0];
	v3 =	vadd.f32 v16, v3  }
0x13b: {  	v16 =	vadd.f32 v18, v1;
	[tilespmem:s4+$0x6470] =	vst v15;
	v15 =	vld [tilespmem:$0x19CF0]  }
0x13c: {  	v1 =	vld [tilespmem:s5+$0xF0];
	[tilespmem:s5+$0x140] =	vst v3;
	v3 =	vadd.f32 v20, v7  }
0x13d: {  	[tilespmem:s5+$0x40] =	vst v16;
	v16 =	vld [tilespmem:$0x19CD0]  }
0x13e: {  	v19 =	vld [tilespmem:$0x19CD0];
	v5 =	vadd.f32 v5, v4;
	[tilespmem:s4+$0x64F0] =	vst v3  }
0x13f: {  	v17 =	vadd.f32 v17, v14;
	v3 =	vld [tilespmem:s5+$0x170]  }
.Ltmp2:
0x140: {  	[tilespmem:s5+$0x65D0] =	vst v5;
	v5 =	vld [tilespmem:$0x19C70];
	v15 =	vadd.f32 v15, v8;
	(pc) =	sbr.rel @p0 .LBB2_2-.Ltmp2, $4  }
0x141: {  	[tilespmem:s5+$0x64D0] =	vst v17;
	v18 =	vld [tilespmem:$0x19C50]  }
0x142: {  	v17 =	vld [tilespmem:$0x19C50];
	v20 =	vadd.f32 v16, v10;
	[tilespmem:s4+$0x6570] =	vst v15  }
0x143: {  	v19 =	vadd.f32 v19, v9;
	v16 =	vld [tilespmem:$0x19C70]  }
0x144: {  	[tilespmem:s5+$0x6550] =	vst v20;
	v15 =	vld [tilespmem:$0x19C70]  }
0x145: {  	[tilespmem:s7+$0x6450] =	vst v19;
	v44 =	vld [tilespmem:$0x19C50]  }
0x146: {  	v19 =	vld [tilespmem:$0x19C50];
	_ =	sdelay $0x1  }
0x147: {  	v4 =	vadd.f32 v18, v4  }
0x148: {  	v14 =	vadd.f32 v17, v14  }
0x149: {  	v45 =	vld [tilespmem:s7+$0x1E0];
	[tilespmem:s7+$0x1D0] =	vst v4;
	v10 =	vadd.f32 v44, v10  }
0x14a: {  	v46 =	vld [tilespmem:$0x19CE0];
	[tilespmem:s7+$0xD0] =	vst v14;
	v9 =	vadd.f32 v19, v9  }
0x14b: {  	v14 =	vld [tilespmem:$0x19CE0];
	[tilespmem:s7+$0x150] =	vst v10  }
0x14c: {  	[tilespmem:s7+$0x50] =	vst v9;
	v10 =	vld [tilespmem:$0x19CE0]  }
0x14d: {  	v9 =	vld [tilespmem:$0x19CE0];
	_ =	sdelay $0x1  }
0x14e: {  	v17 =	vadd.f32 v46, v45  }
0x14f: {  	v14 =	vadd.f32 v14, v12  }
0x150: {  	[tilespmem:s7+$0x65E0] =	vst v17;
	v10 =	vadd.f32 v10, v13  }
0x151: {  	v17 =	vld [tilespmem:$0x19C60];
	[tilespmem:s7+$0x64E0] =	vst v14;
	v9 =	vadd.f32 v9, v11  }
0x152: {  	v47 =	vld [tilespmem:$0x19C60];
	[tilespmem:s7+$0x6560] =	vst v10  }
0x153: {  	[tilespmem:s7+$0x6460] =	vst v9;
	v48 =	vld [tilespmem:$0x19C60]  }
0x154: {  	v9 =	vld [tilespmem:$0x19C60];
	_ =	sdelay $0x1  }
0x155: {  	v4 =	vadd.f32 v17, v45  }
0x156: {  	v10 =	vadd.f32 v47, v12  }
0x157: {  	v50 =	vld [tilespmem:s7+$0x1F0];
	[tilespmem:s7+$0x1E0] =	vst v4;
	v53 =	vadd.f32 v48, v13  }
0x158: {  	v52 =	vld [tilespmem:$0x19CF0];
	[tilespmem:s7+$0xE0] =	vst v10;
	v49 =	vadd.f32 v9, v11  }
0x159: {  	v10 =	vld [tilespmem:$0x19CF0];
	[tilespmem:s7+$0x160] =	vst v53  }
0x15a: {  	[tilespmem:s7+$0x60] =	vst v49;
	v4 =	vld [tilespmem:$0x19CF0]  }
0x15b: {  	v54 =	vld [tilespmem:$0x19CF0];
	_ =	sdelay $0x1  }
0x15c: {  	v11 =	vadd.f32 v52, v50  }
0x15d: {  	v10 =	vadd.f32 v10, v1  }
0x15e: {  	[tilespmem:s7+$0x65F0] =	vst v11;
	v4 =	vadd.f32 v4, v3  }
0x15f: {  	v11 =	vld [tilespmem:$0x19C70];
	[tilespmem:s7+$0x64F0] =	vst v10;
	v12 =	vadd.f32 v54, v2  }
0x160: {  	v56 =	vld [tilespmem:$0x19C70];
	[tilespmem:s7+$0x6570] =	vst v4  }
0x161: {  	v5 =	vadd.f32 v5, v6;
	[tilespmem:s7+$0x6470] =	vst v12;
	v58 =	vld [tilespmem:$0x19C70]  }
0x162: {  	v57 =	vadd.f32 v16, v7;
	v55 =	vld [tilespmem:$0x19C70]  }
0x163: {  	[tilespmem:s4+$0x70] =	vst v5;
	v59 =	vadd.f32 v15, v8  }
0x164: {  	[tilespmem:s4+$0xF0] =	vst v57;
	v60 =	vadd.f32 v11, v50  }
0x165: {  	[tilespmem:s4+$0x170] =	vst v59;
	v62 =	vadd.f32 v56, v1  }
0x166: {  	[tilespmem:s7+$0x1F0] =	vst v60;
	v63 =	vadd.f32 v58, v3  }
0x167: {  	[tilespmem:s7+$0xF0] =	vst v62;
	v61 =	vadd.f32 v55, v2  }
0x168: {  	[tilespmem:s7+$0x170] =	vst v63  }
0x169: {  	[tilespmem:s7+$0x70] =	vst v61  }
0x16a: {  	s19 =	simm.s32 $0x0;
	s4 =	simm.s32 $0xD000;
	s3 =	rddreg [dreg:$0x8]  }
0x16b: {  	[tilespmem:s4], [sflag:$0x9] =	stream.linear.gather [hbm4b:s3+s19], $0x68, $0x38;
	[tilespmem:$0x19E00] =	vst v63  }
0x16c: {  	s5 =	simm.s32 $0xD200;
	s21 =	rddreg [dreg:$0x9]  }
0x16d: {  	[tilespmem:s5], [sflag:$0xD] =	stream.linear.gather [hbm4b:s21+s19], $0x68, $0x38;
	[tilespmem:$0x19E00] =	vst v63  }
0x16e: {  	s22 =	rddreg [dreg:$0xa];
	s5 =	simm.s32 $0xD080  }
0x16f: {  	[tilespmem:s5], [sflag:$0xA] =	stream.linear.gather [hbm4b:s22+s19], $0x60, $0x38;
	[tilespmem:$0x19E00] =	vst v63  }
0x170: {  	s6 =	simm.s32 $0xD280;
	s23 =	rddreg [dreg:$0xb]  }
0x171: {  	[tilespmem:s6], [sflag:$0xE] =	stream.linear.gather [hbm4b:s23+s19], $0x60, $0x38;
	[tilespmem:$0x19E00] =	vst v63  }
0x172: {  	s25 =	simm.s32 $0xD100;
	s24 =	rddreg [dreg:$0xc]  }
0x173: {  	[tilespmem:s25], [sflag:$0xB] =	stream.linear.gather [hbm4b:s24+s19], $0x68, $0x38;
	[tilespmem:$0x19E00] =	vst v63  }
0x174: {  	s16 =	simm.s32 $0xD300;
	s7 =	rddreg [dreg:$0xd]  }
0x175: {  	[tilespmem:s16], [sflag:$0xF] =	stream.linear.gather [hbm4b:s7+s19], $0x68, $0x38;
	[tilespmem:$0x19E00] =	vst v63  }
0x176: {  	s17 =	rddreg [dreg:$0xe]  }
0x177: {  	[tilespmem:s1], [sflag:$0xC] =	stream.linear.gather [hbm4b:s17+s19], $0x60, $0x38;
	[tilespmem:$0x19E00] =	vst v63  }
0x178: {  	s18 =	rddreg [dreg:$0xf];
	s21 =	simm.s32 $0xD380;
	s22 =	simm.s32 $0x9  }
0x179: {  	[tilespmem:s21], [sflag:$0x10] =	stream.linear.gather [hbm4b:s18+s19], $0x60, $0x38;
	[tilespmem:$0x19E00] =	vst v63  }
0x17a: {  	_ =	swait.ge [sflag:s22], $0x68  }
0x17b: {  	[sflag:s22] =	ssyncset.done $0x0  }
0x17c: {  	s23 =	simm.s32 $0x68;
	s24 =	simm.s32 $0xA;
	[sflag:s22] =	ssyncadd.s32 $0xFFFFFF98  }
0x17d: {  	[tilespmem:s19], [sflag:$0x1] =	stream.indirect.gather [hbm4b:s0+s23], $0x80, s4, s23, $0xb8;
	[tilespmem:$0x19E00] =	vst v63  }
0x17e: {  	_ =	swait.ge [sflag:s24], $0x60  }
0x17f: {  	[sflag:s24] =	ssyncset.done $0x0  }
0x180: {  	s25 =	simm.s32 $0x60;
	[sflag:s24] =	ssyncadd.s32 $0xFFFFFFA0  }
0x181: {  	[tilespmem:s26], [sflag:$0x2] =	stream.indirect.gather [hbm4b:s0+s25], $0x80, s5, s25, $0xb8;
	[tilespmem:$0x19E00] =	vst v63  }
.LBB2_4:
0x182: {  	_ =	swait.ge [sflag:s29], $0x3400  }
0x183: {  	[sflag:s29] =	ssyncset.done $0x0  }
0x184: {  	[sflag:s29] =	ssyncadd.s32 $0xFFFFCC00  }
0x185: {  	_ =	swait.ge [sflag:s31], $0x68  }
0x186: {  	p1 =	seq.s32 s19, $0x0;
	[sflag:s31] =	ssyncset.done $0x0  }
0x187: {  	s3 =	simm.s32 @!p1 $0x7;
	[sflag:s31] =	ssyncadd.s32 $0xFFFFFF98  }
0x188: {  	_ =	swait.ge @!p1 [sflag:s3], $0x3400  }
0x189: {  	[sflag:s3] =	ssyncset.done @!p1 $0x0  }
0x18a: {  	[sflag:s3] =	ssyncadd.s32 @!p1 $0xFFFFCC00  }
0x18b: {  	_ =	swait.ge [sflag:s2], $0x68  }
0x18c: {  	[sflag:s2] =	ssyncset.done $0x0  }
0x18d: {  	s24 =	simm.s32 $0xD100;
	s4 =	simm.s32 $0x68;
	[sflag:s2] =	ssyncadd.s32 $0xFFFFFF98  }
0x18e: {  	[tilespmem:s28], [sflag:$0x3] =	stream.indirect.gather [hbm4b:s0+s4], $0x80, s24, s4, $0xb8;
	[tilespmem:$0x19E00] =	vst v63  }
0x18f: {  	v1 =	vld [tilespmem:$0x19D00]  }
0x190: {  	v49 =	vld [tilespmem:$0x19D10]  }
0x191: {  	v50 =	vld [tilespmem:$0x19D20]  }
0x192: {  	v52 =	vld [tilespmem:$0x19D30]  }
0x193: {  	v53 =	vld [tilespmem:$0x19D40]  }
0x194: {  	v54 =	vld [tilespmem:$0x19D50];
	[tilespmem:$0x1FEC0] =	vst v1  }
0x195: {  	v0 =	vld [tilespmem:$0x19D60];
	[tilespmem:$0x1FED0] =	vst v49  }
0x196: {  	v55 =	vld [tilespmem:$0x19D70];
	[tilespmem:$0x1FEE0] =	vst v50  }
0x197: {  	v56 =	vld [tilespmem:$0x19D80];
	[tilespmem:$0x1FEF0] =	vst v52  }
0x198: {  	v57 =	vld [tilespmem:$0x19D90];
	[tilespmem:$0x1FF00] =	vst v53  }
0x199: {  	v58 =	vld [tilespmem:$0x19DA0];
	[tilespmem:$0x1FF10] =	vst v54  }
0x19a: {  	v59 =	vld [tilespmem:$0x19DB0];
	[tilespmem:$0x1FF20] =	vst v0  }
0x19b: {  	v60 =	vld [tilespmem:$0x19DC0];
	[tilespmem:$0x1FF30] =	vst v55  }
0x19c: {  	v61 =	vld [tilespmem:$0x19DD0];
	[tilespmem:$0x1FF40] =	vst v56  }
0x19d: {  	v62 =	vld [tilespmem:$0x19DE0];
	[tilespmem:$0x1FF50] =	vst v57  }
0x19e: {  	v63 =	vld [tilespmem:$0x19DF0];
	[tilespmem:$0x1FF60] =	vst v58  }
0x19f: {  	[tilespmem:$0x1FF70] =	vst v59  }
0x1a0: {  	[tilespmem:$0x1FF80] =	vst v60  }
0x1a1: {  	[tilespmem:$0x1FF90] =	vst v61  }
0x1a2: {  	s25 =	sshll.u32 s19, $0x1;
	[tilespmem:$0x1FFA0] =	vst v62  }
0x1a3: {  	s21 =	sshll.u32 s19, $0x2;
	s23 =	simm.s32 $0x0;
	s4 =	sor.u32 s12, s25;
	[tilespmem:$0x1FFB0] =	vst v63  }
.LBB2_5:
0x1a4: {  	v1 =	vld [tilespmem:s23+$0xD200];
	_ =	sdelay $0x4  }
0x1a5: {  	(v2sf) =	vpush v1, $0x0;
	_ =	sdelay $0xa  }
0x1a6: {  	s5 =	sshll.u32 s23, $0x7  }
0x1a7: {  	v2 =	vld [tilespmem:s23+$0xD201];
	s24 =	sand.u32 $0x3FFFFF80, s5  }
0x1a8: {  	v62 =	vld [tilespmem:s24+$0x0]  }
0x1a9: {  	v4 =	vld [tilespmem:s24+$0x10]  }
0x1aa: {  	v6 =	vld [tilespmem:s24+$0x20];
	s3 =	spop (v2sf)  }
0x1ab: {  	v63 =	vld [tilespmem:s24+$0x30];
	s3 =	smul.u32 $0xC8, s3  }
0x1ac: {  	v11 =	vld [tilespmem:s24+$0x40]  }
0x1ad: {  	v13 =	vld [tilespmem:s24+$0x50];
	s3 =	sadd.s32 s23, s3  }
0x1ae: {  	v15 =	vld [tilespmem:s24+$0x60];
	s3 =	sshll.u32 s3, $0x9  }
0x1af: {  	v23 =	vld [tilespmem:s24+$0x70];
	s3 =	sshra.s32 s3, $0x2  }
0x1b0: {  	v3 =	vld [tilespmem:s3+$0xD400]  }
0x1b1: {  	(v2sf) =	vpush v2, $0x0;
	v5 =	vld [tilespmem:s3+$0xD410]  }
0x1b2: {  	v7 =	vld [tilespmem:s3+$0xD420]  }
0x1b3: {  	v8 =	vld [tilespmem:s3+$0xD430]  }
0x1b4: {  	v12 =	vld [tilespmem:s3+$0xD440]  }
0x1b5: {  	v14 =	vld [tilespmem:s3+$0xD450]  }
0x1b6: {  	v22 =	vld [tilespmem:s3+$0xD460]  }
0x1b7: {  	v17 =	vld [tilespmem:s3+$0xD470]  }
0x1b8: {  	v10 =	vadd.f32 v3, v62;
	v9 =	vadd.f32 v5, v4  }
0x1b9: {  	v7 =	vadd.f32 v7, v6;
	v8 =	vadd.f32 v8, v63  }
0x1ba: {  	v16 =	vld [tilespmem:$0x1FFF0];
	v5 =	vadd.f32 v12, v11;
	v27 =	vadd.f32 v14, v13  }
0x1bb: {  	v54 =	vld [tilespmem:$0x1FFD0];
	v26 =	vadd.f32 v22, v15;
	v3 =	vmul.f32 v10, v10;
	v18 =	vmul.f32 v9, v9  }
0x1bc: {  	v52 =	vld [tilespmem:$0x1FFC0];
	s18 =	sor.u32 $0x1, s23;
	v6 =	vadd.f32 v17, v23;
	v19 =	vmul.f32 v7, v7;
	v28 =	vmul.f32 v8, v8  }
0x1bd: {  	v36 =	vld [tilespmem:s23+$0xD202];
	s5 =	sshll.u32 s18, $0x7;
	v12 =	vmul.f32 v5, v5;
	v13 =	vmul.f32 v27, v27;
	v30 =	vadd.f32 v9, v10  }
0x1be: {  	v55 =	vld [tilespmem:s23+$0xD203];
	s16 =	sand.u32 $0x3FFFFF80, s5;
	v29 =	vmul.f32 v26, v26;
	v31 =	vadd.f32 v8, v7;
	v33 =	vadd.f32 v27, v5  }
0x1bf: {  	v39 =	vld [tilespmem:s16+$0x0];
	v32 =	vmul.f32 v6, v6;
	v24 =	vadd.f32 v6, v26;
	v2 =	vadd.f32 v18, v3  }
0x1c0: {  	v41 =	vld [tilespmem:s16+$0x10];
	s17 =	spop (v2sf);
	v34 =	vadd.f32 v28, v19;
	v35 =	vadd.f32 v13, v12  }
0x1c1: {  	v43 =	vld [tilespmem:s16+$0x20];
	v1 =	vadd.f32 v32, v29;
	v37 =	vadd.f32 v31, v30;
	s3 =	smul.u32 $0xC8, s17  }
0x1c2: {  	v47 =	vld [tilespmem:s16+$0x30];
	v38 =	vadd.f32 v24, v33;
	(v2sf) =	vpush v36, $0x0  }
0x1c3: {  	v49 =	vld [tilespmem:s16+$0x40];
	v2 =	vadd.f32 v34, v2;
	v1 =	vadd.f32 v1, v35;
	s3 =	sadd.s32 s18, s3  }
0x1c4: {  	v30 =	vld [tilespmem:s16+$0x60];
	s3 =	sshll.u32 s3, $0x9  }
0x1c5: {  	v32 =	vld [tilespmem:s16+$0x70];
	v12 =	vadd.f32 v38, v37;
	v1 =	vadd.f32 v1, v2;
	s3 =	sshra.s32 s3, $0x2  }
0x1c6: {  	v40 =	vld [tilespmem:s3+$0xD400]  }
0x1c7: {  	v44 =	vperm.xlane v12, v16;
	v45 =	vperm.xlane v1, v16;
	v46 =	vld [tilespmem:s3+$0xD420]  }
0x1c8: {  	v48 =	vld [tilespmem:s3+$0xD430]  }
0x1c9: {  	v11 =	vadd.f32 v12, v44;
	v50 =	vld [tilespmem:s3+$0xD440];
	v1 =	vadd.f32 v1, v45  }
0x1ca: {  	v31 =	vld [tilespmem:s3+$0xD460]  }
0x1cb: {  	v33 =	vld [tilespmem:s3+$0xD470];
	v1 =	vsel vm0, v11, v1  }
0x1cc: {  	v28 =	vld [tilespmem:s16+$0x50];
	v53 =	vperm.xlane v1, v52  }
0x1cd: {  	v42 =	vld [tilespmem:s3+$0xD410];
	v25 =	vadd.f32 v40, v39;
	v4 =	vadd.f32 v46, v43  }
0x1ce: {  	v29 =	vld [tilespmem:s3+$0xD450];
	v2 =	vadd.f32 v48, v47;
	v1 =	vadd.f32 v1, v53  }
0x1cf: {  	v3 =	vadd.f32 v50, v49;
	v22 =	vadd.f32 v31, v30  }
0x1d0: {  	s25 =	sor.u32 $0x2, s23;
	v23 =	vadd.f32 v33, v32;
	v56 =	vmul.f32 v25, v25;
	v24 =	vperm.xlane v1, v54  }
0x1d1: {  	v57 =	vld [tilespmem:$0x1FFE0];
	s5 =	sshll.u32 s25, $0x7;
	v59 =	vmul.f32 v4, v4;
	v60 =	vmul.f32 v2, v2;
	s22 =	spop (v2sf);
	(v2sf) =	vpush v55, $0x0  }
0x1d2: {  	v21 =	vld [tilespmem:s23+$0xD204];
	s17 =	sand.u32 $0x3FFFFF80, s5;
	v62 =	vmul.f32 v22, v22;
	v0 =	vadd.f32 v2, v4;
	s3 =	smul.u32 $0xC8, s22;
	v34 =	vadd.f32 v1, v24  }
0x1d3: {  	v40 =	vld [tilespmem:s17+$0x40];
	v32 =	vmul.f32 v23, v23;
	v24 =	vadd.f32 v42, v41;
	v1 =	vadd.f32 v29, v28  }
0x1d4: {  	v46 =	vld [tilespmem:s17+$0x60];
	v61 =	vmul.f32 v3, v3;
	v35 =	vadd.f32 v23, v22;
	v12 =	vadd.f32 v60, v59;
	s3 =	sadd.s32 s25, s3  }
0x1d5: {  	v49 =	vld [tilespmem:s17+$0x70];
	v14 =	vadd.f32 v32, v62;
	v58 =	vmul.f32 v24, v24;
	v29 =	vmul.f32 v1, v1;
	s3 =	sshll.u32 s3, $0x9  }
0x1d6: {  	v62 =	vld [tilespmem:s17+$0x30];
	v63 =	vadd.f32 v24, v25;
	v18 =	vadd.f32 v1, v3;
	s3 =	sshra.s32 s3, $0x2  }
0x1d7: {  	v11 =	vadd.f32 v58, v56;
	v19 =	vadd.f32 v29, v61;
	v38 =	vld [tilespmem:s3+$0xD430]  }
0x1d8: {  	v56 =	vperm.xlane v34, v57;
	v30 =	vadd.f32 v0, v63;
	v58 =	vadd.f32 v35, v18;
	v48 =	vld [tilespmem:s3+$0xD460]  }
0x1d9: {  	v53 =	vld [tilespmem:s3+$0xD470];
	v11 =	vadd.f32 v12, v11;
	v59 =	vadd.f32 v14, v19  }
0x1da: {  	v60 =	vadd.f32 v34, v56;
	v30 =	vadd.f32 v58, v30;
	v19 =	vld [tilespmem:s3+$0xD440]  }
0x1db: {  	v13 =	vld [tilespmem:s17+$0x0];
	v0 =	vimm.s32 $0x8  }
0x1dc: {  	v32 =	vld [tilespmem:s17+$0x10];
	v11 =	vadd.f32 v59, v11;
	v61 =	vperm.xlane v60, v51;
	v63 =	vperm.xlane v30, v16  }
0x1dd: {  	v41 =	vld [tilespmem:s17+$0x50];
	v15 =	vperm.xlane v60, v0;
	v31 =	vadd.f32 v38, v62;
	v33 =	vadd.f32 v48, v46  }
0x1de: {  	v20 =	vld [tilespmem:s3+$0xD400];
	v34 =	vadd.f32 v53, v49;
	v18 =	vperm.xlane v11, v16;
	v39 =	vmul.f32 $7.812500000e-03, v61  }
0x1df: {  	v29 =	vld [tilespmem:s17+$0x20];
	v30 =	vadd.f32 v30, v63;
	v15 =	vmul.f32 $7.812500000e-03, v15;
	v35 =	vadd.f32 v19, v40  }
0x1e0: {  	v12 =	vld [tilespmem:s3+$0xD420];
	v63 =	vmul.f32 v31, v31;
	v19 =	vmul.f32 v33, v33;
	v11 =	vadd.f32 v11, v18;
	s6 =	spop (v2sf)  }
0x1e1: {  	v14 =	vld [tilespmem:s3+$0xD410];
	v44 =	vmul.f32 v34, v34;
	v55 =	vsub.f32 v10, v39;
	v56 =	vsub.f32 v9, v39;
	s5 =	smul.u32 $0xC8, s6  }
0x1e2: {  	v42 =	vld [tilespmem:s3+$0xD450];
	v58 =	vsub.f32 v7, v39;
	(v2sf) =	vpush v21, $0x0;
	v11 =	vsel vm0, v30, v11;
	s6 =	sor.u32 $0x3, s23  }
0x1e3: {  	v59 =	vsub.f32 v8, v39;
	v5 =	vsub.f32 v5, v39;
	v36 =	vperm.xlane v11, v52;
	s5 =	sadd.s32 s6, s5;
	s6 =	sshll.u32 s6, $0x7  }
0x1e4: {  	v53 =	vld [tilespmem:s23+$0xD205];
	v45 =	vmul.f32 v39, v39;
	v21 =	vadd.f32 v20, v13;
	v9 =	vadd.f32 v44, v19;
	s18 =	sand.u32 $0x3FFFFF80, s6  }
0x1e5: {  	v18 =	vmul.f32 v35, v35;
	[tilespmem:$0x1FC10] =	vst v5;
	v5 =	vadd.f32 v12, v29;
	v47 =	vadd.f32 v11, v36;
	v13 =	vld [tilespmem:s18+$0x0]  }
0x1e6: {  	v30 =	vsub.f32 v15, v45;
	v60 =	vmul.f32 v21, v21;
	v36 =	vadd.f32 v14, v32;
	v12 =	vld [tilespmem:s18+$0x10]  }
0x1e7: {  	v62 =	vmul.f32 v5, v5;
	v32 =	vadd.f32 v42, v41;
	v11 =	vld [tilespmem:s18+$0x20];
	v50 =	vperm.xlane v47, v54  }
0x1e8: {  	v43 =	vadd.f32 v31, v5;
	s7 =	sshll.u32 s5, $0x9;
	v46 =	vld [tilespmem:s18+$0x30];
	v61 =	vmul.f32 v36, v36;
	v20 =	vadd.f32 v36, v21  }
0x1e9: {  	s3 =	sshra.s32 s7, $0x2;
	v38 =	vld [tilespmem:s18+$0x40];
	v41 =	vmul.f32 v32, v32;
	v45 =	vadd.f32 v32, v35;
	v7 =	vadd.f32 v47, v50  }
0x1ea: {  	v10 =	vld [tilespmem:s3+$0xD400];
	v47 =	vadd.f32 v34, v33;
	v14 =	vadd.f32 v61, v60  }
0x1eb: {  	v29 =	vld [tilespmem:s3+$0xD410];
	v50 =	vadd.f32 v63, v62;
	v15 =	vadd.f32 v41, v18  }
0x1ec: {  	v8 =	vld [tilespmem:s3+$0xD420];
	v60 =	vadd.f32 v43, v20;
	v61 =	vadd.f32 v47, v45  }
0x1ed: {  	v20 =	vld [tilespmem:s3+$0xD450];
	v62 =	vperm.xlane v7, v57;
	v14 =	vadd.f32 v50, v14;
	v9 =	vadd.f32 v9, v15  }
0x1ee: {  	v17 =	vsub.f32 v27, v39;
	v15 =	vld [tilespmem:s18+$0x50];
	v63 =	vadd.f32 v61, v60  }
0x1ef: {  	v48 =	vld [tilespmem:s3+$0xD430];
	v7 =	vadd.f32 v7, v62;
	v9 =	vadd.f32 v9, v14  }
0x1f0: {  	v43 =	vld [tilespmem:s3+$0xD440];
	v60 =	vadd.f32 v10, v13;
	v61 =	vadd.f32 v29, v12  }
0x1f1: {  	v6 =	vsub.f32 v6, v39;
	v41 =	vld [tilespmem:s3+$0xD460];
	v45 =	vsub.f32 v26, v39;
	v47 =	vperm.xlane v63, v16;
	s22 =	spop (v2sf)  }
0x1f2: {  	v14 =	vld [tilespmem:s18+$0x60];
	v49 =	vperm.xlane v7, v51;
	v50 =	vperm.xlane v9, v16;
	v39 =	vadd.f32 v61, v60;
	s5 =	smul.u32 $0xC8, s22  }
0x1f3: {  	s25 =	sor.u32 $0x4, s23;
	v51 =	vld [tilespmem:s18+$0x70];
	v7 =	vperm.xlane v7, v0;
	(v2sf) =	vpush v53, $0x0;
	v18 =	vadd.f32 v20, v15  }
0x1f4: {  	[tilespmem:$0x1FC40] =	vst v6;
	v53 =	vld [tilespmem:s3+$0xD470];
	v26 =	vadd.f32 v63, v47;
	v13 =	vmul.f32 $7.812500000e-03, v49;
	v6 =	vadd.f32 v9, v50;
	s7 =	sadd.s32 s25, s5;
	s25 =	sshll.u32 s25, $0x7  }
0x1f5: {  	v9 =	vmul.f32 v60, v60;
	v47 =	vadd.f32 v8, v11;
	v63 =	vadd.f32 v48, v46;
	s22 =	sand.u32 $0x3FFFFF80, s25  }
0x1f6: {  	v11 =	vmul.f32 v61, v61;
	v46 =	vadd.f32 v43, v38;
	v62 =	vmul.f32 v18, v18;
	v8 =	vld [tilespmem:s22+$0x0]  }
0x1f7: {  	[tilespmem:$0x1FC30] =	vst v45;
	v45 =	vadd.f32 v41, v14;
	v15 =	vmul.f32 v47, v47;
	v20 =	vmul.f32 v63, v63;
	v14 =	vld [tilespmem:s22+$0x10]  }
0x1f8: {  	[tilespmem:$0x1FC60] =	vst v18;
	v28 =	vmul.f32 v46, v46;
	v18 =	vadd.f32 v18, v46;
	v9 =	vadd.f32 v11, v9;
	v48 =	vld [tilespmem:s22+$0x20]  }
0x1f9: {  	v6 =	vsel vm0, v26, v6;
	v44 =	vadd.f32 v53, v51;
	v20 =	vadd.f32 v20, v15;
	v15 =	vld [tilespmem:s22+$0x30]  }
0x1fa: {  	v42 =	vsub.f32 v25, v13;
	v41 =	vsub.f32 v24, v13;
	s3 =	sshll.u32 s7, $0x9;
	v0 =	vperm.xlane v6, v52;
	v51 =	vld [tilespmem:s22+$0x40]  }
0x1fb: {  	[tilespmem:$0x1FC50] =	vst v63;
	v38 =	vmul.f32 v45, v45;
	s3 =	sshra.s32 s3, $0x2;
	v53 =	vadd.f32 v63, v47;
	v25 =	vld [tilespmem:s22+$0x60];
	v63 =	vmul.f32 v44, v44  }
0x1fc: {  	v62 =	vadd.f32 v62, v28;
	v12 =	vld [tilespmem:s3+$0xD400];
	v29 =	vadd.f32 v6, v0  }
0x1fd: {  	v10 =	vld [tilespmem:s3+$0xD410];
	v19 =	vadd.f32 v44, v45;
	v63 =	vadd.f32 v63, v38  }
0x1fe: {  	[tilespmem:$0x1FC20] =	vst v17;
	v49 =	vld [tilespmem:s3+$0xD420];
	v17 =	vadd.f32 v53, v39;
	v9 =	vadd.f32 v20, v9  }
0x1ff: {  	v7 =	vmul.f32 $7.812500000e-03, v7;
	v28 =	vld [tilespmem:s3+$0xD430];
	v18 =	vadd.f32 v19, v18;
	v19 =	vadd.f32 v63, v62  }
0x200: {  	v4 =	vsub.f32 v4, v13;
	v26 =	vld [tilespmem:s3+$0xD440];
	v20 =	vmul.f32 v13, v13;
	v40 =	vperm.xlane v29, v54  }
0x201: {  	v11 =	vld [tilespmem:s3+$0xD450];
	v38 =	vadd.f32 v18, v17;
	v9 =	vadd.f32 v19, v9  }
0x202: {  	v53 =	vld [tilespmem:s22+$0x50];
	v6 =	vsub.f32 v7, v20;
	v7 =	vadd.f32 v29, v40;
	s6 =	spop (v2sf)  }
0x203: {  	s7 =	sor.u32 $0x5, s23;
	v27 =	vld [tilespmem:s3+$0xD470];
	v17 =	vsub.f32 v3, v13;
	v43 =	vperm.xlane v38, v16;
	v50 =	vperm.xlane v9, v16;
	s5 =	smul.u32 $0xC8, s6  }
0x204: {  	[tilespmem:$0x1FC70] =	vst v41;
	v29 =	vld [tilespmem:s22+$0x70];
	v41 =	vadd.f32 v12, v8;
	v40 =	vadd.f32 v10, v14;
	s6 =	sshll.u32 s7, $0x7  }
0x205: {  	v62 =	vld [tilespmem:s3+$0xD460];
	v24 =	vadd.f32 v38, v43;
	v9 =	vadd.f32 v9, v50;
	s5 =	sadd.s32 s7, s5;
	s7 =	sand.u32 $0x3FFFFF80, s6  }
0x206: {  	v48 =	vadd.f32 v49, v48;
	v39 =	vadd.f32 v28, v15;
	v63 =	vld [tilespmem:s7+$0x0]  }
0x207: {  	v49 =	vadd.f32 v11, v53;
	v19 =	vsub.f32 v22, v13;
	v20 =	vsel vm0, v24, v9;
	v24 =	vld [tilespmem:s23+$0xD206]  }
0x208: {  	v22 =	vsub.f32 v23, v13;
	v38 =	vadd.f32 v26, v51;
	v8 =	vld [tilespmem:s7+$0x10]  }
0x209: {  	v18 =	vperm.xlane v7, v57;
	v37 =	vadd.f32 v40, v41;
	v28 =	vadd.f32 v39, v48;
	v14 =	vld [tilespmem:s7+$0x20]  }
0x20a: {  	[tilespmem:$0x1FC80] =	vst v4;
	v4 =	vmul.f32 v49, v49;
	v51 =	vadd.f32 v62, v25;
	v3 =	vmul.f32 v38, v38;
	v62 =	vld [tilespmem:s7+$0x40]  }
0x20b: {  	[tilespmem:$0x1FCA0] =	vst v17;
	v10 =	vmul.f32 v41, v41;
	v16 =	vsub.f32 v2, v13;
	v43 =	vsub.f32 v1, v13;
	v17 =	vld [tilespmem:s7+$0x50]  }
0x20c: {  	v12 =	vmul.f32 v40, v40;
	s25 =	sshll.u32 s5, $0x9;
	v13 =	vadd.f32 v4, v3;
	v4 =	vadd.f32 v28, v37;
	v28 =	vld [tilespmem:s7+$0x60]  }
0x20d: {  	v15 =	vmul.f32 v48, v48;
	[tilespmem:$0x1FCB0] =	vst v19;
	v53 =	vadd.f32 v27, v29;
	v19 =	vld [tilespmem:s7+$0x70];
	s3 =	sshra.s32 s25, $0x2  }
0x20e: {  	v0 =	vmul.f32 v39, v39;
	v2 =	vadd.f32 v7, v18;
	v10 =	vadd.f32 v12, v10;
	v9 =	vld [tilespmem:s3+$0xD400]  }
0x20f: {  	v29 =	vmul.f32 v53, v53;
	v25 =	vmul.f32 v51, v51;
	v7 =	vld [tilespmem:s3+$0xD410];
	(v2sf) =	vpush v24, $0x0  }
0x210: {  	v15 =	vadd.f32 v0, v15;
	v50 =	vadd.f32 v49, v38;
	v23 =	vperm.xlane v20, v52;
	v11 =	vld [tilespmem:s3+$0xD420]  }
0x211: {  	v0 =	vadd.f32 v53, v51;
	v3 =	vadd.f32 v29, v25;
	v26 =	vld [tilespmem:s3+$0xD430]  }
0x212: {  	v10 =	vadd.f32 v15, v10;
	v12 =	vld [tilespmem:s3+$0xD440];
	v1 =	vadd.f32 v20, v23  }
0x213: {  	[tilespmem:$0x1FC90] =	vst v16;
	v16 =	vadd.f32 v0, v50;
	v18 =	vld [tilespmem:s3+$0xD450];
	v13 =	vadd.f32 v3, v13  }
0x214: {  	v15 =	vld [tilespmem:s3+$0xD460];
	v20 =	vperm.xlane v1, v54  }
0x215: {  	v37 =	vimm.s32 $0x8;
	v23 =	vld [tilespmem:s7+$0x30];
	v16 =	vadd.f32 v16, v4;
	v10 =	vadd.f32 v13, v10  }
0x216: {  	[tilespmem:$0x1FCC0] =	vst v22;
	v29 =	vimm.s32 $0x0;
	v1 =	vadd.f32 v1, v20;
	v22 =	vadd.f32 v9, v63;
	v9 =	vld [tilespmem:s3+$0xD470]  }
0x217: {  	v20 =	vperm.xlane v2, v29;
	v50 =	vadd.f32 v7, v8;
	v24 =	vadd.f32 v11, v14  }
0x218: {  	v2 =	vperm.xlane v2, v37;
	v3 =	vadd.f32 v12, v62;
	v4 =	vadd.f32 v18, v17  }
0x219: {  	v28 =	vadd.f32 v15, v28;
	v7 =	vmul.f32 v22, v22;
	v8 =	vmul.f32 v50, v50  }
0x21a: {  	v63 =	vadd.f32 v26, v23;
	v11 =	vmul.f32 v24, v24;
	v27 =	vmul.f32 v3, v3  }
0x21b: {  	[tilespmem:$0x1FD10] =	vst v50;
	v29 =	vmul.f32 v4, v4;
	v50 =	vadd.f32 v50, v22;
	v37 =	vadd.f32 v9, v19  }
0x21c: {  	v25 =	vld [tilespmem:$0x1FFF0];
	[tilespmem:$0x1FD00] =	vst v22;
	v15 =	vmul.f32 v28, v28;
	v22 =	vadd.f32 v4, v3;
	v62 =	vadd.f32 v63, v24  }
0x21d: {  	[tilespmem:$0x1FD20] =	vst v24;
	v26 =	vmul.f32 v63, v63;
	v7 =	vadd.f32 v8, v7;
	v24 =	vadd.f32 v37, v28  }
0x21e: {  	[tilespmem:$0x1FD40] =	vst v63;
	v9 =	vadd.f32 v62, v50;
	v50 =	vperm.xlane v1, v57;
	v57 =	vld [tilespmem:$0x1FFF0];
	v63 =	vmul.f32 v37, v37;
	s5 =	spop (v2sf)  }
0x21f: {  	s6 =	sor.u32 $0x6, s23;
	[tilespmem:$0x1FD70] =	vst v28;
	v18 =	vmul.f32 $7.812500000e-03, v20;
	v13 =	vadd.f32 v29, v27;
	v28 =	vld [tilespmem:$0x1FFF0];
	v12 =	vadd.f32 v24, v22;
	s3 =	smul.u32 $0xC8, s5  }
0x220: {  	v2 =	vmul.f32 $7.812500000e-03, v2;
	v27 =	vld [tilespmem:s23+$0xD207];
	v11 =	vadd.f32 v26, v11;
	v8 =	vadd.f32 v63, v15;
	s5 =	sshll.u32 s6, $0x7  }
0x221: {  	v26 =	vperm.xlane v16, v25;
	[tilespmem:$0x1FD80] =	vst v37;
	v37 =	vmul.f32 v18, v18;
	v63 =	vld [tilespmem:$0x1FFF0];
	v9 =	vadd.f32 v12, v9;
	s25 =	sadd.s32 s6, s3;
	s3 =	sand.u32 $0x3FFFFF80, s5  }
0x222: {  	v7 =	vadd.f32 v11, v7;
	v8 =	vadd.f32 v8, v13;
	v13 =	vld [tilespmem:s3+$0x0]  }
0x223: {  	v15 =	vadd.f32 v16, v26;
	v17 =	vsub.f32 v2, v37;
	v62 =	vperm.xlane v9, v57;
	v16 =	vld [tilespmem:s3+$0x10]  }
0x224: {  	v2 =	vadd.f32 v1, v50;
	v29 =	vperm.xlane v10, v28;
	v7 =	vadd.f32 v8, v7;
	v14 =	vld [tilespmem:s3+$0x20]  }
0x225: {  	v8 =	vadd.f32 v9, v62;
	v9 =	vadd.f32 $9.999999960e-13, v30;
	v30 =	vld [tilespmem:s3+$0x30]  }
0x226: {  	v25 =	vimm.s32 $0x0;
	v24 =	vsub.f32 v21, v18;
	v10 =	vadd.f32 v10, v29;
	s6 =	sshll.u32 s25, $0x9;
	v21 =	vld [tilespmem:s3+$0x40]  }
0x227: {  	v26 =	vperm.xlane v2, v25;
	v25 =	vsub.f32 v31, v18;
	v31 =	vld [tilespmem:s3+$0x50];
	s5 =	sshra.s32 s6, $0x2  }
0x228: {  	v10 =	vsel vm0, v15, v10;
	v12 =	vld [tilespmem:s5+$0xD400]  }
0x229: {  	[tilespmem:$0x1FD60] =	vst v4;
	(v2sf) =	vpush v27, $0x0;
	v4 =	vperm.xlane v7, v63;
	v15 =	vperm.xlane v10, v52;
	v19 =	vld [tilespmem:s5+$0xD410]  }
0x22a: {  	v50 =	vimm.s32 $0x8;
	[tilespmem:$0x1FCD0] =	vst v24;
	v24 =	vsub.f32 v34, v18;
	v28 =	vsub.f32 v5, v18;
	v20 =	vld [tilespmem:s5+$0xD420]  }
0x22b: {  	v2 =	vperm.xlane v2, v50;
	v7 =	vadd.f32 v7, v4;
	v10 =	vadd.f32 v10, v15;
	v15 =	vld [tilespmem:s5+$0xD430]  }
0x22c: {  	v5 =	vmul.f32 $7.812500000e-03, v26;
	v26 =	vsub.f32 v35, v18;
	v62 =	vsub.f32 v32, v18;
	v0 =	vld [tilespmem:s5+$0xD440]  }
0x22d: {  	v57 =	vshra.s32 v9, $0x1;
	v50 =	vmul.f32 $5.000000000e-01, v9;
	v37 =	vsel vm0, v8, v7;
	v35 =	vld [tilespmem:s5+$0xD450]  }
0x22e: {  	v32 =	vsub.s32 $0x5F3759DF, v57;
	v27 =	vld [tilespmem:s5+$0xD460];
	v52 =	vperm.xlane v37, v52;
	v9 =	vperm.xlane v10, v54  }
0x22f: {  	v63 =	vsub.f32 v36, v18;
	v8 =	vsub.f32 v33, v18;
	v29 =	vmul.f32 v32, v50;
	v50 =	vld [tilespmem:s3+$0x70]  }
0x230: {  	v54 =	vld [tilespmem:s3+$0x60];
	v36 =	vadd.f32 v37, v52;
	v33 =	vadd.f32 v10, v9  }
0x231: {  	v57 =	vld [tilespmem:s5+$0xD470];
	v9 =	vadd.f32 v12, v13;
	v11 =	vadd.f32 v19, v16  }
0x232: {  	v10 =	vmul.f32 v32, v29;
	v18 =	vadd.f32 v20, v14;
	v19 =	vadd.f32 v15, v30  }
0x233: {  	v1 =	vadd.f32 v0, v21;
	v52 =	vadd.f32 v35, v31  }
0x234: {  	[tilespmem:$0x1FD50] =	vst v3;
	v20 =	vsub.f32 $1.500000000e+00, v10;
	v21 =	vmul.f32 v9, v9;
	v23 =	vmul.f32 v11, v11  }
0x235: {  	[tilespmem:$0x1FCF0] =	vst v24;
	v3 =	vadd.f32 v27, v54;
	v14 =	vmul.f32 v18, v18;
	v15 =	vmul.f32 v19, v19  }
0x236: {  	v24 =	vmovc v18;
	v27 =	vadd.f32 v57, v50;
	v29 =	vmul.f32 v1, v1;
	v0 =	vmul.f32 v32, v20;
	v20 =	vld [tilespmem:$0x1FC50]  }
0x237: {  	v30 =	vld [tilespmem:$0x1FC60];
	[tilespmem:$0x1FDD0] =	vst v18;
	v50 =	vmul.f32 v52, v52;
	v18 =	vadd.f32 v11, v9;
	v10 =	vadd.f32 v23, v21  }
0x238: {  	[tilespmem:$0x1FDC0] =	vst v11;
	s25 =	spop (v2sf);
	v12 =	vadd.f32 v15, v14;
	v57 =	vmul.f32 v3, v3;
	v16 =	vmul.f32 v27, v27;
	v15 =	vld [tilespmem:$0x1FC30]  }
0x239: {  	[tilespmem:$0x1FDE0] =	vst v19;
	v11 =	vld [tilespmem:$0x1FC10];
	v19 =	vadd.f32 v19, v24;
	v13 =	vadd.f32 v50, v29;
	s5 =	smul.u32 $0xC8, s25  }
0x23a: {  	s6 =	sor.u32 $0x7, s23;
	v29 =	vadd.f32 v16, v57;
	v10 =	vadd.f32 v12, v10;
	v12 =	vld [tilespmem:$0x1FC20]  }
0x23b: {  	v57 =	vadd.f32 v19, v18;
	v16 =	vmul.f32 v0, v58;
	v19 =	vld [tilespmem:$0x1FC40];
	s5 =	sadd.s32 s6, s5;
	v58 =	vsub.f32 v20, v5  }
0x23c: {  	s5 =	sshll.u32 s5, $0x9;
	v20 =	vsub.f32 v30, v5;
	v30 =	vsub.f32 v45, v5;
	v45 =	vld [tilespmem:$0x1FFE0]  }
0x23d: {  	v6 =	vadd.f32 $9.999999960e-13, v6;
	s25 =	sshra.s32 s5, $0x2;
	v23 =	vmul.f32 v0, v15;
	v15 =	vld [tilespmem:$0x1FFF0]  }
0x23e: {  	v24 =	vadd.f32 v52, v1;
	[tilespmem:$0x1FE20] =	vst v27;
	v27 =	vadd.f32 v27, v3;
	v32 =	vld [tilespmem:s25+$0xD400]  }
0x23f: {  	v4 =	vmul.f32 $7.812500000e-03, v2;
	v7 =	vmul.f32 v5, v5;
	v34 =	vld [tilespmem:s25+$0xD410]  }
0x240: {  	v37 =	vshra.s32 v6, $0x1;
	v6 =	vmul.f32 $5.000000000e-01, v6;
	[tilespmem:$0x1FDF0] =	vst v1;
	v1 =	vadd.f32 v27, v24;
	v54 =	vld [tilespmem:s25+$0xD420]  }
0x241: {  	v37 =	vsub.s32 $0x5F3759DF, v37;
	v35 =	vmul.f32 v0, v55;
	v55 =	vld [tilespmem:s25+$0xD430]  }
0x242: {  	v22 =	vsub.f32 v4, v7;
	v6 =	vmul.f32 v37, v6;
	v4 =	vadd.f32 v1, v57;
	v57 =	vld [tilespmem:s25+$0xD440]  }
0x243: {  	v18 =	vmul.f32 v0, v59;
	v59 =	vld [tilespmem:s25+$0xD450]  }
0x244: {  	v7 =	vmul.f32 v37, v6;
	s6 =	sshll.u32 s6, $0x7;
	v2 =	vadd.f32 v29, v13;
	v29 =	vsub.f32 v60, v5;
	v60 =	vld [tilespmem:s25+$0xD460]  }
0x245: {  	v27 =	vsub.f32 v61, v5;
	s5 =	sand.u32 $0x3FFFFF80, s6;
	v61 =	vld [tilespmem:s25+$0xD470]  }
0x246: {  	v13 =	vsub.f32 $1.500000000e+00, v7;
	v7 =	vld [tilespmem:s5+$0x0]  }
0x247: {  	v6 =	vld [tilespmem:s5+$0x10]  }
0x248: {  	v14 =	vmul.f32 v0, v56;
	v56 =	vadd.f32 v2, v10;
	v10 =	vld [tilespmem:$0x1FFD0]  }
0x249: {  	v21 =	vmul.f32 v37, v13;
	v13 =	vld [tilespmem:$0x1FFF0]  }
0x24a: {  	[tilespmem:$0x1FCE0] =	vst v8;
	v8 =	vld [tilespmem:s5+$0x30]  }
0x24b: {  	v17 =	vadd.f32 $9.999999960e-13, v17;
	[tilespmem:$0x1FE10] =	vst v3;
	v3 =	vld [tilespmem:s5+$0x60]  }
0x24c: {  	v47 =	vsub.f32 v47, v5;
	v46 =	vsub.f32 v46, v5;
	v24 =	vmul.f32 v0, v12;
	v12 =	vld [tilespmem:s5+$0x20]  }
0x24d: {  	v22 =	vadd.f32 $9.999999960e-13, v22;
	v31 =	vmul.f32 $5.000000000e-01, v17;
	[tilespmem:$0x1FE00] =	vst v52;
	v52 =	vperm.xlane v33, v45;
	v45 =	vld [tilespmem:$0x1FC70]  }
0x24e: {  	v17 =	vshra.s32 v17, $0x1;
	v11 =	vmul.f32 v0, v11;
	v2 =	vperm.xlane v56, v15;
	v15 =	vld [tilespmem:$0x1FCB0]  }
0x24f: {  	v37 =	vsub.f32 v44, v5;
	v50 =	vmul.f32 v0, v19;
	v33 =	vadd.f32 v33, v52;
	v52 =	vld [tilespmem:$0x1FC80]  }
0x250: {  	[tilespmem:$0x1FDB0] =	vst v9;
	v0 =	vperm.xlane v36, v10;
	v1 =	vperm.xlane v4, v13;
	v9 =	vadd.f32 v56, v2;
	v56 =	vld [tilespmem:s5+$0x50]  }
0x251: {  	v43 =	vmul.f32 v21, v43;
	v44 =	vadd.f32 v55, v8;
	v13 =	vadd.f32 v54, v12;
	v54 =	vld [tilespmem:$0x1FC90]  }
0x252: {  	v12 =	vld [tilespmem:$0x1FCA0];
	v36 =	vadd.f32 v36, v0;
	v0 =	vsub.s32 $0x5F3759DF, v17;
	v10 =	vadd.f32 v4, v1  }
0x253: {  	v17 =	vld [tilespmem:s5+$0x40];
	v19 =	vmul.f32 v0, v31;
	v31 =	vadd.f32 v32, v7;
	v7 =	vmul.f32 v21, v42  }
0x254: {  	v1 =	vld [tilespmem:s5+$0x70];
	v32 =	vmul.f32 v21, v45;
	v42 =	vadd.f32 v34, v6;
	v6 =	vmul.f32 v21, v15  }
0x255: {  	v9 =	vsel vm0, v10, v9;
	v34 =	vmul.f32 v21, v52;
	v2 =	vmul.f32 v0, v19  }
0x256: {  	v52 =	vadd.f32 v42, v31;
	v54 =	vmul.f32 v21, v54;
	v4 =	vadd.f32 v59, v56  }
0x257: {  	v5 =	vmul.f32 v21, v12;
	v12 =	vadd.f32 v60, v3;
	v2 =	vsub.f32 $1.500000000e+00, v2  }
0x258: {  	[tilespmem:$0x1FE70] =	vst v44;
	v19 =	vld [tilespmem:$0x1FCC0];
	v3 =	vmul.f32 v42, v42;
	v56 =	vmul.f32 v13, v13;
	v45 =	vadd.f32 v57, v17  }
0x259: {  	[tilespmem:$0x1FE40] =	vst v31;
	v8 =	vadd.f32 v61, v1;
	v15 =	vmul.f32 v12, v12;
	v55 =	vmul.f32 v0, v2  }
0x25a: {  	[tilespmem:$0x1FE50] =	vst v42;
	v17 =	vadd.f32 v44, v13;
	v2 =	vmul.f32 v31, v31;
	v31 =	vmul.f32 v44, v44  }
0x25b: {  	[tilespmem:$0x1FE80] =	vst v45;
	v42 =	vadd.f32 v4, v45;
	v44 =	vadd.f32 v8, v12;
	v45 =	vmul.f32 v45, v45  }
0x25c: {  	v57 =	vadd.f32 v17, v52;
	v52 =	vmul.f32 v4, v4;
	v17 =	vmul.f32 v8, v8  }
0x25d: {  	[tilespmem:$0x1FE60] =	vst v13;
	v21 =	vmul.f32 v21, v19;
	v13 =	vadd.f32 v44, v42;
	v2 =	vadd.f32 v3, v2  }
0x25e: {  	v19 =	vadd.f32 v31, v56;
	v1 =	vadd.f32 v52, v45;
	v56 =	vmul.f32 v55, v63  }
0x25f: {  	v0 =	vadd.f32 v17, v15;
	v28 =	vmul.f32 v55, v28;
	v3 =	vmul.f32 v55, v25  }
0x260: {  	v42 =	vld [tilespmem:$0x1FCD0];
	v44 =	vimm.s32 $0x0;
	v26 =	vmul.f32 v55, v26;
	v45 =	vshra.s32 v22, $0x1  }
0x261: {  	v22 =	vmul.f32 $5.000000000e-01, v22;
	v52 =	vimm.s32 $0x8;
	v15 =	vld [tilespmem:$0x1FFE0];
	v63 =	vimm.s32 $0x0  }
0x262: {  	v17 =	vld [tilespmem:$0x1FFC0];
	v25 =	vperm.xlane v33, v44;
	v59 =	vsub.s32 $0x5F3759DF, v45;
	v33 =	vperm.xlane v33, v52  }
0x263: {  	v31 =	vld [tilespmem:$0x1FFF0];
	v2 =	vadd.f32 v19, v2;
	v0 =	vadd.f32 v0, v1;
	v22 =	vmul.f32 v59, v22  }
0x264: {  	[tilespmem:$0x1FE90] =	vst v4;
	v44 =	vld [tilespmem:$0x1FCF0];
	v4 =	vadd.f32 v13, v57;
	v25 =	vmul.f32 $7.812500000e-03, v25;
	v33 =	vmul.f32 $7.812500000e-03, v33  }
0x265: {  	v13 =	vld [tilespmem:$0x1FCE0];
	v0 =	vadd.f32 v0, v2;
	v22 =	vmul.f32 v59, v22;
	v10 =	vmul.f32 v55, v42  }
0x266: {  	[tilespmem:$0x1FEB0] =	vst v8;
	v19 =	vld [tilespmem:$0x1FFF0];
	v2 =	vimm.s32 $0x8;
	v42 =	vmul.f32 v55, v62;
	v8 =	vmul.f32 v25, v25  }
0x267: {  	v57 =	vperm.xlane v36, v15;
	v41 =	vsub.f32 v41, v25;
	v48 =	vsub.f32 v48, v25  }
0x268: {  	v60 =	vperm.xlane v9, v17;
	v39 =	vsub.f32 v39, v25;
	v15 =	vsub.f32 v38, v25  }
0x269: {  	v49 =	vsub.f32 v49, v25;
	v22 =	vsub.f32 $1.500000000e+00, v22;
	v62 =	vperm.xlane v0, v31  }
0x26a: {  	[tilespmem:$0x1FEA0] =	vst v12;
	v1 =	vmul.f32 v55, v44;
	v12 =	vmul.f32 v55, v13;
	v36 =	vadd.f32 v36, v57  }
0x26b: {  	v45 =	vld [tilespmem:$0x1FFC0];
	v61 =	vperm.xlane v4, v19;
	v9 =	vadd.f32 v9, v60;
	v22 =	vmul.f32 v59, v22  }
0x26c: {  	v13 =	vsub.f32 v40, v25;
	v60 =	vld [tilespmem:$0x1FEF0];
	v57 =	vperm.xlane v36, v63;
	v36 =	vperm.xlane v36, v2  }
0x26d: {  	v0 =	vadd.f32 v0, v62;
	v44 =	vmul.f32 v22, v27;
	v52 =	vmul.f32 v22, v47  }
0x26e: {  	v40 =	vld [tilespmem:$0x1FF00];
	v4 =	vadd.f32 v4, v61;
	v47 =	vmul.f32 v22, v58;
	v46 =	vmul.f32 v22, v46  }
0x26f: {  	v51 =	vsub.f32 v51, v25;
	v59 =	vld [tilespmem:$0x1FED0];
	v55 =	vmul.f32 v22, v30;
	v38 =	vmul.f32 v22, v37  }
0x270: {  	v61 =	vld [tilespmem:$0x1FEC0];
	v57 =	vmul.f32 $7.812500000e-03, v57;
	v36 =	vmul.f32 $7.812500000e-03, v36;
	v0 =	vsel vm0, v4, v0  }
0x271: {  	v33 =	vsub.f32 v33, v8;
	v63 =	vld [tilespmem:$0x1FEE0];
	v18 =	vmul.f32 v18, v60;
	v31 =	vperm.xlane v0, v45  }
0x272: {  	v19 =	vsub.f32 v53, v25;
	v25 =	vld [tilespmem:$0x1FFD0];
	v45 =	vmul.f32 v22, v29;
	v2 =	vmul.f32 v54, v60  }
0x273: {  	v17 =	vld [tilespmem:$0x1FF40];
	v5 =	vmul.f32 v5, v40;
	v3 =	vmul.f32 v3, v60  }
0x274: {  	v53 =	vadd.f32 $9.999999960e-13, v33;
	v58 =	vld [tilespmem:$0x1FF10];
	v26 =	vmul.f32 v26, v40;
	v14 =	vmul.f32 v14, v59  }
0x275: {  	v37 =	vld [tilespmem:$0x1FF20];
	v8 =	vmul.f32 v57, v57;
	v32 =	vmul.f32 v32, v59  }
0x276: {  	v27 =	vld [tilespmem:$0x1FF60];
	v33 =	vshra.s32 v53, $0x1;
	v35 =	vmul.f32 v35, v61;
	v4 =	vmul.f32 v16, v63  }
0x277: {  	v33 =	vsub.s32 $0x5F3759DF, v33;
	v16 =	vperm.xlane v9, v25;
	v7 =	vmul.f32 v7, v61  }
0x278: {  	v29 =	vld [tilespmem:$0x1FFA0];
	v0 =	vadd.f32 v0, v31;
	v34 =	vmul.f32 v34, v63;
	v10 =	vmul.f32 v10, v61  }
0x279: {  	[tilespmem:$0x1FDA0] =	vst v38;
	v38 =	vld [tilespmem:$0x1FF80];
	v28 =	vmul.f32 v28, v63;
	v36 =	vsub.f32 v36, v8;
	v24 =	vmul.f32 v24, v58  }
0x27a: {  	v25 =	vld [tilespmem:$0x1FF50];
	v23 =	vmul.f32 v23, v37;
	v43 =	vmul.f32 v43, v58;
	v9 =	vadd.f32 v9, v16  }
0x27b: {  	v31 =	vld [tilespmem:$0x1FF70];
	v6 =	vmul.f32 v6, v37;
	v8 =	vadd.f32 v35, v17;
	v4 =	vadd.f32 v4, v27  }
0x27c: {  	v35 =	vmul.f32 v22, v20;
	v7 =	vadd.f32 v7, v17;
	v34 =	vadd.f32 v34, v27  }
0x27d: {  	v62 =	vld [tilespmem:$0x1FFD0];
	v22 =	vmul.f32 $5.000000000e-01, v53;
	v10 =	vadd.f32 v10, v17;
	v23 =	vadd.f32 v23, v29  }
0x27e: {  	v16 =	vmul.f32 v11, v40;
	v5 =	vadd.f32 v5, v38;
	v6 =	vadd.f32 v6, v29;
	[tilespmem:$0x1FD90] =	vst v35;
	v35 =	vld [tilespmem:$0x1FF30]  }
0x27f: {  	v36 =	vadd.f32 $9.999999960e-13, v36;
	v22 =	vmul.f32 v33, v22;
	v14 =	vadd.f32 v14, v25  }
0x280: {  	v12 =	vmul.f32 v12, v37;
	v16 =	vadd.f32 v16, v38;
	v11 =	vadd.f32 v18, v31;
	v18 =	vld [tilespmem:$0x1FF90]  }
0x281: {  	v30 =	vld [tilespmem:$0x1FFB0];
	v32 =	vadd.f32 v32, v25;
	v53 =	vadd.f32 v2, v31;
	v22 =	vmul.f32 v33, v22;
	[tilespmem:s24+$0x10] =	vst v14  }
0x282: {  	v3 =	vadd.f32 v3, v31;
	v14 =	vadd.f32 v28, v27;
	[tilespmem:s24+$0x30] =	vst v11;
	v11 =	vperm.xlane v0, v62  }
0x283: {  	[tilespmem:$0x1FD30] =	vst v1;
	v22 =	vsub.f32 $1.500000000e+00, v22;
	v1 =	vmul.f32 v50, v35;
	v21 =	vmul.f32 v21, v35  }
0x284: {  	v50 =	vshra.s32 v36, $0x1;
	v36 =	vmul.f32 $5.000000000e-01, v36;
	v0 =	vadd.f32 v0, v11  }
0x285: {  	v2 =	vld [tilespmem:$0x1FFE0];
	v22 =	vmul.f32 v33, v22;
	v33 =	vadd.f32 v43, v18;
	v43 =	vmul.f32 v56, v59  }
0x286: {  	[tilespmem:s24+$0x0] =	vst v8;
	v62 =	vld [tilespmem:$0x1FD60];
	v54 =	vsub.s32 $0x5F3759DF, v50;
	v20 =	vadd.f32 v1, v30;
	v1 =	vmul.f32 v42, v58  }
0x287: {  	[tilespmem:s24+$0x20] =	vst v4;
	v24 =	vadd.f32 v24, v18;
	v36 =	vmul.f32 v54, v36;
	v41 =	vmul.f32 v22, v41  }
0x288: {  	[tilespmem:s16+$0x0] =	vst v7;
	v42 =	vmul.f32 v22, v13;
	v8 =	vadd.f32 v43, v25;
	v43 =	vmul.f32 v22, v48  }
0x289: {  	[tilespmem:s24+$0x40] =	vst v16;
	v21 =	vadd.f32 v21, v30;
	v28 =	vmul.f32 v22, v39;
	v56 =	vmul.f32 v22, v15  }
0x28a: {  	[tilespmem:s16+$0x10] =	vst v32;
	v50 =	vadd.f32 v12, v29;
	v12 =	vld [tilespmem:$0x1FD00];
	v4 =	vmul.f32 v22, v49;
	v13 =	vperm.xlane v9, v2  }
0x28b: {  	v16 =	vmul.f32 v22, v19;
	v15 =	vld [tilespmem:$0x1FD20];
	v32 =	vsub.f32 v62, v57;
	v62 =	vmul.f32 v44, v59;
	[tilespmem:s16+$0x70] =	vst v21  }
0x28c: {  	v39 =	vld [tilespmem:$0x1FD30];
	v36 =	vmul.f32 v54, v36;
	v21 =	vmul.f32 v55, v37;
	[tilespmem:$0x1FE30] =	vst v56;
	v56 =	vadd.f32 v26, v38  }
0x28d: {  	[tilespmem:s24+$0x60] =	vst v23;
	v49 =	vld [tilespmem:$0x1FD50];
	v26 =	vmul.f32 v22, v51;
	v51 =	vimm.s32 $0x0;
	v9 =	vadd.f32 v9, v13  }
0x28e: {  	v48 =	vld [tilespmem:$0x1FD40];
	[tilespmem:s17+$0x60] =	vst v50;
	v55 =	vmul.f32 v42, v59;
	v50 =	vmul.f32 v28, v60;
	v36 =	vsub.f32 $1.500000000e+00, v36  }
0x28f: {  	[tilespmem:s16+$0x50] =	vst v33;
	v33 =	vmul.f32 v46, v40;
	v22 =	vadd.f32 v1, v18;
	v13 =	vld [tilespmem:$0x1FD10];
	v19 =	vperm.xlane v9, v51  }
0x290: {  	[tilespmem:s16+$0x60] =	vst v6;
	v6 =	vadd.f32 v55, v25;
	v55 =	vadd.f32 v50, v31;
	v23 =	vmul.f32 v54, v36  }
0x291: {  	[tilespmem:s24+$0x70] =	vst v20;
	v54 =	vsub.f32 v12, v57;
	v20 =	vsub.f32 v15, v57;
	v7 =	vmul.f32 v39, v35  }
0x292: {  	v39 =	vsub.f32 v49, v57;
	v12 =	vld [tilespmem:$0x1FD70];
	v15 =	vimm.s32 $0x8;
	v49 =	vmul.f32 $7.812500000e-03, v19  }
0x293: {  	[tilespmem:s24+$0x50] =	vst v24;
	v24 =	vsub.f32 v48, v57;
	v1 =	vperm.xlane v9, v15;
	v19 =	vperm.xlane v0, v2  }
0x294: {  	[tilespmem:s16+$0x40] =	vst v5;
	v4 =	vmul.f32 v4, v58;
	v36 =	vsub.f32 v13, v57;
	v13 =	vld [tilespmem:$0x1FD80];
	v7 =	vadd.f32 v7, v30  }
0x295: {  	[tilespmem:s17+$0x10] =	vst v8;
	v1 =	vmul.f32 $7.812500000e-03, v1;
	v0 =	vadd.f32 v0, v19;
	v44 =	vmul.f32 v49, v49  }
0x296: {  	v2 =	vimm.s32 $0x8;
	v8 =	vmul.f32 v23, v54;
	[tilespmem:s17+$0x70] =	vst v7;
	v7 =	vmul.f32 v23, v39  }
0x297: {  	[tilespmem:s16+$0x30] =	vst v53;
	v48 =	vsub.f32 v12, v57;
	v5 =	vsub.f32 v1, v44;
	v53 =	vperm.xlane v0, v51  }
0x298: {  	v0 =	vperm.xlane v0, v2;
	v12 =	vmul.f32 v23, v24;
	v24 =	vadd.f32 v21, v29  }
0x299: {  	[tilespmem:s16+$0x20] =	vst v34;
	v34 =	vsub.f32 v13, v57;
	v57 =	vmul.f32 v45, v61;
	v45 =	vmul.f32 v52, v63  }
0x29a: {  	v52 =	vmul.f32 v47, v60;
	v13 =	vadd.f32 v62, v25;
	v21 =	vmul.f32 v23, v48;
	v48 =	vld [tilespmem:$0x1FE00]  }
0x29b: {  	[tilespmem:s17+$0x0] =	vst v10;
	v1 =	vmul.f32 $7.812500000e-03, v53;
	v47 =	vmul.f32 v41, v61;
	v9 =	vadd.f32 v57, v17;
	v57 =	vld [tilespmem:$0x1FD90]  }
0x29c: {  	[tilespmem:s17+$0x30] =	vst v3;
	v0 =	vmul.f32 $7.812500000e-03, v0;
	v53 =	vadd.f32 v33, v38;
	v10 =	vadd.f32 v45, v27;
	v45 =	vld [tilespmem:$0x1FDA0]  }
0x29d: {  	[tilespmem:s17+$0x50] =	vst v22;
	v44 =	vadd.f32 v52, v31;
	v52 =	vmul.f32 v1, v1;
	v39 =	vadd.f32 v47, v17;
	v47 =	vld [tilespmem:$0x1FDF0]  }
0x29e: {  	v4 =	vadd.f32 v4, v18;
	v20 =	vmul.f32 v23, v20;
	v22 =	vmul.f32 v23, v32;
	[tilespmem:s18+$0x40] =	vst v53;
	v53 =	vld [tilespmem:$0x1FE20]  }
0x29f: {  	v7 =	vmul.f32 v7, v40;
	[tilespmem:s18+$0x10] =	vst v13;
	v13 =	vmul.f32 v23, v34;
	v0 =	vsub.f32 v0, v52  }
0x2a0: {  	v5 =	vadd.f32 $9.999999960e-13, v5;
	v33 =	vmul.f32 v23, v36;
	[tilespmem:s18+$0x60] =	vst v24;
	v12 =	vmul.f32 v12, v60  }
0x2a1: {  	[tilespmem:s18+$0x30] =	vst v44;
	v44 =	vld [tilespmem:$0x1FDD0];
	v13 =	vmul.f32 v13, v35;
	v24 =	vsub.f32 v48, v49;
	v0 =	vadd.f32 $9.999999960e-13, v0  }
0x2a2: {  	[tilespmem:s17+$0x20] =	vst v14;
	v52 =	vld [tilespmem:$0x1FE10];
	v62 =	vmul.f32 v57, v58;
	v46 =	vmul.f32 v45, v35;
	v57 =	vshra.s32 v5, $0x1  }
0x2a3: {  	[tilespmem:s17+$0x40] =	vst v56;
	v54 =	vld [tilespmem:$0x1FE30];
	v5 =	vmul.f32 $5.000000000e-01, v5;
	v23 =	vsub.f32 v47, v49;
	v15 =	vsub.f32 v53, v49  }
0x2a4: {  	[tilespmem:s22+$0x10] =	vst v6;
	v14 =	vsub.s32 $0x5F3759DF, v57;
	v32 =	vshra.s32 v0, $0x1;
	v0 =	vmul.f32 $5.000000000e-01, v0  }
0x2a5: {  	[tilespmem:s22+$0x30] =	vst v55;
	v57 =	vmul.f32 v26, v37;
	v26 =	vmul.f32 v8, v61;
	v62 =	vadd.f32 v62, v18  }
0x2a6: {  	[tilespmem:s22+$0x50] =	vst v4;
	v5 =	vmul.f32 v14, v5;
	v34 =	vadd.f32 v46, v30;
	v36 =	vsub.s32 $0x5F3759DF, v32  }
0x2a7: {  	v42 =	vld [tilespmem:$0x1FDC0];
	[tilespmem:s18+$0x0] =	vst v9;
	v2 =	vsub.f32 v44, v49;
	v46 =	vmul.f32 v43, v63;
	v28 =	vsub.f32 v52, v49  }
0x2a8: {  	[tilespmem:s18+$0x20] =	vst v10;
	v45 =	vld [tilespmem:$0x1FDE0];
	v32 =	vmul.f32 v54, v40;
	v43 =	vmul.f32 v22, v58;
	v44 =	vadd.f32 v12, v31  }
0x2a9: {  	v41 =	vld [tilespmem:$0x1FDB0];
	[tilespmem:s22+$0x0] =	vst v39;
	v52 =	vadd.f32 v13, v30;
	v0 =	vmul.f32 v36, v0;
	v39 =	vadd.f32 v26, v17  }
0x2aa: {  	v5 =	vmul.f32 v14, v5;
	[tilespmem:s18+$0x50] =	vst v62;
	v9 =	vadd.f32 v46, v27;
	v56 =	vadd.f32 v32, v38  }
0x2ab: {  	[tilespmem:s18+$0x70] =	vst v34;
	v32 =	vmul.f32 v33, v59;
	v33 =	vadd.f32 v57, v29;
	v0 =	vmul.f32 v36, v0  }
0x2ac: {  	v62 =	vmul.f32 v16, v35;
	v46 =	vadd.f32 v7, v38;
	[tilespmem:s7+$0x30] =	vst v44;
	v5 =	vsub.f32 $1.500000000e+00, v5  }
0x2ad: {  	[tilespmem:s7+$0x70] =	vst v52;
	v19 =	vsub.f32 v45, v49;
	v45 =	vmul.f32 v21, v37;
	v0 =	vsub.f32 $1.500000000e+00, v0  }
0x2ae: {  	v16 =	vld [tilespmem:$0x1FE40];
	[tilespmem:s7+$0x0] =	vst v39;
	v3 =	vmul.f32 v14, v5;
	v5 =	vsub.f32 v41, v49;
	v14 =	vsub.f32 v42, v49  }
0x2af: {  	v48 =	vadd.f32 v43, v18;
	v21 =	vld [tilespmem:$0x1FE50];
	[tilespmem:s22+$0x20] =	vst v9;
	v0 =	vmul.f32 v36, v0;
	v36 =	vmul.f32 v20, v63  }
0x2b0: {  	[tilespmem:s22+$0x40] =	vst v56;
	v34 =	vadd.f32 v62, v30;
	v5 =	vmul.f32 v3, v5;
	v47 =	vmul.f32 v3, v14  }
0x2b1: {  	[tilespmem:s22+$0x60] =	vst v33;
	v50 =	vadd.f32 v45, v29;
	v2 =	vmul.f32 v3, v2;
	v49 =	vmul.f32 v3, v19  }
0x2b2: {  	[tilespmem:s7+$0x40] =	vst v46;
	v41 =	vadd.f32 v32, v25;
	v55 =	vmul.f32 v3, v23;
	v57 =	vmul.f32 v3, v24  }
0x2b3: {  	[tilespmem:s7+$0x50] =	vst v48;
	v45 =	vld [tilespmem:$0x1FE80];
	v62 =	vmul.f32 v3, v28;
	v19 =	vsub.f32 v16, v1;
	v3 =	vmul.f32 v3, v15  }
0x2b4: {  	[tilespmem:s22+$0x70] =	vst v34;
	v22 =	vsub.f32 v21, v1;
	v5 =	vmul.f32 v5, v61;
	v7 =	vmul.f32 v47, v59  }
0x2b5: {  	v52 =	vld [tilespmem:$0x1FEA0];
	[tilespmem:s7+$0x60] =	vst v50;
	v42 =	vadd.f32 v36, v27;
	v2 =	vmul.f32 v2, v63;
	v11 =	vmul.f32 v49, v60  }
0x2b6: {  	[tilespmem:s7+$0x10] =	vst v41;
	v36 =	vld [tilespmem:$0x1FE60];
	v20 =	vmul.f32 v57, v58;
	v24 =	vmul.f32 v62, v37;
	v53 =	vadd.f32 v5, v17  }
0x2b7: {  	v26 =	vmul.f32 v0, v19;
	v3 =	vmul.f32 v3, v35;
	[tilespmem:s7+$0x20] =	vst v42;
	v42 =	vld [tilespmem:$0x1FE70];
	v54 =	vadd.f32 v7, v25  }
0x2b8: {  	v32 =	vmul.f32 v0, v22;
	v9 =	vsub.f32 v45, v1;
	v2 =	vadd.f32 v2, v27;
	[tilespmem:s3+$0x0] =	vst v53  }
0x2b9: {  	v48 =	vld [tilespmem:$0x1FE90];
	v56 =	vadd.f32 v11, v31;
	v7 =	vmul.f32 v55, v40;
	v28 =	vadd.f32 v20, v18;
	[tilespmem:s3+$0x10] =	vst v54  }
0x2ba: {  	v33 =	vadd.f32 v24, v29;
	v50 =	vmul.f32 v0, v9;
	v9 =	vsub.f32 v52, v1;
	v55 =	vld [tilespmem:$0x1FEB0];
	[tilespmem:s3+$0x20] =	vst v2  }
0x2bb: {  	v34 =	vmul.f32 v26, v61;
	v3 =	vadd.f32 v3, v30;
	v39 =	vsub.f32 v36, v1;
	[tilespmem:s3+$0x30] =	vst v56  }
0x2bc: {  	v41 =	vmul.f32 v32, v59;
	[tilespmem:s3+$0x50] =	vst v28;
	v57 =	vmul.f32 v0, v9;
	v8 =	vsub.f32 v42, v1  }
0x2bd: {  	v23 =	vadd.f32 v7, v38;
	v43 =	vadd.f32 v34, v17;
	[tilespmem:s3+$0x60] =	vst v33;
	v44 =	vmul.f32 v0, v39  }
0x2be: {  	[tilespmem:s3+$0x70] =	vst v3;
	v61 =	vmul.f32 v57, v37;
	v47 =	vmul.f32 v0, v8;
	v8 =	vsub.f32 v48, v1  }
0x2bf: {  	v46 =	vadd.f32 v41, v25;
	[tilespmem:s3+$0x40] =	vst v23;
	v49 =	vmul.f32 v44, v63;
	v1 =	vsub.f32 v55, v1  }
0x2c0: {  	v56 =	vmul.f32 v50, v40;
	[tilespmem:s5+$0x0] =	vst v43;
	v63 =	vadd.f32 v61, v29;
	v54 =	vmul.f32 v0, v8  }
0x2c1: {  	[tilespmem:s5+$0x10] =	vst v46;
	v53 =	vmul.f32 v47, v60;
	v2 =	vadd.f32 v49, v27;
	v0 =	vmul.f32 v0, v1  }
0x2c2: {  	p0 =	slt.u32 s23, $0x60;
	v60 =	vadd.f32 v56, v38;
	[tilespmem:s5+$0x60] =	vst v63;
	v59 =	vmul.f32 v54, v58  }
.Ltmp3:
0x2c3: {  	v3 =	vadd.f32 v53, v31;
	[tilespmem:s5+$0x20] =	vst v2;
	v0 =	vmul.f32 v0, v35;
	(pc) =	sbr.rel @p0 .LBB2_5-.Ltmp3, $4  }
0x2c4: {  	[tilespmem:s5+$0x40] =	vst v60;
	v62 =	vadd.f32 v59, v18  }
0x2c5: {  	[tilespmem:s5+$0x30] =	vst v3;
	v0 =	vadd.f32 v0, v30  }
0x2c6: {  	s25 =	sadd.s32 $0x8, s23;
	[tilespmem:s5+$0x50] =	vst v62  }
0x2c7: {  	s23 =	smov.u32 s25;
	[tilespmem:s5+$0x70] =	vst v0  }
0x2c8: {  	s3 =	smul.u32 $0x6400, s4  }
0x2c9: {  	p0 =	seq.s32 s19, $0x3F  }
0x2ca: {  	s5 =	rddreg [dreg:$0x6];
	s4 =	sshrl.u32 @!p0 s21, $0x1;
	s3 =	sshrl.u32 s3, $0x3  }
0x2cb: {  	s4 =	smul.u32 @!p0 $0xC8, s4;
	s24 =	sadd.s32 s5, s3  }
0x2cc: {  	[hbm4b:s24+s8] =	stream.linear.scatter [tilespmem:s8], [sflag:$0x5], $0x3400, $0x38;
	[tilespmem:$0x19E00] =	vst v63  }
0x2cd: {  	s3 =	sadd.s32 @!p0 s9, s4  }
0x2ce: {  	s3 =	sadd.s32 @!p0 $0x190, s3  }
0x2cf: {  	s3 =	sshrl.u32 @!p0 s3, $0x3  }
0x2d0: {  	s6 =	simm.s32 @!p0 $0x0;
	s7 =	simm.s32 @!p0 $0xD000;
	s5 =	sadd.s32 @!p0 s10, s3  }
0x2d1: {  	[tilespmem:s7], [sflag:$0x9] =	stream.linear.gather @!p0 [hbm4b:s5+s6], $0x68, $0x38;
	[tilespmem:$0x19E00] =	vst v63  }
0x2d2: {  	s3 =	sadd.s32 @!p0 s11, s3;
	s5 =	simm.s32 @!p0 $0xD200  }
0x2d3: {  	[tilespmem:s5], [sflag:$0xD] =	stream.linear.gather @!p0 [hbm4b:s3+s6], $0x68, $0x38;
	[tilespmem:$0x19E00] =	vst v63  }
0x2d4: {  	_ =	swait.ge [sflag:s30], $0x3000  }
0x2d5: {  	[sflag:s30] =	ssyncset.done $0x0  }
0x2d6: {  	[sflag:s30] =	ssyncadd.s32 $0xFFFFD000  }
0x2d7: {  	_ =	swait.ge [sflag:s13], $0x60  }
0x2d8: {  	[sflag:s13] =	ssyncset.done $0x0  }
0x2d9: {  	s3 =	simm.s32 @!p1 $0x8;
	[sflag:s13] =	ssyncadd.s32 $0xFFFFFFA0  }
0x2da: {  	_ =	swait.ge @!p1 [sflag:s3], $0x3000  }
0x2db: {  	[sflag:s3] =	ssyncset.done @!p1 $0x0  }
0x2dc: {  	[sflag:s3] =	ssyncadd.s32 @!p1 $0xFFFFD000  }
0x2dd: {  	_ =	swait.ge [sflag:s14], $0x60  }
0x2de: {  	[sflag:s14] =	ssyncset.done $0x0  }
0x2df: {  	s25 =	simm.s32 $0x60;
	[sflag:s14] =	ssyncadd.s32 $0xFFFFFFA0  }
0x2e0: {  	[tilespmem:s15], [sflag:$0x4] =	stream.indirect.gather [hbm4b:s0+s25], $0x80, s1, s25, $0xb8;
	[tilespmem:$0x19E00] =	vst v63  }
0x2e1: {  	v0 =	vld [tilespmem:$0x19D00]  }
0x2e2: {  	v48 =	vld [tilespmem:$0x19D10]  }
0x2e3: {  	v49 =	vld [tilespmem:$0x19D20]  }
0x2e4: {  	v50 =	vld [tilespmem:$0x19D30]  }
0x2e5: {  	v52 =	vld [tilespmem:$0x19D40]  }
0x2e6: {  	v53 =	vld [tilespmem:$0x19D50];
	[tilespmem:$0x1FB10] =	vst v0  }
0x2e7: {  	v54 =	vld [tilespmem:$0x19D60];
	[tilespmem:$0x1FB20] =	vst v48  }
0x2e8: {  	v55 =	vld [tilespmem:$0x19D70];
	[tilespmem:$0x1FB30] =	vst v49  }
0x2e9: {  	v56 =	vld [tilespmem:$0x19D80];
	[tilespmem:$0x1FB40] =	vst v50  }
0x2ea: {  	v57 =	vld [tilespmem:$0x19D90];
	[tilespmem:$0x1FB50] =	vst v52  }
0x2eb: {  	v58 =	vld [tilespmem:$0x19DA0];
	[tilespmem:$0x1FB60] =	vst v53  }
0x2ec: {  	v59 =	vld [tilespmem:$0x19DB0];
	[tilespmem:$0x1FB70] =	vst v54  }
0x2ed: {  	v60 =	vld [tilespmem:$0x19DC0];
	[tilespmem:$0x1FB80] =	vst v55  }
0x2ee: {  	v61 =	vld [tilespmem:$0x19DD0];
	[tilespmem:$0x1FB90] =	vst v56  }
0x2ef: {  	v62 =	vld [tilespmem:$0x19DE0];
	[tilespmem:$0x1FBA0] =	vst v57  }
0x2f0: {  	v63 =	vld [tilespmem:$0x19DF0];
	[tilespmem:$0x1FBB0] =	vst v58  }
0x2f1: {  	[tilespmem:$0x1FBC0] =	vst v59  }
0x2f2: {  	[tilespmem:$0x1FBD0] =	vst v60  }
0x2f3: {  	[tilespmem:$0x1FBE0] =	vst v61  }
0x2f4: {  	[tilespmem:$0x1FBF0] =	vst v62  }
0x2f5: {  	s23 =	simm.s32 $0x0;
	[tilespmem:$0x1FC00] =	vst v63  }
.LBB2_7:
0x2f6: {  	v0 =	vld [tilespmem:s23+$0xD280];
	_ =	sdelay $0x4  }
0x2f7: {  	(v2sf) =	vpush v0, $0x0;
	_ =	sdelay $0xc  }
0x2f8: {  	s5 =	sshll.u32 s23, $0x7;
	v38 =	vld [tilespmem:s23+$0xD281]  }
0x2f9: {  	v52 =	vld [tilespmem:s23+$0xD282];
	s16 =	sand.u32 $0x3FFFFF80, s5  }
0x2fa: {  	v1 =	vld [tilespmem:s16+$0x3400];
	s3 =	spop (v2sf)  }
0x2fb: {  	v3 =	vld [tilespmem:s16+$0x3410];
	s3 =	smul.u32 $0xC8, s3  }
0x2fc: {  	v39 =	vld [tilespmem:s16+$0x3420]  }
0x2fd: {  	v6 =	vld [tilespmem:s16+$0x3430];
	(v2sf) =	vpush v38, $0x0;
	s3 =	sadd.s32 s3, s23  }
0x2fe: {  	v11 =	vld [tilespmem:s16+$0x3440];
	s3 =	sshll.u32 s3, $0x9  }
0x2ff: {  	v13 =	vld [tilespmem:s16+$0x3450];
	s3 =	sadd.s32 $0xD000, s3  }
0x300: {  	v15 =	vld [tilespmem:s16+$0x3460];
	s3 =	sshra.s32 s3, $0x2  }
0x301: {  	v2 =	vld [tilespmem:s3+$0xD400]  }
0x302: {  	v4 =	vld [tilespmem:s3+$0xD410]  }
0x303: {  	v5 =	vld [tilespmem:s3+$0xD420]  }
0x304: {  	v7 =	vld [tilespmem:s3+$0xD430]  }
0x305: {  	v12 =	vld [tilespmem:s3+$0xD440]  }
0x306: {  	v14 =	vld [tilespmem:s3+$0xD450]  }
0x307: {  	v16 =	vld [tilespmem:s3+$0xD460]  }
0x308: {  	v17 =	vld [tilespmem:s16+$0x3470]  }
0x309: {  	v40 =	vld [tilespmem:s3+$0xD470];
	v10 =	vadd.f32 v2, v1;
	v8 =	vadd.f32 v4, v3  }
0x30a: {  	v21 =	vld [tilespmem:$0x1FFF0];
	v9 =	vadd.f32 v5, v39;
	v6 =	vadd.f32 v7, v6  }
0x30b: {  	v18 =	vld [tilespmem:$0x1FFC0];
	v28 =	vadd.f32 v12, v11;
	v26 =	vadd.f32 v14, v13  }
0x30c: {  	v20 =	vld [tilespmem:$0x1FFD0];
	s6 =	sor.u32 $0x80, s5;
	v27 =	vadd.f32 v16, v15;
	v2 =	vmul.f32 v10, v10;
	v41 =	vmul.f32 v8, v8;
	s17 =	spop (v2sf)  }
0x30d: {  	v31 =	vld [tilespmem:s23+$0xD283];
	v42 =	vmul.f32 v9, v9;
	v43 =	vmul.f32 v6, v6;
	(v2sf) =	vpush v52, $0x0;
	s3 =	smul.u32 $0xC8, s17;
	s17 =	sand.u32 $0x3FFFFF80, s6  }
0x30e: {  	v1 =	vadd.f32 v40, v17;
	v44 =	vmul.f32 v28, v28;
	v45 =	vmul.f32 v26, v26;
	v56 =	vld [tilespmem:s17+$0x3400]  }
0x30f: {  	v46 =	vmul.f32 v27, v27;
	v47 =	vadd.f32 v8, v10;
	v48 =	vadd.f32 v6, v9;
	v61 =	vld [tilespmem:s17+$0x3410]  }
0x310: {  	v49 =	vmul.f32 v1, v1;
	v50 =	vadd.f32 v26, v28;
	v16 =	vadd.f32 v1, v27;
	v63 =	vld [tilespmem:s17+$0x3420]  }
0x311: {  	v0 =	vadd.f32 v41, v2;
	v53 =	vadd.f32 v43, v42;
	v36 =	vld [tilespmem:s17+$0x3430];
	s3 =	sadd.s32 s3, s23  }
0x312: {  	v54 =	vadd.f32 v45, v44;
	v55 =	vadd.f32 v49, v46;
	v40 =	vld [tilespmem:s17+$0x3450];
	s3 =	sshll.u32 s3, $0x9  }
0x313: {  	v57 =	vadd.f32 v48, v47;
	v58 =	vadd.f32 v16, v50;
	v29 =	vld [tilespmem:s17+$0x3460];
	s3 =	sadd.s32 $0xD200, s3  }
0x314: {  	v30 =	vld [tilespmem:s17+$0x3470];
	v0 =	vadd.f32 v53, v0;
	v60 =	vadd.f32 v55, v54;
	s3 =	sshra.s32 s3, $0x2  }
0x315: {  	v59 =	vld [tilespmem:s3+$0xD400]  }
0x316: {  	v7 =	vadd.f32 v58, v57;
	v0 =	vadd.f32 v60, v0;
	v62 =	vld [tilespmem:s3+$0xD410]  }
0x317: {  	v22 =	vld [tilespmem:s3+$0xD450]  }
0x318: {  	v34 =	vperm.xlane v7, v21;
	v35 =	vperm.xlane v0, v21;
	v42 =	vld [tilespmem:s3+$0xD460]  }
0x319: {  	v43 =	vld [tilespmem:s3+$0xD470]  }
0x31a: {  	v33 =	vld [tilespmem:s3+$0xD420];
	v7 =	vadd.f32 v7, v34;
	v0 =	vadd.f32 v0, v35  }
0x31b: {  	v37 =	vld [tilespmem:s3+$0xD430]  }
0x31c: {  	v38 =	vld [tilespmem:s17+$0x3440];
	v0 =	vsel vm0, v7, v0;
	v25 =	vadd.f32 v59, v56;
	s18 =	spop (v2sf)  }
0x31d: {  	s22 =	sor.u32 $0x100, s5;
	v39 =	vld [tilespmem:s3+$0xD440];
	v41 =	vperm.xlane v0, v18;
	v5 =	vadd.f32 v62, v61;
	v2 =	vadd.f32 v22, v40;
	s3 =	smul.u32 $0xC8, s18  }
0x31e: {  	s22 =	sand.u32 $0x3FFFFF80, s22;
	v57 =	vld [tilespmem:$0x1FFE0];
	v3 =	vadd.f32 v42, v29;
	v22 =	vadd.f32 v43, v30  }
0x31f: {  	v34 =	vld [tilespmem:s22+$0x3440];
	v4 =	vadd.f32 v33, v63;
	v0 =	vadd.f32 v0, v41;
	s3 =	sadd.s32 s3, s23  }
0x320: {  	v24 =	vadd.f32 v37, v36;
	v63 =	vld [tilespmem:s22+$0x3420];
	v48 =	vmul.f32 v3, v3;
	v52 =	vmul.f32 v22, v22;
	s3 =	sshll.u32 s3, $0x9  }
0x321: {  	v43 =	vld [tilespmem:s22+$0x3430];
	v44 =	vmul.f32 v25, v25;
	(v2sf) =	vpush v31, $0x0;
	v23 =	vperm.xlane v0, v20;
	s3 =	sadd.s32 $0xD400, s3  }
0x322: {  	v45 =	vmul.f32 v4, v4;
	v46 =	vmul.f32 v24, v24;
	v12 =	vadd.f32 v52, v48;
	v48 =	vld [tilespmem:s22+$0x3450];
	s3 =	sshra.s32 s3, $0x2  }
0x323: {  	v32 =	vmul.f32 v5, v5;
	v0 =	vadd.f32 v0, v23;
	v23 =	vadd.f32 v39, v38;
	v42 =	vld [tilespmem:s3+$0xD420]  }
0x324: {  	v47 =	vmul.f32 v2, v2;
	v49 =	vadd.f32 v5, v25;
	v7 =	vadd.f32 v46, v45;
	v45 =	vld [tilespmem:s3+$0xD430]  }
0x325: {  	v54 =	vadd.f32 v22, v3;
	v13 =	vmul.f32 v23, v23;
	v53 =	vadd.f32 v2, v23;
	v35 =	vld [tilespmem:s3+$0xD440]  }
0x326: {  	v50 =	vadd.f32 v24, v4;
	v11 =	vadd.f32 v32, v44;
	v62 =	vperm.xlane v0, v57;
	v38 =	vld [tilespmem:s3+$0xD450]  }
0x327: {  	v13 =	vadd.f32 v47, v13;
	v55 =	vadd.f32 v54, v53;
	v53 =	vld [tilespmem:s22+$0x3470]  }
0x328: {  	v16 =	vadd.f32 v50, v49;
	v0 =	vadd.f32 v0, v62;
	v56 =	vld [tilespmem:s3+$0xD470]  }
0x329: {  	v7 =	vadd.f32 v7, v11;
	v60 =	vadd.f32 v12, v13  }
0x32a: {  	v19 =	vimm.s32 $0x8;
	v39 =	vld [tilespmem:s22+$0x3460];
	v16 =	vadd.f32 v55, v16;
	v33 =	vperm.xlane v0, v51  }
0x32b: {  	v47 =	vld [tilespmem:s23+$0xD284];
	v0 =	vperm.xlane v0, v19;
	v7 =	vadd.f32 v60, v7;
	v63 =	vadd.f32 v42, v63  }
0x32c: {  	v52 =	vld [tilespmem:s3+$0xD460];
	v17 =	vperm.xlane v16, v21;
	v31 =	vadd.f32 v45, v43;
	v35 =	vadd.f32 v35, v34  }
0x32d: {  	s7 =	sor.u32 $0x180, s5;
	v15 =	vld [tilespmem:s22+$0x3400];
	v0 =	vmul.f32 $7.812500000e-03, v0;
	v32 =	vadd.f32 v38, v48;
	v34 =	vadd.f32 v56, v53  }
0x32e: {  	v29 =	vld [tilespmem:s22+$0x3410];
	s18 =	sand.u32 $0x3FFFFF80, s7;
	v44 =	vperm.xlane v7, v21;
	v16 =	vadd.f32 v16, v17;
	v62 =	vmul.f32 v35, v35  }
0x32f: {  	v41 =	vld [tilespmem:s18+$0x3430];
	v38 =	vmul.f32 v32, v32;
	v40 =	vadd.f32 v31, v63;
	v43 =	vadd.f32 v32, v35  }
0x330: {  	v11 =	vld [tilespmem:s18+$0x3410];
	v46 =	vadd.f32 v7, v44;
	v7 =	vmul.f32 $7.812500000e-03, v33;
	s25 =	spop (v2sf);
	(v2sf) =	vpush v47, $0x0  }
0x331: {  	v14 =	vld [tilespmem:s3+$0xD400];
	v42 =	vmul.f32 v34, v34;
	v33 =	vadd.f32 v52, v39;
	s6 =	smul.u32 $0xC8, s25;
	v52 =	vadd.f32 v38, v62  }
0x332: {  	v61 =	vld [tilespmem:s3+$0xD410];
	v16 =	vsel vm0, v16, v46;
	v10 =	vsub.f32 v10, v7;
	v6 =	vsub.f32 v6, v7  }
0x333: {  	v13 =	vld [tilespmem:s18+$0x3450];
	v8 =	vsub.f32 v8, v7;
	v48 =	vmul.f32 v33, v33;
	v36 =	vperm.xlane v16, v18;
	s6 =	sadd.s32 s6, s23  }
0x334: {  	v49 =	vmul.f32 v7, v7;
	v54 =	vsub.f32 v9, v7;
	v44 =	vadd.f32 v34, v33;
	s6 =	sshll.u32 s6, $0x9;
	[tilespmem:$0x1F8E0] =	vst v6;
	v6 =	vld [tilespmem:s18+$0x3400]  }
0x335: {  	[tilespmem:$0x1F8B0] =	vst v10;
	v10 =	vadd.f32 v42, v48;
	v42 =	vld [tilespmem:$0x1FFD0];
	v50 =	vadd.f32 v16, v36;
	s7 =	sadd.s32 $0xD600, s6  }
0x336: {  	v60 =	vmul.f32 v63, v63;
	v30 =	vsub.f32 v0, v49;
	[tilespmem:$0x1F8D0] =	vst v54;
	v54 =	vadd.f32 v44, v43;
	v16 =	vld [tilespmem:s18+$0x3420];
	s3 =	sshra.s32 s7, $0x2  }
0x337: {  	[tilespmem:$0x1F8C0] =	vst v8;
	v36 =	vadd.f32 v61, v29;
	v55 =	vperm.xlane v50, v20;
	v20 =	vadd.f32 v14, v15;
	v8 =	vld [tilespmem:s3+$0xD400]  }
0x338: {  	v44 =	vsub.f32 v26, v7;
	v61 =	vmul.f32 v31, v31;
	v10 =	vadd.f32 v10, v52;
	v14 =	vld [tilespmem:s3+$0xD410]  }
0x339: {  	v59 =	vmul.f32 v36, v36;
	v9 =	vld [tilespmem:s3+$0xD420];
	v58 =	vmul.f32 v20, v20;
	v49 =	vadd.f32 v36, v20  }
0x33a: {  	v46 =	vld [tilespmem:s3+$0xD430];
	v0 =	vadd.f32 v50, v55;
	v50 =	vadd.f32 v61, v60  }
0x33b: {  	v15 =	vld [tilespmem:s18+$0x3440];
	v12 =	vadd.f32 v59, v58;
	v53 =	vadd.f32 v40, v49  }
0x33c: {  	v29 =	vld [tilespmem:s3+$0xD440];
	v56 =	vperm.xlane v0, v57;
	v57 =	vsub.f32 v28, v7;
	v59 =	vsub.f32 v27, v7  }
0x33d: {  	v55 =	vld [tilespmem:s23+$0xD285];
	v40 =	vsub.f32 v1, v7;
	v45 =	vadd.f32 v8, v6  }
0x33e: {  	v61 =	vld [tilespmem:s3+$0xD460];
	v52 =	vadd.f32 v14, v11;
	v12 =	vadd.f32 v50, v12  }
0x33f: {  	v28 =	vld [tilespmem:s3+$0xD450];
	v58 =	vadd.f32 v54, v53;
	v0 =	vadd.f32 v0, v56  }
0x340: {  	s7 =	sor.u32 $0x200, s5;
	v49 =	vld [tilespmem:s18+$0x3470];
	v56 =	vadd.f32 v9, v16;
	v54 =	vadd.f32 v46, v41  }
0x341: {  	s7 =	sand.u32 $0x3FFFFF80, s7;
	[tilespmem:$0x1F8F0] =	vst v57;
	v50 =	vld [tilespmem:s3+$0xD470];
	v57 =	vadd.f32 v29, v15;
	v11 =	vmul.f32 v45, v45;
	v9 =	vmul.f32 v52, v52  }
0x342: {  	v6 =	vld [tilespmem:s7+$0x3410];
	v10 =	vadd.f32 v10, v12;
	v60 =	vperm.xlane v58, v21;
	v62 =	vperm.xlane v0, v51  }
0x343: {  	v12 =	vld [tilespmem:s18+$0x3460];
	s25 =	spop (v2sf);
	(v2sf) =	vpush v55, $0x0;
	v14 =	vmul.f32 v56, v56;
	v15 =	vmul.f32 v54, v54  }
0x344: {  	v29 =	vadd.f32 v54, v56;
	v0 =	vperm.xlane v0, v19;
	s6 =	smul.u32 $0xC8, s25;
	v55 =	vadd.f32 v28, v13;
	v13 =	vld [tilespmem:s7+$0x3400]  }
0x345: {  	v28 =	vadd.f32 v52, v45;
	v9 =	vadd.f32 v9, v11;
	v11 =	vld [tilespmem:s7+$0x3450];
	v48 =	vperm.xlane v10, v21  }
0x346: {  	[tilespmem:$0x1F900] =	vst v59;
	v8 =	vmul.f32 $7.812500000e-03, v62;
	s6 =	sadd.s32 s6, s23;
	v59 =	vadd.f32 v50, v49;
	v50 =	vadd.f32 v15, v14;
	v15 =	vld [tilespmem:s7+$0x3440]  }
0x347: {  	v53 =	vmul.f32 v57, v57;
	v17 =	vadd.f32 v58, v60;
	v10 =	vadd.f32 v10, v48;
	s3 =	sshll.u32 s6, $0x9;
	v48 =	vld [tilespmem:s7+$0x3420]  }
0x348: {  	v0 =	vmul.f32 $7.812500000e-03, v0;
	v60 =	vmul.f32 v55, v55;
	v43 =	vsub.f32 v25, v8;
	v25 =	vld [tilespmem:s7+$0x3470];
	s3 =	sadd.s32 $0xD800, s3  }
0x349: {  	v62 =	vadd.f32 v55, v57;
	v58 =	vadd.f32 v61, v12;
	s3 =	sshra.s32 s3, $0x2;
	v10 =	vsel vm0, v17, v10;
	v17 =	vld [tilespmem:s7+$0x3430]  }
0x34a: {  	v22 =	vsub.f32 v22, v8;
	v61 =	vmul.f32 v59, v59;
	v51 =	vadd.f32 v60, v53;
	v12 =	vld [tilespmem:s3+$0xD400]  }
0x34b: {  	v9 =	vadd.f32 v50, v9;
	v50 =	vsub.f32 v5, v8;
	v27 =	vmul.f32 v58, v58;
	v46 =	vld [tilespmem:s3+$0xD410]  }
0x34c: {  	v5 =	vsub.f32 v3, v8;
	v47 =	vadd.f32 v59, v58;
	v14 =	vld [tilespmem:s3+$0xD420];
	v60 =	vperm.xlane v10, v18  }
0x34d: {  	v38 =	vmul.f32 v8, v8;
	v26 =	vld [tilespmem:s3+$0xD440];
	v53 =	vadd.f32 v61, v27;
	v61 =	vadd.f32 v29, v28  }
0x34e: {  	[tilespmem:$0x1F920] =	vst v50;
	v50 =	vld [tilespmem:s23+$0xD286];
	v62 =	vadd.f32 v47, v62;
	v10 =	vadd.f32 v10, v60  }
0x34f: {  	v38 =	vsub.f32 v0, v38;
	v29 =	vld [tilespmem:s3+$0xD430];
	v37 =	vadd.f32 v53, v51  }
0x350: {  	[tilespmem:$0x1F910] =	vst v43;
	v43 =	vsub.f32 v2, v8;
	v28 =	vld [tilespmem:s7+$0x3460];
	v27 =	vadd.f32 v62, v61;
	v0 =	vperm.xlane v10, v42  }
0x351: {  	v51 =	vsub.f32 v4, v8;
	v62 =	vld [tilespmem:$0x1FFE0];
	v9 =	vadd.f32 v37, v9  }
0x352: {  	v53 =	vsub.f32 v24, v8;
	v47 =	vperm.xlane v27, v21;
	v0 =	vadd.f32 v10, v0;
	v10 =	vld [tilespmem:s3+$0xD460];
	s25 =	spop (v2sf)  }
0x353: {  	v60 =	vld [tilespmem:s3+$0xD470];
	v61 =	vsub.f32 v23, v8;
	[tilespmem:$0x1F930] =	vst v51;
	v51 =	vadd.f32 v26, v15;
	v49 =	vperm.xlane v9, v21;
	s6 =	smul.u32 $0xC8, s25;
	s25 =	sor.u32 $0x280, s5  }
0x354: {  	v7 =	vld [tilespmem:s3+$0xD450];
	v39 =	vadd.f32 v29, v17;
	v16 =	vadd.f32 v27, v47;
	s3 =	sand.u32 $0x3FFFFF80, s25  }
0x355: {  	v47 =	vadd.f32 v12, v13;
	v9 =	vadd.f32 v9, v49;
	v12 =	vld [tilespmem:s3+$0x3410]  }
0x356: {  	v49 =	vadd.f32 v46, v6;
	v46 =	vadd.f32 v14, v48;
	v14 =	vld [tilespmem:s3+$0x3420]  }
0x357: {  	(v2sf) =	vpush v50, $0x0;
	v4 =	vperm.xlane v0, v62;
	v50 =	vadd.f32 v10, v28;
	v10 =	vld [tilespmem:s3+$0x3430]  }
0x358: {  	[tilespmem:$0x1F940] =	vst v53;
	v53 =	vadd.f32 v60, v25;
	v42 =	vmul.f32 v51, v51;
	v17 =	vmul.f32 v39, v39;
	s6 =	sadd.s32 s6, s23;
	v60 =	vld [tilespmem:s3+$0x3440]  }
0x359: {  	v13 =	vmul.f32 v47, v47;
	v48 =	vadd.f32 v7, v11;
	v8 =	vadd.f32 v0, v4;
	v62 =	vld [tilespmem:s3+$0x3450];
	s6 =	sshll.u32 s6, $0x9  }
0x35a: {  	v4 =	vmul.f32 v53, v53;
	v29 =	vld [tilespmem:s3+$0x3460];
	v9 =	vsel vm0, v16, v9;
	v37 =	vmul.f32 v49, v49;
	s6 =	sadd.s32 $0xDA00, s6  }
0x35b: {  	[tilespmem:$0x1F970] =	vst v22;
	v16 =	vld [tilespmem:s3+$0x3400];
	v41 =	vmul.f32 v46, v46;
	v0 =	vmul.f32 v48, v48;
	v2 =	vadd.f32 v49, v47;
	s6 =	sshra.s32 s6, $0x2  }
0x35c: {  	[tilespmem:$0x1F950] =	vst v61;
	v3 =	vadd.f32 v39, v46;
	v61 =	vadd.f32 v48, v51;
	v19 =	vperm.xlane v9, v18;
	v22 =	vld [tilespmem:s6+$0xD400]  }
0x35d: {  	[tilespmem:$0x1F960] =	vst v5;
	v1 =	vmul.f32 v50, v50;
	v5 =	vadd.f32 v53, v50;
	v13 =	vadd.f32 v37, v13;
	v7 =	vld [tilespmem:s6+$0xD420]  }
0x35e: {  	v11 =	vadd.f32 v17, v41;
	v23 =	vadd.f32 v0, v42;
	v24 =	vld [tilespmem:s6+$0xD430]  }
0x35f: {  	v9 =	vadd.f32 v9, v19;
	v25 =	vadd.f32 v4, v1;
	v19 =	vld [tilespmem:$0x1FFD0]  }
0x360: {  	v27 =	vadd.f32 v3, v2;
	v15 =	vld [tilespmem:s6+$0xD440];
	v17 =	vadd.f32 v5, v61  }
0x361: {  	v26 =	vld [tilespmem:s6+$0xD450];
	v11 =	vadd.f32 v11, v13;
	v37 =	vadd.f32 v25, v23  }
0x362: {  	v41 =	vld [tilespmem:s6+$0xD460]  }
0x363: {  	v6 =	vld [tilespmem:s6+$0xD410];
	v17 =	vadd.f32 v17, v27;
	v23 =	vimm.s32 $0x0;
	v11 =	vadd.f32 v37, v11  }
0x364: {  	v21 =	vperm.xlane v9, v19;
	v3 =	vadd.f32 v22, v16;
	v16 =	vperm.xlane v8, v23  }
0x365: {  	v4 =	vadd.f32 v7, v14;
	v0 =	vadd.f32 v24, v10;
	v23 =	vimm.s32 $0x8  }
0x366: {  	v42 =	vld [tilespmem:s6+$0xD470];
	v22 =	vadd.f32 v15, v60;
	v26 =	vadd.f32 v26, v62;
	v8 =	vperm.xlane v8, v23  }
0x367: {  	v19 =	vld [tilespmem:s3+$0x3470];
	v29 =	vadd.f32 v41, v29;
	v25 =	vmul.f32 v4, v4;
	v27 =	vmul.f32 v0, v0  }
0x368: {  	v23 =	vld [tilespmem:$0x1FFF0];
	v9 =	vadd.f32 v9, v21;
	v21 =	vadd.f32 v6, v12;
	v6 =	vmul.f32 v3, v3;
	s25 =	spop (v2sf)  }
0x369: {  	v28 =	vmul.f32 v22, v22;
	v41 =	vmul.f32 v26, v26;
	s6 =	smul.u32 $0xC8, s25;
	v10 =	vadd.f32 v27, v25;
	v25 =	vld [tilespmem:$0x1FFF0]  }
0x36a: {  	v61 =	vadd.f32 v0, v4;
	v16 =	vmul.f32 $7.812500000e-03, v16;
	v8 =	vmul.f32 $7.812500000e-03, v8;
	v27 =	vld [tilespmem:$0x1FFF0]  }
0x36b: {  	v37 =	vmovc v26;
	v24 =	vmul.f32 v21, v21;
	v60 =	vadd.f32 v21, v3;
	v14 =	vadd.f32 v41, v28;
	v41 =	vld [tilespmem:$0x1FFE0];
	s6 =	sadd.s32 s6, s23  }
0x36c: {  	[tilespmem:$0x1F9A0] =	vst v21;
	v21 =	vadd.f32 v37, v22;
	v37 =	vmul.f32 v16, v16;
	v42 =	vadd.f32 v42, v19;
	v19 =	vld [tilespmem:$0x1FFF0];
	s25 =	sshll.u32 s6, $0x9;
	s6 =	sor.u32 $0x300, s5  }
0x36d: {  	v6 =	vadd.f32 v24, v6;
	v24 =	vld [tilespmem:s23+$0xD287];
	s6 =	sand.u32 $0x3FFFFF80, s6  }
0x36e: {  	v18 =	vmul.f32 v29, v29;
	v13 =	vadd.f32 v61, v60;
	v61 =	vsub.f32 v8, v37;
	v15 =	vld [tilespmem:s6+$0x3410]  }
0x36f: {  	[tilespmem:$0x1F9F0] =	vst v26;
	v60 =	vsub.f32 v33, v16;
	v62 =	vmul.f32 v42, v42;
	v26 =	vperm.xlane v17, v25;
	v25 =	vld [tilespmem:$0x1FFC0]  }
0x370: {  	[tilespmem:$0x1F9E0] =	vst v22;
	v22 =	vadd.f32 v42, v29;
	s25 =	sadd.s32 $0xDC00, s25;
	v28 =	vperm.xlane v11, v27;
	v27 =	vadd.f32 $9.999999960e-13, v30;
	v30 =	vld [tilespmem:s6+$0x3430]  }
0x371: {  	[tilespmem:$0x1FA10] =	vst v42;
	v7 =	vadd.f32 v62, v18;
	s25 =	sshra.s32 s25, $0x2;
	v42 =	vperm.xlane v9, v41;
	v41 =	vsub.f32 v36, v16;
	v36 =	vld [tilespmem:s6+$0x3440]  }
0x372: {  	v6 =	vadd.f32 v10, v6;
	v12 =	vadd.f32 v22, v21;
	v18 =	vld [tilespmem:s25+$0xD410]  }
0x373: {  	[tilespmem:$0x1F9B0] =	vst v4;
	v62 =	vsub.f32 v32, v16;
	v4 =	vld [tilespmem:s25+$0xD440];
	v7 =	vadd.f32 v7, v14  }
0x374: {  	[tilespmem:$0x1FA00] =	vst v29;
	v14 =	vld [tilespmem:s6+$0x3400];
	v29 =	vadd.f32 v17, v26;
	v11 =	vadd.f32 v11, v28  }
0x375: {  	v12 =	vadd.f32 v12, v13;
	v17 =	vld [tilespmem:s25+$0xD400];
	(v2sf) =	vpush v24, $0x0  }
0x376: {  	v28 =	vsub.f32 v35, v16;
	v35 =	vld [tilespmem:s25+$0xD450];
	v6 =	vadd.f32 v7, v6;
	v22 =	vsel vm0, v29, v11  }
0x377: {  	v9 =	vadd.f32 v9, v42;
	v1 =	vshra.s32 v27, $0x1;
	v11 =	vld [tilespmem:s6+$0x3420];
	v26 =	vperm.xlane v22, v25  }
0x378: {  	v21 =	vperm.xlane v12, v19;
	v19 =	vld [tilespmem:s25+$0xD420];
	v7 =	vimm.s32 $0x0;
	v24 =	vperm.xlane v6, v23  }
0x379: {  	v8 =	vperm.xlane v9, v7;
	v37 =	vadd.f32 v22, v26;
	v26 =	vsub.f32 v31, v16;
	v31 =	vld [tilespmem:s6+$0x3450]  }
0x37a: {  	v22 =	vimm.s32 $0x8;
	v10 =	vadd.f32 v6, v24;
	v6 =	vsub.f32 v20, v16;
	v20 =	vld [tilespmem:s25+$0xD430]  }
0x37b: {  	v12 =	vadd.f32 v12, v21;
	v21 =	vmul.f32 $7.812500000e-03, v8;
	v23 =	vperm.xlane v9, v22;
	v9 =	vld [tilespmem:$0x1FFD0]  }
0x37c: {  	v42 =	vsub.f32 v63, v16;
	v1 =	vsub.s32 $0x5F3759DF, v1;
	v13 =	vadd.f32 v17, v14;
	v24 =	vld [tilespmem:$0x1FFC0]  }
0x37d: {  	v17 =	vadd.f32 v18, v15;
	v8 =	vmul.f32 v21, v21;
	v7 =	vmul.f32 $7.812500000e-03, v23  }
0x37e: {  	v29 =	vsub.f32 v34, v16;
	v25 =	vld [tilespmem:s6+$0x3460];
	v2 =	vadd.f32 v4, v36;
	v12 =	vsel vm0, v12, v10  }
0x37f: {  	[tilespmem:$0x1F980] =	vst v6;
	v6 =	vmul.f32 $5.000000000e-01, v27;
	v27 =	vld [tilespmem:s25+$0xD460];
	v22 =	vmovc v17;
	v23 =	vsub.f32 v7, v8;
	v8 =	vadd.f32 v19, v11  }
0x380: {  	v63 =	vld [tilespmem:s6+$0x3470];
	[tilespmem:$0x1FA30] =	vst v17;
	v5 =	vadd.f32 v35, v31;
	v31 =	vmul.f32 v17, v17;
	v17 =	vadd.f32 v22, v13  }
0x381: {  	[tilespmem:$0x1F9D0] =	vst v0;
	v18 =	vld [tilespmem:s25+$0xD470];
	v10 =	vperm.xlane v37, v9;
	v0 =	vperm.xlane v12, v24;
	v19 =	vadd.f32 v20, v30  }
0x382: {  	v20 =	vmul.f32 v13, v13;
	v24 =	vadd.f32 $9.999999960e-13, v38;
	v33 =	vmul.f32 v8, v8  }
0x383: {  	v30 =	vmul.f32 v5, v5;
	v32 =	vadd.f32 v37, v10;
	v37 =	vmul.f32 v1, v6  }
0x384: {  	v34 =	vadd.f32 v12, v0;
	v10 =	vadd.f32 v27, v25;
	v35 =	vmovc v19;
	v36 =	vmul.f32 v19, v19  }
0x385: {  	s5 =	sor.u32 $0x380, s5;
	v4 =	vadd.f32 v31, v20;
	v6 =	vadd.f32 v35, v8;
	v0 =	vmul.f32 v1, v37  }
0x386: {  	[tilespmem:$0x1F990] =	vst v3;
	s5 =	sand.u32 $0x3FFFFF80, s5;
	v15 =	vld [tilespmem:$0x1FFE0];
	v25 =	vmul.f32 v2, v2;
	v35 =	vadd.f32 v5, v2;
	v37 =	vadd.f32 v18, v63  }
0x387: {  	[tilespmem:$0x1FA40] =	vst v8;
	v27 =	vshra.s32 v24, $0x1;
	v8 =	vld [tilespmem:s5+$0x3430];
	s25 =	spop (v2sf);
	v3 =	vadd.f32 v36, v33;
	v0 =	vsub.f32 $1.500000000e+00, v0  }
0x388: {  	v31 =	vmul.f32 v10, v10;
	v36 =	vld [tilespmem:$0x1F8B0];
	s25 =	smul.u32 $0xC8, s25;
	v63 =	vmul.f32 v37, v37;
	v7 =	vadd.f32 v37, v10  }
0x389: {  	v11 =	vadd.f32 v30, v25;
	v25 =	vadd.f32 v6, v17;
	[tilespmem:$0x1FA90] =	vst v37;
	v37 =	vld [tilespmem:$0x1F8C0];
	v1 =	vmul.f32 v1, v0  }
0x38a: {  	[tilespmem:$0x1FA80] =	vst v10;
	s25 =	sadd.s32 s25, s23;
	v0 =	vmul.f32 $5.000000000e-01, v24;
	v10 =	vadd.f32 v63, v31;
	v30 =	vadd.f32 v7, v35;
	v24 =	vld [tilespmem:$0x1F8D0]  }
0x38b: {  	s25 =	sshll.u32 s25, $0x9;
	v7 =	vld [tilespmem:s5+$0x3420]  }
0x38c: {  	s25 =	sadd.s32 $0xDE00, s25;
	v31 =	vadd.f32 v10, v11;
	v11 =	vadd.f32 v30, v25;
	v25 =	vld [tilespmem:$0x1F8E0]  }
0x38d: {  	s25 =	sshra.s32 s25, $0x2;
	v30 =	vld [tilespmem:$0x1F8F0]  }
0x38e: {  	v12 =	vsub.s32 $0x5F3759DF, v27;
	v27 =	vld [tilespmem:s25+$0xD400]  }
0x38f: {  	v20 =	vld [tilespmem:s25+$0xD410]  }
0x390: {  	v38 =	vld [tilespmem:s25+$0xD420]  }
0x391: {  	v14 =	vld [tilespmem:s25+$0xD430]  }
0x392: {  	v10 =	vld [tilespmem:s25+$0xD440]  }
0x393: {  	v52 =	vsub.f32 v52, v21;
	v3 =	vadd.f32 v3, v4;
	v9 =	vld [tilespmem:s25+$0xD450]  }
0x394: {  	v33 =	vadd.f32 $9.999999960e-13, v61;
	v61 =	vsub.f32 v45, v21;
	v0 =	vmul.f32 v12, v0;
	v45 =	vld [tilespmem:s25+$0xD460]  }
0x395: {  	v56 =	vsub.f32 v56, v21;
	[tilespmem:$0x1FA70] =	vst v5;
	v16 =	vmul.f32 v1, v37;
	v5 =	vadd.f32 v31, v3;
	v31 =	vld [tilespmem:$0x1F900]  }
0x396: {  	v37 =	vmul.f32 $5.000000000e-01, v33;
	v63 =	vmul.f32 v12, v0;
	v0 =	vshra.s32 v33, $0x1;
	v33 =	vld [tilespmem:$0x1FFF0]  }
0x397: {  	v18 =	vmul.f32 v1, v24;
	v24 =	vsub.f32 v54, v21;
	v54 =	vsub.f32 v57, v21;
	v57 =	vld [tilespmem:s5+$0x3400]  }
0x398: {  	v55 =	vsub.f32 v55, v21;
	v17 =	vsub.f32 $1.500000000e+00, v63;
	v63 =	vld [tilespmem:s5+$0x3410]  }
0x399: {  	v58 =	vsub.f32 v58, v21;
	[tilespmem:$0x1FA50] =	vst v19;
	v19 =	vmul.f32 v1, v25;
	v25 =	vsub.f32 v59, v21;
	v21 =	vld [tilespmem:$0x1FFD0]  }
0x39a: {  	v22 =	vmul.f32 v1, v30;
	v30 =	vld [tilespmem:$0x1FFF0]  }
0x39b: {  	v35 =	vmul.f32 v1, v36;
	v36 =	vmul.f32 v1, v44;
	v59 =	vld [tilespmem:s5+$0x3440]  }
0x39c: {  	v12 =	vmul.f32 v12, v17;
	v17 =	vperm.xlane v32, v15;
	v15 =	vld [tilespmem:$0x1F910]  }
0x39d: {  	v44 =	vmul.f32 v1, v31;
	v31 =	vmul.f32 v1, v40;
	v40 =	vld [tilespmem:s25+$0xD470]  }
0x39e: {  	v3 =	vperm.xlane v5, v33;
	v33 =	vld [tilespmem:$0x1F950]  }
0x39f: {  	v32 =	vadd.f32 v32, v17;
	v17 =	vld [tilespmem:$0x1F920]  }
0x3a0: {  	v5 =	vadd.f32 v5, v3;
	v3 =	vld [tilespmem:s5+$0x3450];
	v1 =	vperm.xlane v34, v21  }
0x3a1: {  	[tilespmem:$0x1FA60] =	vst v2;
	v23 =	vadd.f32 $9.999999960e-13, v23;
	v21 =	vld [tilespmem:$0x1F930]  }
0x3a2: {  	[tilespmem:$0x1FA20] =	vst v13;
	v2 =	vperm.xlane v11, v30;
	v30 =	vld [tilespmem:$0x1F940];
	v13 =	vadd.f32 v34, v1;
	v34 =	vsub.s32 $0x5F3759DF, v0  }
0x3a3: {  	v27 =	vadd.f32 v27, v57;
	v63 =	vadd.f32 v20, v63;
	v20 =	vld [tilespmem:s5+$0x3470];
	v37 =	vmul.f32 v34, v37  }
0x3a4: {  	v43 =	vmul.f32 v12, v43;
	v4 =	vmul.f32 v12, v15;
	v11 =	vadd.f32 v11, v2;
	v0 =	vld [tilespmem:s5+$0x3460]  }
0x3a5: {  	v1 =	vadd.f32 v38, v7;
	v38 =	vmul.f32 v12, v33;
	v2 =	vmul.f32 v34, v37;
	v37 =	vld [tilespmem:$0x1F960]  }
0x3a6: {  	v57 =	vmul.f32 v12, v17;
	v17 =	vadd.f32 v10, v59;
	v6 =	vmul.f32 v12, v21;
	v21 =	vld [tilespmem:$0x1F970]  }
0x3a7: {  	v5 =	vsel vm0, v11, v5;
	v7 =	vmul.f32 v12, v30;
	v2 =	vsub.f32 $1.500000000e+00, v2  }
0x3a8: {  	v30 =	vadd.f32 v14, v8;
	v14 =	vmul.f32 v63, v63;
	v33 =	vmul.f32 v17, v17  }
0x3a9: {  	v8 =	vadd.f32 v45, v0;
	v10 =	vmul.f32 v34, v2;
	v2 =	vadd.f32 v9, v3  }
0x3aa: {  	v3 =	vadd.f32 v40, v20;
	v9 =	vmul.f32 v27, v27;
	v20 =	vmul.f32 v1, v1  }
0x3ab: {  	[tilespmem:$0x1FAA0] =	vst v27;
	v45 =	vimm.s32 $0x8;
	v15 =	vmul.f32 v12, v37;
	v12 =	vmul.f32 v12, v21  }
0x3ac: {  	[tilespmem:$0x1FAC0] =	vst v30;
	v37 =	vadd.f32 v63, v27;
	v27 =	vadd.f32 v30, v1;
	v30 =	vmul.f32 v30, v30  }
0x3ad: {  	[tilespmem:$0x1FAD0] =	vst v17;
	v59 =	vadd.f32 v2, v17;
	v0 =	vadd.f32 v3, v8;
	v17 =	vmul.f32 v8, v8  }
0x3ae: {  	v21 =	vmul.f32 v3, v3;
	v9 =	vadd.f32 v14, v9;
	v40 =	vmul.f32 v10, v42  }
0x3af: {  	[tilespmem:$0x1FAF0] =	vst v8;
	v11 =	vmul.f32 v10, v26;
	v34 =	vadd.f32 v27, v37;
	v37 =	vmul.f32 v2, v2  }
0x3b0: {  	[tilespmem:$0x1FAE0] =	vst v2;
	v28 =	vmul.f32 v10, v28;
	v8 =	vld [tilespmem:$0x1FB20];
	v27 =	vadd.f32 v30, v20;
	v2 =	vadd.f32 v0, v59  }
0x3b1: {  	[tilespmem:$0x1FAB0] =	vst v1;
	v30 =	vld [tilespmem:$0x1F980];
	v20 =	vmul.f32 v10, v41;
	v0 =	vadd.f32 v21, v17;
	v1 =	vadd.f32 v37, v33  }
0x3b2: {  	v33 =	vimm.s32 $0x0;
	v37 =	vshra.s32 v23, $0x1;
	v23 =	vmul.f32 $5.000000000e-01, v23  }
0x3b3: {  	v59 =	vld [tilespmem:$0x1FFF0];
	v26 =	vperm.xlane v32, v33;
	v41 =	vsub.s32 $0x5F3759DF, v37;
	v32 =	vperm.xlane v32, v45  }
0x3b4: {  	v21 =	vld [tilespmem:$0x1FFE0];
	v37 =	vmul.f32 v10, v29;
	v0 =	vadd.f32 v0, v1;
	v1 =	vmul.f32 v10, v62  }
0x3b5: {  	v23 =	vmul.f32 v41, v23;
	v16 =	vmul.f32 v16, v8  }
0x3b6: {  	v9 =	vadd.f32 v27, v9;
	v20 =	vmul.f32 v20, v8;
	v14 =	vmul.f32 v10, v30  }
0x3b7: {  	v2 =	vadd.f32 v2, v34;
	v26 =	vmul.f32 $7.812500000e-03, v26;
	v32 =	vmul.f32 $7.812500000e-03, v32  }
0x3b8: {  	v0 =	vadd.f32 v0, v9;
	v9 =	vmul.f32 v10, v60;
	v23 =	vmul.f32 v41, v23  }
0x3b9: {  	[tilespmem:$0x1F9C0] =	vst v37;
	v37 =	vld [tilespmem:$0x1FB50];
	v34 =	vperm.xlane v13, v21;
	v30 =	vperm.xlane v2, v59  }
0x3ba: {  	v60 =	vld [tilespmem:$0x1FFC0];
	v17 =	vmul.f32 v26, v26;
	v45 =	vsub.f32 v46, v26;
	v46 =	vsub.f32 v51, v26  }
0x3bb: {  	v51 =	vimm.s32 $0x8;
	v23 =	vsub.f32 $1.500000000e+00, v23;
	v13 =	vadd.f32 v13, v34  }
0x3bc: {  	v33 =	vperm.xlane v0, v59;
	v2 =	vadd.f32 v2, v30;
	v34 =	vsub.f32 v47, v26  }
0x3bd: {  	v32 =	vsub.f32 v32, v17;
	v23 =	vmul.f32 v41, v23;
	v41 =	vsub.f32 v49, v26  }
0x3be: {  	v30 =	vld [tilespmem:$0x1FFD0];
	v49 =	vimm.s32 $0x0;
	v38 =	vmul.f32 v38, v37;
	v28 =	vmul.f32 v28, v37  }
0x3bf: {  	v17 =	vsub.f32 v53, v26;
	v53 =	vld [tilespmem:$0x1FB30];
	v27 =	vperm.xlane v5, v60;
	v42 =	vperm.xlane v13, v49  }
0x3c0: {  	v59 =	vld [tilespmem:$0x1FB10];
	v47 =	vsub.f32 v48, v26;
	v13 =	vperm.xlane v13, v51;
	v49 =	vmul.f32 v23, v52  }
0x3c1: {  	v48 =	vsub.f32 v50, v26;
	v50 =	vmul.f32 v23, v56;
	v21 =	vmul.f32 v23, v24  }
0x3c2: {  	v51 =	vmul.f32 v23, v54;
	v52 =	vmul.f32 v23, v55;
	v5 =	vadd.f32 v5, v27  }
0x3c3: {  	[tilespmem:$0x1FB00] =	vst v3;
	v3 =	vld [tilespmem:$0x1FB90];
	v0 =	vadd.f32 v0, v33;
	v55 =	vmul.f32 v23, v58;
	v42 =	vmul.f32 $7.812500000e-03, v42  }
0x3c4: {  	v39 =	vsub.f32 v39, v26;
	v10 =	vmul.f32 v18, v53;
	v18 =	vperm.xlane v5, v30;
	v30 =	vld [tilespmem:$0x1FBD0]  }
0x3c5: {  	v26 =	vld [tilespmem:$0x1FBA0];
	v0 =	vsel vm0, v2, v0;
	v35 =	vmul.f32 v35, v59;
	v13 =	vmul.f32 $7.812500000e-03, v13  }
0x3c6: {  	v33 =	vperm.xlane v0, v60;
	v27 =	vld [tilespmem:$0x1FBB0];
	v62 =	vmul.f32 v42, v42  }
0x3c7: {  	v60 =	vmul.f32 v22, v37;
	v22 =	vmul.f32 v23, v61;
	v61 =	vld [tilespmem:$0x1FB70]  }
0x3c8: {  	v4 =	vmul.f32 v4, v59;
	v0 =	vadd.f32 v0, v33;
	v13 =	vsub.f32 v13, v62;
	v62 =	vld [tilespmem:$0x1FB40]  }
0x3c9: {  	v14 =	vmul.f32 v14, v59;
	v5 =	vadd.f32 v5, v18;
	v18 =	vadd.f32 v60, v30;
	v60 =	vld [tilespmem:$0x1FB60]  }
0x3ca: {  	v6 =	vmul.f32 v6, v53;
	v35 =	vadd.f32 v35, v3;
	v16 =	vadd.f32 v16, v26  }
0x3cb: {  	v29 =	vld [tilespmem:$0x1FBC0];
	v33 =	vmul.f32 v23, v25;
	v23 =	vadd.f32 $9.999999960e-13, v32;
	v4 =	vadd.f32 v4, v3  }
0x3cc: {  	v40 =	vmul.f32 v40, v53;
	v14 =	vadd.f32 v14, v3;
	v20 =	vadd.f32 v20, v26  }
0x3cd: {  	v2 =	vadd.f32 v10, v27;
	v32 =	vmul.f32 v44, v61;
	v19 =	vmul.f32 v19, v62  }
0x3ce: {  	v54 =	vmul.f32 v36, v60;
	v36 =	vshra.s32 v23, $0x1;
	v23 =	vmul.f32 $5.000000000e-01, v23  }
0x3cf: {  	v6 =	vadd.f32 v6, v27;
	v15 =	vmul.f32 v15, v61;
	v44 =	vsub.s32 $0x5F3759DF, v36  }
0x3d0: {  	v9 =	vmul.f32 v9, v61;
	v10 =	vadd.f32 v19, v29;
	v19 =	vld [tilespmem:$0x1FB80];
	v23 =	vmul.f32 v44, v23  }
0x3d1: {  	[tilespmem:s16+$0x3410] =	vst v16;
	v38 =	vadd.f32 v38, v30;
	v7 =	vmul.f32 v7, v62;
	v11 =	vmul.f32 v11, v62;
	v36 =	vld [tilespmem:$0x1FBE0]  }
0x3d2: {  	v16 =	vadd.f32 v40, v27;
	v13 =	vadd.f32 $9.999999960e-13, v13;
	[tilespmem:s16+$0x3420] =	vst v2;
	v23 =	vmul.f32 v44, v23  }
0x3d3: {  	[tilespmem:s17+$0x3440] =	vst v38;
	v38 =	vmul.f32 v50, v53;
	v7 =	vadd.f32 v7, v29;
	v2 =	vadd.f32 v11, v29  }
0x3d4: {  	v58 =	vld [tilespmem:$0x1FFD0];
	v43 =	vmul.f32 v43, v60;
	v1 =	vmul.f32 v1, v60;
	v23 =	vsub.f32 $1.500000000e+00, v23  }
0x3d5: {  	v50 =	vadd.f32 v38, v27;
	v24 =	vmul.f32 v31, v19;
	v31 =	vld [tilespmem:$0x1FC00];
	v12 =	vmul.f32 v12, v19  }
0x3d6: {  	v56 =	vld [tilespmem:$0x1FFE0];
	v25 =	vadd.f32 v54, v36;
	v54 =	vmul.f32 v57, v8;
	v23 =	vmul.f32 v44, v23  }
0x3d7: {  	v43 =	vadd.f32 v43, v36;
	v44 =	vshra.s32 v13, $0x1;
	v13 =	vmul.f32 $5.000000000e-01, v13  }
0x3d8: {  	v57 =	vld [tilespmem:$0x1FBF0];
	v44 =	vsub.s32 $0x5F3759DF, v44;
	v34 =	vmul.f32 v23, v34;
	v41 =	vmul.f32 v23, v41  }
0x3d9: {  	v54 =	vadd.f32 v54, v26;
	v13 =	vmul.f32 v44, v13;
	v40 =	vmul.f32 v23, v46  }
0x3da: {  	v24 =	vadd.f32 v24, v31;
	v11 =	vmul.f32 v23, v47;
	v46 =	vperm.xlane v0, v58;
	v58 =	vld [tilespmem:$0x1F9A0]  }
0x3db: {  	[tilespmem:s16+$0x3430] =	vst v10;
	v10 =	vld [tilespmem:$0x1F9B0];
	v47 =	vadd.f32 v28, v30;
	v28 =	vmul.f32 v23, v48;
	v48 =	vperm.xlane v5, v56  }
0x3dc: {  	[tilespmem:s16+$0x3400] =	vst v35;
	v12 =	vadd.f32 v12, v31;
	v35 =	vmul.f32 v23, v45;
	v39 =	vmul.f32 v23, v39;
	v45 =	vld [tilespmem:$0x1F9D0]  }
0x3dd: {  	[tilespmem:s16+$0x3440] =	vst v18;
	v32 =	vadd.f32 v32, v57;
	v13 =	vmul.f32 v44, v13;
	v5 =	vadd.f32 v5, v48;
	v48 =	vld [tilespmem:$0x1F990]  }
0x3de: {  	[tilespmem:s16+$0x3450] =	vst v25;
	v18 =	vmul.f32 v23, v17;
	v23 =	vadd.f32 v1, v36;
	v0 =	vadd.f32 v0, v46;
	v46 =	vld [tilespmem:$0x1F9E0]  }
0x3df: {  	[tilespmem:s16+$0x3460] =	vst v32;
	v17 =	vsub.f32 $1.500000000e+00, v13;
	v32 =	vsub.f32 v58, v42;
	v58 =	vld [tilespmem:$0x1FA00]  }
0x3e0: {  	[tilespmem:s17+$0x3410] =	vst v54;
	v54 =	vld [tilespmem:$0x1F9F0];
	v15 =	vadd.f32 v15, v57;
	v9 =	vadd.f32 v9, v57;
	v11 =	vmul.f32 v11, v60  }
0x3e1: {  	[tilespmem:s16+$0x3470] =	vst v24;
	v24 =	vsub.f32 v10, v42;
	v25 =	vmul.f32 v44, v17;
	v17 =	vimm.s32 $0x0;
	v44 =	vld [tilespmem:$0x1F9C0]  }
0x3e2: {  	[tilespmem:s18+$0x3420] =	vst v50;
	v50 =	vld [tilespmem:$0x1FA40];
	v11 =	vadd.f32 v11, v36;
	v10 =	vsub.f32 v45, v42;
	v1 =	vperm.xlane v5, v17  }
0x3e3: {  	[tilespmem:s22+$0x3450] =	vst v23;
	v48 =	vsub.f32 v48, v42;
	v13 =	vsub.f32 v46, v42;
	v17 =	vld [tilespmem:$0x1FA10];
	v23 =	vmul.f32 v25, v24  }
0x3e4: {  	v10 =	vmul.f32 v25, v10;
	v46 =	vmul.f32 $7.812500000e-03, v1;
	v45 =	vsub.f32 v58, v42  }
0x3e5: {  	v58 =	vperm.xlane v0, v56;
	v56 =	vmul.f32 v51, v37;
	v51 =	vimm.s32 $0x0  }
0x3e6: {  	[tilespmem:s17+$0x3400] =	vst v4;
	v4 =	vmul.f32 v44, v19;
	v44 =	vsub.f32 v54, v42;
	v54 =	vimm.s32 $0x8  }
0x3e7: {  	[tilespmem:s22+$0x3460] =	vst v9;
	v10 =	vmul.f32 v10, v62;
	v9 =	vsub.f32 v50, v46;
	v1 =	vperm.xlane v5, v54  }
0x3e8: {  	[tilespmem:s17+$0x3420] =	vst v6;
	v6 =	vsub.f32 v17, v42;
	v17 =	vmul.f32 v22, v59;
	v22 =	vmul.f32 v49, v8  }
0x3e9: {  	v0 =	vadd.f32 v0, v58;
	v42 =	vmul.f32 v46, v46;
	v54 =	vmul.f32 v21, v62  }
0x3ea: {  	[tilespmem:s22+$0x3400] =	vst v14;
	v49 =	vimm.s32 $0x8;
	v4 =	vadd.f32 v4, v31;
	v1 =	vmul.f32 $7.812500000e-03, v1  }
0x3eb: {  	[tilespmem:s17+$0x3470] =	vst v12;
	v58 =	vperm.xlane v0, v51;
	v12 =	vadd.f32 v22, v26;
	v22 =	vmul.f32 v52, v60  }
0x3ec: {  	[tilespmem:s17+$0x3430] =	vst v7;
	v7 =	vadd.f32 v17, v3;
	v0 =	vperm.xlane v0, v49;
	v52 =	vmul.f32 v33, v19  }
0x3ed: {  	[tilespmem:s22+$0x3410] =	vst v20;
	v17 =	vadd.f32 v54, v29;
	v54 =	vmul.f32 v34, v59;
	v34 =	vmul.f32 v25, v48  }
0x3ee: {  	[tilespmem:s22+$0x3420] =	vst v16;
	v56 =	vadd.f32 v56, v30;
	v33 =	vmul.f32 v25, v32;
	v6 =	vmul.f32 v25, v6  }
0x3ef: {  	v10 =	vadd.f32 v10, v29;
	[tilespmem:s22+$0x3470] =	vst v4;
	v4 =	vmul.f32 v25, v13;
	v13 =	vmul.f32 v25, v44  }
0x3f0: {  	[tilespmem:s22+$0x3430] =	vst v2;
	v5 =	vsub.f32 v1, v42;
	v42 =	vmul.f32 v55, v61;
	v1 =	vmul.f32 $7.812500000e-03, v58  }
0x3f1: {  	[tilespmem:s22+$0x3440] =	vst v47;
	v0 =	vmul.f32 $7.812500000e-03, v0;
	v58 =	vmul.f32 v41, v8;
	v41 =	vadd.f32 v22, v36  }
0x3f2: {  	[tilespmem:s18+$0x3440] =	vst v56;
	v56 =	vld [tilespmem:$0x1FA70];
	v22 =	vmul.f32 v25, v45;
	v47 =	vadd.f32 v54, v3;
	v54 =	vmul.f32 v35, v53  }
0x3f3: {  	[tilespmem:s17+$0x3450] =	vst v43;
	v32 =	vld [tilespmem:$0x1FA80];
	v45 =	vadd.f32 v52, v31;
	v6 =	vmul.f32 v6, v19;
	v4 =	vmul.f32 v4, v37  }
0x3f4: {  	[tilespmem:s17+$0x3460] =	vst v15;
	v13 =	vmul.f32 v13, v60;
	v5 =	vadd.f32 $9.999999960e-13, v5;
	v55 =	vmul.f32 v1, v1  }
0x3f5: {  	[tilespmem:s18+$0x3400] =	vst v7;
	v43 =	vadd.f32 v42, v57;
	v15 =	vadd.f32 v58, v26;
	v58 =	vmul.f32 v39, v62  }
0x3f6: {  	[tilespmem:s18+$0x3450] =	vst v41;
	v7 =	vadd.f32 v54, v27;
	v41 =	vmul.f32 v28, v61;
	v42 =	vmul.f32 v18, v19  }
0x3f7: {  	v52 =	vld [tilespmem:$0x1FA50];
	[tilespmem:s7+$0x3400] =	vst v47;
	v47 =	vmul.f32 v23, v53;
	v6 =	vadd.f32 v6, v31;
	v24 =	vsub.f32 v56, v46  }
0x3f8: {  	[tilespmem:s7+$0x3450] =	vst v11;
	v25 =	vsub.f32 v32, v46;
	v38 =	vshra.s32 v5, $0x1;
	v5 =	vmul.f32 $5.000000000e-01, v5  }
0x3f9: {  	[tilespmem:s3+$0x3430] =	vst v10;
	v35 =	vld [tilespmem:$0x1FA90];
	v4 =	vadd.f32 v4, v30;
	v0 =	vsub.f32 v0, v55;
	v16 =	vsub.s32 $0x5F3759DF, v38  }
0x3fa: {  	v48 =	vld [tilespmem:$0x1FA20];
	[tilespmem:s18+$0x3470] =	vst v45;
	v32 =	vsub.f32 v63, v1;
	v39 =	vadd.f32 v58, v29;
	v5 =	vmul.f32 v16, v5  }
0x3fb: {  	v49 =	vld [tilespmem:$0x1FA30];
	[tilespmem:s18+$0x3460] =	vst v43;
	v43 =	vmul.f32 v34, v59;
	v45 =	vadd.f32 v41, v57;
	v0 =	vadd.f32 $9.999999960e-13, v0  }
0x3fc: {  	[tilespmem:s18+$0x3410] =	vst v12;
	v50 =	vadd.f32 v47, v27;
	v20 =	vsub.f32 v52, v46;
	v5 =	vmul.f32 v16, v5  }
0x3fd: {  	[tilespmem:s18+$0x3430] =	vst v17;
	v55 =	vld [tilespmem:$0x1FA60];
	v38 =	vmul.f32 v40, v37;
	v44 =	vshra.s32 v0, $0x1;
	v0 =	vmul.f32 $5.000000000e-01, v0  }
0x3fe: {  	[tilespmem:s7+$0x3410] =	vst v15;
	v17 =	vsub.f32 v35, v46;
	v12 =	vsub.s32 $0x5F3759DF, v44;
	v5 =	vsub.f32 $1.500000000e+00, v5  }
0x3ff: {  	[tilespmem:s7+$0x3420] =	vst v7;
	v52 =	vmul.f32 v22, v61;
	v40 =	vadd.f32 v38, v30;
	v0 =	vmul.f32 v12, v0  }
0x400: {  	[tilespmem:s3+$0x3470] =	vst v6;
	v2 =	vmul.f32 v16, v5;
	v5 =	vsub.f32 v48, v46;
	v16 =	vsub.f32 v49, v46  }
0x401: {  	[tilespmem:s3+$0x3440] =	vst v4;
	v58 =	vadd.f32 v52, v57;
	v44 =	vmul.f32 v33, v8;
	v0 =	vmul.f32 v12, v0  }
0x402: {  	[tilespmem:s7+$0x3430] =	vst v39;
	v21 =	vsub.f32 v55, v46;
	v5 =	vmul.f32 v2, v5;
	v54 =	vmul.f32 v2, v16  }
0x403: {  	v41 =	vld [tilespmem:$0x1FAB0];
	[tilespmem:s7+$0x3460] =	vst v45;
	v55 =	vadd.f32 v13, v36;
	v9 =	vmul.f32 v2, v9;
	v56 =	vmul.f32 v2, v20  }
0x404: {  	[tilespmem:s3+$0x3420] =	vst v50;
	v0 =	vsub.f32 $1.500000000e+00, v0;
	v21 =	vmul.f32 v2, v21;
	v22 =	vmul.f32 v2, v24  }
0x405: {  	[tilespmem:s7+$0x3440] =	vst v40;
	v46 =	vadd.f32 v42, v31;
	v24 =	vmul.f32 v2, v25;
	v25 =	vld [tilespmem:$0x1FAA0];
	v2 =	vmul.f32 v2, v17  }
0x406: {  	[tilespmem:s3+$0x3460] =	vst v58;
	v48 =	vadd.f32 v43, v3;
	v0 =	vmul.f32 v12, v0;
	v11 =	vmul.f32 v54, v8  }
0x407: {  	[tilespmem:s3+$0x3450] =	vst v55;
	v49 =	vadd.f32 v44, v26;
	v5 =	vmul.f32 v5, v59;
	v9 =	vmul.f32 v9, v53  }
0x408: {  	v42 =	vld [tilespmem:$0x1FAC0];
	[tilespmem:s7+$0x3470] =	vst v46;
	v16 =	vmul.f32 v56, v62;
	v20 =	vadd.f32 v11, v26;
	v11 =	vsub.f32 v41, v1  }
0x409: {  	v45 =	vld [tilespmem:$0x1FAD0];
	[tilespmem:s3+$0x3400] =	vst v48;
	v23 =	vmul.f32 v21, v37;
	v28 =	vmul.f32 v22, v60;
	v18 =	vadd.f32 v5, v3  }
0x40a: {  	[tilespmem:s3+$0x3410] =	vst v49;
	v34 =	vmul.f32 v24, v61;
	v13 =	vsub.f32 v25, v1;
	v44 =	vmul.f32 v0, v11  }
0x40b: {  	v49 =	vld [tilespmem:$0x1FAE0];
	v2 =	vmul.f32 v2, v19;
	v9 =	vadd.f32 v9, v27;
	v39 =	vmul.f32 v0, v32;
	[tilespmem:s6+$0x3400] =	vst v18  }
0x40c: {  	v10 =	vadd.f32 v16, v29;
	[tilespmem:s6+$0x3410] =	vst v20;
	v35 =	vmul.f32 v0, v13;
	v50 =	vmul.f32 v44, v53;
	v53 =	vld [tilespmem:$0x1FAF0]  }
0x40d: {  	v55 =	vld [tilespmem:$0x1FB00];
	v33 =	vadd.f32 v23, v30;
	[tilespmem:s6+$0x3420] =	vst v9;
	v6 =	vmul.f32 v39, v8;
	v8 =	vsub.f32 v42, v1  }
0x40e: {  	v46 =	vsub.f32 v45, v1;
	v38 =	vadd.f32 v28, v36;
	[tilespmem:s6+$0x3430] =	vst v10;
	v40 =	vmul.f32 v35, v59  }
0x40f: {  	v7 =	vadd.f32 v34, v57;
	v2 =	vadd.f32 v2, v31;
	[tilespmem:s6+$0x3440] =	vst v33;
	v48 =	vmul.f32 v0, v8  }
0x410: {  	v52 =	vmul.f32 v0, v46;
	[tilespmem:s6+$0x3450] =	vst v38;
	v43 =	vadd.f32 v40, v3;
	v3 =	vsub.f32 v49, v1  }
0x411: {  	[tilespmem:s6+$0x3460] =	vst v7;
	v47 =	vadd.f32 v6, v26;
	v54 =	vmul.f32 v48, v62;
	v9 =	vsub.f32 v53, v1  }
0x412: {  	[tilespmem:s6+$0x3470] =	vst v2;
	v56 =	vadd.f32 v50, v27;
	v3 =	vmul.f32 v0, v3;
	v1 =	vsub.f32 v55, v1  }
0x413: {  	v58 =	vmul.f32 v52, v37;
	[tilespmem:s5+$0x3410] =	vst v47;
	v59 =	vmul.f32 v0, v9  }
0x414: {  	v2 =	vadd.f32 v54, v29;
	[tilespmem:s5+$0x3420] =	vst v56;
	v3 =	vmul.f32 v3, v60;
	v0 =	vmul.f32 v0, v1  }
0x415: {  	p1 =	slt.u32 s23, $0x58;
	[tilespmem:s5+$0x3400] =	vst v43;
	v60 =	vadd.f32 v58, v30;
	v61 =	vmul.f32 v59, v61  }
.Ltmp4:
0x416: {  	[tilespmem:s5+$0x3430] =	vst v2;
	v62 =	vadd.f32 v3, v36;
	v0 =	vmul.f32 v0, v19;
	(pc) =	sbr.rel @p1 .LBB2_7-.Ltmp4, $4  }
0x417: {  	[tilespmem:s5+$0x3440] =	vst v60;
	v63 =	vadd.f32 v61, v57  }
0x418: {  	[tilespmem:s5+$0x3450] =	vst v62;
	v0 =	vadd.f32 v0, v31  }
0x419: {  	s25 =	sadd.s32 $0x8, s23;
	[tilespmem:s5+$0x3460] =	vst v63  }
0x41a: {  	s23 =	smov.u32 s25;
	[tilespmem:s5+$0x3470] =	vst v0  }
0x41b: {  	s3 =	sadd.s32 $0x680, s24  }
0x41c: {  	[hbm4b:s3+s8] =	stream.linear.scatter [tilespmem:s26], [sflag:$0x6], $0x3000, $0x38;
	[tilespmem:$0x19E00] =	vst v63  }
0x41d: {  	s3 =	simm.s32 @p0 $0x3  }
0x41e: {  	_ =	swait.ge @p0 [sflag:s3], $0x3400  }
0x41f: {  	[sflag:s3] =	ssyncset.done @p0 $0x0  }
0x420: {  	[sflag:s3] =	ssyncadd.s32 @p0 $0xFFFFCC00;
	s3 =	simm.s32 @p0 $0xF  }
0x421: {  	_ =	swait.ge @p0 [sflag:s3], $0x68  }
0x422: {  	[sflag:s3] =	ssyncset.done @p0 $0x0  }
0x423: {  	[sflag:s3] =	ssyncadd.s32 @p0 $0xFFFFFF98;
	s3 =	simm.s32 @p0 $0x5  }
0x424: {  	s4 =	sadd.s32 @!p0 s20, s4;
	_ =	swait.ge @p0 [sflag:s3], $0x3400  }
0x425: {  	s4 =	sadd.s32 @!p0 $0x190, s4;
	[sflag:s3] =	ssyncset.done @p0 $0x0  }
0x426: {  	[sflag:s3] =	ssyncadd.s32 @p0 $0xFFFFCC00;
	s3 =	sshrl.u32 @!p0 s4, $0x3  }
0x427: {  	s5 =	simm.s32 @!p0 $0x0;
	s6 =	simm.s32 @!p0 $0xD080;
	s4 =	sadd.s32 @!p0 s10, s3  }
0x428: {  	[tilespmem:s6], [sflag:$0xA] =	stream.linear.gather @!p0 [hbm4b:s4+s5], $0x60, $0x38;
	[tilespmem:$0x19E00] =	vst v63  }
0x429: {  	s3 =	sadd.s32 @!p0 s11, s3;
	s4 =	simm.s32 @!p0 $0xD280  }
0x42a: {  	[tilespmem:s4], [sflag:$0xE] =	stream.linear.gather @!p0 [hbm4b:s3+s5], $0x60, $0x38;
	[tilespmem:$0x19E00] =	vst v63  }
0x42b: {  	s3 =	simm.s32 @!p0 $0x3  }
0x42c: {  	_ =	swait.ge @!p0 [sflag:s3], $0x3400  }
0x42d: {  	[sflag:s3] =	ssyncset.done @!p0 $0x0  }
0x42e: {  	[sflag:s3] =	ssyncadd.s32 @!p0 $0xFFFFCC00;
	s3 =	simm.s32 @!p0 $0xF  }
0x42f: {  	_ =	swait.ge @!p0 [sflag:s3], $0x68  }
0x430: {  	[sflag:s3] =	ssyncset.done @!p0 $0x0  }
0x431: {  	[sflag:s3] =	ssyncadd.s32 @!p0 $0xFFFFFF98;
	s3 =	simm.s32 @!p0 $0x5  }
0x432: {  	_ =	swait.ge @!p0 [sflag:s3], $0x3400  }
0x433: {  	[sflag:s3] =	ssyncset.done @!p0 $0x0  }
0x434: {  	[sflag:s3] =	ssyncadd.s32 @!p0 $0xFFFFCC00;
	s3 =	simm.s32 @!p0 $0x9  }
0x435: {  	_ =	swait.ge @!p0 [sflag:s3], $0x68  }
0x436: {  	[sflag:s3] =	ssyncset.done @!p0 $0x0  }
0x437: {  	s4 =	simm.s32 @!p0 $0xD000;
	[sflag:s3] =	ssyncadd.s32 @!p0 $0xFFFFFF98;
	s3 =	simm.s32 @!p0 $0x68  }
0x438: {  	[tilespmem:s5], [sflag:$0x1] =	stream.indirect.gather @!p0 [hbm4b:s0+s3], $0x80, s4, s3, $0xb8;
	[tilespmem:$0x19E00] =	vst v63  }
0x439: {  	v0 =	vld [tilespmem:$0x19D00]  }
0x43a: {  	v48 =	vld [tilespmem:$0x19D10]  }
0x43b: {  	v49 =	vld [tilespmem:$0x19D20]  }
0x43c: {  	v50 =	vld [tilespmem:$0x19D30]  }
0x43d: {  	v52 =	vld [tilespmem:$0x19D40]  }
0x43e: {  	v53 =	vld [tilespmem:$0x19D50];
	[tilespmem:$0x1F7B0] =	vst v0  }
0x43f: {  	v54 =	vld [tilespmem:$0x19D60];
	[tilespmem:$0x1F7C0] =	vst v48  }
0x440: {  	v55 =	vld [tilespmem:$0x19D70];
	[tilespmem:$0x1F7D0] =	vst v49  }
0x441: {  	v56 =	vld [tilespmem:$0x19D80];
	[tilespmem:$0x1F7E0] =	vst v50  }
0x442: {  	v57 =	vld [tilespmem:$0x19D90];
	[tilespmem:$0x1F7F0] =	vst v52  }
0x443: {  	v58 =	vld [tilespmem:$0x19DA0];
	[tilespmem:$0x1F800] =	vst v53  }
0x444: {  	v59 =	vld [tilespmem:$0x19DB0];
	[tilespmem:$0x1F810] =	vst v54  }
0x445: {  	v60 =	vld [tilespmem:$0x19DC0];
	[tilespmem:$0x1F820] =	vst v55  }
0x446: {  	v61 =	vld [tilespmem:$0x19DD0];
	[tilespmem:$0x1F830] =	vst v56  }
0x447: {  	v62 =	vld [tilespmem:$0x19DE0];
	[tilespmem:$0x1F840] =	vst v57  }
0x448: {  	v63 =	vld [tilespmem:$0x19DF0];
	[tilespmem:$0x1F850] =	vst v58  }
0x449: {  	[tilespmem:$0x1F860] =	vst v59  }
0x44a: {  	[tilespmem:$0x1F870] =	vst v60  }
0x44b: {  	[tilespmem:$0x1F880] =	vst v61  }
0x44c: {  	[tilespmem:$0x1F890] =	vst v62  }
0x44d: {  	s4 =	simm.s32 $0x0;
	[tilespmem:$0x1F8A0] =	vst v63  }
.LBB2_9:
0x44e: {  	v0 =	vld [tilespmem:s4+$0xD300];
	_ =	sdelay $0x4  }
0x44f: {  	(v2sf) =	vpush v0, $0x0;
	_ =	sdelay $0xa  }
0x450: {  	s5 =	sshll.u32 s4, $0x7  }
0x451: {  	v1 =	vld [tilespmem:s4+$0xD301];
	s23 =	sand.u32 $0x3FFFFF80, s5  }
0x452: {  	v62 =	vld [tilespmem:s23+$0x6800]  }
0x453: {  	v3 =	vld [tilespmem:s23+$0x6810]  }
0x454: {  	v5 =	vld [tilespmem:s23+$0x6820];
	s3 =	spop (v2sf)  }
0x455: {  	v63 =	vld [tilespmem:s23+$0x6830];
	s3 =	smul.u32 $0xC8, s3  }
0x456: {  	v11 =	vld [tilespmem:s23+$0x6840]  }
0x457: {  	v13 =	vld [tilespmem:s23+$0x6850];
	s3 =	sadd.s32 s4, s3  }
0x458: {  	v15 =	vld [tilespmem:s23+$0x6860];
	s3 =	sshll.u32 s3, $0x9  }
0x459: {  	v23 =	vld [tilespmem:s23+$0x6870];
	s3 =	sshra.s32 s3, $0x2  }
0x45a: {  	(v2sf) =	vpush v1, $0x0;
	v2 =	vld [tilespmem:s3+$0xD400]  }
0x45b: {  	v4 =	vld [tilespmem:s3+$0xD410]  }
0x45c: {  	v6 =	vld [tilespmem:s3+$0xD420]  }
0x45d: {  	v8 =	vld [tilespmem:s3+$0xD430]  }
0x45e: {  	v12 =	vld [tilespmem:s3+$0xD440]  }
0x45f: {  	v14 =	vld [tilespmem:s3+$0xD450]  }
0x460: {  	v22 =	vld [tilespmem:s3+$0xD460]  }
0x461: {  	v17 =	vld [tilespmem:s3+$0xD470]  }
0x462: {  	v10 =	vadd.f32 v2, v62;
	v9 =	vadd.f32 v4, v3  }
0x463: {  	s18 =	sor.u32 $0x1, s4;
	v37 =	vld [tilespmem:s4+$0xD302];
	v7 =	vadd.f32 v6, v5;
	v8 =	vadd.f32 v8, v63  }
0x464: {  	v16 =	vld [tilespmem:$0x1FFC0];
	s5 =	sshll.u32 s18, $0x7;
	v5 =	vadd.f32 v12, v11;
	v27 =	vadd.f32 v14, v13  }
0x465: {  	v53 =	vld [tilespmem:s4+$0xD303];
	s16 =	sand.u32 $0x3FFFFF80, s5;
	v26 =	vadd.f32 v22, v15;
	v2 =	vmul.f32 v10, v10;
	v18 =	vmul.f32 v9, v9  }
0x466: {  	v40 =	vld [tilespmem:s16+$0x6800];
	v6 =	vadd.f32 v17, v23;
	v19 =	vmul.f32 v7, v7;
	v28 =	vmul.f32 v8, v8  }
0x467: {  	v42 =	vld [tilespmem:s16+$0x6810];
	v11 =	vmul.f32 v5, v5;
	v29 =	vmul.f32 v27, v27;
	v31 =	vadd.f32 v9, v10  }
0x468: {  	v48 =	vld [tilespmem:s16+$0x6830];
	v30 =	vmul.f32 v26, v26;
	v32 =	vadd.f32 v8, v7;
	v34 =	vadd.f32 v27, v5  }
0x469: {  	v50 =	vld [tilespmem:s16+$0x6840];
	v33 =	vmul.f32 v6, v6;
	v23 =	vadd.f32 v6, v26;
	s17 =	spop (v2sf);
	(v2sf) =	vpush v37, $0x0  }
0x46a: {  	v1 =	vadd.f32 v18, v2;
	v35 =	vadd.f32 v28, v19;
	v19 =	vld [tilespmem:$0x1FFF0];
	s3 =	smul.u32 $0xC8, s17  }
0x46b: {  	v36 =	vadd.f32 v29, v11;
	v0 =	vadd.f32 v33, v30;
	v28 =	vld [tilespmem:s16+$0x6850]  }
0x46c: {  	v38 =	vadd.f32 v32, v31;
	v39 =	vadd.f32 v23, v34;
	v30 =	vld [tilespmem:s16+$0x6860];
	s3 =	sadd.s32 s18, s3  }
0x46d: {  	v18 =	vld [tilespmem:$0x1FFD0];
	v1 =	vadd.f32 v35, v1;
	v0 =	vadd.f32 v0, v36;
	s3 =	sshll.u32 s3, $0x9  }
0x46e: {  	v32 =	vld [tilespmem:s16+$0x6870];
	s3 =	sshra.s32 s3, $0x2  }
0x46f: {  	v11 =	vadd.f32 v39, v38;
	v0 =	vadd.f32 v0, v1;
	v41 =	vld [tilespmem:s3+$0xD400]  }
0x470: {  	v43 =	vld [tilespmem:s3+$0xD410]  }
0x471: {  	v45 =	vperm.xlane v11, v19;
	v46 =	vperm.xlane v0, v19;
	v52 =	vld [tilespmem:s3+$0xD440]  }
0x472: {  	v29 =	vld [tilespmem:s3+$0xD450]  }
0x473: {  	v31 =	vld [tilespmem:s3+$0xD460];
	v4 =	vadd.f32 v11, v45;
	v0 =	vadd.f32 v0, v46  }
0x474: {  	v33 =	vld [tilespmem:s3+$0xD470]  }
0x475: {  	v49 =	vld [tilespmem:s3+$0xD430];
	v0 =	vsel vm0, v4, v0  }
0x476: {  	s25 =	sor.u32 $0x2, s4;
	v44 =	vld [tilespmem:s16+$0x6820];
	v4 =	vperm.xlane v0, v16;
	v25 =	vadd.f32 v41, v40  }
0x477: {  	s5 =	sshll.u32 s25, $0x7;
	v47 =	vld [tilespmem:s3+$0xD420];
	v3 =	vadd.f32 v52, v50;
	v1 =	vadd.f32 v29, v28  }
0x478: {  	s17 =	sand.u32 $0x3FFFFF80, s5;
	v0 =	vadd.f32 v0, v4;
	s22 =	spop (v2sf);
	(v2sf) =	vpush v53, $0x0  }
0x479: {  	v14 =	vld [tilespmem:s17+$0x6800];
	v22 =	vadd.f32 v31, v30;
	v23 =	vadd.f32 v33, v32  }
0x47a: {  	v39 =	vld [tilespmem:s17+$0x6840];
	v24 =	vadd.f32 v43, v42;
	v2 =	vadd.f32 v49, v48;
	v4 =	vperm.xlane v0, v18;
	s3 =	smul.u32 $0xC8, s22  }
0x47b: {  	v48 =	vld [tilespmem:s17+$0x6810];
	v62 =	vadd.f32 v1, v3;
	v34 =	vadd.f32 v23, v22  }
0x47c: {  	v52 =	vld [tilespmem:s17+$0x6820];
	v54 =	vmul.f32 v25, v25;
	v0 =	vadd.f32 v0, v4;
	v4 =	vadd.f32 v47, v44;
	s3 =	sadd.s32 s25, s3  }
0x47d: {  	v55 =	vmul.f32 v24, v24;
	v57 =	vmul.f32 v2, v2;
	v47 =	vadd.f32 v34, v62;
	v62 =	vld [tilespmem:s17+$0x6850];
	s3 =	sshll.u32 s3, $0x9  }
0x47e: {  	v58 =	vmul.f32 v3, v3;
	v44 =	vld [tilespmem:s17+$0x6870];
	v56 =	vmul.f32 v4, v4;
	s3 =	sshra.s32 s3, $0x2  }
0x47f: {  	v29 =	vmul.f32 v1, v1;
	v59 =	vmul.f32 v22, v22;
	v21 =	vld [tilespmem:s3+$0xD400]  }
0x480: {  	v60 =	vadd.f32 v24, v25;
	v32 =	vmul.f32 v23, v23;
	v63 =	vadd.f32 v57, v56;
	v57 =	vld [tilespmem:$0x1FFE0]  }
0x481: {  	v11 =	vadd.f32 v55, v54;
	v61 =	vadd.f32 v2, v4;
	v56 =	vld [tilespmem:s17+$0x6830]  }
0x482: {  	v20 =	vadd.f32 v29, v58;
	v13 =	vadd.f32 v32, v59;
	v35 =	vld [tilespmem:s3+$0xD430]  }
0x483: {  	v30 =	vadd.f32 v61, v60;
	v60 =	vld [tilespmem:s3+$0xD440]  }
0x484: {  	v49 =	vadd.f32 v13, v20;
	v40 =	vld [tilespmem:s3+$0xD450];
	v11 =	vadd.f32 v63, v11  }
0x485: {  	v43 =	vld [tilespmem:s3+$0xD460];
	v53 =	vadd.f32 v47, v30  }
0x486: {  	v63 =	vld [tilespmem:s17+$0x6860];
	v11 =	vadd.f32 v49, v11;
	v46 =	vperm.xlane v0, v57  }
0x487: {  	v50 =	vld [tilespmem:s3+$0xD410];
	v58 =	vperm.xlane v53, v19;
	s6 =	spop (v2sf)  }
0x488: {  	v47 =	vld [tilespmem:s3+$0xD470];
	v21 =	vadd.f32 v21, v14;
	v59 =	vperm.xlane v11, v19;
	v0 =	vadd.f32 v0, v46;
	s5 =	smul.u32 $0xC8, s6  }
0x489: {  	v61 =	vld [tilespmem:s4+$0xD304];
	v31 =	vadd.f32 v35, v56;
	v35 =	vadd.f32 v60, v39;
	s6 =	sor.u32 $0x3, s4  }
0x48a: {  	v54 =	vld [tilespmem:s3+$0xD420];
	v29 =	vadd.f32 v53, v58;
	v11 =	vadd.f32 v11, v59;
	v55 =	vperm.xlane v0, v51;
	s5 =	sadd.s32 s6, s5;
	s6 =	sshll.u32 s6, $0x7  }
0x48b: {  	v17 =	vimm.s32 $0x8;
	v32 =	vadd.f32 v40, v62;
	v56 =	vld [tilespmem:s4+$0xD305];
	v33 =	vadd.f32 v43, v63;
	s18 =	sand.u32 $0x3FFFFF80, s6  }
0x48c: {  	v53 =	vmul.f32 v35, v35;
	v11 =	vsel vm0, v29, v11;
	v38 =	vmul.f32 $7.812500000e-03, v55;
	v14 =	vld [tilespmem:s18+$0x6800]  }
0x48d: {  	v34 =	vadd.f32 v47, v44;
	v0 =	vperm.xlane v0, v17;
	v36 =	vperm.xlane v11, v16;
	v12 =	vld [tilespmem:s18+$0x6810]  }
0x48e: {  	v40 =	vmul.f32 v32, v32;
	(v2sf) =	vpush v61, $0x0;
	v10 =	vsub.f32 v10, v38;
	v43 =	vld [tilespmem:s18+$0x6830]  }
0x48f: {  	v0 =	vmul.f32 $7.812500000e-03, v0;
	v42 =	vadd.f32 v11, v36;
	v9 =	vsub.f32 v9, v38;
	v29 =	vld [tilespmem:s18+$0x6840]  }
0x490: {  	v30 =	vmul.f32 v38, v38;
	v7 =	vsub.f32 v7, v38;
	v45 =	vsub.f32 v8, v38;
	s7 =	sshll.u32 s5, $0x9;
	v61 =	vld [tilespmem:s18+$0x6850]  }
0x491: {  	v44 =	vmul.f32 v34, v34;
	v5 =	vsub.f32 v5, v38;
	v36 =	vadd.f32 v50, v48;
	s3 =	sshra.s32 s7, $0x2;
	v20 =	vld [tilespmem:s18+$0x6860]  }
0x492: {  	v48 =	vmul.f32 v21, v21;
	v11 =	vadd.f32 v40, v53;
	v30 =	vsub.f32 v0, v30;
	[tilespmem:$0x1F560] =	vst v10;
	v10 =	vld [tilespmem:s3+$0xD400]  }
0x493: {  	v46 =	vperm.xlane v42, v18;
	[tilespmem:$0x1F5A0] =	vst v5;
	v5 =	vadd.f32 v54, v52;
	v49 =	vmul.f32 v36, v36;
	v28 =	vld [tilespmem:s3+$0xD410]  }
0x494: {  	[tilespmem:$0x1F590] =	vst v45;
	v52 =	vmul.f32 v31, v31;
	v0 =	vld [tilespmem:s18+$0x6820];
	v41 =	vadd.f32 v36, v21;
	v45 =	vadd.f32 v32, v35  }
0x495: {  	[tilespmem:$0x1F580] =	vst v7;
	v8 =	vld [tilespmem:s3+$0xD420];
	v54 =	vmul.f32 v33, v33;
	v7 =	vadd.f32 v42, v46;
	v42 =	vadd.f32 v31, v5  }
0x496: {  	v47 =	vld [tilespmem:s3+$0xD430];
	v50 =	vmul.f32 v5, v5;
	v46 =	vadd.f32 v34, v33;
	v13 =	vadd.f32 v49, v48  }
0x497: {  	[tilespmem:$0x1F570] =	vst v9;
	v18 =	vld [tilespmem:s3+$0xD450];
	v9 =	vadd.f32 v44, v54;
	v44 =	vsub.f32 v26, v38  }
0x498: {  	v55 =	vadd.f32 v52, v50;
	v58 =	vadd.f32 v42, v41;
	v42 =	vld [tilespmem:s3+$0xD440]  }
0x499: {  	v59 =	vadd.f32 v46, v45;
	v46 =	vld [tilespmem:s3+$0xD460];
	v15 =	vadd.f32 v10, v14  }
0x49a: {  	v60 =	vperm.xlane v7, v57;
	v54 =	vadd.f32 v28, v12;
	v57 =	vadd.f32 v8, v0  }
0x49b: {  	v13 =	vadd.f32 v55, v13;
	v63 =	vadd.f32 v59, v58  }
0x49c: {  	v7 =	vadd.f32 v7, v60;
	v55 =	vadd.f32 v47, v43  }
0x49d: {  	v45 =	vperm.xlane v63, v19;
	s22 =	spop (v2sf);
	(v2sf) =	vpush v56, $0x0;
	v58 =	vadd.f32 v42, v29  }
0x49e: {  	v56 =	vadd.f32 v18, v61;
	v59 =	vadd.f32 v46, v20  }
0x49f: {  	v50 =	vld [tilespmem:s18+$0x6870];
	v48 =	vperm.xlane v7, v51;
	v46 =	vadd.f32 v55, v57;
	s5 =	smul.u32 $0xC8, s22;
	v26 =	vadd.f32 v63, v45  }
0x4a0: {  	s25 =	sor.u32 $0x4, s4;
	v51 =	vld [tilespmem:s3+$0xD470];
	v45 =	vadd.f32 v54, v15;
	v16 =	vmul.f32 v58, v58;
	v18 =	vmul.f32 v56, v56  }
0x4a1: {  	v9 =	vadd.f32 v9, v11;
	v63 =	vld [tilespmem:$0x1FFC0];
	s7 =	sadd.s32 s25, s5;
	s25 =	sshll.u32 s25, $0x7  }
0x4a2: {  	s22 =	sand.u32 $0x3FFFFF80, s25;
	v61 =	vadd.f32 v18, v16;
	v18 =	vadd.f32 v46, v45;
	v45 =	vld [tilespmem:$0x1FFD0]  }
0x4a3: {  	v0 =	vld [tilespmem:s22+$0x6800]  }
0x4a4: {  	v12 =	vmul.f32 v57, v57;
	v9 =	vadd.f32 v9, v13;
	v53 =	vmul.f32 v55, v55;
	v13 =	vld [tilespmem:s22+$0x6810]  }
0x4a5: {  	v14 =	vmul.f32 $7.812500000e-03, v48;
	v48 =	vld [tilespmem:s22+$0x6820]  }
0x4a6: {  	v53 =	vadd.f32 v53, v12;
	v12 =	vld [tilespmem:s22+$0x6830]  }
0x4a7: {  	v7 =	vperm.xlane v7, v17;
	s3 =	sshll.u32 s7, $0x9;
	v60 =	vadd.f32 v51, v50;
	v50 =	vld [tilespmem:s22+$0x6840]  }
0x4a8: {  	v6 =	vsub.f32 v6, v38;
	v49 =	vperm.xlane v9, v19;
	s3 =	sshra.s32 s3, $0x2;
	v51 =	vld [tilespmem:s22+$0x6850]  }
0x4a9: {  	v62 =	vsub.f32 v27, v38;
	v8 =	vmul.f32 v54, v54;
	v7 =	vmul.f32 $7.812500000e-03, v7;
	v11 =	vld [tilespmem:s3+$0xD400]  }
0x4aa: {  	[tilespmem:$0x1F5C0] =	vst v6;
	v20 =	vmul.f32 v59, v59;
	v42 =	vadd.f32 v56, v58;
	v6 =	vadd.f32 v9, v49;
	v10 =	vld [tilespmem:s3+$0xD410]  }
0x4ab: {  	v9 =	vmul.f32 v15, v15;
	v4 =	vsub.f32 v4, v14;
	v2 =	vsub.f32 v2, v14;
	v49 =	vld [tilespmem:s3+$0xD420]  }
0x4ac: {  	v40 =	vsub.f32 v1, v14;
	v6 =	vsel vm0, v26, v6;
	v47 =	vmul.f32 v60, v60;
	v28 =	vld [tilespmem:s3+$0xD430]  }
0x4ad: {  	v41 =	vsub.f32 v23, v14;
	v52 =	vadd.f32 v60, v59;
	v17 =	vperm.xlane v6, v63;
	v26 =	vld [tilespmem:s3+$0xD440]  }
0x4ae: {  	[tilespmem:$0x1F5B0] =	vst v62;
	v43 =	vmul.f32 v14, v14;
	v8 =	vadd.f32 v8, v9;
	v9 =	vld [tilespmem:s3+$0xD450];
	v62 =	vadd.f32 v47, v20  }
0x4af: {  	v27 =	vld [tilespmem:s3+$0xD470];
	v20 =	vadd.f32 v52, v42;
	v29 =	vadd.f32 v6, v17  }
0x4b0: {  	v6 =	vsub.f32 v7, v43;
	v43 =	vsub.f32 v25, v14;
	v25 =	vld [tilespmem:s22+$0x6860]  }
0x4b1: {  	v8 =	vadd.f32 v53, v8;
	v52 =	vld [tilespmem:s3+$0xD460];
	v42 =	vadd.f32 v62, v61  }
0x4b2: {  	v17 =	vld [tilespmem:s4+$0xD306];
	v38 =	vadd.f32 v20, v18;
	v7 =	vperm.xlane v29, v45;
	v45 =	vsub.f32 v24, v14;
	s6 =	spop (v2sf)  }
0x4b3: {  	s7 =	sor.u32 $0x5, s4;
	v61 =	vsub.f32 v3, v14;
	v62 =	vld [tilespmem:$0x1FFE0];
	v8 =	vadd.f32 v42, v8;
	s5 =	smul.u32 $0xC8, s6  }
0x4b4: {  	v48 =	vadd.f32 v49, v48;
	v46 =	vperm.xlane v38, v19;
	v7 =	vadd.f32 v29, v7;
	v29 =	vld [tilespmem:s22+$0x6870];
	s6 =	sshll.u32 s7, $0x7  }
0x4b5: {  	v50 =	vadd.f32 v26, v50;
	v42 =	vsub.f32 v22, v14;
	v14 =	vld [tilespmem:$0x1FFC0];
	v47 =	vperm.xlane v8, v19;
	s5 =	sadd.s32 s7, s5;
	s7 =	sand.u32 $0x3FFFFF80, s6  }
0x4b6: {  	v49 =	vadd.f32 v9, v51;
	[tilespmem:$0x1F5F0] =	vst v61;
	v24 =	vadd.f32 v38, v46;
	v61 =	vld [tilespmem:s7+$0x6800]  }
0x4b7: {  	v18 =	vmul.f32 v48, v48;
	v8 =	vadd.f32 v8, v47;
	v47 =	vadd.f32 v10, v13;
	v10 =	vld [tilespmem:s7+$0x6810]  }
0x4b8: {  	v51 =	vadd.f32 v52, v25;
	v37 =	vmul.f32 v50, v50;
	v38 =	vadd.f32 v28, v12;
	v12 =	vld [tilespmem:s7+$0x6820]  }
0x4b9: {  	v39 =	vmul.f32 v49, v49;
	v46 =	vadd.f32 v11, v0;
	v63 =	vsel vm0, v24, v8;
	v24 =	vld [tilespmem:s7+$0x6830]  }
0x4ba: {  	[tilespmem:$0x1F5E0] =	vst v2;
	v2 =	vperm.xlane v7, v62;
	(v2sf) =	vpush v17, $0x0;
	v0 =	vmul.f32 v51, v51;
	s25 =	sshll.u32 s5, $0x9;
	v52 =	vld [tilespmem:s7+$0x6840]  }
0x4bb: {  	v11 =	vmul.f32 v46, v46;
	v16 =	vperm.xlane v63, v14;
	v14 =	vadd.f32 v39, v37;
	v39 =	vld [tilespmem:$0x1FFD0];
	s3 =	sshra.s32 s25, $0x2  }
0x4bc: {  	[tilespmem:$0x1F5D0] =	vst v4;
	v19 =	vmul.f32 v38, v38;
	v4 =	vadd.f32 v38, v48;
	v53 =	vadd.f32 v27, v29;
	v8 =	vld [tilespmem:s3+$0xD400]  }
0x4bd: {  	v2 =	vadd.f32 v7, v2;
	v13 =	vmul.f32 v47, v47;
	v3 =	vadd.f32 v47, v46;
	v7 =	vld [tilespmem:s3+$0xD410]  }
0x4be: {  	v22 =	vadd.f32 v19, v18;
	v62 =	vmul.f32 v53, v53;
	v23 =	vadd.f32 v53, v51;
	v9 =	vld [tilespmem:s3+$0xD420]  }
0x4bf: {  	v1 =	vadd.f32 v63, v16;
	v26 =	vld [tilespmem:s3+$0xD430];
	v63 =	vadd.f32 v49, v50  }
0x4c0: {  	v11 =	vadd.f32 v13, v11;
	v13 =	vld [tilespmem:s3+$0xD440];
	v19 =	vadd.f32 v62, v0  }
0x4c1: {  	v37 =	vadd.f32 v4, v3;
	v16 =	vld [tilespmem:s7+$0x6850];
	v23 =	vadd.f32 v23, v63  }
0x4c2: {  	v62 =	vld [tilespmem:s3+$0xD450];
	v11 =	vadd.f32 v22, v11;
	v14 =	vadd.f32 v19, v14;
	v4 =	vperm.xlane v1, v39  }
0x4c3: {  	v6 =	vadd.f32 $9.999999960e-13, v6;
	v25 =	vimm.s32 $0x0;
	v17 =	vld [tilespmem:s3+$0xD460];
	v18 =	vadd.f32 v23, v37  }
0x4c4: {  	v27 =	vimm.s32 $0x8;
	v63 =	vld [tilespmem:s7+$0x6860];
	v11 =	vadd.f32 v14, v11;
	v1 =	vadd.f32 v1, v4  }
0x4c5: {  	v20 =	vperm.xlane v2, v25;
	v22 =	vadd.f32 v8, v61;
	v25 =	vadd.f32 v7, v10  }
0x4c6: {  	v2 =	vperm.xlane v2, v27;
	v19 =	vld [tilespmem:s7+$0x6870];
	v23 =	vadd.f32 v9, v12;
	v0 =	vadd.f32 v26, v24  }
0x4c7: {  	v8 =	vld [tilespmem:s3+$0xD470];
	v3 =	vadd.f32 v13, v52;
	v7 =	vmul.f32 v22, v22;
	v28 =	vmul.f32 v25, v25  }
0x4c8: {  	v27 =	vld [tilespmem:$0x1FFF0];
	v37 =	vadd.f32 v62, v16;
	[tilespmem:$0x1F630] =	vst v22;
	v29 =	vmul.f32 v23, v23;
	v39 =	vmul.f32 v0, v0  }
0x4c9: {  	[tilespmem:$0x1F640] =	vst v25;
	v13 =	vmul.f32 v3, v3;
	v52 =	vadd.f32 v17, v63;
	v62 =	vadd.f32 v25, v22;
	s5 =	spop (v2sf)  }
0x4ca: {  	s6 =	sor.u32 $0x6, s4;
	[tilespmem:$0x1F680] =	vst v37;
	v61 =	vmul.f32 v37, v37;
	v22 =	vadd.f32 v0, v23;
	v25 =	vadd.f32 v37, v3;
	v37 =	vld [tilespmem:$0x1FFF0];
	s3 =	smul.u32 $0xC8, s5  }
0x4cb: {  	v7 =	vadd.f32 v28, v7;
	v10 =	vadd.f32 v39, v29;
	v29 =	vld [tilespmem:s4+$0xD307];
	s5 =	sshll.u32 s6, $0x7  }
0x4cc: {  	v13 =	vadd.f32 v61, v13;
	v61 =	vld [tilespmem:$0x1FFE0];
	v19 =	vadd.f32 v8, v19;
	s25 =	sadd.s32 s6, s3;
	s3 =	sand.u32 $0x3FFFFF80, s5  }
0x4cd: {  	v63 =	vmul.f32 v52, v52;
	v28 =	vperm.xlane v18, v27;
	v7 =	vadd.f32 v10, v7;
	v10 =	vld [tilespmem:s3+$0x6800]  }
0x4ce: {  	[tilespmem:$0x1F650] =	vst v23;
	v27 =	vadd.f32 $9.999999960e-13, v30;
	v23 =	vmul.f32 v19, v19;
	v26 =	vadd.f32 v19, v52;
	v17 =	vld [tilespmem:s3+$0x6810]  }
0x4cf: {  	v8 =	vadd.f32 v22, v62;
	v16 =	vadd.f32 v18, v28;
	v39 =	vperm.xlane v11, v37;
	v14 =	vld [tilespmem:s3+$0x6820]  }
0x4d0: {  	[tilespmem:$0x1F6A0] =	vst v19;
	v19 =	vmul.f32 $7.812500000e-03, v20;
	v9 =	vadd.f32 v23, v63;
	v12 =	vadd.f32 v26, v25;
	v63 =	vld [tilespmem:$0x1FFF0]  }
0x4d1: {  	v2 =	vmul.f32 $7.812500000e-03, v2;
	v11 =	vadd.f32 v11, v39;
	(v2sf) =	vpush v29, $0x0;
	v25 =	vld [tilespmem:$0x1FFC0]  }
0x4d2: {  	[tilespmem:$0x1F690] =	vst v52;
	s6 =	sshll.u32 s25, $0x9;
	v52 =	vmul.f32 v19, v19;
	v23 =	vld [tilespmem:$0x1FFF0];
	v22 =	vsub.f32 v21, v19;
	v39 =	vsub.f32 v5, v19  }
0x4d3: {  	s5 =	sshra.s32 s6, $0x2;
	v62 =	vperm.xlane v1, v61;
	v61 =	vld [tilespmem:s3+$0x6840];
	v28 =	vsub.f32 v35, v19;
	v9 =	vadd.f32 v9, v13  }
0x4d4: {  	v30 =	vld [tilespmem:s5+$0xD430];
	v8 =	vadd.f32 v12, v8;
	v18 =	vsub.f32 v2, v52;
	v11 =	vsel vm0, v16, v11  }
0x4d5: {  	v35 =	vld [tilespmem:s5+$0xD450];
	v2 =	vadd.f32 v1, v62;
	v1 =	vmul.f32 $5.000000000e-01, v27;
	v62 =	vsub.f32 v32, v19  }
0x4d6: {  	v16 =	vld [tilespmem:s3+$0x6830];
	v7 =	vadd.f32 v9, v7;
	v4 =	vperm.xlane v8, v63;
	v26 =	vperm.xlane v11, v25  }
0x4d7: {  	v52 =	vld [tilespmem:s5+$0xD420];
	v63 =	vsub.f32 v36, v19;
	v25 =	vimm.s32 $0x8;
	v36 =	vshra.s32 v27, $0x1  }
0x4d8: {  	[tilespmem:$0x1F600] =	vst v22;
	v22 =	vld [tilespmem:$0x1FFC0];
	v27 =	vsub.f32 v31, v19;
	v24 =	vperm.xlane v7, v23;
	v23 =	vimm.s32 $0x0  }
0x4d9: {  	v31 =	vld [tilespmem:s3+$0x6850];
	v32 =	vsub.s32 $0x5F3759DF, v36;
	v8 =	vadd.f32 v8, v4;
	v20 =	vadd.f32 v11, v26  }
0x4da: {  	v13 =	vld [tilespmem:s5+$0xD410];
	v1 =	vmul.f32 v32, v1;
	v7 =	vadd.f32 v7, v24;
	v24 =	vperm.xlane v2, v23  }
0x4db: {  	v5 =	vld [tilespmem:s5+$0xD440];
	v11 =	vadd.f32 v30, v16;
	v2 =	vperm.xlane v2, v25;
	v23 =	vsub.f32 v34, v19  }
0x4dc: {  	v1 =	vmul.f32 v32, v1;
	v37 =	vsel vm0, v8, v7;
	v21 =	vmul.f32 $7.812500000e-03, v24;
	v8 =	vld [tilespmem:$0x1FFD0]  }
0x4dd: {  	[tilespmem:$0x1F660] =	vst v0;
	v12 =	vld [tilespmem:s5+$0xD400];
	v26 =	vmul.f32 $7.812500000e-03, v2;
	v7 =	vsub.f32 v33, v19;
	v33 =	vadd.f32 v52, v14  }
0x4de: {  	[tilespmem:$0x1F670] =	vst v3;
	v25 =	vld [tilespmem:s3+$0x6870];
	v3 =	vadd.f32 v35, v31;
	v0 =	vperm.xlane v37, v22;
	v29 =	vmul.f32 v21, v21  }
0x4df: {  	v2 =	vld [tilespmem:s3+$0x6860];
	[tilespmem:$0x1F610] =	vst v7;
	v7 =	vadd.f32 v13, v17;
	v13 =	vshra.s32 v6, $0x1;
	v6 =	vmul.f32 $5.000000000e-01, v6  }
0x4e0: {  	v24 =	vld [tilespmem:s5+$0xD460];
	v22 =	vmul.f32 v11, v11;
	v19 =	vmul.f32 v33, v33;
	v16 =	vsub.s32 $0x5F3759DF, v13  }
0x4e1: {  	[tilespmem:$0x1F620] =	vst v23;
	v23 =	vsub.f32 v26, v29;
	v29 =	vld [tilespmem:s5+$0xD470];
	v6 =	vmul.f32 v16, v6;
	v9 =	vperm.xlane v20, v8  }
0x4e2: {  	v4 =	vld [tilespmem:$0x1F5A0];
	v1 =	vsub.f32 $1.500000000e+00, v1;
	v26 =	vadd.f32 v12, v10;
	s25 =	spop (v2sf)  }
0x4e3: {  	v31 =	vld [tilespmem:$0x1F560];
	v10 =	vadd.f32 v22, v19;
	s5 =	smul.u32 $0xC8, s25;
	v6 =	vmul.f32 v16, v6;
	v20 =	vadd.f32 v20, v9  }
0x4e4: {  	s6 =	sor.u32 $0x7, s4;
	[tilespmem:$0x1F6D0] =	vst v33;
	v8 =	vld [tilespmem:$0x1FFF0];
	v17 =	vmov v26;
	v9 =	vadd.f32 v37, v0;
	v0 =	vadd.f32 v5, v61  }
0x4e5: {  	v52 =	vmul.f32 v7, v7;
	[tilespmem:$0x1F6C0] =	vst v7;
	v61 =	vmovc v33;
	v37 =	vadd.f32 v7, v17;
	v33 =	vld [tilespmem:$0x1F570];
	s5 =	sadd.s32 s6, s5;
	v7 =	vsub.f32 $1.500000000e+00, v6  }
0x4e6: {  	v2 =	vadd.f32 v24, v2;
	v6 =	vld [tilespmem:$0x1FFD0];
	v24 =	vadd.f32 v29, v25;
	s5 =	sshll.u32 s5, $0x9  }
0x4e7: {  	[tilespmem:$0x1F6F0] =	vst v0;
	v25 =	vmul.f32 v0, v0;
	v22 =	vadd.f32 v3, v0;
	s25 =	sshra.s32 s5, $0x2;
	v0 =	vmul.f32 v16, v7;
	v7 =	vld [tilespmem:$0x1FFF0]  }
0x4e8: {  	[tilespmem:$0x1F6E0] =	vst v11;
	v15 =	vsub.f32 v15, v21;
	v54 =	vsub.f32 v54, v21;
	v1 =	vmul.f32 v32, v1;
	v32 =	vld [tilespmem:s25+$0xD400]  }
0x4e9: {  	v36 =	vmul.f32 v26, v26;
	[tilespmem:$0x1F6B0] =	vst v26;
	v26 =	vmul.f32 v3, v3;
	v11 =	vadd.f32 v11, v61;
	v35 =	vld [tilespmem:s25+$0xD410]  }
0x4ea: {  	v57 =	vsub.f32 v57, v21;
	v56 =	vsub.f32 v56, v21;
	v14 =	vld [tilespmem:s25+$0xD430]  }
0x4eb: {  	v12 =	vadd.f32 v26, v25;
	v26 =	vadd.f32 v11, v37;
	v37 =	vld [tilespmem:$0x1F590]  }
0x4ec: {  	v59 =	vsub.f32 v59, v21;
	v5 =	vadd.f32 v52, v36;
	v13 =	vld [tilespmem:s25+$0xD440]  }
0x4ed: {  	s6 =	sshll.u32 s6, $0x7;
	v29 =	vmul.f32 v2, v2;
	v16 =	vsub.f32 v55, v21;
	v36 =	vmul.f32 v24, v24;
	v11 =	vld [tilespmem:s25+$0xD450]  }
0x4ee: {  	v61 =	vmul.f32 v1, v31;
	s5 =	sand.u32 $0x3FFFFF80, s6;
	v55 =	vsub.f32 v58, v21;
	v21 =	vsub.f32 v60, v21;
	v31 =	vld [tilespmem:s25+$0xD470]  }
0x4ef: {  	[tilespmem:$0x1F720] =	vst v24;
	v24 =	vadd.f32 v24, v2;
	v60 =	vld [tilespmem:s5+$0x6860];
	v25 =	vadd.f32 v36, v29  }
0x4f0: {  	v36 =	vld [tilespmem:$0x1F580]  }
0x4f1: {  	v29 =	vadd.f32 v24, v22;
	v30 =	vadd.f32 v25, v12;
	v12 =	vld [tilespmem:s25+$0xD420]  }
0x4f2: {  	v5 =	vadd.f32 v10, v5;
	v25 =	vmul.f32 v1, v44;
	v44 =	vld [tilespmem:s25+$0xD460]  }
0x4f3: {  	v34 =	vadd.f32 v29, v26;
	v29 =	vld [tilespmem:$0x1F5C0]  }
0x4f4: {  	v10 =	vadd.f32 v30, v5;
	v5 =	vld [tilespmem:$0x1F5B0]  }
0x4f5: {  	v18 =	vadd.f32 $9.999999960e-13, v18;
	[tilespmem:$0x1F710] =	vst v2;
	v30 =	vld [tilespmem:s5+$0x6800];
	v2 =	vperm.xlane v34, v7  }
0x4f6: {  	v17 =	vmul.f32 v1, v36;
	v36 =	vld [tilespmem:$0x1FFE0]  }
0x4f7: {  	v52 =	vmul.f32 v1, v33;
	v33 =	vmul.f32 $5.000000000e-01, v18;
	v2 =	vadd.f32 v34, v2;
	v34 =	vld [tilespmem:s5+$0x6850]  }
0x4f8: {  	v40 =	vmul.f32 v0, v40;
	v24 =	vmul.f32 v1, v29;
	v29 =	vld [tilespmem:s5+$0x6830]  }
0x4f9: {  	v22 =	vmul.f32 v1, v4;
	v26 =	vmul.f32 v1, v5;
	v5 =	vld [tilespmem:s5+$0x6810]  }
0x4fa: {  	v18 =	vshra.s32 v18, $0x1;
	v19 =	vmul.f32 v1, v37;
	v1 =	vperm.xlane v9, v6;
	v6 =	vld [tilespmem:s5+$0x6820]  }
0x4fb: {  	[tilespmem:$0x1F700] =	vst v3;
	v3 =	vperm.xlane v10, v8;
	v37 =	vperm.xlane v20, v36;
	v36 =	vadd.f32 v32, v30;
	v30 =	vld [tilespmem:$0x1F5E0]  }
0x4fc: {  	v32 =	vmul.f32 v0, v43;
	v43 =	vld [tilespmem:$0x1F5F0];
	v8 =	vadd.f32 v9, v1;
	v9 =	vsub.s32 $0x5F3759DF, v18  }
0x4fd: {  	v23 =	vadd.f32 $9.999999960e-13, v23;
	v4 =	vmul.f32 v9, v33;
	v33 =	vmul.f32 v0, v45;
	v45 =	vld [tilespmem:$0x1F5D0]  }
0x4fe: {  	v3 =	vadd.f32 v10, v3;
	v10 =	vmul.f32 v0, v41;
	v41 =	vadd.f32 v44, v60;
	v18 =	vld [tilespmem:s5+$0x6840]  }
0x4ff: {  	v58 =	vld [tilespmem:s5+$0x6870];
	v42 =	vmul.f32 v0, v42;
	v7 =	vadd.f32 v11, v34;
	v20 =	vadd.f32 v20, v37  }
0x500: {  	v11 =	vmul.f32 v36, v36;
	v37 =	vadd.f32 v35, v5;
	v4 =	vmul.f32 v9, v4  }
0x501: {  	v1 =	vadd.f32 v12, v6;
	v6 =	vmul.f32 v0, v30;
	v12 =	vmul.f32 v0, v43  }
0x502: {  	v4 =	vsub.f32 $1.500000000e+00, v4;
	v5 =	vmul.f32 v0, v45;
	v45 =	vadd.f32 v14, v29  }
0x503: {  	[tilespmem:$0x1F730] =	vst v36;
	v29 =	vadd.f32 v13, v18;
	v13 =	vmul.f32 v37, v37;
	v14 =	vmul.f32 v1, v1  }
0x504: {  	[tilespmem:$0x1F740] =	vst v37;
	v9 =	vmul.f32 v9, v4;
	v4 =	vadd.f32 v31, v58;
	v58 =	vadd.f32 v37, v36  }
0x505: {  	[tilespmem:$0x1F750] =	vst v1;
	v37 =	vmul.f32 v7, v7;
	v1 =	vadd.f32 v45, v1;
	v30 =	vmul.f32 v45, v45  }
0x506: {  	[tilespmem:$0x1F760] =	vst v45;
	v31 =	vadd.f32 v7, v29;
	v36 =	vmul.f32 v29, v29;
	v45 =	vadd.f32 v13, v11  }
0x507: {  	[tilespmem:$0x1F790] =	vst v41;
	v60 =	vadd.f32 v4, v41;
	v41 =	vmul.f32 v41, v41;
	v43 =	vmul.f32 v4, v4  }
0x508: {  	[tilespmem:$0x1F780] =	vst v7;
	v7 =	vimm.s32 $0x8;
	v34 =	vmul.f32 v9, v39;
	v11 =	vmul.f32 v9, v27  }
0x509: {  	v28 =	vmul.f32 v9, v28;
	v18 =	vadd.f32 v1, v58;
	v58 =	vadd.f32 v30, v14;
	v30 =	vld [tilespmem:$0x1F610]  }
0x50a: {  	[tilespmem:$0x1F7A0] =	vst v4;
	v4 =	vshra.s32 v23, $0x1;
	v23 =	vmul.f32 $5.000000000e-01, v23;
	v1 =	vadd.f32 v37, v36;
	v37 =	vld [tilespmem:$0x1F810]  }
0x50b: {  	v14 =	vmul.f32 v9, v63;
	v63 =	vimm.s32 $0x0;
	v35 =	vsub.s32 $0x5F3759DF, v4;
	v36 =	vld [tilespmem:$0x1F820]  }
0x50c: {  	v44 =	vadd.f32 v60, v31;
	v0 =	vadd.f32 v43, v41;
	v60 =	vld [tilespmem:$0x1F600];
	v27 =	vperm.xlane v20, v63  }
0x50d: {  	v2 =	vsel vm0, v2, v3;
	v20 =	vperm.xlane v20, v7;
	v23 =	vmul.f32 v35, v23;
	v31 =	vld [tilespmem:$0x1FFE0]  }
0x50e: {  	v41 =	vld [tilespmem:$0x1FFC0];
	v3 =	vadd.f32 v58, v45;
	v27 =	vmul.f32 $7.812500000e-03, v27;
	v0 =	vadd.f32 v0, v1  }
0x50f: {  	v63 =	vld [tilespmem:$0x1F620];
	v1 =	vmul.f32 v9, v62;
	v18 =	vadd.f32 v44, v18;
	v23 =	vmul.f32 v35, v23  }
0x510: {  	[tilespmem:$0x1F770] =	vst v29;
	v45 =	vld [tilespmem:$0x1FFF0];
	v20 =	vmul.f32 $7.812500000e-03, v20;
	v29 =	vmul.f32 v27, v27;
	v0 =	vadd.f32 v0, v3  }
0x511: {  	v58 =	vld [tilespmem:$0x1FFF0];
	v3 =	vmul.f32 v9, v30;
	v23 =	vsub.f32 $1.500000000e+00, v23;
	v25 =	vmul.f32 v25, v37  }
0x512: {  	v49 =	vsub.f32 v49, v27;
	v24 =	vmul.f32 v24, v36;
	v42 =	vmul.f32 v42, v37  }
0x513: {  	v51 =	vsub.f32 v51, v27;
	v10 =	vmul.f32 v10, v36;
	v13 =	vmul.f32 v9, v60  }
0x514: {  	v39 =	vperm.xlane v8, v31;
	v44 =	vperm.xlane v2, v41;
	v41 =	vsub.f32 v46, v27  }
0x515: {  	v31 =	vimm.s32 $0x8;
	v20 =	vsub.f32 v20, v29;
	v60 =	vperm.xlane v18, v45  }
0x516: {  	v62 =	vperm.xlane v0, v58;
	v45 =	vmul.f32 v9, v63;
	v58 =	vsub.f32 v47, v27  }
0x517: {  	v23 =	vmul.f32 v35, v23;
	v47 =	vsub.f32 v48, v27;
	v9 =	vsub.f32 v38, v27  }
0x518: {  	v29 =	vimm.s32 $0x0;
	v63 =	vld [tilespmem:$0x1F7B0];
	v48 =	vsub.f32 v50, v27;
	v27 =	vsub.f32 v53, v27  }
0x519: {  	v3 =	vmul.f32 v3, v37;
	v8 =	vadd.f32 v8, v39;
	v2 =	vadd.f32 v2, v44  }
0x51a: {  	v4 =	vld [tilespmem:$0x1FFC0];
	v18 =	vadd.f32 v18, v60;
	v15 =	vmul.f32 v23, v15;
	v16 =	vmul.f32 v23, v16  }
0x51b: {  	v39 =	vld [tilespmem:$0x1FFD0];
	v53 =	vmul.f32 v23, v55;
	v55 =	vmul.f32 v23, v59;
	v20 =	vadd.f32 $9.999999960e-13, v20  }
0x51c: {  	v0 =	vadd.f32 v0, v62;
	v62 =	vld [tilespmem:$0x1F7D0];
	v44 =	vperm.xlane v8, v29;
	v8 =	vperm.xlane v8, v31  }
0x51d: {  	v60 =	vld [tilespmem:$0x1F7F0];
	v7 =	vshra.s32 v20, $0x1;
	v20 =	vmul.f32 $5.000000000e-01, v20;
	v30 =	vmul.f32 v61, v63  }
0x51e: {  	v59 =	vld [tilespmem:$0x1F800];
	v0 =	vsel vm0, v18, v0;
	v44 =	vmul.f32 $7.812500000e-03, v44;
	v8 =	vmul.f32 $7.812500000e-03, v8  }
0x51f: {  	v43 =	vperm.xlane v0, v4;
	v32 =	vmul.f32 v32, v63  }
0x520: {  	v13 =	vmul.f32 v13, v63;
	v18 =	vperm.xlane v2, v39  }
0x521: {  	v61 =	vld [tilespmem:$0x1F7C0];
	v38 =	vmul.f32 v44, v44;
	v17 =	vmul.f32 v17, v62  }
0x522: {  	v4 =	vld [tilespmem:$0x1F830];
	v0 =	vadd.f32 v0, v43;
	v43 =	vmul.f32 v23, v21;
	v5 =	vmul.f32 v5, v62  }
0x523: {  	v12 =	vmul.f32 v12, v60;
	v40 =	vmul.f32 v40, v59  }
0x524: {  	v29 =	vld [tilespmem:$0x1F840];
	v34 =	vmul.f32 v34, v62;
	v28 =	vmul.f32 v28, v60  }
0x525: {  	v31 =	vld [tilespmem:$0x1F880];
	v1 =	vmul.f32 v1, v59;
	v2 =	vadd.f32 v2, v18;
	v18 =	vmul.f32 v22, v60  }
0x526: {  	v39 =	vld [tilespmem:$0x1F7E0];
	v22 =	vmul.f32 v23, v54;
	v54 =	vmul.f32 v23, v56;
	v8 =	vsub.f32 v8, v38  }
0x527: {  	v38 =	vld [tilespmem:$0x1F870];
	v35 =	vmul.f32 v52, v61;
	v52 =	vmul.f32 v23, v57;
	v46 =	vadd.f32 v30, v4  }
0x528: {  	v30 =	vld [tilespmem:$0x1F850];
	v57 =	vmul.f32 v26, v59;
	v26 =	vsub.s32 $0x5F3759DF, v7;
	v56 =	vmul.f32 v33, v61  }
0x529: {  	v33 =	vld [tilespmem:$0x1F890];
	v32 =	vadd.f32 v32, v4;
	v13 =	vadd.f32 v13, v4;
	v20 =	vmul.f32 v26, v20  }
0x52a: {  	v14 =	vmul.f32 v14, v61;
	v8 =	vadd.f32 $9.999999960e-13, v8;
	v50 =	vadd.f32 v35, v29  }
0x52b: {  	v23 =	vadd.f32 v57, v31;
	v56 =	vadd.f32 v56, v29;
	v20 =	vmul.f32 v26, v20  }
0x52c: {  	v19 =	vmul.f32 v19, v39;
	v57 =	vld [tilespmem:$0x1FFD0];
	v14 =	vadd.f32 v14, v29;
	v18 =	vadd.f32 v18, v38  }
0x52d: {  	v6 =	vmul.f32 v6, v39;
	v12 =	vadd.f32 v12, v38;
	v20 =	vsub.f32 $1.500000000e+00, v20  }
0x52e: {  	v11 =	vmul.f32 v11, v39;
	v35 =	vld [tilespmem:$0x1F860];
	v17 =	vadd.f32 v17, v30;
	v7 =	vadd.f32 v25, v33  }
0x52f: {  	v5 =	vadd.f32 v5, v30;
	v20 =	vmul.f32 v26, v20;
	v26 =	vadd.f32 v40, v31  }
0x530: {  	v40 =	vadd.f32 v42, v33;
	v42 =	vshra.s32 v8, $0x1;
	v8 =	vmul.f32 $5.000000000e-01, v8  }
0x531: {  	[tilespmem:s23+$0x6800] =	vst v46;
	v25 =	vld [tilespmem:$0x1F8A0];
	v34 =	vadd.f32 v34, v30;
	v57 =	vperm.xlane v0, v57;
	v42 =	vsub.s32 $0x5F3759DF, v42  }
0x532: {  	v3 =	vadd.f32 v3, v33;
	[tilespmem:s16+$0x6820] =	vst v5;
	v5 =	vld [tilespmem:$0x1F6A0];
	v21 =	vmul.f32 v20, v41;
	v8 =	vmul.f32 v42, v8  }
0x533: {  	[tilespmem:s23+$0x6810] =	vst v50;
	v19 =	vadd.f32 v19, v35;
	v41 =	vmul.f32 v20, v58;
	v58 =	vmul.f32 v20, v9;
	v9 =	vld [tilespmem:$0x1FFE0]  }
0x534: {  	v6 =	vadd.f32 v6, v35;
	[tilespmem:s23+$0x6820] =	vst v17;
	v17 =	vmul.f32 v20, v49;
	v49 =	vld [tilespmem:$0x1F660];
	v8 =	vmul.f32 v42, v8  }
0x535: {  	[tilespmem:s23+$0x6840] =	vst v18;
	v11 =	vadd.f32 v11, v35;
	v46 =	vmul.f32 v20, v47;
	v18 =	vmul.f32 v20, v27;
	v27 =	vld [tilespmem:$0x1F630]  }
0x536: {  	v47 =	vmul.f32 v20, v48;
	[tilespmem:s23+$0x6830] =	vst v19;
	v19 =	vadd.f32 v28, v38;
	v50 =	vsub.f32 $1.500000000e+00, v8  }
0x537: {  	[tilespmem:s16+$0x6810] =	vst v56;
	v56 =	vld [tilespmem:$0x1F680];
	v28 =	vmul.f32 v20, v51;
	v20 =	vadd.f32 v1, v31;
	v0 =	vadd.f32 v0, v57  }
0x538: {  	[tilespmem:s23+$0x6850] =	vst v23;
	v24 =	vadd.f32 v24, v25;
	v48 =	vperm.xlane v2, v9;
	v23 =	vmul.f32 v42, v50;
	v42 =	vld [tilespmem:$0x1F640]  }
0x539: {  	v16 =	vmul.f32 v16, v39;
	v5 =	vsub.f32 v5, v44;
	v9 =	vsub.f32 v49, v44;
	v50 =	vld [tilespmem:$0x1F670]  }
0x53a: {  	[tilespmem:s23+$0x6860] =	vst v7;
	v51 =	vimm.s32 $0x0;
	v7 =	vsub.f32 v27, v44;
	v2 =	vadd.f32 v2, v48;
	v48 =	vld [tilespmem:$0x1F650]  }
0x53b: {  	v57 =	vld [tilespmem:$0x1F690];
	v10 =	vadd.f32 v10, v25;
	v8 =	vmul.f32 v45, v36;
	v9 =	vmul.f32 v23, v9  }
0x53c: {  	v45 =	vimm.s32 $0x8;
	v7 =	vmul.f32 v23, v7;
	v5 =	vmul.f32 v23, v5  }
0x53d: {  	[tilespmem:s16+$0x6800] =	vst v32;
	v1 =	vperm.xlane v2, v51;
	v9 =	vmul.f32 v9, v39;
	v27 =	vsub.f32 v42, v44  }
0x53e: {  	[tilespmem:s17+$0x6800] =	vst v13;
	v5 =	vmul.f32 v5, v36;
	v32 =	vsub.f32 v50, v44;
	v42 =	vsub.f32 v56, v44  }
0x53f: {  	[tilespmem:s23+$0x6870] =	vst v24;
	v49 =	vmul.f32 $7.812500000e-03, v1;
	v1 =	vperm.xlane v2, v45;
	v24 =	vsub.f32 v48, v44  }
0x540: {  	[tilespmem:s17+$0x6810] =	vst v14;
	v48 =	vsub.f32 v57, v44;
	v57 =	vmul.f32 v15, v63;
	v44 =	vmul.f32 v22, v61  }
0x541: {  	[tilespmem:s16+$0x6830] =	vst v6;
	v6 =	vadd.f32 v8, v25;
	v50 =	vld [tilespmem:$0x1FFE0];
	v22 =	vmul.f32 v53, v60;
	v1 =	vmul.f32 $7.812500000e-03, v1  }
0x542: {  	[tilespmem:s17+$0x6850] =	vst v20;
	v9 =	vadd.f32 v9, v35;
	v45 =	vmul.f32 v49, v49;
	v20 =	vmul.f32 v23, v27  }
0x543: {  	[tilespmem:s17+$0x6870] =	vst v6;
	v5 =	vadd.f32 v5, v25;
	v6 =	vmul.f32 v23, v32;
	v15 =	vmul.f32 v23, v42  }
0x544: {  	[tilespmem:s16+$0x6870] =	vst v10;
	v8 =	vadd.f32 v57, v4;
	v10 =	vadd.f32 v44, v29;
	v57 =	vmul.f32 v55, v37  }
0x545: {  	[tilespmem:s16+$0x6840] =	vst v12;
	v2 =	vsub.f32 v1, v45;
	v45 =	vmul.f32 v43, v36;
	v6 =	vmul.f32 v6, v60  }
0x546: {  	[tilespmem:s17+$0x6820] =	vst v34;
	v42 =	vld [tilespmem:$0x1F6B0];
	v44 =	vadd.f32 v16, v35;
	v15 =	vmul.f32 v15, v59;
	v56 =	vperm.xlane v0, v50  }
0x547: {  	[tilespmem:s17+$0x6860] =	vst v3;
	v50 =	vmul.f32 v52, v62;
	v57 =	vadd.f32 v57, v33;
	v2 =	vadd.f32 $9.999999960e-13, v2  }
0x548: {  	[tilespmem:s16+$0x6850] =	vst v26;
	v52 =	vimm.s32 $0x8;
	v34 =	vadd.f32 v45, v25;
	v0 =	vadd.f32 v0, v56  }
0x549: {  	[tilespmem:s16+$0x6860] =	vst v40;
	v56 =	vmul.f32 v54, v59;
	v12 =	vadd.f32 v50, v30;
	v50 =	vmul.f32 v21, v63  }
0x54a: {  	[tilespmem:s17+$0x6830] =	vst v11;
	v43 =	vld [tilespmem:$0x1F6C0];
	v6 =	vadd.f32 v6, v38;
	v54 =	vmul.f32 v41, v61;
	v21 =	vmul.f32 v23, v24  }
0x54b: {  	[tilespmem:s18+$0x6830] =	vst v44;
	v44 =	vld [tilespmem:$0x1F6D0];
	v24 =	vmul.f32 v23, v48;
	v11 =	vsub.f32 v42, v49;
	v48 =	vmul.f32 v46, v62  }
0x54c: {  	[tilespmem:s17+$0x6840] =	vst v19;
	v42 =	vmul.f32 v20, v61;
	v55 =	vshra.s32 v2, $0x1;
	v2 =	vmul.f32 $5.000000000e-01, v2  }
0x54d: {  	[tilespmem:s18+$0x6870] =	vst v34;
	v34 =	vmul.f32 v18, v36;
	v53 =	vperm.xlane v0, v51;
	v56 =	vadd.f32 v56, v31  }
0x54e: {  	[tilespmem:s7+$0x6830] =	vst v9;
	v0 =	vperm.xlane v0, v52;
	v40 =	vadd.f32 v50, v4;
	v41 =	vadd.f32 v54, v29  }
0x54f: {  	[tilespmem:s18+$0x6800] =	vst v8;
	v19 =	vsub.s32 $0x5F3759DF, v55;
	v16 =	vsub.f32 v43, v49;
	v50 =	vld [tilespmem:$0x1F6F0];
	v8 =	vadd.f32 v48, v30  }
0x550: {  	[tilespmem:s7+$0x6870] =	vst v5;
	v54 =	vld [tilespmem:$0x1F710];
	v2 =	vmul.f32 v19, v2;
	v3 =	vsub.f32 v44, v49;
	v1 =	vmul.f32 $7.812500000e-03, v53  }
0x551: {  	v55 =	vld [tilespmem:$0x1F720];
	v44 =	vadd.f32 v34, v25;
	v0 =	vmul.f32 $7.812500000e-03, v0;
	[tilespmem:s18+$0x6850] =	vst v56;
	v56 =	vmul.f32 v47, v60  }
0x552: {  	v45 =	vld [tilespmem:$0x1F6E0];
	v53 =	vadd.f32 v22, v38;
	[tilespmem:s22+$0x6810] =	vst v41;
	v41 =	vmul.f32 v7, v63;
	v2 =	vmul.f32 v19, v2  }
0x553: {  	[tilespmem:s18+$0x6810] =	vst v10;
	v47 =	vadd.f32 v42, v29;
	v52 =	vmul.f32 v1, v1;
	v27 =	vadd.f32 v56, v38  }
0x554: {  	[tilespmem:s18+$0x6840] =	vst v53;
	v53 =	vmul.f32 v58, v39;
	v46 =	vadd.f32 v41, v4;
	v2 =	vsub.f32 $1.500000000e+00, v2  }
0x555: {  	[tilespmem:s18+$0x6860] =	vst v57;
	v58 =	vmul.f32 v17, v59;
	v22 =	vsub.f32 v50, v49;
	v26 =	vsub.f32 v54, v49  }
0x556: {  	[tilespmem:s7+$0x6840] =	vst v6;
	v13 =	vsub.f32 v55, v49;
	v0 =	vsub.f32 v0, v52;
	v2 =	vmul.f32 v19, v2  }
0x557: {  	[tilespmem:s18+$0x6820] =	vst v12;
	v52 =	vld [tilespmem:$0x1F700];
	v57 =	vadd.f32 v53, v35;
	v19 =	vsub.f32 v45, v49;
	v45 =	vmul.f32 v21, v62  }
0x558: {  	[tilespmem:s22+$0x6800] =	vst v40;
	v40 =	vadd.f32 v58, v31;
	v0 =	vadd.f32 $9.999999960e-13, v0;
	v50 =	vmul.f32 v2, v11  }
0x559: {  	[tilespmem:s7+$0x6810] =	vst v47;
	v47 =	vld [tilespmem:$0x1F770];
	v48 =	vadd.f32 v45, v30;
	v3 =	vmul.f32 v2, v3;
	v54 =	vmul.f32 v2, v19  }
0x55a: {  	[tilespmem:s22+$0x6820] =	vst v8;
	v7 =	vmul.f32 v2, v22;
	v18 =	vmul.f32 v2, v26;
	v32 =	vshra.s32 v0, $0x1  }
0x55b: {  	[tilespmem:s22+$0x6870] =	vst v44;
	v0 =	vmul.f32 $5.000000000e-01, v0;
	v10 =	vsub.s32 $0x5F3759DF, v32;
	v32 =	vmul.f32 v28, v37  }
0x55c: {  	[tilespmem:s22+$0x6850] =	vst v40;
	v40 =	vld [tilespmem:$0x1F750];
	v23 =	vsub.f32 v52, v49;
	v49 =	vmul.f32 v24, v37;
	v52 =	vmul.f32 v2, v16  }
0x55d: {  	[tilespmem:s22+$0x6840] =	vst v27;
	v53 =	vadd.f32 v15, v31;
	v19 =	vld [tilespmem:$0x1F730];
	v3 =	vmul.f32 v3, v62;
	v56 =	vmul.f32 v54, v39  }
0x55e: {  	v22 =	vld [tilespmem:$0x1F740];
	[tilespmem:s7+$0x6820] =	vst v48;
	v17 =	vmul.f32 v7, v60;
	v48 =	vsub.f32 v47, v1;
	v0 =	vmul.f32 v10, v0  }
0x55f: {  	[tilespmem:s7+$0x6800] =	vst v46;
	v26 =	vmul.f32 v18, v37;
	v43 =	vadd.f32 v32, v33;
	v55 =	vadd.f32 v49, v33  }
0x560: {  	[tilespmem:s22+$0x6830] =	vst v57;
	v54 =	vld [tilespmem:$0x1F790];
	v3 =	vadd.f32 v3, v30;
	v9 =	vadd.f32 v56, v35;
	v0 =	vmul.f32 v10, v0  }
0x561: {  	[tilespmem:s7+$0x6850] =	vst v53;
	v11 =	vmul.f32 v52, v61;
	v24 =	vadd.f32 v17, v38;
	v32 =	vadd.f32 v26, v33  }
0x562: {  	v16 =	vmul.f32 v2, v23;
	v41 =	vsub.f32 v40, v1;
	[tilespmem:s22+$0x6860] =	vst v43;
	v43 =	vld [tilespmem:$0x1F760];
	v0 =	vsub.f32 $1.500000000e+00, v0  }
0x563: {  	v2 =	vmul.f32 v2, v13;
	v20 =	vsub.f32 v19, v1;
	v23 =	vsub.f32 v22, v1;
	[tilespmem:s7+$0x6860] =	vst v55  }
0x564: {  	v58 =	vadd.f32 v11, v29;
	v21 =	vmul.f32 v16, v59;
	[tilespmem:s3+$0x6820] =	vst v3;
	v0 =	vmul.f32 v10, v0  }
0x565: {  	v52 =	vld [tilespmem:$0x1F780];
	v2 =	vmul.f32 v2, v36;
	[tilespmem:s3+$0x6830] =	vst v9;
	v8 =	vsub.f32 v54, v1;
	v10 =	vmul.f32 v50, v63  }
0x566: {  	v56 =	vld [tilespmem:$0x1F7A0];
	[tilespmem:s3+$0x6840] =	vst v24;
	v5 =	vadd.f32 v21, v31;
	v27 =	vmul.f32 v0, v20;
	v28 =	vmul.f32 v0, v23  }
0x567: {  	[tilespmem:s3+$0x6860] =	vst v32;
	v44 =	vsub.f32 v43, v1;
	v46 =	vmul.f32 v0, v41;
	v7 =	vmul.f32 v0, v48  }
0x568: {  	[tilespmem:s3+$0x6810] =	vst v58;
	v2 =	vadd.f32 v2, v25;
	v58 =	vmul.f32 v0, v8;
	v34 =	vmul.f32 v27, v63  }
0x569: {  	[tilespmem:s3+$0x6850] =	vst v5;
	v57 =	vadd.f32 v10, v4;
	v42 =	vmul.f32 v28, v61;
	v50 =	vmul.f32 v0, v44  }
0x56a: {  	[tilespmem:s3+$0x6870] =	vst v2;
	v53 =	vmul.f32 v46, v62;
	v45 =	vadd.f32 v34, v4;
	v4 =	vsub.f32 v52, v1  }
0x56b: {  	[tilespmem:s3+$0x6800] =	vst v57;
	v57 =	vmul.f32 v7, v60;
	v49 =	vadd.f32 v42, v29;
	v1 =	vsub.f32 v56, v1  }
0x56c: {  	v61 =	vmul.f32 v58, v37;
	v3 =	vadd.f32 v53, v30;
	v4 =	vmul.f32 v0, v4;
	[tilespmem:s5+$0x6800] =	vst v45  }
0x56d: {  	v55 =	vmul.f32 v50, v39;
	v60 =	vadd.f32 v57, v38;
	[tilespmem:s5+$0x6810] =	vst v49;
	v0 =	vmul.f32 v0, v1  }
0x56e: {  	p1 =	slt.u32 s4, $0x60;
	v63 =	vadd.f32 v61, v33;
	[tilespmem:s5+$0x6820] =	vst v3;
	v4 =	vmul.f32 v4, v59  }
.Ltmp5:
0x56f: {  	v2 =	vadd.f32 v55, v35;
	[tilespmem:s5+$0x6840] =	vst v60;
	v0 =	vmul.f32 v0, v36;
	(pc) =	sbr.rel @p1 .LBB2_9-.Ltmp5, $4  }
0x570: {  	[tilespmem:s5+$0x6860] =	vst v63;
	v62 =	vadd.f32 v4, v31  }
0x571: {  	[tilespmem:s5+$0x6830] =	vst v2;
	v0 =	vadd.f32 v0, v25  }
0x572: {  	s25 =	sadd.s32 $0x8, s4;
	[tilespmem:s5+$0x6850] =	vst v62  }
0x573: {  	s4 =	smov.u32 s25;
	[tilespmem:s5+$0x6870] =	vst v0  }
0x574: {  	s3 =	sadd.s32 $0xC80, s24  }
0x575: {  	[hbm4b:s3+s8] =	stream.linear.scatter [tilespmem:s28], [sflag:$0x7], $0x3400, $0x38;
	[tilespmem:$0x19E00] =	vst v63  }
0x576: {  	s3 =	simm.s32 @p0 $0x4  }
0x577: {  	_ =	swait.ge @p0 [sflag:s3], $0x3000  }
0x578: {  	[sflag:s3] =	ssyncset.done @p0 $0x0  }
0x579: {  	[sflag:s3] =	ssyncadd.s32 @p0 $0xFFFFD000;
	s3 =	simm.s32 @p0 $0x10  }
0x57a: {  	s4 =	sadd.s32 @!p0 $0x6, s21;
	_ =	swait.ge @p0 [sflag:s3], $0x60  }
0x57b: {  	s4 =	sshrl.u32 @!p0 s4, $0x1;
	[sflag:s3] =	ssyncset.done @p0 $0x0  }
0x57c: {  	s4 =	smul.u32 @!p0 $0xC8, s4;
	[sflag:s3] =	ssyncadd.s32 @p0 $0xFFFFFFA0;
	s3 =	simm.s32 @p0 $0x6  }
0x57d: {  	_ =	swait.ge @p0 [sflag:s3], $0x3000  }
0x57e: {  	s4 =	sadd.s32 @!p0 s9, s4;
	[sflag:s3] =	ssyncset.done @p0 $0x0  }
0x57f: {  	[sflag:s3] =	ssyncadd.s32 @p0 $0xFFFFD000;
	s3 =	sshrl.u32 @!p0 s4, $0x3  }
0x580: {  	s5 =	simm.s32 @!p0 $0x0;
	s6 =	simm.s32 @!p0 $0xD100;
	s4 =	sadd.s32 @!p0 s10, s3  }
0x581: {  	[tilespmem:s6], [sflag:$0xB] =	stream.linear.gather @!p0 [hbm4b:s4+s5], $0x68, $0x38;
	[tilespmem:$0x19E00] =	vst v63  }
0x582: {  	s3 =	sadd.s32 @!p0 s11, s3;
	s4 =	simm.s32 @!p0 $0xD300  }
0x583: {  	[tilespmem:s4], [sflag:$0xF] =	stream.linear.gather @!p0 [hbm4b:s3+s5], $0x68, $0x38;
	[tilespmem:$0x19E00] =	vst v63  }
0x584: {  	s3 =	simm.s32 @!p0 $0x4  }
0x585: {  	_ =	swait.ge @!p0 [sflag:s3], $0x3000  }
0x586: {  	[sflag:s3] =	ssyncset.done @!p0 $0x0  }
0x587: {  	[sflag:s3] =	ssyncadd.s32 @!p0 $0xFFFFD000;
	s3 =	simm.s32 @!p0 $0x10  }
0x588: {  	_ =	swait.ge @!p0 [sflag:s3], $0x60  }
0x589: {  	[sflag:s3] =	ssyncset.done @!p0 $0x0  }
0x58a: {  	[sflag:s3] =	ssyncadd.s32 @!p0 $0xFFFFFFA0;
	s3 =	simm.s32 @!p0 $0x6  }
0x58b: {  	_ =	swait.ge @!p0 [sflag:s3], $0x3000  }
0x58c: {  	[sflag:s3] =	ssyncset.done @!p0 $0x0  }
0x58d: {  	[sflag:s3] =	ssyncadd.s32 @!p0 $0xFFFFD000;
	s3 =	simm.s32 @!p0 $0xA  }
0x58e: {  	_ =	swait.ge @!p0 [sflag:s3], $0x60  }
0x58f: {  	s4 =	simm.s32 @!p0 $0xD080;
	[sflag:s3] =	ssyncset.done @!p0 $0x0  }
0x590: {  	s5 =	simm.s32 @!p0 $0x3400;
	[sflag:s3] =	ssyncadd.s32 @!p0 $0xFFFFFFA0;
	s3 =	simm.s32 @!p0 $0x60  }
0x591: {  	[tilespmem:s5], [sflag:$0x2] =	stream.indirect.gather @!p0 [hbm4b:s0+s3], $0x80, s4, s3, $0xb8;
	[tilespmem:$0x19E00] =	vst v63  }
0x592: {  	v0 =	vld [tilespmem:$0x19D00]  }
0x593: {  	v48 =	vld [tilespmem:$0x19D10]  }
0x594: {  	v49 =	vld [tilespmem:$0x19D20]  }
0x595: {  	v50 =	vld [tilespmem:$0x19D30]  }
0x596: {  	v52 =	vld [tilespmem:$0x19D40]  }
0x597: {  	v53 =	vld [tilespmem:$0x19D50];
	[tilespmem:$0x1F460] =	vst v0  }
0x598: {  	v54 =	vld [tilespmem:$0x19D60];
	[tilespmem:$0x1F470] =	vst v48  }
0x599: {  	v55 =	vld [tilespmem:$0x19D70];
	[tilespmem:$0x1F480] =	vst v49  }
0x59a: {  	v56 =	vld [tilespmem:$0x19D80];
	[tilespmem:$0x1F490] =	vst v50  }
0x59b: {  	v57 =	vld [tilespmem:$0x19D90];
	[tilespmem:$0x1F4A0] =	vst v52  }
0x59c: {  	v58 =	vld [tilespmem:$0x19DA0];
	[tilespmem:$0x1F4B0] =	vst v53  }
0x59d: {  	v59 =	vld [tilespmem:$0x19DB0];
	[tilespmem:$0x1F4C0] =	vst v54  }
0x59e: {  	v60 =	vld [tilespmem:$0x19DC0];
	[tilespmem:$0x1F4D0] =	vst v55  }
0x59f: {  	v61 =	vld [tilespmem:$0x19DD0];
	[tilespmem:$0x1F4E0] =	vst v56  }
0x5a0: {  	v62 =	vld [tilespmem:$0x19DE0];
	[tilespmem:$0x1F4F0] =	vst v57  }
0x5a1: {  	v63 =	vld [tilespmem:$0x19DF0];
	[tilespmem:$0x1F500] =	vst v58  }
0x5a2: {  	[tilespmem:$0x1F510] =	vst v59  }
0x5a3: {  	[tilespmem:$0x1F520] =	vst v60  }
0x5a4: {  	[tilespmem:$0x1F530] =	vst v61  }
0x5a5: {  	[tilespmem:$0x1F540] =	vst v62  }
0x5a6: {  	s4 =	simm.s32 $0x0;
	[tilespmem:$0x1F550] =	vst v63  }
.LBB2_11:
0x5a7: {  	v0 =	vld [tilespmem:s4+$0xD380];
	_ =	sdelay $0x4  }
0x5a8: {  	(v2sf) =	vpush v0, $0x0;
	_ =	sdelay $0xb  }
0x5a9: {  	s5 =	sshll.u32 s4, $0x7  }
0x5aa: {  	v38 =	vld [tilespmem:s4+$0xD381];
	s16 =	sand.u32 $0x3FFFFF80, s5  }
0x5ab: {  	v1 =	vld [tilespmem:s16+$0x9C00]  }
0x5ac: {  	v3 =	vld [tilespmem:s16+$0x9C10];
	s3 =	spop (v2sf)  }
0x5ad: {  	v39 =	vld [tilespmem:s16+$0x9C20];
	s3 =	smul.u32 $0xC8, s3  }
0x5ae: {  	v6 =	vld [tilespmem:s16+$0x9C30]  }
0x5af: {  	v11 =	vld [tilespmem:s16+$0x9C40];
	s3 =	sadd.s32 s3, s4  }
0x5b0: {  	v13 =	vld [tilespmem:s16+$0x9C50];
	s3 =	sshll.u32 s3, $0x9  }
0x5b1: {  	v15 =	vld [tilespmem:s16+$0x9C60];
	(v2sf) =	vpush v38, $0x0;
	s3 =	sadd.s32 $0xD000, s3  }
0x5b2: {  	v17 =	vld [tilespmem:s16+$0x9C70];
	s3 =	sshra.s32 s3, $0x2  }
0x5b3: {  	v2 =	vld [tilespmem:s3+$0xD400]  }
0x5b4: {  	v4 =	vld [tilespmem:s3+$0xD410]  }
0x5b5: {  	v5 =	vld [tilespmem:s3+$0xD420]  }
0x5b6: {  	v7 =	vld [tilespmem:s3+$0xD430]  }
0x5b7: {  	v12 =	vld [tilespmem:s3+$0xD440]  }
0x5b8: {  	v14 =	vld [tilespmem:s3+$0xD450]  }
0x5b9: {  	v16 =	vld [tilespmem:s3+$0xD460]  }
0x5ba: {  	v40 =	vld [tilespmem:s3+$0xD470]  }
0x5bb: {  	v10 =	vadd.f32 v2, v1;
	v8 =	vadd.f32 v4, v3  }
0x5bc: {  	v52 =	vld [tilespmem:s4+$0xD382];
	v9 =	vadd.f32 v5, v39;
	v6 =	vadd.f32 v7, v6  }
0x5bd: {  	v21 =	vld [tilespmem:$0x1FFF0];
	v28 =	vadd.f32 v12, v11;
	v26 =	vadd.f32 v14, v13  }
0x5be: {  	v18 =	vld [tilespmem:$0x1FFC0];
	v27 =	vadd.f32 v16, v15;
	v2 =	vmul.f32 v10, v10;
	v41 =	vmul.f32 v8, v8  }
0x5bf: {  	v20 =	vld [tilespmem:$0x1FFD0];
	s6 =	sor.u32 $0x80, s5;
	v1 =	vadd.f32 v40, v17;
	v42 =	vmul.f32 v9, v9;
	v43 =	vmul.f32 v6, v6  }
0x5c0: {  	v31 =	vld [tilespmem:s4+$0xD383];
	s17 =	sand.u32 $0x3FFFFF80, s6;
	v44 =	vmul.f32 v28, v28;
	v45 =	vmul.f32 v26, v26;
	v47 =	vadd.f32 v8, v10;
	s25 =	spop (v2sf)  }
0x5c1: {  	v56 =	vld [tilespmem:s17+$0x9C00];
	v46 =	vmul.f32 v27, v27;
	v48 =	vadd.f32 v6, v9;
	v50 =	vadd.f32 v26, v28;
	s3 =	smul.u32 $0xC8, s25  }
0x5c2: {  	v63 =	vld [tilespmem:s17+$0x9C20];
	v49 =	vmul.f32 v1, v1;
	v16 =	vadd.f32 v1, v27;
	(v2sf) =	vpush v52, $0x0  }
0x5c3: {  	v29 =	vld [tilespmem:s17+$0x9C60];
	v0 =	vadd.f32 v41, v2;
	v53 =	vadd.f32 v43, v42;
	s3 =	sadd.s32 s3, s4  }
0x5c4: {  	v30 =	vld [tilespmem:s17+$0x9C70];
	v54 =	vadd.f32 v45, v44;
	v55 =	vadd.f32 v49, v46;
	s3 =	sshll.u32 s3, $0x9  }
0x5c5: {  	v38 =	vld [tilespmem:s17+$0x9C40];
	v57 =	vadd.f32 v48, v47;
	v58 =	vadd.f32 v16, v50;
	s3 =	sadd.s32 $0xD200, s3  }
0x5c6: {  	v40 =	vld [tilespmem:s17+$0x9C50];
	v0 =	vadd.f32 v53, v0;
	v60 =	vadd.f32 v55, v54;
	s3 =	sshra.s32 s3, $0x2  }
0x5c7: {  	v59 =	vld [tilespmem:s3+$0xD400]  }
0x5c8: {  	v7 =	vadd.f32 v58, v57;
	v0 =	vadd.f32 v60, v0;
	v33 =	vld [tilespmem:s3+$0xD420]  }
0x5c9: {  	v39 =	vld [tilespmem:s3+$0xD440]  }
0x5ca: {  	v34 =	vperm.xlane v7, v21;
	v35 =	vperm.xlane v0, v21;
	v22 =	vld [tilespmem:s3+$0xD450]  }
0x5cb: {  	v42 =	vld [tilespmem:s3+$0xD460]  }
0x5cc: {  	v7 =	vadd.f32 v7, v34;
	v43 =	vld [tilespmem:s3+$0xD470];
	v0 =	vadd.f32 v0, v35  }
0x5cd: {  	v61 =	vld [tilespmem:s17+$0x9C10]  }
0x5ce: {  	v36 =	vld [tilespmem:s17+$0x9C30];
	v0 =	vsel vm0, v7, v0;
	v25 =	vadd.f32 v59, v56  }
0x5cf: {  	v57 =	vld [tilespmem:$0x1FFE0];
	v41 =	vperm.xlane v0, v18;
	v4 =	vadd.f32 v33, v63;
	v5 =	vadd.f32 v39, v38  }
0x5d0: {  	s7 =	sor.u32 $0x100, s5;
	v37 =	vld [tilespmem:s3+$0xD430];
	v2 =	vadd.f32 v22, v40;
	v3 =	vadd.f32 v42, v29  }
0x5d1: {  	s22 =	sand.u32 $0x3FFFFF80, s7;
	v62 =	vld [tilespmem:s3+$0xD410];
	v22 =	vadd.f32 v43, v30;
	v0 =	vadd.f32 v0, v41;
	s6 =	spop (v2sf)  }
0x5d2: {  	v34 =	vld [tilespmem:s22+$0x9C40];
	v13 =	vmul.f32 v5, v5;
	v47 =	vmul.f32 v2, v2;
	(v2sf) =	vpush v31, $0x0;
	s3 =	smul.u32 $0xC8, s6  }
0x5d3: {  	v63 =	vld [tilespmem:s22+$0x9C20];
	v48 =	vmul.f32 v3, v3;
	v53 =	vadd.f32 v2, v5;
	v23 =	vperm.xlane v0, v20  }
0x5d4: {  	v43 =	vld [tilespmem:s22+$0x9C30];
	v52 =	vmul.f32 v22, v22;
	v54 =	vadd.f32 v22, v3;
	v13 =	vadd.f32 v47, v13;
	s3 =	sadd.s32 s3, s4  }
0x5d5: {  	v47 =	vld [tilespmem:s4+$0xD384];
	v0 =	vadd.f32 v0, v23;
	v23 =	vadd.f32 v37, v36;
	s3 =	sshll.u32 s3, $0x9  }
0x5d6: {  	v24 =	vadd.f32 v62, v61;
	v12 =	vadd.f32 v52, v48;
	v48 =	vld [tilespmem:s22+$0x9C50];
	s3 =	sadd.s32 $0xD400, s3  }
0x5d7: {  	v45 =	vmul.f32 v4, v4;
	v55 =	vadd.f32 v54, v53;
	v53 =	vld [tilespmem:s22+$0x9C70];
	v46 =	vmul.f32 v23, v23;
	s3 =	sshra.s32 s3, $0x2  }
0x5d8: {  	v44 =	vmul.f32 v25, v25;
	v32 =	vmul.f32 v24, v24;
	v49 =	vadd.f32 v24, v25;
	v42 =	vld [tilespmem:s3+$0xD420]  }
0x5d9: {  	v50 =	vadd.f32 v23, v4;
	v7 =	vadd.f32 v46, v45;
	v45 =	vld [tilespmem:s3+$0xD430]  }
0x5da: {  	v11 =	vadd.f32 v32, v44;
	v62 =	vperm.xlane v0, v57;
	v35 =	vld [tilespmem:s3+$0xD440]  }
0x5db: {  	v60 =	vadd.f32 v12, v13;
	v16 =	vadd.f32 v50, v49;
	v38 =	vld [tilespmem:s3+$0xD450]  }
0x5dc: {  	v0 =	vadd.f32 v0, v62;
	v56 =	vld [tilespmem:s3+$0xD470];
	v7 =	vadd.f32 v7, v11  }
0x5dd: {  	v19 =	vimm.s32 $0x8;
	v39 =	vld [tilespmem:s22+$0x9C60];
	v16 =	vadd.f32 v55, v16  }
0x5de: {  	v52 =	vld [tilespmem:s3+$0xD460];
	v33 =	vperm.xlane v0, v51;
	v0 =	vperm.xlane v0, v19;
	v7 =	vadd.f32 v60, v7  }
0x5df: {  	v15 =	vld [tilespmem:s22+$0x9C00];
	v17 =	vperm.xlane v16, v21;
	v63 =	vadd.f32 v42, v63;
	v31 =	vadd.f32 v45, v43  }
0x5e0: {  	v29 =	vld [tilespmem:s22+$0x9C10];
	v35 =	vadd.f32 v35, v34;
	v32 =	vadd.f32 v38, v48;
	v44 =	vperm.xlane v7, v21  }
0x5e1: {  	s7 =	sor.u32 $0x180, s5;
	v14 =	vld [tilespmem:s3+$0xD400];
	v0 =	vmul.f32 $7.812500000e-03, v0;
	v34 =	vadd.f32 v56, v53;
	s18 =	spop (v2sf);
	(v2sf) =	vpush v47, $0x0  }
0x5e2: {  	v61 =	vld [tilespmem:s3+$0xD410];
	v16 =	vadd.f32 v16, v17;
	v46 =	vadd.f32 v7, v44;
	v7 =	vmul.f32 $7.812500000e-03, v33;
	s6 =	smul.u32 $0xC8, s18;
	s18 =	sand.u32 $0x3FFFFF80, s7  }
0x5e3: {  	v62 =	vmul.f32 v35, v35;
	v38 =	vmul.f32 v32, v32;
	v33 =	vadd.f32 v52, v39;
	v11 =	vld [tilespmem:s18+$0x9C10]  }
0x5e4: {  	v40 =	vadd.f32 v31, v63;
	v42 =	vmul.f32 v34, v34;
	v6 =	vsub.f32 v6, v7;
	v41 =	vld [tilespmem:s18+$0x9C30]  }
0x5e5: {  	v16 =	vsel vm0, v16, v46;
	v10 =	vsub.f32 v10, v7;
	v48 =	vmul.f32 v33, v33;
	v13 =	vld [tilespmem:s18+$0x9C50];
	s6 =	sadd.s32 s6, s4  }
0x5e6: {  	v43 =	vadd.f32 v32, v35;
	v52 =	vadd.f32 v38, v62;
	v36 =	vperm.xlane v16, v18;
	s6 =	sshll.u32 s6, $0x9;
	[tilespmem:$0x1F230] =	vst v6;
	v6 =	vld [tilespmem:s18+$0x9C00]  }
0x5e7: {  	v49 =	vmul.f32 v7, v7;
	v8 =	vsub.f32 v8, v7;
	[tilespmem:$0x1F200] =	vst v10;
	v10 =	vadd.f32 v42, v48;
	v42 =	vld [tilespmem:$0x1FFD0];
	s23 =	sadd.s32 $0xD600, s6  }
0x5e8: {  	v54 =	vsub.f32 v9, v7;
	v50 =	vadd.f32 v16, v36;
	v16 =	vld [tilespmem:s18+$0x9C20];
	s3 =	sshra.s32 s23, $0x2  }
0x5e9: {  	v60 =	vmul.f32 v63, v63;
	v44 =	vadd.f32 v34, v33;
	v30 =	vsub.f32 v0, v49;
	[tilespmem:$0x1F210] =	vst v8;
	v8 =	vld [tilespmem:s3+$0xD400]  }
0x5ea: {  	v36 =	vadd.f32 v61, v29;
	v55 =	vperm.xlane v50, v20;
	v20 =	vadd.f32 v14, v15;
	v14 =	vld [tilespmem:s3+$0xD410]  }
0x5eb: {  	[tilespmem:$0x1F220] =	vst v54;
	v54 =	vadd.f32 v44, v43;
	v44 =	vsub.f32 v26, v7;
	v61 =	vmul.f32 v31, v31;
	v9 =	vld [tilespmem:s3+$0xD420]  }
0x5ec: {  	v10 =	vadd.f32 v10, v52;
	v59 =	vmul.f32 v36, v36;
	v46 =	vld [tilespmem:s3+$0xD430];
	v58 =	vmul.f32 v20, v20  }
0x5ed: {  	v15 =	vld [tilespmem:s18+$0x9C40];
	v0 =	vadd.f32 v50, v55;
	v49 =	vadd.f32 v36, v20  }
0x5ee: {  	v29 =	vld [tilespmem:s3+$0xD440];
	v50 =	vadd.f32 v61, v60;
	v12 =	vadd.f32 v59, v58  }
0x5ef: {  	v55 =	vld [tilespmem:s4+$0xD385];
	v53 =	vadd.f32 v40, v49;
	v56 =	vperm.xlane v0, v57;
	v57 =	vsub.f32 v28, v7  }
0x5f0: {  	v28 =	vld [tilespmem:s3+$0xD450];
	v59 =	vsub.f32 v27, v7;
	v45 =	vadd.f32 v8, v6;
	s25 =	spop (v2sf)  }
0x5f1: {  	v61 =	vld [tilespmem:s3+$0xD460];
	v52 =	vadd.f32 v14, v11;
	v12 =	vadd.f32 v50, v12;
	s6 =	smul.u32 $0xC8, s25  }
0x5f2: {  	v49 =	vld [tilespmem:s18+$0x9C70];
	v58 =	vadd.f32 v54, v53;
	v0 =	vadd.f32 v0, v56  }
0x5f3: {  	s23 =	sor.u32 $0x200, s5;
	v50 =	vld [tilespmem:s3+$0xD470];
	v56 =	vadd.f32 v9, v16;
	v11 =	vmul.f32 v45, v45;
	v10 =	vadd.f32 v10, v12;
	s7 =	sadd.s32 s6, s4  }
0x5f4: {  	v54 =	vadd.f32 v46, v41;
	v9 =	vmul.f32 v52, v52;
	v12 =	vld [tilespmem:s18+$0x9C60];
	v62 =	vperm.xlane v0, v51;
	s3 =	sshll.u32 s7, $0x9;
	s7 =	sand.u32 $0x3FFFFF80, s23  }
0x5f5: {  	(v2sf) =	vpush v55, $0x0;
	v55 =	vadd.f32 v28, v13;
	v48 =	vperm.xlane v10, v21;
	v13 =	vld [tilespmem:s7+$0x9C00]  }
0x5f6: {  	[tilespmem:$0x1F240] =	vst v57;
	v57 =	vadd.f32 v29, v15;
	v14 =	vmul.f32 v56, v56;
	v15 =	vmul.f32 v54, v54;
	v6 =	vld [tilespmem:s7+$0x9C10]  }
0x5f7: {  	v60 =	vperm.xlane v58, v21;
	v9 =	vadd.f32 v9, v11;
	v10 =	vadd.f32 v10, v48;
	v48 =	vld [tilespmem:s7+$0x9C20]  }
0x5f8: {  	[tilespmem:$0x1F250] =	vst v59;
	v8 =	vmul.f32 $7.812500000e-03, v62;
	v59 =	vadd.f32 v50, v49;
	v50 =	vadd.f32 v15, v14;
	v15 =	vld [tilespmem:s7+$0x9C40]  }
0x5f9: {  	v40 =	vsub.f32 v1, v7;
	v53 =	vmul.f32 v57, v57;
	v17 =	vadd.f32 v58, v60;
	v11 =	vld [tilespmem:s7+$0x9C50]  }
0x5fa: {  	v0 =	vperm.xlane v0, v19;
	s3 =	sadd.s32 $0xD800, s3;
	v9 =	vadd.f32 v50, v9;
	v50 =	vsub.f32 v24, v8;
	v24 =	vld [tilespmem:s7+$0x9C70]  }
0x5fb: {  	v29 =	vadd.f32 v54, v56;
	v28 =	vadd.f32 v52, v45;
	s3 =	sshra.s32 s3, $0x2;
	v10 =	vsel vm0, v17, v10;
	v17 =	vld [tilespmem:s7+$0x9C30]  }
0x5fc: {  	v0 =	vmul.f32 $7.812500000e-03, v0;
	v60 =	vmul.f32 v55, v55;
	v58 =	vadd.f32 v61, v12;
	v12 =	vld [tilespmem:s3+$0xD400]  }
0x5fd: {  	v62 =	vadd.f32 v55, v57;
	v38 =	vmul.f32 v8, v8;
	v43 =	vsub.f32 v25, v8;
	v46 =	vld [tilespmem:s3+$0xD410]  }
0x5fe: {  	v22 =	vsub.f32 v22, v8;
	v61 =	vmul.f32 v59, v59;
	v27 =	vmul.f32 v58, v58;
	v14 =	vld [tilespmem:s3+$0xD420]  }
0x5ff: {  	v51 =	vadd.f32 v60, v53;
	v47 =	vadd.f32 v59, v58;
	v26 =	vld [tilespmem:s3+$0xD440]  }
0x600: {  	v38 =	vsub.f32 v0, v38;
	v60 =	vperm.xlane v10, v18;
	v7 =	vld [tilespmem:s3+$0xD450];
	v53 =	vadd.f32 v61, v27  }
0x601: {  	[tilespmem:$0x1F270] =	vst v50;
	v50 =	vld [tilespmem:s4+$0xD386];
	v61 =	vadd.f32 v29, v28;
	v62 =	vadd.f32 v47, v62  }
0x602: {  	[tilespmem:$0x1F260] =	vst v43;
	v43 =	vsub.f32 v2, v8;
	v10 =	vadd.f32 v10, v60;
	v60 =	vld [tilespmem:s3+$0xD470]  }
0x603: {  	v29 =	vld [tilespmem:s3+$0xD430];
	v37 =	vadd.f32 v53, v51;
	v27 =	vadd.f32 v62, v61  }
0x604: {  	v28 =	vld [tilespmem:s7+$0x9C60];
	v0 =	vperm.xlane v10, v42;
	v51 =	vsub.f32 v4, v8;
	v53 =	vsub.f32 v23, v8  }
0x605: {  	s23 =	sor.u32 $0x280, s5;
	v61 =	vsub.f32 v5, v8;
	v62 =	vld [tilespmem:$0x1FFE0];
	v5 =	vsub.f32 v3, v8  }
0x606: {  	v9 =	vadd.f32 v37, v9;
	v47 =	vperm.xlane v27, v21;
	v0 =	vadd.f32 v10, v0;
	v10 =	vld [tilespmem:s3+$0xD460];
	[tilespmem:$0x1F280] =	vst v51;
	s3 =	sand.u32 $0x3FFFFF80, s23  }
0x607: {  	[tilespmem:$0x1F290] =	vst v53;
	v51 =	vadd.f32 v26, v15;
	v53 =	vadd.f32 v60, v24;
	v60 =	vld [tilespmem:s3+$0x9C40];
	s25 =	spop (v2sf)  }
0x608: {  	v39 =	vadd.f32 v29, v17;
	v29 =	vld [tilespmem:s3+$0x9C60];
	v49 =	vperm.xlane v9, v21;
	v16 =	vadd.f32 v27, v47;
	s6 =	smul.u32 $0xC8, s25  }
0x609: {  	v47 =	vadd.f32 v12, v13;
	v12 =	vld [tilespmem:s3+$0x9C10];
	(v2sf) =	vpush v50, $0x0  }
0x60a: {  	v42 =	vmul.f32 v51, v51;
	v4 =	vperm.xlane v0, v62;
	v62 =	vld [tilespmem:s3+$0x9C50];
	v9 =	vadd.f32 v9, v49;
	s6 =	sadd.s32 s6, s4  }
0x60b: {  	v17 =	vmul.f32 v39, v39;
	v49 =	vadd.f32 v46, v6;
	v46 =	vadd.f32 v14, v48;
	v14 =	vld [tilespmem:s3+$0x9C20];
	s6 =	sshll.u32 s6, $0x9  }
0x60c: {  	v13 =	vmul.f32 v47, v47;
	v48 =	vadd.f32 v7, v11;
	v50 =	vadd.f32 v10, v28;
	v10 =	vld [tilespmem:s3+$0x9C30];
	s6 =	sadd.s32 $0xDA00, s6  }
0x60d: {  	v8 =	vadd.f32 v0, v4;
	v4 =	vmul.f32 v53, v53;
	v9 =	vsel vm0, v16, v9;
	v16 =	vld [tilespmem:s3+$0x9C00];
	s6 =	sshra.s32 s6, $0x2  }
0x60e: {  	[tilespmem:$0x1F2C0] =	vst v22;
	v37 =	vmul.f32 v49, v49;
	v41 =	vmul.f32 v46, v46;
	v2 =	vadd.f32 v49, v47;
	v22 =	vld [tilespmem:s6+$0xD400]  }
0x60f: {  	[tilespmem:$0x1F2A0] =	vst v61;
	v3 =	vadd.f32 v39, v46;
	v61 =	vadd.f32 v48, v51;
	v19 =	vperm.xlane v9, v18;
	v7 =	vld [tilespmem:s6+$0xD420]  }
0x610: {  	[tilespmem:$0x1F2B0] =	vst v5;
	v0 =	vmul.f32 v48, v48;
	v5 =	vadd.f32 v53, v50;
	v13 =	vadd.f32 v37, v13;
	v23 =	vld [tilespmem:s6+$0xD430]  }
0x611: {  	v1 =	vmul.f32 v50, v50;
	v11 =	vadd.f32 v17, v41;
	v9 =	vadd.f32 v9, v19;
	v19 =	vld [tilespmem:$0x1FFD0]  }
0x612: {  	v25 =	vadd.f32 v0, v42;
	v27 =	vadd.f32 v3, v2;
	v26 =	vld [tilespmem:s6+$0xD450]  }
0x613: {  	v24 =	vadd.f32 v4, v1;
	v17 =	vadd.f32 v5, v61;
	v41 =	vld [tilespmem:s6+$0xD460]  }
0x614: {  	v15 =	vld [tilespmem:s6+$0xD440];
	v11 =	vadd.f32 v11, v13  }
0x615: {  	v6 =	vld [tilespmem:s6+$0xD410];
	v37 =	vadd.f32 v24, v25;
	v17 =	vadd.f32 v17, v27  }
0x616: {  	v21 =	vperm.xlane v9, v19;
	v3 =	vadd.f32 v22, v16;
	v4 =	vadd.f32 v7, v14  }
0x617: {  	v22 =	vimm.s32 $0x0;
	v0 =	vadd.f32 v23, v10;
	v26 =	vadd.f32 v26, v62  }
0x618: {  	v42 =	vld [tilespmem:s6+$0xD470];
	v29 =	vadd.f32 v41, v29;
	v23 =	vimm.s32 $0x8;
	v16 =	vperm.xlane v8, v22  }
0x619: {  	v19 =	vld [tilespmem:s3+$0x9C70];
	v22 =	vadd.f32 v15, v60;
	v25 =	vmul.f32 v4, v4;
	v27 =	vmul.f32 v0, v0  }
0x61a: {  	v8 =	vperm.xlane v8, v23;
	v23 =	vld [tilespmem:$0x1FFF0];
	v9 =	vadd.f32 v9, v21;
	v21 =	vadd.f32 v6, v12  }
0x61b: {  	v41 =	vmul.f32 v26, v26;
	v28 =	vmul.f32 v22, v22;
	s23 =	spop (v2sf);
	v10 =	vadd.f32 v27, v25;
	v25 =	vld [tilespmem:$0x1FFF0]  }
0x61c: {  	v11 =	vadd.f32 v37, v11;
	v6 =	vmul.f32 v3, v3;
	v18 =	vmul.f32 v29, v29;
	s6 =	smul.u32 $0xC8, s23;
	v27 =	vld [tilespmem:$0x1FFF0]  }
0x61d: {  	v61 =	vadd.f32 v0, v4;
	v24 =	vmul.f32 v21, v21;
	v14 =	vadd.f32 v41, v28;
	v41 =	vld [tilespmem:$0x1FFE0]  }
0x61e: {  	s25 =	sor.u32 $0x300, s5;
	v37 =	vmovc v26;
	v16 =	vmul.f32 $7.812500000e-03, v16;
	v60 =	vadd.f32 v21, v3;
	v42 =	vadd.f32 v42, v19;
	v19 =	vld [tilespmem:$0x1FFF0];
	s6 =	sadd.s32 s6, s4  }
0x61f: {  	v8 =	vmul.f32 $7.812500000e-03, v8;
	[tilespmem:$0x1F2F0] =	vst v21;
	v21 =	vadd.f32 v37, v22;
	v6 =	vadd.f32 v24, v6;
	v24 =	vld [tilespmem:s4+$0xD387];
	s23 =	sshll.u32 s6, $0x9;
	s6 =	sand.u32 $0x3FFFFF80, s25  }
0x620: {  	[tilespmem:$0x1F340] =	vst v26;
	v37 =	vmul.f32 v16, v16;
	v13 =	vadd.f32 v61, v60;
	v60 =	vsub.f32 v33, v16;
	v15 =	vld [tilespmem:s6+$0x9C10]  }
0x621: {  	[tilespmem:$0x1F330] =	vst v22;
	v62 =	vmul.f32 v42, v42;
	v22 =	vadd.f32 v42, v29;
	s23 =	sadd.s32 $0xDC00, s23;
	v26 =	vperm.xlane v17, v25;
	v25 =	vld [tilespmem:$0x1FFC0]  }
0x622: {  	v61 =	vsub.f32 v8, v37;
	v28 =	vperm.xlane v11, v27;
	s23 =	sshra.s32 s23, $0x2;
	v27 =	vadd.f32 $9.999999960e-13, v30;
	v30 =	vld [tilespmem:s6+$0x9C30]  }
0x623: {  	v6 =	vadd.f32 v10, v6;
	v7 =	vadd.f32 v62, v18;
	v18 =	vld [tilespmem:s23+$0xD410]  }
0x624: {  	[tilespmem:$0x1F360] =	vst v42;
	v12 =	vadd.f32 v22, v21;
	v42 =	vperm.xlane v9, v41;
	v41 =	vsub.f32 v36, v16;
	v36 =	vld [tilespmem:s6+$0x9C40]  }
0x625: {  	[tilespmem:$0x1F300] =	vst v4;
	v62 =	vsub.f32 v32, v16;
	v4 =	vld [tilespmem:s23+$0xD440];
	v7 =	vadd.f32 v7, v14  }
0x626: {  	[tilespmem:$0x1F350] =	vst v29;
	v14 =	vld [tilespmem:s6+$0x9C00];
	v29 =	vadd.f32 v17, v26;
	v11 =	vadd.f32 v11, v28  }
0x627: {  	v12 =	vadd.f32 v12, v13;
	v17 =	vld [tilespmem:s23+$0xD400];
	(v2sf) =	vpush v24, $0x0  }
0x628: {  	v28 =	vsub.f32 v35, v16;
	v35 =	vld [tilespmem:s23+$0xD450];
	v6 =	vadd.f32 v7, v6;
	v22 =	vsel vm0, v29, v11  }
0x629: {  	v1 =	vshra.s32 v27, $0x1;
	v9 =	vadd.f32 v9, v42;
	v11 =	vld [tilespmem:s6+$0x9C20];
	v26 =	vperm.xlane v22, v25  }
0x62a: {  	v21 =	vperm.xlane v12, v19;
	v19 =	vld [tilespmem:s23+$0xD420];
	v7 =	vimm.s32 $0x0;
	v24 =	vperm.xlane v6, v23  }
0x62b: {  	v8 =	vperm.xlane v9, v7;
	v37 =	vadd.f32 v22, v26;
	v26 =	vsub.f32 v31, v16;
	v31 =	vld [tilespmem:s6+$0x9C50]  }
0x62c: {  	v22 =	vimm.s32 $0x8;
	v10 =	vadd.f32 v6, v24;
	v6 =	vsub.f32 v20, v16;
	v20 =	vld [tilespmem:s23+$0xD430]  }
0x62d: {  	v12 =	vadd.f32 v12, v21;
	v21 =	vmul.f32 $7.812500000e-03, v8;
	v23 =	vperm.xlane v9, v22;
	v9 =	vld [tilespmem:$0x1FFD0]  }
0x62e: {  	v42 =	vsub.f32 v63, v16;
	v1 =	vsub.s32 $0x5F3759DF, v1;
	v13 =	vadd.f32 v17, v14;
	v24 =	vld [tilespmem:$0x1FFC0]  }
0x62f: {  	v17 =	vadd.f32 v18, v15;
	v8 =	vmul.f32 v21, v21;
	v7 =	vmul.f32 $7.812500000e-03, v23  }
0x630: {  	v29 =	vsub.f32 v34, v16;
	v25 =	vld [tilespmem:s6+$0x9C60];
	v2 =	vadd.f32 v4, v36;
	v12 =	vsel vm0, v12, v10  }
0x631: {  	[tilespmem:$0x1F2D0] =	vst v6;
	v6 =	vmul.f32 $5.000000000e-01, v27;
	v27 =	vld [tilespmem:s23+$0xD460];
	v22 =	vmovc v17;
	v23 =	vsub.f32 v7, v8;
	v8 =	vadd.f32 v19, v11  }
0x632: {  	v63 =	vld [tilespmem:s6+$0x9C70];
	[tilespmem:$0x1F380] =	vst v17;
	v5 =	vadd.f32 v35, v31;
	v31 =	vmul.f32 v17, v17;
	v17 =	vadd.f32 v22, v13  }
0x633: {  	[tilespmem:$0x1F320] =	vst v0;
	v18 =	vld [tilespmem:s23+$0xD470];
	v10 =	vperm.xlane v37, v9;
	v0 =	vperm.xlane v12, v24;
	v19 =	vadd.f32 v20, v30  }
0x634: {  	v20 =	vmul.f32 v13, v13;
	v24 =	vadd.f32 $9.999999960e-13, v38;
	v33 =	vmul.f32 v8, v8  }
0x635: {  	v30 =	vmul.f32 v5, v5;
	v32 =	vadd.f32 v37, v10;
	v37 =	vmul.f32 v1, v6  }
0x636: {  	v34 =	vadd.f32 v12, v0;
	v10 =	vadd.f32 v27, v25;
	v35 =	vmovc v19;
	v36 =	vmul.f32 v19, v19  }
0x637: {  	s5 =	sor.u32 $0x380, s5;
	v4 =	vadd.f32 v31, v20;
	v6 =	vadd.f32 v35, v8;
	v0 =	vmul.f32 v1, v37  }
0x638: {  	s5 =	sand.u32 $0x3FFFFF80, s5;
	[tilespmem:$0x1F2E0] =	vst v3;
	v15 =	vld [tilespmem:$0x1FFE0];
	v25 =	vmul.f32 v2, v2;
	v35 =	vadd.f32 v5, v2;
	v37 =	vadd.f32 v18, v63  }
0x639: {  	[tilespmem:$0x1F390] =	vst v8;
	v27 =	vshra.s32 v24, $0x1;
	v8 =	vld [tilespmem:s5+$0x9C30];
	s25 =	spop (v2sf);
	v3 =	vadd.f32 v36, v33;
	v0 =	vsub.f32 $1.500000000e+00, v0  }
0x63a: {  	v31 =	vmul.f32 v10, v10;
	v36 =	vld [tilespmem:$0x1F200];
	s23 =	smul.u32 $0xC8, s25;
	v63 =	vmul.f32 v37, v37;
	v7 =	vadd.f32 v37, v10  }
0x63b: {  	v11 =	vadd.f32 v30, v25;
	v25 =	vadd.f32 v6, v17;
	[tilespmem:$0x1F3E0] =	vst v37;
	v37 =	vld [tilespmem:$0x1F210];
	v1 =	vmul.f32 v1, v0  }
0x63c: {  	[tilespmem:$0x1F3D0] =	vst v10;
	s23 =	sadd.s32 s23, s4;
	v0 =	vmul.f32 $5.000000000e-01, v24;
	v10 =	vadd.f32 v63, v31;
	v30 =	vadd.f32 v7, v35;
	v24 =	vld [tilespmem:$0x1F220]  }
0x63d: {  	s23 =	sshll.u32 s23, $0x9;
	v7 =	vld [tilespmem:s5+$0x9C20]  }
0x63e: {  	s23 =	sadd.s32 $0xDE00, s23;
	v31 =	vadd.f32 v10, v11;
	v11 =	vadd.f32 v30, v25;
	v25 =	vld [tilespmem:$0x1F230]  }
0x63f: {  	s23 =	sshra.s32 s23, $0x2;
	v30 =	vld [tilespmem:$0x1F240]  }
0x640: {  	v12 =	vsub.s32 $0x5F3759DF, v27;
	v27 =	vld [tilespmem:s23+$0xD400]  }
0x641: {  	v20 =	vld [tilespmem:s23+$0xD410]  }
0x642: {  	v38 =	vld [tilespmem:s23+$0xD420]  }
0x643: {  	v14 =	vld [tilespmem:s23+$0xD430]  }
0x644: {  	v10 =	vld [tilespmem:s23+$0xD440]  }
0x645: {  	v52 =	vsub.f32 v52, v21;
	v3 =	vadd.f32 v3, v4;
	v9 =	vld [tilespmem:s23+$0xD450]  }
0x646: {  	v33 =	vadd.f32 $9.999999960e-13, v61;
	v61 =	vsub.f32 v45, v21;
	v0 =	vmul.f32 v12, v0;
	v45 =	vld [tilespmem:s23+$0xD460]  }
0x647: {  	v56 =	vsub.f32 v56, v21;
	[tilespmem:$0x1F3C0] =	vst v5;
	v16 =	vmul.f32 v1, v37;
	v5 =	vadd.f32 v31, v3;
	v31 =	vld [tilespmem:$0x1F250]  }
0x648: {  	v37 =	vmul.f32 $5.000000000e-01, v33;
	v63 =	vmul.f32 v12, v0;
	v0 =	vshra.s32 v33, $0x1;
	v33 =	vld [tilespmem:$0x1FFF0]  }
0x649: {  	v18 =	vmul.f32 v1, v24;
	v24 =	vsub.f32 v54, v21;
	v54 =	vsub.f32 v57, v21;
	v57 =	vld [tilespmem:s5+$0x9C00]  }
0x64a: {  	v55 =	vsub.f32 v55, v21;
	v17 =	vsub.f32 $1.500000000e+00, v63;
	v63 =	vld [tilespmem:s5+$0x9C10]  }
0x64b: {  	v58 =	vsub.f32 v58, v21;
	[tilespmem:$0x1F3A0] =	vst v19;
	v19 =	vmul.f32 v1, v25;
	v25 =	vsub.f32 v59, v21;
	v21 =	vld [tilespmem:$0x1FFD0]  }
0x64c: {  	v22 =	vmul.f32 v1, v30;
	v30 =	vld [tilespmem:$0x1FFF0]  }
0x64d: {  	v35 =	vmul.f32 v1, v36;
	v36 =	vmul.f32 v1, v44;
	v59 =	vld [tilespmem:s5+$0x9C40]  }
0x64e: {  	v12 =	vmul.f32 v12, v17;
	v17 =	vperm.xlane v32, v15;
	v15 =	vld [tilespmem:$0x1F260]  }
0x64f: {  	v44 =	vmul.f32 v1, v31;
	v31 =	vmul.f32 v1, v40;
	v40 =	vld [tilespmem:s23+$0xD470]  }
0x650: {  	v3 =	vperm.xlane v5, v33;
	v33 =	vld [tilespmem:$0x1F2A0]  }
0x651: {  	v32 =	vadd.f32 v32, v17;
	v17 =	vld [tilespmem:$0x1F270]  }
0x652: {  	v5 =	vadd.f32 v5, v3;
	v3 =	vld [tilespmem:s5+$0x9C50];
	v1 =	vperm.xlane v34, v21  }
0x653: {  	[tilespmem:$0x1F3B0] =	vst v2;
	v23 =	vadd.f32 $9.999999960e-13, v23;
	v21 =	vld [tilespmem:$0x1F280]  }
0x654: {  	[tilespmem:$0x1F370] =	vst v13;
	v2 =	vperm.xlane v11, v30;
	v30 =	vld [tilespmem:$0x1F290];
	v13 =	vadd.f32 v34, v1;
	v34 =	vsub.s32 $0x5F3759DF, v0  }
0x655: {  	v27 =	vadd.f32 v27, v57;
	v63 =	vadd.f32 v20, v63;
	v20 =	vld [tilespmem:s5+$0x9C70];
	v37 =	vmul.f32 v34, v37  }
0x656: {  	v43 =	vmul.f32 v12, v43;
	v4 =	vmul.f32 v12, v15;
	v11 =	vadd.f32 v11, v2;
	v0 =	vld [tilespmem:s5+$0x9C60]  }
0x657: {  	v1 =	vadd.f32 v38, v7;
	v38 =	vmul.f32 v12, v33;
	v2 =	vmul.f32 v34, v37;
	v37 =	vld [tilespmem:$0x1F2B0]  }
0x658: {  	v57 =	vmul.f32 v12, v17;
	v17 =	vadd.f32 v10, v59;
	v6 =	vmul.f32 v12, v21;
	v21 =	vld [tilespmem:$0x1F2C0]  }
0x659: {  	v5 =	vsel vm0, v11, v5;
	v7 =	vmul.f32 v12, v30;
	v2 =	vsub.f32 $1.500000000e+00, v2  }
0x65a: {  	v30 =	vadd.f32 v14, v8;
	v14 =	vmul.f32 v63, v63;
	v33 =	vmul.f32 v17, v17  }
0x65b: {  	v8 =	vadd.f32 v45, v0;
	v10 =	vmul.f32 v34, v2;
	v2 =	vadd.f32 v9, v3  }
0x65c: {  	v3 =	vadd.f32 v40, v20;
	v9 =	vmul.f32 v27, v27;
	v20 =	vmul.f32 v1, v1  }
0x65d: {  	[tilespmem:$0x1F3F0] =	vst v27;
	v45 =	vimm.s32 $0x8;
	v15 =	vmul.f32 v12, v37;
	v12 =	vmul.f32 v12, v21  }
0x65e: {  	[tilespmem:$0x1F410] =	vst v30;
	v37 =	vadd.f32 v63, v27;
	v27 =	vadd.f32 v30, v1;
	v30 =	vmul.f32 v30, v30  }
0x65f: {  	[tilespmem:$0x1F420] =	vst v17;
	v59 =	vadd.f32 v2, v17;
	v0 =	vadd.f32 v3, v8;
	v17 =	vmul.f32 v8, v8  }
0x660: {  	v21 =	vmul.f32 v3, v3;
	v9 =	vadd.f32 v14, v9;
	v40 =	vmul.f32 v10, v42  }
0x661: {  	[tilespmem:$0x1F440] =	vst v8;
	v11 =	vmul.f32 v10, v26;
	v34 =	vadd.f32 v27, v37;
	v37 =	vmul.f32 v2, v2  }
0x662: {  	[tilespmem:$0x1F430] =	vst v2;
	v28 =	vmul.f32 v10, v28;
	v8 =	vld [tilespmem:$0x1F470];
	v27 =	vadd.f32 v30, v20;
	v2 =	vadd.f32 v0, v59  }
0x663: {  	[tilespmem:$0x1F400] =	vst v1;
	v30 =	vld [tilespmem:$0x1F2D0];
	v20 =	vmul.f32 v10, v41;
	v0 =	vadd.f32 v21, v17;
	v1 =	vadd.f32 v37, v33  }
0x664: {  	v33 =	vimm.s32 $0x0;
	v37 =	vshra.s32 v23, $0x1;
	v23 =	vmul.f32 $5.000000000e-01, v23  }
0x665: {  	v59 =	vld [tilespmem:$0x1FFF0];
	v26 =	vperm.xlane v32, v33;
	v41 =	vsub.s32 $0x5F3759DF, v37;
	v32 =	vperm.xlane v32, v45  }
0x666: {  	v21 =	vld [tilespmem:$0x1FFE0];
	v37 =	vmul.f32 v10, v29;
	v0 =	vadd.f32 v0, v1;
	v1 =	vmul.f32 v10, v62  }
0x667: {  	v23 =	vmul.f32 v41, v23;
	v16 =	vmul.f32 v16, v8  }
0x668: {  	v9 =	vadd.f32 v27, v9;
	v20 =	vmul.f32 v20, v8;
	v14 =	vmul.f32 v10, v30  }
0x669: {  	v2 =	vadd.f32 v2, v34;
	v26 =	vmul.f32 $7.812500000e-03, v26;
	v32 =	vmul.f32 $7.812500000e-03, v32  }
0x66a: {  	v0 =	vadd.f32 v0, v9;
	v9 =	vmul.f32 v10, v60;
	v23 =	vmul.f32 v41, v23  }
0x66b: {  	[tilespmem:$0x1F310] =	vst v37;
	v37 =	vld [tilespmem:$0x1F4A0];
	v34 =	vperm.xlane v13, v21;
	v30 =	vperm.xlane v2, v59  }
0x66c: {  	v60 =	vld [tilespmem:$0x1FFC0];
	v17 =	vmul.f32 v26, v26;
	v45 =	vsub.f32 v46, v26;
	v46 =	vsub.f32 v51, v26  }
0x66d: {  	v51 =	vimm.s32 $0x8;
	v23 =	vsub.f32 $1.500000000e+00, v23;
	v13 =	vadd.f32 v13, v34  }
0x66e: {  	v33 =	vperm.xlane v0, v59;
	v2 =	vadd.f32 v2, v30;
	v34 =	vsub.f32 v47, v26  }
0x66f: {  	v32 =	vsub.f32 v32, v17;
	v23 =	vmul.f32 v41, v23;
	v41 =	vsub.f32 v49, v26  }
0x670: {  	v30 =	vld [tilespmem:$0x1FFD0];
	v49 =	vimm.s32 $0x0;
	v38 =	vmul.f32 v38, v37;
	v28 =	vmul.f32 v28, v37  }
0x671: {  	v17 =	vsub.f32 v53, v26;
	v53 =	vld [tilespmem:$0x1F480];
	v27 =	vperm.xlane v5, v60;
	v42 =	vperm.xlane v13, v49  }
0x672: {  	v59 =	vld [tilespmem:$0x1F460];
	v47 =	vsub.f32 v48, v26;
	v13 =	vperm.xlane v13, v51;
	v49 =	vmul.f32 v23, v52  }
0x673: {  	v48 =	vsub.f32 v50, v26;
	v50 =	vmul.f32 v23, v56;
	v21 =	vmul.f32 v23, v24  }
0x674: {  	v51 =	vmul.f32 v23, v54;
	v52 =	vmul.f32 v23, v55;
	v5 =	vadd.f32 v5, v27  }
0x675: {  	[tilespmem:$0x1F450] =	vst v3;
	v3 =	vld [tilespmem:$0x1F4E0];
	v0 =	vadd.f32 v0, v33;
	v55 =	vmul.f32 v23, v58;
	v42 =	vmul.f32 $7.812500000e-03, v42  }
0x676: {  	v39 =	vsub.f32 v39, v26;
	v10 =	vmul.f32 v18, v53;
	v18 =	vperm.xlane v5, v30;
	v30 =	vld [tilespmem:$0x1F520]  }
0x677: {  	v26 =	vld [tilespmem:$0x1F4F0];
	v0 =	vsel vm0, v2, v0;
	v35 =	vmul.f32 v35, v59;
	v13 =	vmul.f32 $7.812500000e-03, v13  }
0x678: {  	v33 =	vperm.xlane v0, v60;
	v27 =	vld [tilespmem:$0x1F500];
	v62 =	vmul.f32 v42, v42  }
0x679: {  	v60 =	vmul.f32 v22, v37;
	v22 =	vmul.f32 v23, v61;
	v61 =	vld [tilespmem:$0x1F4C0]  }
0x67a: {  	v4 =	vmul.f32 v4, v59;
	v0 =	vadd.f32 v0, v33;
	v13 =	vsub.f32 v13, v62;
	v62 =	vld [tilespmem:$0x1F490]  }
0x67b: {  	v14 =	vmul.f32 v14, v59;
	v5 =	vadd.f32 v5, v18;
	v18 =	vadd.f32 v60, v30;
	v60 =	vld [tilespmem:$0x1F4B0]  }
0x67c: {  	v6 =	vmul.f32 v6, v53;
	v35 =	vadd.f32 v35, v3;
	v16 =	vadd.f32 v16, v26  }
0x67d: {  	v29 =	vld [tilespmem:$0x1F510];
	v33 =	vmul.f32 v23, v25;
	v23 =	vadd.f32 $9.999999960e-13, v32;
	v4 =	vadd.f32 v4, v3  }
0x67e: {  	v40 =	vmul.f32 v40, v53;
	v14 =	vadd.f32 v14, v3;
	v20 =	vadd.f32 v20, v26  }
0x67f: {  	v2 =	vadd.f32 v10, v27;
	v32 =	vmul.f32 v44, v61;
	v19 =	vmul.f32 v19, v62  }
0x680: {  	v54 =	vmul.f32 v36, v60;
	v36 =	vshra.s32 v23, $0x1;
	v23 =	vmul.f32 $5.000000000e-01, v23  }
0x681: {  	v6 =	vadd.f32 v6, v27;
	v15 =	vmul.f32 v15, v61;
	v44 =	vsub.s32 $0x5F3759DF, v36  }
0x682: {  	v9 =	vmul.f32 v9, v61;
	v10 =	vadd.f32 v19, v29;
	v19 =	vld [tilespmem:$0x1F4D0];
	v23 =	vmul.f32 v44, v23  }
0x683: {  	[tilespmem:s16+$0x9C10] =	vst v16;
	v38 =	vadd.f32 v38, v30;
	v7 =	vmul.f32 v7, v62;
	v11 =	vmul.f32 v11, v62;
	v36 =	vld [tilespmem:$0x1F530]  }
0x684: {  	v16 =	vadd.f32 v40, v27;
	v13 =	vadd.f32 $9.999999960e-13, v13;
	[tilespmem:s16+$0x9C20] =	vst v2;
	v23 =	vmul.f32 v44, v23  }
0x685: {  	[tilespmem:s17+$0x9C40] =	vst v38;
	v38 =	vmul.f32 v50, v53;
	v7 =	vadd.f32 v7, v29;
	v2 =	vadd.f32 v11, v29  }
0x686: {  	v58 =	vld [tilespmem:$0x1FFD0];
	v43 =	vmul.f32 v43, v60;
	v1 =	vmul.f32 v1, v60;
	v23 =	vsub.f32 $1.500000000e+00, v23  }
0x687: {  	v50 =	vadd.f32 v38, v27;
	v24 =	vmul.f32 v31, v19;
	v31 =	vld [tilespmem:$0x1F550];
	v12 =	vmul.f32 v12, v19  }
0x688: {  	v56 =	vld [tilespmem:$0x1FFE0];
	v25 =	vadd.f32 v54, v36;
	v54 =	vmul.f32 v57, v8;
	v23 =	vmul.f32 v44, v23  }
0x689: {  	v43 =	vadd.f32 v43, v36;
	v44 =	vshra.s32 v13, $0x1;
	v13 =	vmul.f32 $5.000000000e-01, v13  }
0x68a: {  	v57 =	vld [tilespmem:$0x1F540];
	v44 =	vsub.s32 $0x5F3759DF, v44;
	v34 =	vmul.f32 v23, v34;
	v41 =	vmul.f32 v23, v41  }
0x68b: {  	v54 =	vadd.f32 v54, v26;
	v13 =	vmul.f32 v44, v13;
	v40 =	vmul.f32 v23, v46  }
0x68c: {  	v24 =	vadd.f32 v24, v31;
	v11 =	vmul.f32 v23, v47;
	v46 =	vperm.xlane v0, v58;
	v58 =	vld [tilespmem:$0x1F2F0]  }
0x68d: {  	[tilespmem:s16+$0x9C30] =	vst v10;
	v10 =	vld [tilespmem:$0x1F300];
	v47 =	vadd.f32 v28, v30;
	v28 =	vmul.f32 v23, v48;
	v48 =	vperm.xlane v5, v56  }
0x68e: {  	[tilespmem:s16+$0x9C00] =	vst v35;
	v12 =	vadd.f32 v12, v31;
	v35 =	vmul.f32 v23, v45;
	v39 =	vmul.f32 v23, v39;
	v45 =	vld [tilespmem:$0x1F320]  }
0x68f: {  	[tilespmem:s16+$0x9C40] =	vst v18;
	v32 =	vadd.f32 v32, v57;
	v13 =	vmul.f32 v44, v13;
	v5 =	vadd.f32 v5, v48;
	v48 =	vld [tilespmem:$0x1F2E0]  }
0x690: {  	[tilespmem:s16+$0x9C50] =	vst v25;
	v18 =	vmul.f32 v23, v17;
	v23 =	vadd.f32 v1, v36;
	v0 =	vadd.f32 v0, v46;
	v46 =	vld [tilespmem:$0x1F330]  }
0x691: {  	[tilespmem:s16+$0x9C60] =	vst v32;
	v17 =	vsub.f32 $1.500000000e+00, v13;
	v32 =	vsub.f32 v58, v42;
	v58 =	vld [tilespmem:$0x1F350]  }
0x692: {  	[tilespmem:s17+$0x9C10] =	vst v54;
	v54 =	vld [tilespmem:$0x1F340];
	v15 =	vadd.f32 v15, v57;
	v9 =	vadd.f32 v9, v57;
	v11 =	vmul.f32 v11, v60  }
0x693: {  	[tilespmem:s16+$0x9C70] =	vst v24;
	v24 =	vsub.f32 v10, v42;
	v25 =	vmul.f32 v44, v17;
	v17 =	vimm.s32 $0x0;
	v44 =	vld [tilespmem:$0x1F310]  }
0x694: {  	[tilespmem:s18+$0x9C20] =	vst v50;
	v50 =	vld [tilespmem:$0x1F390];
	v11 =	vadd.f32 v11, v36;
	v10 =	vsub.f32 v45, v42;
	v1 =	vperm.xlane v5, v17  }
0x695: {  	[tilespmem:s22+$0x9C50] =	vst v23;
	v48 =	vsub.f32 v48, v42;
	v13 =	vsub.f32 v46, v42;
	v17 =	vld [tilespmem:$0x1F360];
	v23 =	vmul.f32 v25, v24  }
0x696: {  	v10 =	vmul.f32 v25, v10;
	v46 =	vmul.f32 $7.812500000e-03, v1;
	v45 =	vsub.f32 v58, v42  }
0x697: {  	v58 =	vperm.xlane v0, v56;
	v56 =	vmul.f32 v51, v37;
	v51 =	vimm.s32 $0x0  }
0x698: {  	[tilespmem:s17+$0x9C00] =	vst v4;
	v4 =	vmul.f32 v44, v19;
	v44 =	vsub.f32 v54, v42;
	v54 =	vimm.s32 $0x8  }
0x699: {  	[tilespmem:s22+$0x9C60] =	vst v9;
	v10 =	vmul.f32 v10, v62;
	v9 =	vsub.f32 v50, v46;
	v1 =	vperm.xlane v5, v54  }
0x69a: {  	[tilespmem:s17+$0x9C20] =	vst v6;
	v6 =	vsub.f32 v17, v42;
	v17 =	vmul.f32 v22, v59;
	v22 =	vmul.f32 v49, v8  }
0x69b: {  	v0 =	vadd.f32 v0, v58;
	v42 =	vmul.f32 v46, v46;
	v54 =	vmul.f32 v21, v62  }
0x69c: {  	[tilespmem:s22+$0x9C00] =	vst v14;
	v49 =	vimm.s32 $0x8;
	v4 =	vadd.f32 v4, v31;
	v1 =	vmul.f32 $7.812500000e-03, v1  }
0x69d: {  	[tilespmem:s17+$0x9C70] =	vst v12;
	v58 =	vperm.xlane v0, v51;
	v12 =	vadd.f32 v22, v26;
	v22 =	vmul.f32 v52, v60  }
0x69e: {  	[tilespmem:s17+$0x9C30] =	vst v7;
	v7 =	vadd.f32 v17, v3;
	v0 =	vperm.xlane v0, v49;
	v52 =	vmul.f32 v33, v19  }
0x69f: {  	[tilespmem:s22+$0x9C10] =	vst v20;
	v17 =	vadd.f32 v54, v29;
	v54 =	vmul.f32 v34, v59;
	v34 =	vmul.f32 v25, v48  }
0x6a0: {  	[tilespmem:s22+$0x9C20] =	vst v16;
	v56 =	vadd.f32 v56, v30;
	v33 =	vmul.f32 v25, v32;
	v6 =	vmul.f32 v25, v6  }
0x6a1: {  	v10 =	vadd.f32 v10, v29;
	[tilespmem:s22+$0x9C70] =	vst v4;
	v4 =	vmul.f32 v25, v13;
	v13 =	vmul.f32 v25, v44  }
0x6a2: {  	[tilespmem:s22+$0x9C30] =	vst v2;
	v5 =	vsub.f32 v1, v42;
	v42 =	vmul.f32 v55, v61;
	v1 =	vmul.f32 $7.812500000e-03, v58  }
0x6a3: {  	[tilespmem:s22+$0x9C40] =	vst v47;
	v0 =	vmul.f32 $7.812500000e-03, v0;
	v58 =	vmul.f32 v41, v8;
	v41 =	vadd.f32 v22, v36  }
0x6a4: {  	[tilespmem:s18+$0x9C40] =	vst v56;
	v56 =	vld [tilespmem:$0x1F3C0];
	v22 =	vmul.f32 v25, v45;
	v47 =	vadd.f32 v54, v3;
	v54 =	vmul.f32 v35, v53  }
0x6a5: {  	[tilespmem:s17+$0x9C50] =	vst v43;
	v32 =	vld [tilespmem:$0x1F3D0];
	v45 =	vadd.f32 v52, v31;
	v6 =	vmul.f32 v6, v19;
	v4 =	vmul.f32 v4, v37  }
0x6a6: {  	[tilespmem:s17+$0x9C60] =	vst v15;
	v13 =	vmul.f32 v13, v60;
	v5 =	vadd.f32 $9.999999960e-13, v5;
	v55 =	vmul.f32 v1, v1  }
0x6a7: {  	[tilespmem:s18+$0x9C00] =	vst v7;
	v43 =	vadd.f32 v42, v57;
	v15 =	vadd.f32 v58, v26;
	v58 =	vmul.f32 v39, v62  }
0x6a8: {  	[tilespmem:s18+$0x9C50] =	vst v41;
	v7 =	vadd.f32 v54, v27;
	v41 =	vmul.f32 v28, v61;
	v42 =	vmul.f32 v18, v19  }
0x6a9: {  	v52 =	vld [tilespmem:$0x1F3A0];
	[tilespmem:s7+$0x9C00] =	vst v47;
	v47 =	vmul.f32 v23, v53;
	v6 =	vadd.f32 v6, v31;
	v24 =	vsub.f32 v56, v46  }
0x6aa: {  	[tilespmem:s7+$0x9C50] =	vst v11;
	v25 =	vsub.f32 v32, v46;
	v38 =	vshra.s32 v5, $0x1;
	v5 =	vmul.f32 $5.000000000e-01, v5  }
0x6ab: {  	[tilespmem:s3+$0x9C30] =	vst v10;
	v35 =	vld [tilespmem:$0x1F3E0];
	v4 =	vadd.f32 v4, v30;
	v0 =	vsub.f32 v0, v55;
	v16 =	vsub.s32 $0x5F3759DF, v38  }
0x6ac: {  	v48 =	vld [tilespmem:$0x1F370];
	[tilespmem:s18+$0x9C70] =	vst v45;
	v32 =	vsub.f32 v63, v1;
	v39 =	vadd.f32 v58, v29;
	v5 =	vmul.f32 v16, v5  }
0x6ad: {  	v49 =	vld [tilespmem:$0x1F380];
	[tilespmem:s18+$0x9C60] =	vst v43;
	v43 =	vmul.f32 v34, v59;
	v45 =	vadd.f32 v41, v57;
	v0 =	vadd.f32 $9.999999960e-13, v0  }
0x6ae: {  	[tilespmem:s18+$0x9C10] =	vst v12;
	v50 =	vadd.f32 v47, v27;
	v20 =	vsub.f32 v52, v46;
	v5 =	vmul.f32 v16, v5  }
0x6af: {  	[tilespmem:s18+$0x9C30] =	vst v17;
	v55 =	vld [tilespmem:$0x1F3B0];
	v38 =	vmul.f32 v40, v37;
	v44 =	vshra.s32 v0, $0x1;
	v0 =	vmul.f32 $5.000000000e-01, v0  }
0x6b0: {  	[tilespmem:s7+$0x9C10] =	vst v15;
	v17 =	vsub.f32 v35, v46;
	v12 =	vsub.s32 $0x5F3759DF, v44;
	v5 =	vsub.f32 $1.500000000e+00, v5  }
0x6b1: {  	[tilespmem:s7+$0x9C20] =	vst v7;
	v52 =	vmul.f32 v22, v61;
	v40 =	vadd.f32 v38, v30;
	v0 =	vmul.f32 v12, v0  }
0x6b2: {  	[tilespmem:s3+$0x9C70] =	vst v6;
	v2 =	vmul.f32 v16, v5;
	v5 =	vsub.f32 v48, v46;
	v16 =	vsub.f32 v49, v46  }
0x6b3: {  	[tilespmem:s3+$0x9C40] =	vst v4;
	v58 =	vadd.f32 v52, v57;
	v44 =	vmul.f32 v33, v8;
	v0 =	vmul.f32 v12, v0  }
0x6b4: {  	[tilespmem:s7+$0x9C30] =	vst v39;
	v21 =	vsub.f32 v55, v46;
	v5 =	vmul.f32 v2, v5;
	v54 =	vmul.f32 v2, v16  }
0x6b5: {  	v41 =	vld [tilespmem:$0x1F400];
	[tilespmem:s7+$0x9C60] =	vst v45;
	v55 =	vadd.f32 v13, v36;
	v9 =	vmul.f32 v2, v9;
	v56 =	vmul.f32 v2, v20  }
0x6b6: {  	[tilespmem:s3+$0x9C20] =	vst v50;
	v0 =	vsub.f32 $1.500000000e+00, v0;
	v21 =	vmul.f32 v2, v21;
	v22 =	vmul.f32 v2, v24  }
0x6b7: {  	[tilespmem:s7+$0x9C40] =	vst v40;
	v46 =	vadd.f32 v42, v31;
	v24 =	vmul.f32 v2, v25;
	v25 =	vld [tilespmem:$0x1F3F0];
	v2 =	vmul.f32 v2, v17  }
0x6b8: {  	[tilespmem:s3+$0x9C60] =	vst v58;
	v48 =	vadd.f32 v43, v3;
	v0 =	vmul.f32 v12, v0;
	v11 =	vmul.f32 v54, v8  }
0x6b9: {  	[tilespmem:s3+$0x9C50] =	vst v55;
	v49 =	vadd.f32 v44, v26;
	v5 =	vmul.f32 v5, v59;
	v9 =	vmul.f32 v9, v53  }
0x6ba: {  	v42 =	vld [tilespmem:$0x1F410];
	[tilespmem:s7+$0x9C70] =	vst v46;
	v16 =	vmul.f32 v56, v62;
	v20 =	vadd.f32 v11, v26;
	v11 =	vsub.f32 v41, v1  }
0x6bb: {  	v45 =	vld [tilespmem:$0x1F420];
	[tilespmem:s3+$0x9C00] =	vst v48;
	v23 =	vmul.f32 v21, v37;
	v28 =	vmul.f32 v22, v60;
	v18 =	vadd.f32 v5, v3  }
0x6bc: {  	[tilespmem:s3+$0x9C10] =	vst v49;
	v34 =	vmul.f32 v24, v61;
	v13 =	vsub.f32 v25, v1;
	v44 =	vmul.f32 v0, v11  }
0x6bd: {  	v49 =	vld [tilespmem:$0x1F430];
	v2 =	vmul.f32 v2, v19;
	v9 =	vadd.f32 v9, v27;
	v39 =	vmul.f32 v0, v32;
	[tilespmem:s6+$0x9C00] =	vst v18  }
0x6be: {  	v10 =	vadd.f32 v16, v29;
	[tilespmem:s6+$0x9C10] =	vst v20;
	v35 =	vmul.f32 v0, v13;
	v50 =	vmul.f32 v44, v53;
	v53 =	vld [tilespmem:$0x1F440]  }
0x6bf: {  	v55 =	vld [tilespmem:$0x1F450];
	v33 =	vadd.f32 v23, v30;
	[tilespmem:s6+$0x9C20] =	vst v9;
	v6 =	vmul.f32 v39, v8;
	v8 =	vsub.f32 v42, v1  }
0x6c0: {  	v46 =	vsub.f32 v45, v1;
	v38 =	vadd.f32 v28, v36;
	[tilespmem:s6+$0x9C30] =	vst v10;
	v40 =	vmul.f32 v35, v59  }
0x6c1: {  	v7 =	vadd.f32 v34, v57;
	v2 =	vadd.f32 v2, v31;
	[tilespmem:s6+$0x9C40] =	vst v33;
	v48 =	vmul.f32 v0, v8  }
0x6c2: {  	v52 =	vmul.f32 v0, v46;
	[tilespmem:s6+$0x9C50] =	vst v38;
	v43 =	vadd.f32 v40, v3;
	v3 =	vsub.f32 v49, v1  }
0x6c3: {  	[tilespmem:s6+$0x9C60] =	vst v7;
	v47 =	vadd.f32 v6, v26;
	v54 =	vmul.f32 v48, v62;
	v9 =	vsub.f32 v53, v1  }
0x6c4: {  	[tilespmem:s6+$0x9C70] =	vst v2;
	v56 =	vadd.f32 v50, v27;
	v3 =	vmul.f32 v0, v3;
	v1 =	vsub.f32 v55, v1  }
0x6c5: {  	v58 =	vmul.f32 v52, v37;
	[tilespmem:s5+$0x9C10] =	vst v47;
	v59 =	vmul.f32 v0, v9  }
0x6c6: {  	v2 =	vadd.f32 v54, v29;
	[tilespmem:s5+$0x9C20] =	vst v56;
	v3 =	vmul.f32 v3, v60;
	v0 =	vmul.f32 v0, v1  }
0x6c7: {  	p1 =	slt.u32 s4, $0x58;
	[tilespmem:s5+$0x9C00] =	vst v43;
	v60 =	vadd.f32 v58, v30;
	v61 =	vmul.f32 v59, v61  }
.Ltmp6:
0x6c8: {  	[tilespmem:s5+$0x9C30] =	vst v2;
	v62 =	vadd.f32 v3, v36;
	v0 =	vmul.f32 v0, v19;
	(pc) =	sbr.rel @p1 .LBB2_11-.Ltmp6, $4  }
0x6c9: {  	[tilespmem:s5+$0x9C40] =	vst v60;
	v63 =	vadd.f32 v61, v57  }
0x6ca: {  	[tilespmem:s5+$0x9C50] =	vst v62;
	v0 =	vadd.f32 v0, v31  }
0x6cb: {  	s25 =	sadd.s32 $0x8, s4;
	[tilespmem:s5+$0x9C60] =	vst v63  }
0x6cc: {  	s4 =	smov.u32 s25;
	[tilespmem:s5+$0x9C70] =	vst v0  }
.Ltmp7:
0x6cd: {  	(pc) =	sbr.rel @p0 .LBB2_14-.Ltmp7, $3  }
0x6ce: {  	_ =	sdelay $0x1  }
0x6cf: {  	s3 =	sadd.s32 $0x1300, s24  }
0x6d0: {  	[hbm4b:s3+s8] =	stream.linear.scatter [tilespmem:s15], [sflag:$0x8], $0x3000, $0x38;
	[tilespmem:$0x19E00] =	vst v63  }
0x6d1: {  	s3 =	sadd.s32 $0x6, s21  }
0x6d2: {  	s3 =	sshrl.u32 s3, $0x1  }
0x6d3: {  	s3 =	smul.u32 $0xC8, s3;
	_ =	sdelay $0x1  }
0x6d4: {  	s3 =	sadd.s32 s3, s20  }
.Ltmp8:
0x6d5: {  	s3 =	sshrl.u32 s3, $0x3;
	(pc) =	sbr.rel .LBB2_4-.Ltmp8, $4  }
0x6d6: {  	s4 =	sadd.s32 s10, s3  }
0x6d7: {  	[tilespmem:s1], [sflag:$0xC] =	stream.linear.gather [hbm4b:s4+s8], $0x60, $0x38;
	[tilespmem:$0x19E00] =	vst v63  }
0x6d8: {  	s25 =	simm.s32 $0xD380;
	s19 =	sadd.s32 $0x1, s19;
	s3 =	sadd.s32 s11, s3  }
0x6d9: {  	[tilespmem:s25], [sflag:$0x10] =	stream.linear.gather [hbm4b:s3+s8], $0x60, $0x38;
	[tilespmem:$0x19E00] =	vst v63  }
.LBB2_15:
0x6da: {  	_ =	sfence.sel $0x180000  }
0x6db: {  	[bflag:$0x0] =	sbarrier.arrive $0xFFFF  }
0x6dc: {  	_ =	strace $0x90000047  }
0x6dd: {  	s0 =	stileid.u32;
	[bflag:$0x2] =	sbarrier.arrive $0xFFFF  }
0x6de: {  	p0 =	sne.s32 s0, $0x0;
	s0 =	rddreg [dreg:$0x7]  }
0x6df: {  	s0 =	sadd.s32 @!p0 $0x100000, s0  }
0x6e0: {  	[sflag:s0] =	ssyncadd.tile.s32 @!p0 $0x1;
	_ =	shalt  }
.Lfunc_end2:
_tile_overlayer_lowered:
.L_overlay_start_2:
0x6e1: {  	(tag) =	ssettag $0x2  }
0x6e2: {  	s0 =	rddreg [dreg:$0x0];
	s2 =	stileid.u32  }
0x6e3: {  	s1 =	rddreg [dreg:$0x1];
	p0 =	sne.s32 s2, $0x0  }
0x6e4: {  	s3 =	rddreg [dreg:$0x2];
	[bflag:$0x3] =	sbarrier.arrive $0xFFFF;
	s2 =	simm.s32 @!p0 $0x1C11  }
0x6e5: {  	[timem:s3], [sflag:s2] =	dma.local @!p0 [hbm:s0], s1  }
0x6e6: {  	s0 =	simm.s32 @!p0 $0x11  }
0x6e7: {  	_ =	swait.ge @!p0 [sflag:s0], s1  }
0x6e8: {  	s1 =	ssub.s32 @!p0 $0x0, s1;
	[sflag:s0] =	ssyncset.done @!p0 $0x0  }
0x6e9: {  	[sflag:s0] =	ssyncadd.s32 @!p0 s1  }
0x6ea: {  	[bflag:$0x3] =	sbarrier.arrive $0xFFFF  }
0x6eb: {  	_ =	shalt  }

</sc_bundles>
